<compile_context>
chip_gen: v7x
topology: tpu7x:2x2x1
jax: 0.10.2.dev20260603
libtpu: 0.0.44.dev20260713+nightly
codegen_flags: <defaults>
</compile_context>

<pallas_src>
import functools
import math

import jax
import jax.numpy as jnp
from jax import lax
from jax.experimental import pallas as pl
from jax.experimental.pallas import tpu as pltpu
from jax.experimental.pallas import tpu_sc as plsc

_N, _D, _E, _NEXP = 10000, 128, 320000, 4
_NC, _NS = 2, 16
_NW = _NC * _NS
_EPW = _E // _NW
_K = 80
_NCH = _EPW // _K
_NP = 10240
_RPT = _NP // _NS
_ZR = 128
_DPT = 640
_DEGP = _NS * _DPT

_BN = 1024
_G = (_N + _BN - 1) // _BN

_NOISE_SCALE = 0.3 * math.sqrt(2 * math.log(1.25 / 0.05)) / 1.0

_mesh = plsc.VectorSubcoreMesh(core_axis_name="c", subcore_axis_name="s")



@functools.partial(
    pl.kernel,
    mesh=_mesh,
    out_type=jax.ShapeDtypeStruct((_NC * _DEGP,), jnp.float32),
    scratch_types=[
        pltpu.VMEM((_NCH, _K), jnp.int32),
        pltpu.VMEM((_K,), jnp.float32),
        pltpu.VMEM((_DPT,), jnp.float32),
        pltpu.VMEM_SHARED((_DEGP,), jnp.float32),
    ],
)
def _deg_count(dst3, ones_hbm, zdeg_hbm, out_hbm, didx, ones_v, dbuf, acc):
    c = lax.axis_index("c")
    s = lax.axis_index("s")
    w = c * _NS + s
    pltpu.sync_copy(dst3.at[w], didx)
    pltpu.sync_copy(ones_hbm, ones_v)
    pltpu.sync_copy(zdeg_hbm, dbuf)
    pltpu.sync_copy(dbuf, acc.at[pl.ds(s * _DPT, _DPT)])
    plsc.subcore_barrier()

    def body(i, car):
        pltpu.sync_copy(ones_v, acc.at[didx.at[i]], add=True)
        return car

    lax.fori_loop(0, _NCH, body, 0)
    plsc.subcore_barrier()
    pltpu.sync_copy(acc.at[pl.ds(s * _DPT, _DPT)], dbuf)
    off = pl.multiple_of(c * _DEGP + s * _DPT, 8)
    pltpu.sync_copy(dbuf, out_hbm.at[pl.ds(off, _DPT)])


@functools.partial(
    pl.kernel,
    mesh=_mesh,
    out_type=jax.ShapeDtypeStruct((_NC * _NP, _D), jnp.float32),
    scratch_types=[
        pltpu.VMEM((_NCH, _K), jnp.int32),
        pltpu.VMEM((_K,), jnp.int32),
        pltpu.VMEM((_K,), jnp.int32),
        pltpu.VMEM((_K,), jnp.int32),
        pltpu.VMEM((_K,), jnp.int32),
        pltpu.VMEM((_K, _D), jnp.float32),
        pltpu.VMEM((_K, _D), jnp.float32),
        pltpu.VMEM_SHARED((_NP, _D), jnp.float32),
        pltpu.SemaphoreType.DMA,
        pltpu.SemaphoreType.DMA,
    ],
)
def _agg(sup_hbm, pidx_hbm, zrows_hbm, out_hbm,
         pidx, sidx0, didx0, sidx1, didx1, rows0, rows1, acc, sem0, sem1):
    c = lax.axis_index("c")
    s = lax.axis_index("s")
    w = c * _NS + s
    pltpu.sync_copy(pidx_hbm.at[w], pidx)

    def unpack(i, sbuf, dbuf):
        for t in range(_K // 16):
            p = pidx[i, pl.ds(t * 16, 16)]
            sbuf[pl.ds(t * 16, 16)] = p & 16383
            dbuf[pl.ds(t * 16, 16)] = p >> 14

    unpack(0, sidx0, didx0)
    pltpu.async_copy(sup_hbm.at[sidx0], rows0, sem0)

    pltpu.sync_copy(zrows_hbm, rows1)
    for z in range(_RPT // _K):
        pltpu.sync_copy(rows1, acc.at[pl.ds(s * _RPT + z * _K, _K)])
    plsc.subcore_barrier()

    def body(j, car):
        i0 = 2 * j
        i1 = 2 * j + 1
        unpack(i1, sidx1, didx1)
        pltpu.async_copy(sup_hbm.at[sidx1], rows1, sem1)
        pltpu.make_async_copy(sup_hbm.at[sidx0], rows0, sem0).wait()
        pltpu.sync_copy(rows0, acc.at[didx0], add=True)
        unpack(i0 + 2, sidx0, didx0)
        pltpu.async_copy(sup_hbm.at[sidx0], rows0, sem0)
        pltpu.make_async_copy(sup_hbm.at[sidx1], rows1, sem1).wait()
        pltpu.sync_copy(rows1, acc.at[didx1], add=True)
        return car

    lax.fori_loop(0, _NCH // 2, body, 0)
    pltpu.make_async_copy(sup_hbm.at[sidx0], rows0, sem0).wait()
    pltpu.sync_copy(rows0, acc.at[didx0], add=True)
    plsc.subcore_barrier()
    for z in range(_RPT // _K):
        pltpu.sync_copy(acc.at[pl.ds(s * _RPT + z * _K, _K)], rows0)
        off = pl.multiple_of(c * _NP + s * _RPT + z * _K, 8)
        pltpu.sync_copy(rows0, out_hbm.at[pl.ds(off, _K)])



def _gate_and_expert(h, gn, wg_ref, wn_ref, W_ref, b_ref):
    hb = h.astype(jnp.bfloat16)
    clean = jnp.dot(hb, wg_ref[...].astype(jnp.bfloat16),
                    preferred_element_type=jnp.float32)
    stdl = jnp.dot(hb, wn_ref[...].astype(jnp.bfloat16),
                   preferred_element_type=jnp.float32)
    std = jax.nn.softplus(stdl) + 1e-2
    noisy = clean + gn * std
    best = noisy[:, 0:1]
    eidx = jnp.zeros_like(best, dtype=jnp.int32)
    for j in range(1, _NEXP):
        vj = noisy[:, j:j + 1]
        m = vj > best
        best = jnp.where(m, vj, best)
        eidx = jnp.where(m, j, eidx)
    return _expert_apply(h, eidx, W_ref, b_ref)


def _expert_apply(h, eidx, W_ref, b_ref):
    h1 = h.astype(jnp.bfloat16)
    r1 = h - h1.astype(jnp.float32)
    h2 = r1.astype(jnp.bfloat16)
    h3 = (r1 - h2.astype(jnp.float32)).astype(jnp.bfloat16)
    acc = jnp.zeros_like(h)
    for e in range(_NEXP):
        sel = (eidx == e).astype(jnp.float32)
        We = W_ref[e]
        w1 = We.astype(jnp.bfloat16)
        s1 = We - w1.astype(jnp.float32)
        w2 = s1.astype(jnp.bfloat16)
        w3 = (s1 - w2.astype(jnp.float32)).astype(jnp.bfloat16)
        f32 = jnp.float32
        d = (jnp.dot(h1, w3, preferred_element_type=f32)
             + jnp.dot(h2, w2, preferred_element_type=f32)
             + jnp.dot(h3, w1, preferred_element_type=f32)
             + jnp.dot(h1, w2, preferred_element_type=f32)
             + jnp.dot(h2, w1, preferred_element_type=f32)
             + jnp.dot(h1, w1, preferred_element_type=f32))
        acc = acc + sel * (d + b_ref[e:e + 1, :])
    return acc


def _prep0_body(x_ref, dinv_ref, gn_ref, wg_ref, wn_ref, W_ref, b_ref, out_ref):
    h = x_ref[...]
    dinv = dinv_ref[...]
    out_ref[...] = _gate_and_expert(h, gn_ref[...], wg_ref, wn_ref, W_ref, b_ref) * dinv


def _prep1_body(aggp_ref, dinv_ref, gdp_ref, gn_ref, wg_ref, wn_ref, W_ref, b_ref, out_ref):
    agg = aggp_ref[0] + aggp_ref[1]
    dinv = dinv_ref[...]
    h = jnp.maximum(agg * dinv + _NOISE_SCALE * gdp_ref[...], 0.0)
    out_ref[...] = _gate_and_expert(h, gn_ref[...], wg_ref, wn_ref, W_ref, b_ref) * dinv


def _prep2_body(aggp_ref, dinv_ref, gn_ref, wg_ref, wn_ref, W_ref, b_ref, out_ref):
    agg = aggp_ref[0] + aggp_ref[1]
    dinv = dinv_ref[...]
    h = jnp.maximum(agg * dinv, 0.0)
    out_ref[...] = _gate_and_expert(h, gn_ref[...], wg_ref, wn_ref, W_ref, b_ref) * dinv


def _final_body(aggp_ref, dinv_ref, out_ref):
    agg = aggp_ref[0] + aggp_ref[1]
    out_ref[...] = agg * dinv_ref[...]


_spec_rows = pl.BlockSpec((_BN, _D), lambda i: (i, 0))
_spec_aggp = pl.BlockSpec((2, _BN, _D), lambda i: (0, i, 0))
_spec_dinv = pl.BlockSpec((_BN, 1), lambda i: (i, 0))
_spec_gn = pl.BlockSpec((_BN, _NEXP), lambda i: (i, 0))
_spec_wg = pl.BlockSpec((_D, _NEXP), lambda i: (0, 0))
_spec_W = pl.BlockSpec((_NEXP, _D, _D), lambda i: (0, 0, 0))
_spec_b = pl.BlockSpec((_NEXP, _D), lambda i: (0, 0))
_out_sds = jax.ShapeDtypeStruct((_N, _D), jnp.float32)


def _prep0(x, dinv, gn, wg, wn, W, b):
    return pl.pallas_call(
        _prep0_body, grid=(_G,),
        in_specs=[_spec_rows, _spec_dinv, _spec_gn, _spec_wg, _spec_wg, _spec_W, _spec_b],
        out_specs=_spec_rows, out_shape=_out_sds,
    )(x, dinv, gn, wg, wn, W, b)


def _prep1(aggp, dinv, gdp, gn, wg, wn, W, b):
    return pl.pallas_call(
        _prep1_body, grid=(_G,),
        in_specs=[_spec_aggp, _spec_dinv, _spec_rows, _spec_gn, _spec_wg,
                  _spec_wg, _spec_W, _spec_b],
        out_specs=_spec_rows, out_shape=_out_sds,
    )(aggp, dinv, gdp, gn, wg, wn, W, b)


def _prep2(aggp, dinv, gn, wg, wn, W, b):
    return pl.pallas_call(
        _prep2_body, grid=(_G,),
        in_specs=[_spec_aggp, _spec_dinv, _spec_gn, _spec_wg, _spec_wg, _spec_W, _spec_b],
        out_specs=_spec_rows, out_shape=_out_sds,
    )(aggp, dinv, gn, wg, wn, W, b)


def _final(aggp, dinv):
    return pl.pallas_call(
        _final_body, grid=(_G,),
        in_specs=[_spec_aggp, _spec_dinv],
        out_specs=_spec_rows, out_shape=_out_sds,
    )(aggp, dinv)



def kernel(x, edge_index, W0, b0, wg0, wn0, W1, b1, wg1, wn1, W2, b2, wg2, wn2):
    dst3 = edge_index[1].reshape(_NW, _NCH, _K)
    pidx3 = (edge_index[1] * 16384 + edge_index[0]).reshape(_NW, _NCH, _K)

    kroot = jax.random.key(42)
    k0, k1, k2, kg = jax.random.split(kroot, 4)
    gn0 = jax.random.normal(k0, (_N, _NEXP), dtype=jnp.float32)
    gn1 = jax.random.normal(k1, (_N, _NEXP), dtype=jnp.float32)
    gn2 = jax.random.normal(k2, (_N, _NEXP), dtype=jnp.float32)
    gdp = jax.random.normal(kg, (_N, _D), dtype=jnp.float32)

    ones_e = jnp.ones((_K,), jnp.float32)
    zdeg = jnp.zeros((_DPT,), jnp.float32)
    zrows = jnp.zeros((_K, _D), jnp.float32)

    degp = _deg_count(dst3, ones_e, zdeg).reshape(_NC, _DEGP)
    deg = jnp.maximum(degp[0] + degp[1], 1.0)
    dinv = (deg ** -0.5).reshape(_DEGP, 1)

    sup0 = _prep0(x, dinv, gn0, wg0, wn0, W0, b0)
    aggp0 = _agg(sup0, pidx3, zrows).reshape(_NC, _NP, _D)
    sup1 = _prep1(aggp0, dinv, gdp, gn1, wg1, wn1, W1, b1)
    aggp1 = _agg(sup1, pidx3, zrows).reshape(_NC, _NP, _D)
    sup2 = _prep2(aggp1, dinv, gn2, wg2, wn2, W2, b2)
    aggp2 = _agg(sup2, pidx3, zrows).reshape(_NC, _NP, _D)
    return _final(aggp2, dinv)

# --- scband reference (transcript-rebuilt; emitter-appended) ---
"""Pipeline reference for scband-gcn-46651934769781 (READ-ONLY COPY).

The authoritative reference and input builder live on the scoring server;
editing this copy changes nothing except your own understanding.
"""

import jax, jax.numpy as jnp
import numpy as np
import math

N, D, E_EDGES = 10000, 128, 320000
N_EXP = 4


def setup_inputs(seed: int = 0) -> dict:
    key = jax.random.key(seed)
    ks = jax.random.split(key, 20)
    inp = {}
    inp["x"] = jax.random.normal(ks[0], (N, D), dtype=jnp.float32)
    inp["edge_index"] = jax.random.randint(ks[1], (2, E_EDGES), 0, N, dtype=jnp.int32)
    s = 1.0 / math.sqrt(D)
    for l in range(3):
        inp[f"W{l}"] = jax.random.normal(ks[2 + 4 * l], (N_EXP, D, D), dtype=jnp.float32) * s
        inp[f"b{l}"] = jnp.zeros((N_EXP, D), dtype=jnp.float32)
        inp[f"wg{l}"] = jax.random.normal(ks[3 + 4 * l], (D, N_EXP), dtype=jnp.float32) * s
        inp[f"wn{l}"] = jax.random.normal(ks[4 + 4 * l], (D, N_EXP), dtype=jnp.float32) * s
    return inp


def _gcn_norm(edge_index, n):
    # GCNAdjNorm: symmetric degree normalization deg^-1/2 A deg^-1/2
    src, dst = edge_index[0], edge_index[1]
    ones = jnp.ones(edge_index.shape[1], dtype=jnp.float32)
    deg = jnp.zeros(n, dtype=jnp.float32).at[dst].add(ones)
    deg = jnp.maximum(deg, 1.0)
    dinv = deg ** -0.5
    return dinv[src] * dinv[dst]


def _moe_gcn_conv(x, edge_index, ew, W, b, wg, wn, key):
    # GCNConv_moe: noisy top-1 gating over 4 expert linear layers, then spmm aggregation
    n = x.shape[0]
    clean = x @ wg
    noise_std = jax.nn.softplus(x @ wn) + 1e-2
    noisy = clean + jax.random.normal(key, clean.shape, dtype=jnp.float32) * noise_std
    top_val, top_idx = jax.lax.top_k(noisy, 1)
    gates = jnp.zeros_like(noisy).at[jnp.arange(n)[:, None], top_idx].set(jax.nn.softmax(top_val, axis=-1))
    expert_out = jnp.einsum('nd,edf->enf', x, W) + b[:, None, :]
    support = jnp.einsum('ne,enf->nf', gates, expert_out)
    src, dst = edge_index[0], edge_index[1]
    msg = support[src] * ew[:, None]
    out = jnp.zeros((n, support.shape[1]), dtype=support.dtype).at[dst].add(msg)
    return out


def reference(x, edge_index, W0, b0, wg0, wn0, W1, b1, wg1, wn1, W2, b2, wg2, wn2):
    # DP noise scale from the original forward
    dp_del = 0.05
    dp_eps = 1.0
    noise_scale = 0.3 * math.sqrt(2 * math.log(1.25 / dp_del)) / dp_eps
    ew = _gcn_norm(edge_index, x.shape[0])
    kroot = jax.random.key(42)
    k0, k1, k2, kg = jax.random.split(kroot, 4)
    h = _moe_gcn_conv(x, edge_index, ew, W0, b0, wg0, wn0, k0)
    # gaussian DP noise after the first conv only (count == 0 branch)
    g = jax.random.normal(kg, h.shape, dtype=jnp.float32)
    h = h + noise_scale * g
    h = jax.nn.relu(h)
    h = _moe_gcn_conv(h, edge_index, ew, W1, b1, wg1, wn1, k1)
    h = jax.nn.relu(h)
    h = _moe_gcn_conv(h, edge_index, ew, W2, b2, wg2, wn2, k2)
    return h


if False:  # reference __main__ guard neutralized (emitter)
    out = reference(**setup_inputs())
    print(out.shape, out.dtype)

if __name__ == "__main__":
    import jax
    _d = setup_inputs()
    print(jax.jit(kernel)(*tuple(_d.values())))

</pallas_src>

<mosaic_0001>
#map = affine_map<(d0, d1) -> (0, 0)>
#map1 = affine_map<(d0, d1) -> (0, 0, 0)>
module attributes {stable_mosaic.version = 14 : i64} {
  func.func @_agg(%arg0: i32, %arg1: i32, %arg2: memref<10000x128xf32, #tpu.memory_space<hbm>>, %arg3: memref<32x125x80xi32, #tpu.memory_space<hbm>>, %arg4: memref<80x128xf32, #tpu.memory_space<hbm>>, %arg5: memref<20480x128xf32, #tpu.memory_space<hbm>>, %arg6: memref<125x80xi32, #tpu.memory_space<vmem>>, %arg7: memref<80xi32, #tpu.memory_space<vmem>>, %arg8: memref<80xi32, #tpu.memory_space<vmem>>, %arg9: memref<80xi32, #tpu.memory_space<vmem>>, %arg10: memref<80xi32, #tpu.memory_space<vmem>>, %arg11: memref<80x128xf32, #tpu.memory_space<vmem>>, %arg12: memref<80x128xf32, #tpu.memory_space<vmem>>, %arg13: memref<10240x128xf32, #tpu.memory_space<vmem_shared>>, %arg14: memref<!tpu.dma_semaphore, #tpu.memory_space<semaphore_mem>>, %arg15: memref<!tpu.dma_semaphore, #tpu.memory_space<semaphore_mem>>) attributes {dimension_semantics = [#tpu.dimension_semantics<core_parallel>, #tpu.dimension_semantics<subcore_parallel>], iteration_bounds = array<i64: 2, 16>, scalar_prefetch = 0 : i64, scratch_operands = 10 : i64, tpu.core_type = #tpu.core_type<sc_vector_subcore>, window_params = [{transform_indices = #map}, {transform_indices = #map1}, {transform_indices = #map}, {transform_indices = #map}]} {
    %mul3A = arith.constant 16 : i32
    %mul3A_0 = arith.muli %arg0, %mul3A : i32
    %add3A = arith.addi %mul3A_0, %arg1 : i32
    "tpu.region"() ({
      %run_scoped3A = tpu.sem_alloc : memref<!tpu.dma_semaphore, #tpu.memory_space<semaphore_mem>>
      %dma_start3A_229 = arith.constant 0 : i32
      %dma_start3A_230 = arith.constant 0 : i32
      %dma_start3A_231 = tpu.memref_slice %arg3[%add3A, %dma_start3A_229, %dma_start3A_230] : memref<32x125x80xi32, #tpu.memory_space<hbm>> -> memref<1x125x80xi32, #tpu.memory_space<hbm>>
      %dma_start3A_232 = tpu.memref_squeeze %dma_start3A_231 : memref<1x125x80xi32, #tpu.memory_space<hbm>> -> memref<125x80xi32, #tpu.memory_space<hbm>>
      %dma_start3A_233 = arith.constant 0 : i32
      %dma_start3A_234 = arith.constant 0 : i32
      %dma_start3A_235 = tpu.memref_slice %arg3[%add3A, %dma_start3A_233, %dma_start3A_234] : memref<32x125x80xi32, #tpu.memory_space<hbm>> -> memref<1x125x80xi32, #tpu.memory_space<hbm>>
      %dma_start3A_236 = tpu.memref_squeeze %dma_start3A_235 : memref<1x125x80xi32, #tpu.memory_space<hbm>> -> memref<125x80xi32, #tpu.memory_space<hbm>>
      tpu.enqueue_dma source(%dma_start3A_236 : memref<125x80xi32, #tpu.memory_space<hbm>>) target(%arg6 : memref<125x80xi32, #tpu.memory_space<vmem>>) target_semaphore(%run_scoped3A : memref<!tpu.dma_semaphore, #tpu.memory_space<semaphore_mem>>)
      %dma_wait3A_237 = arith.constant 0 : i32
      %dma_wait3A_238 = arith.constant 0 : i32
      %dma_wait3A_239 = tpu.memref_slice %arg3[%add3A, %dma_wait3A_237, %dma_wait3A_238] : memref<32x125x80xi32, #tpu.memory_space<hbm>> -> memref<1x125x80xi32, #tpu.memory_space<hbm>>
      %dma_wait3A_240 = tpu.memref_squeeze %dma_wait3A_239 : memref<1x125x80xi32, #tpu.memory_space<hbm>> -> memref<125x80xi32, #tpu.memory_space<hbm>>
      %dma_wait3A_241 = arith.constant 0 : i32
      %dma_wait3A_242 = arith.constant 0 : i32
      %dma_wait3A_243 = tpu.memref_slice %arg3[%add3A, %dma_wait3A_241, %dma_wait3A_242] : memref<32x125x80xi32, #tpu.memory_space<hbm>> -> memref<1x125x80xi32, #tpu.memory_space<hbm>>
      %dma_wait3A_244 = tpu.memref_squeeze %dma_wait3A_243 : memref<1x125x80xi32, #tpu.memory_space<hbm>> -> memref<125x80xi32, #tpu.memory_space<hbm>>
      tpu.wait_dma2 semaphore(%run_scoped3A : memref<!tpu.dma_semaphore, #tpu.memory_space<semaphore_mem>>) src(%dma_wait3A_244 : memref<125x80xi32, #tpu.memory_space<hbm>>) dst(%arg6 : memref<125x80xi32, #tpu.memory_space<vmem>>)
      tpu.yield
    }) : () -> ()
    %get3A = arith.constant 0 : i32
    %get3A_1 = arith.index_cast %get3A : i32 to index
    %get3A_2 = arith.constant 0 : index
    %get3A_3 = tpu.vector_load %arg6[%get3A_1, %get3A_2] {strides = array<i32>} : memref<125x80xi32, #tpu.memory_space<vmem>>, vector<1x16xi32>,
    %get3A_4 = vector.shape_cast %get3A_3 : vector<1x16xi32> to vector<16xi32>
    %and3A = arith.constant 16383 : i32
    %and3A_5 = vector.broadcast %and3A : i32 to vector<16xi32>
    %and3A_6 = arith.andi %get3A_4, %and3A_5 : vector<16xi32>
    %swap3A = arith.constant 0 : index
    %swap3A_7 = tpu.vector_load %arg7[%swap3A] {strides = array<i32>} : memref<80xi32, #tpu.memory_space<vmem>>, vector<16xi32>,
    %swap3A_8 = vector.shape_cast %swap3A_7 : vector<16xi32> to vector<16xi32>
    %swap3A_9 = vector.shape_cast %and3A_6 : vector<16xi32> to vector<16xi32>
    tpu.vector_store %arg7[%swap3A], %swap3A_9 {strides = array<i32>} : memref<80xi32, #tpu.memory_space<vmem>>, vector<16xi32>,
    %shift_right_arithmetic3A = arith.constant 14 : i32
    %shift_right_arithmetic3A_10 = vector.broadcast %shift_right_arithmetic3A : i32 to vector<16xi32>
    %shift_right_arithmetic3A_11 = arith.shrsi %get3A_4, %shift_right_arithmetic3A_10 : vector<16xi32>
    %swap3A_12 = arith.constant 0 : index
    %swap3A_13 = tpu.vector_load %arg8[%swap3A_12] {strides = array<i32>} : memref<80xi32, #tpu.memory_space<vmem>>, vector<16xi32>,
    %swap3A_14 = vector.shape_cast %swap3A_13 : vector<16xi32> to vector<16xi32>
    %swap3A_15 = vector.shape_cast %shift_right_arithmetic3A_11 : vector<16xi32> to vector<16xi32>
    tpu.vector_store %arg8[%swap3A_12], %swap3A_15 {strides = array<i32>} : memref<80xi32, #tpu.memory_space<vmem>>, vector<16xi32>,
    %get3A_16 = arith.constant 0 : i32
    %get3A_17 = arith.index_cast %get3A_16 : i32 to index
    %get3A_18 = arith.constant 16 : index
    %get3A_19 = tpu.vector_load %arg6[%get3A_17, %get3A_18] {strides = array<i32>} : memref<125x80xi32, #tpu.memory_space<vmem>>, vector<1x16xi32>,
    %get3A_20 = vector.shape_cast %get3A_19 : vector<1x16xi32> to vector<16xi32>
    %and3A_21 = arith.constant 16383 : i32
    %and3A_22 = vector.broadcast %and3A_21 : i32 to vector<16xi32>
    %and3A_23 = arith.andi %get3A_20, %and3A_22 : vector<16xi32>
    %swap3A_24 = arith.constant 16 : index
    %swap3A_25 = tpu.vector_load %arg7[%swap3A_24] {strides = array<i32>} : memref<80xi32, #tpu.memory_space<vmem>>, vector<16xi32>,
    %swap3A_26 = vector.shape_cast %swap3A_25 : vector<16xi32> to vector<16xi32>
    %swap3A_27 = vector.shape_cast %and3A_23 : vector<16xi32> to vector<16xi32>
    tpu.vector_store %arg7[%swap3A_24], %swap3A_27 {strides = array<i32>} : memref<80xi32, #tpu.memory_space<vmem>>, vector<16xi32>,
    %shift_right_arithmetic3A_28 = arith.constant 14 : i32
    %shift_right_arithmetic3A_29 = vector.broadcast %shift_right_arithmetic3A_28 : i32 to vector<16xi32>
    %shift_right_arithmetic3A_30 = arith.shrsi %get3A_20, %shift_right_arithmetic3A_29 : vector<16xi32>
    %swap3A_31 = arith.constant 16 : index
    %swap3A_32 = tpu.vector_load %arg8[%swap3A_31] {strides = array<i32>} : memref<80xi32, #tpu.memory_space<vmem>>, vector<16xi32>,
    %swap3A_33 = vector.shape_cast %swap3A_32 : vector<16xi32> to vector<16xi32>
    %swap3A_34 = vector.shape_cast %shift_right_arithmetic3A_30 : vector<16xi32> to vector<16xi32>
    tpu.vector_store %arg8[%swap3A_31], %swap3A_34 {strides = array<i32>} : memref<80xi32, #tpu.memory_space<vmem>>, vector<16xi32>,
    %get3A_35 = arith.constant 0 : i32
    %get3A_36 = arith.index_cast %get3A_35 : i32 to index
    %get3A_37 = arith.constant 32 : index
    %get3A_38 = tpu.vector_load %arg6[%get3A_36, %get3A_37] {strides = array<i32>} : memref<125x80xi32, #tpu.memory_space<vmem>>, vector<1x16xi32>,
    %get3A_39 = vector.shape_cast %get3A_38 : vector<1x16xi32> to vector<16xi32>
    %and3A_40 = arith.constant 16383 : i32
    %and3A_41 = vector.broadcast %and3A_40 : i32 to vector<16xi32>
    %and3A_42 = arith.andi %get3A_39, %and3A_41 : vector<16xi32>
    %swap3A_43 = arith.constant 32 : index
    %swap3A_44 = tpu.vector_load %arg7[%swap3A_43] {strides = array<i32>} : memref<80xi32, #tpu.memory_space<vmem>>, vector<16xi32>,
    %swap3A_45 = vector.shape_cast %swap3A_44 : vector<16xi32> to vector<16xi32>
    %swap3A_46 = vector.shape_cast %and3A_42 : vector<16xi32> to vector<16xi32>
    tpu.vector_store %arg7[%swap3A_43], %swap3A_46 {strides = array<i32>} : memref<80xi32, #tpu.memory_space<vmem>>, vector<16xi32>,
    %shift_right_arithmetic3A_47 = arith.constant 14 : i32
    %shift_right_arithmetic3A_48 = vector.broadcast %shift_right_arithmetic3A_47 : i32 to vector<16xi32>
    %shift_right_arithmetic3A_49 = arith.shrsi %get3A_39, %shift_right_arithmetic3A_48 : vector<16xi32>
    %swap3A_50 = arith.constant 32 : index
    %swap3A_51 = tpu.vector_load %arg8[%swap3A_50] {strides = array<i32>} : memref<80xi32, #tpu.memory_space<vmem>>, vector<16xi32>,
    %swap3A_52 = vector.shape_cast %swap3A_51 : vector<16xi32> to vector<16xi32>
    %swap3A_53 = vector.shape_cast %shift_right_arithmetic3A_49 : vector<16xi32> to vector<16xi32>
    tpu.vector_store %arg8[%swap3A_50], %swap3A_53 {strides = array<i32>} : memref<80xi32, #tpu.memory_space<vmem>>, vector<16xi32>,
    %get3A_54 = arith.constant 0 : i32
    %get3A_55 = arith.index_cast %get3A_54 : i32 to index
    %get3A_56 = arith.constant 48 : index
    %get3A_57 = tpu.vector_load %arg6[%get3A_55, %get3A_56] {strides = array<i32>} : memref<125x80xi32, #tpu.memory_space<vmem>>, vector<1x16xi32>,
    %get3A_58 = vector.shape_cast %get3A_57 : vector<1x16xi32> to vector<16xi32>
    %and3A_59 = arith.constant 16383 : i32
    %and3A_60 = vector.broadcast %and3A_59 : i32 to vector<16xi32>
    %and3A_61 = arith.andi %get3A_58, %and3A_60 : vector<16xi32>
    %swap3A_62 = arith.constant 48 : index
    %swap3A_63 = tpu.vector_load %arg7[%swap3A_62] {strides = array<i32>} : memref<80xi32, #tpu.memory_space<vmem>>, vector<16xi32>,
    %swap3A_64 = vector.shape_cast %swap3A_63 : vector<16xi32> to vector<16xi32>
    %swap3A_65 = vector.shape_cast %and3A_61 : vector<16xi32> to vector<16xi32>
    tpu.vector_store %arg7[%swap3A_62], %swap3A_65 {strides = array<i32>} : memref<80xi32, #tpu.memory_space<vmem>>, vector<16xi32>,
    %shift_right_arithmetic3A_66 = arith.constant 14 : i32
    %shift_right_arithmetic3A_67 = vector.broadcast %shift_right_arithmetic3A_66 : i32 to vector<16xi32>
    %shift_right_arithmetic3A_68 = arith.shrsi %get3A_58, %shift_right_arithmetic3A_67 : vector<16xi32>
    %swap3A_69 = arith.constant 48 : index
    %swap3A_70 = tpu.vector_load %arg8[%swap3A_69] {strides = array<i32>} : memref<80xi32, #tpu.memory_space<vmem>>, vector<16xi32>,
    %swap3A_71 = vector.shape_cast %swap3A_70 : vector<16xi32> to vector<16xi32>
    %swap3A_72 = vector.shape_cast %shift_right_arithmetic3A_68 : vector<16xi32> to vector<16xi32>
    tpu.vector_store %arg8[%swap3A_69], %swap3A_72 {strides = array<i32>} : memref<80xi32, #tpu.memory_space<vmem>>, vector<16xi32>,
    %get3A_73 = arith.constant 0 : i32
    %get3A_74 = arith.index_cast %get3A_73 : i32 to index
    %get3A_75 = arith.constant 64 : index
    %get3A_76 = tpu.vector_load %arg6[%get3A_74, %get3A_75] {strides = array<i32>} : memref<125x80xi32, #tpu.memory_space<vmem>>, vector<1x16xi32>,
    %get3A_77 = vector.shape_cast %get3A_76 : vector<1x16xi32> to vector<16xi32>
    %and3A_78 = arith.constant 16383 : i32
    %and3A_79 = vector.broadcast %and3A_78 : i32 to vector<16xi32>
    %and3A_80 = arith.andi %get3A_77, %and3A_79 : vector<16xi32>
    %swap3A_81 = arith.constant 64 : index
    %swap3A_82 = tpu.vector_load %arg7[%swap3A_81] {strides = array<i32>} : memref<80xi32, #tpu.memory_space<vmem>>, vector<16xi32>,
    %swap3A_83 = vector.shape_cast %swap3A_82 : vector<16xi32> to vector<16xi32>
    %swap3A_84 = vector.shape_cast %and3A_80 : vector<16xi32> to vector<16xi32>
    tpu.vector_store %arg7[%swap3A_81], %swap3A_84 {strides = array<i32>} : memref<80xi32, #tpu.memory_space<vmem>>, vector<16xi32>,
    %shift_right_arithmetic3A_85 = arith.constant 14 : i32
    %shift_right_arithmetic3A_86 = vector.broadcast %shift_right_arithmetic3A_85 : i32 to vector<16xi32>
    %shift_right_arithmetic3A_87 = arith.shrsi %get3A_77, %shift_right_arithmetic3A_86 : vector<16xi32>
    %swap3A_88 = arith.constant 64 : index
    %swap3A_89 = tpu.vector_load %arg8[%swap3A_88] {strides = array<i32>} : memref<80xi32, #tpu.memory_space<vmem>>, vector<16xi32>,
    %swap3A_90 = vector.shape_cast %swap3A_89 : vector<16xi32> to vector<16xi32>
    %swap3A_91 = vector.shape_cast %shift_right_arithmetic3A_87 : vector<16xi32> to vector<16xi32>
    tpu.vector_store %arg8[%swap3A_88], %swap3A_91 {strides = array<i32>} : memref<80xi32, #tpu.memory_space<vmem>>, vector<16xi32>,
    %dma_start3A = arith.constant 0 : i32
    %dma_start3A_92 = arith.constant 0 : i32
    %dma_start3A_93 = tpu.memref_slice %arg2[%dma_start3A, %dma_start3A_92] : memref<10000x128xf32, #tpu.memory_space<hbm>> -> memref<10000x128xf32, #tpu.memory_space<hbm>>
    tpu.enqueue_indirect_dma source(%dma_start3A_93 : memref<10000x128xf32, #tpu.memory_space<hbm>>) target(%arg11 : memref<80x128xf32, #tpu.memory_space<vmem>>) offsets(%arg7 : memref<80xi32, #tpu.memory_space<vmem>>) semaphore(%arg14 : memref<!tpu.dma_semaphore, #tpu.memory_space<semaphore_mem>>)
    "tpu.region"() ({
      %run_scoped3A = tpu.sem_alloc : memref<!tpu.dma_semaphore, #tpu.memory_space<semaphore_mem>>
      tpu.enqueue_dma source(%arg4 : memref<80x128xf32, #tpu.memory_space<hbm>>) target(%arg12 : memref<80x128xf32, #tpu.memory_space<vmem>>) target_semaphore(%run_scoped3A : memref<!tpu.dma_semaphore, #tpu.memory_space<semaphore_mem>>)
      tpu.wait_dma2 semaphore(%run_scoped3A : memref<!tpu.dma_semaphore, #tpu.memory_space<semaphore_mem>>) src(%arg4 : memref<80x128xf32, #tpu.memory_space<hbm>>) dst(%arg12 : memref<80x128xf32, #tpu.memory_space<vmem>>)
      tpu.yield
    }) : () -> ()
    %mul3A_94 = arith.constant 640 : i32
    %mul3A_95 = arith.muli %arg1, %mul3A_94 : i32
    %add3A_96 = arith.constant 0 : i32
    %add3A_97 = arith.addi %mul3A_95, %add3A_96 : i32
    "tpu.region"() ({
      %run_scoped3A = tpu.sem_alloc : memref<!tpu.dma_semaphore, #tpu.memory_space<semaphore_mem>>
      %dma_start3A_229 = arith.constant 0 : i32
      %dma_start3A_230 = tpu.memref_slice %arg13[%add3A_97, %dma_start3A_229] : memref<10240x128xf32, #tpu.memory_space<vmem_shared>> -> memref<80x128xf32, #tpu.memory_space<vmem_shared>>
      %dma_start3A_231 = arith.constant 0 : i32
      %dma_start3A_232 = tpu.memref_slice %arg13[%add3A_97, %dma_start3A_231] : memref<10240x128xf32, #tpu.memory_space<vmem_shared>> -> memref<80x128xf32, #tpu.memory_space<vmem_shared>>
      tpu.enqueue_dma source(%arg12 : memref<80x128xf32, #tpu.memory_space<vmem>>) target(%dma_start3A_232 : memref<80x128xf32, #tpu.memory_space<vmem_shared>>) target_semaphore(%run_scoped3A : memref<!tpu.dma_semaphore, #tpu.memory_space<semaphore_mem>>)
      %dma_wait3A_233 = arith.constant 0 : i32
      %dma_wait3A_234 = tpu.memref_slice %arg13[%add3A_97, %dma_wait3A_233] : memref<10240x128xf32, #tpu.memory_space<vmem_shared>> -> memref<80x128xf32, #tpu.memory_space<vmem_shared>>
      %dma_wait3A_235 = arith.constant 0 : i32
      %dma_wait3A_236 = tpu.memref_slice %arg13[%add3A_97, %dma_wait3A_235] : memref<10240x128xf32, #tpu.memory_space<vmem_shared>> -> memref<80x128xf32, #tpu.memory_space<vmem_shared>>
      tpu.wait_dma2 semaphore(%run_scoped3A : memref<!tpu.dma_semaphore, #tpu.memory_space<semaphore_mem>>) src(%arg12 : memref<80x128xf32, #tpu.memory_space<vmem>>) dst(%dma_wait3A_236 : memref<80x128xf32, #tpu.memory_space<vmem_shared>>)
      tpu.yield
    }) : () -> ()
    %mul3A_98 = arith.constant 640 : i32
    %mul3A_99 = arith.muli %arg1, %mul3A_98 : i32
    %add3A_100 = arith.constant 80 : i32
    %add3A_101 = arith.addi %mul3A_99, %add3A_100 : i32
    "tpu.region"() ({
      %run_scoped3A = tpu.sem_alloc : memref<!tpu.dma_semaphore, #tpu.memory_space<semaphore_mem>>
      %dma_start3A_229 = arith.constant 0 : i32
      %dma_start3A_230 = tpu.memref_slice %arg13[%add3A_101, %dma_start3A_229] : memref<10240x128xf32, #tpu.memory_space<vmem_shared>> -> memref<80x128xf32, #tpu.memory_space<vmem_shared>>
      %dma_start3A_231 = arith.constant 0 : i32
      %dma_start3A_232 = tpu.memref_slice %arg13[%add3A_101, %dma_start3A_231] : memref<10240x128xf32, #tpu.memory_space<vmem_shared>> -> memref<80x128xf32, #tpu.memory_space<vmem_shared>>
      tpu.enqueue_dma source(%arg12 : memref<80x128xf32, #tpu.memory_space<vmem>>) target(%dma_start3A_232 : memref<80x128xf32, #tpu.memory_space<vmem_shared>>) target_semaphore(%run_scoped3A : memref<!tpu.dma_semaphore, #tpu.memory_space<semaphore_mem>>)
      %dma_wait3A_233 = arith.constant 0 : i32
      %dma_wait3A_234 = tpu.memref_slice %arg13[%add3A_101, %dma_wait3A_233] : memref<10240x128xf32, #tpu.memory_space<vmem_shared>> -> memref<80x128xf32, #tpu.memory_space<vmem_shared>>
      %dma_wait3A_235 = arith.constant 0 : i32
      %dma_wait3A_236 = tpu.memref_slice %arg13[%add3A_101, %dma_wait3A_235] : memref<10240x128xf32, #tpu.memory_space<vmem_shared>> -> memref<80x128xf32, #tpu.memory_space<vmem_shared>>
      tpu.wait_dma2 semaphore(%run_scoped3A : memref<!tpu.dma_semaphore, #tpu.memory_space<semaphore_mem>>) src(%arg12 : memref<80x128xf32, #tpu.memory_space<vmem>>) dst(%dma_wait3A_236 : memref<80x128xf32, #tpu.memory_space<vmem_shared>>)
      tpu.yield
    }) : () -> ()
    %mul3A_102 = arith.constant 640 : i32
    %mul3A_103 = arith.muli %arg1, %mul3A_102 : i32
    %add3A_104 = arith.constant 160 : i32
    %add3A_105 = arith.addi %mul3A_103, %add3A_104 : i32
    "tpu.region"() ({
      %run_scoped3A = tpu.sem_alloc : memref<!tpu.dma_semaphore, #tpu.memory_space<semaphore_mem>>
      %dma_start3A_229 = arith.constant 0 : i32
      %dma_start3A_230 = tpu.memref_slice %arg13[%add3A_105, %dma_start3A_229] : memref<10240x128xf32, #tpu.memory_space<vmem_shared>> -> memref<80x128xf32, #tpu.memory_space<vmem_shared>>
      %dma_start3A_231 = arith.constant 0 : i32
      %dma_start3A_232 = tpu.memref_slice %arg13[%add3A_105, %dma_start3A_231] : memref<10240x128xf32, #tpu.memory_space<vmem_shared>> -> memref<80x128xf32, #tpu.memory_space<vmem_shared>>
      tpu.enqueue_dma source(%arg12 : memref<80x128xf32, #tpu.memory_space<vmem>>) target(%dma_start3A_232 : memref<80x128xf32, #tpu.memory_space<vmem_shared>>) target_semaphore(%run_scoped3A : memref<!tpu.dma_semaphore, #tpu.memory_space<semaphore_mem>>)
      %dma_wait3A_233 = arith.constant 0 : i32
      %dma_wait3A_234 = tpu.memref_slice %arg13[%add3A_105, %dma_wait3A_233] : memref<10240x128xf32, #tpu.memory_space<vmem_shared>> -> memref<80x128xf32, #tpu.memory_space<vmem_shared>>
      %dma_wait3A_235 = arith.constant 0 : i32
      %dma_wait3A_236 = tpu.memref_slice %arg13[%add3A_105, %dma_wait3A_235] : memref<10240x128xf32, #tpu.memory_space<vmem_shared>> -> memref<80x128xf32, #tpu.memory_space<vmem_shared>>
      tpu.wait_dma2 semaphore(%run_scoped3A : memref<!tpu.dma_semaphore, #tpu.memory_space<semaphore_mem>>) src(%arg12 : memref<80x128xf32, #tpu.memory_space<vmem>>) dst(%dma_wait3A_236 : memref<80x128xf32, #tpu.memory_space<vmem_shared>>)
      tpu.yield
    }) : () -> ()
    %mul3A_106 = arith.constant 640 : i32
    %mul3A_107 = arith.muli %arg1, %mul3A_106 : i32
    %add3A_108 = arith.constant 240 : i32
    %add3A_109 = arith.addi %mul3A_107, %add3A_108 : i32
    "tpu.region"() ({
      %run_scoped3A = tpu.sem_alloc : memref<!tpu.dma_semaphore, #tpu.memory_space<semaphore_mem>>
      %dma_start3A_229 = arith.constant 0 : i32
      %dma_start3A_230 = tpu.memref_slice %arg13[%add3A_109, %dma_start3A_229] : memref<10240x128xf32, #tpu.memory_space<vmem_shared>> -> memref<80x128xf32, #tpu.memory_space<vmem_shared>>
      %dma_start3A_231 = arith.constant 0 : i32
      %dma_start3A_232 = tpu.memref_slice %arg13[%add3A_109, %dma_start3A_231] : memref<10240x128xf32, #tpu.memory_space<vmem_shared>> -> memref<80x128xf32, #tpu.memory_space<vmem_shared>>
      tpu.enqueue_dma source(%arg12 : memref<80x128xf32, #tpu.memory_space<vmem>>) target(%dma_start3A_232 : memref<80x128xf32, #tpu.memory_space<vmem_shared>>) target_semaphore(%run_scoped3A : memref<!tpu.dma_semaphore, #tpu.memory_space<semaphore_mem>>)
      %dma_wait3A_233 = arith.constant 0 : i32
      %dma_wait3A_234 = tpu.memref_slice %arg13[%add3A_109, %dma_wait3A_233] : memref<10240x128xf32, #tpu.memory_space<vmem_shared>> -> memref<80x128xf32, #tpu.memory_space<vmem_shared>>
      %dma_wait3A_235 = arith.constant 0 : i32
      %dma_wait3A_236 = tpu.memref_slice %arg13[%add3A_109, %dma_wait3A_235] : memref<10240x128xf32, #tpu.memory_space<vmem_shared>> -> memref<80x128xf32, #tpu.memory_space<vmem_shared>>
      tpu.wait_dma2 semaphore(%run_scoped3A : memref<!tpu.dma_semaphore, #tpu.memory_space<semaphore_mem>>) src(%arg12 : memref<80x128xf32, #tpu.memory_space<vmem>>) dst(%dma_wait3A_236 : memref<80x128xf32, #tpu.memory_space<vmem_shared>>)
      tpu.yield
    }) : () -> ()
    %mul3A_110 = arith.constant 640 : i32
    %mul3A_111 = arith.muli %arg1, %mul3A_110 : i32
    %add3A_112 = arith.constant 320 : i32
    %add3A_113 = arith.addi %mul3A_111, %add3A_112 : i32
    "tpu.region"() ({
      %run_scoped3A = tpu.sem_alloc : memref<!tpu.dma_semaphore, #tpu.memory_space<semaphore_mem>>
      %dma_start3A_229 = arith.constant 0 : i32
      %dma_start3A_230 = tpu.memref_slice %arg13[%add3A_113, %dma_start3A_229] : memref<10240x128xf32, #tpu.memory_space<vmem_shared>> -> memref<80x128xf32, #tpu.memory_space<vmem_shared>>
      %dma_start3A_231 = arith.constant 0 : i32
      %dma_start3A_232 = tpu.memref_slice %arg13[%add3A_113, %dma_start3A_231] : memref<10240x128xf32, #tpu.memory_space<vmem_shared>> -> memref<80x128xf32, #tpu.memory_space<vmem_shared>>
      tpu.enqueue_dma source(%arg12 : memref<80x128xf32, #tpu.memory_space<vmem>>) target(%dma_start3A_232 : memref<80x128xf32, #tpu.memory_space<vmem_shared>>) target_semaphore(%run_scoped3A : memref<!tpu.dma_semaphore, #tpu.memory_space<semaphore_mem>>)
      %dma_wait3A_233 = arith.constant 0 : i32
      %dma_wait3A_234 = tpu.memref_slice %arg13[%add3A_113, %dma_wait3A_233] : memref<10240x128xf32, #tpu.memory_space<vmem_shared>> -> memref<80x128xf32, #tpu.memory_space<vmem_shared>>
      %dma_wait3A_235 = arith.constant 0 : i32
      %dma_wait3A_236 = tpu.memref_slice %arg13[%add3A_113, %dma_wait3A_235] : memref<10240x128xf32, #tpu.memory_space<vmem_shared>> -> memref<80x128xf32, #tpu.memory_space<vmem_shared>>
      tpu.wait_dma2 semaphore(%run_scoped3A : memref<!tpu.dma_semaphore, #tpu.memory_space<semaphore_mem>>) src(%arg12 : memref<80x128xf32, #tpu.memory_space<vmem>>) dst(%dma_wait3A_236 : memref<80x128xf32, #tpu.memory_space<vmem_shared>>)
      tpu.yield
    }) : () -> ()
    %mul3A_114 = arith.constant 640 : i32
    %mul3A_115 = arith.muli %arg1, %mul3A_114 : i32
    %add3A_116 = arith.constant 400 : i32
    %add3A_117 = arith.addi %mul3A_115, %add3A_116 : i32
    "tpu.region"() ({
      %run_scoped3A = tpu.sem_alloc : memref<!tpu.dma_semaphore, #tpu.memory_space<semaphore_mem>>
      %dma_start3A_229 = arith.constant 0 : i32
      %dma_start3A_230 = tpu.memref_slice %arg13[%add3A_117, %dma_start3A_229] : memref<10240x128xf32, #tpu.memory_space<vmem_shared>> -> memref<80x128xf32, #tpu.memory_space<vmem_shared>>
      %dma_start3A_231 = arith.constant 0 : i32
      %dma_start3A_232 = tpu.memref_slice %arg13[%add3A_117, %dma_start3A_231] : memref<10240x128xf32, #tpu.memory_space<vmem_shared>> -> memref<80x128xf32, #tpu.memory_space<vmem_shared>>
      tpu.enqueue_dma source(%arg12 : memref<80x128xf32, #tpu.memory_space<vmem>>) target(%dma_start3A_232 : memref<80x128xf32, #tpu.memory_space<vmem_shared>>) target_semaphore(%run_scoped3A : memref<!tpu.dma_semaphore, #tpu.memory_space<semaphore_mem>>)
      %dma_wait3A_233 = arith.constant 0 : i32
      %dma_wait3A_234 = tpu.memref_slice %arg13[%add3A_117, %dma_wait3A_233] : memref<10240x128xf32, #tpu.memory_space<vmem_shared>> -> memref<80x128xf32, #tpu.memory_space<vmem_shared>>
      %dma_wait3A_235 = arith.constant 0 : i32
      %dma_wait3A_236 = tpu.memref_slice %arg13[%add3A_117, %dma_wait3A_235] : memref<10240x128xf32, #tpu.memory_space<vmem_shared>> -> memref<80x128xf32, #tpu.memory_space<vmem_shared>>
      tpu.wait_dma2 semaphore(%run_scoped3A : memref<!tpu.dma_semaphore, #tpu.memory_space<semaphore_mem>>) src(%arg12 : memref<80x128xf32, #tpu.memory_space<vmem>>) dst(%dma_wait3A_236 : memref<80x128xf32, #tpu.memory_space<vmem_shared>>)
      tpu.yield
    }) : () -> ()
    %mul3A_118 = arith.constant 640 : i32
    %mul3A_119 = arith.muli %arg1, %mul3A_118 : i32
    %add3A_120 = arith.constant 480 : i32
    %add3A_121 = arith.addi %mul3A_119, %add3A_120 : i32
    "tpu.region"() ({
      %run_scoped3A = tpu.sem_alloc : memref<!tpu.dma_semaphore, #tpu.memory_space<semaphore_mem>>
      %dma_start3A_229 = arith.constant 0 : i32
      %dma_start3A_230 = tpu.memref_slice %arg13[%add3A_121, %dma_start3A_229] : memref<10240x128xf32, #tpu.memory_space<vmem_shared>> -> memref<80x128xf32, #tpu.memory_space<vmem_shared>>
      %dma_start3A_231 = arith.constant 0 : i32
      %dma_start3A_232 = tpu.memref_slice %arg13[%add3A_121, %dma_start3A_231] : memref<10240x128xf32, #tpu.memory_space<vmem_shared>> -> memref<80x128xf32, #tpu.memory_space<vmem_shared>>
      tpu.enqueue_dma source(%arg12 : memref<80x128xf32, #tpu.memory_space<vmem>>) target(%dma_start3A_232 : memref<80x128xf32, #tpu.memory_space<vmem_shared>>) target_semaphore(%run_scoped3A : memref<!tpu.dma_semaphore, #tpu.memory_space<semaphore_mem>>)
      %dma_wait3A_233 = arith.constant 0 : i32
      %dma_wait3A_234 = tpu.memref_slice %arg13[%add3A_121, %dma_wait3A_233] : memref<10240x128xf32, #tpu.memory_space<vmem_shared>> -> memref<80x128xf32, #tpu.memory_space<vmem_shared>>
      %dma_wait3A_235 = arith.constant 0 : i32
      %dma_wait3A_236 = tpu.memref_slice %arg13[%add3A_121, %dma_wait3A_235] : memref<10240x128xf32, #tpu.memory_space<vmem_shared>> -> memref<80x128xf32, #tpu.memory_space<vmem_shared>>
      tpu.wait_dma2 semaphore(%run_scoped3A : memref<!tpu.dma_semaphore, #tpu.memory_space<semaphore_mem>>) src(%arg12 : memref<80x128xf32, #tpu.memory_space<vmem>>) dst(%dma_wait3A_236 : memref<80x128xf32, #tpu.memory_space<vmem_shared>>)
      tpu.yield
    }) : () -> ()
    %mul3A_122 = arith.constant 640 : i32
    %mul3A_123 = arith.muli %arg1, %mul3A_122 : i32
    %add3A_124 = arith.constant 560 : i32
    %add3A_125 = arith.addi %mul3A_123, %add3A_124 : i32
    "tpu.region"() ({
      %run_scoped3A = tpu.sem_alloc : memref<!tpu.dma_semaphore, #tpu.memory_space<semaphore_mem>>
      %dma_start3A_229 = arith.constant 0 : i32
      %dma_start3A_230 = tpu.memref_slice %arg13[%add3A_125, %dma_start3A_229] : memref<10240x128xf32, #tpu.memory_space<vmem_shared>> -> memref<80x128xf32, #tpu.memory_space<vmem_shared>>
      %dma_start3A_231 = arith.constant 0 : i32
      %dma_start3A_232 = tpu.memref_slice %arg13[%add3A_125, %dma_start3A_231] : memref<10240x128xf32, #tpu.memory_space<vmem_shared>> -> memref<80x128xf32, #tpu.memory_space<vmem_shared>>
      tpu.enqueue_dma source(%arg12 : memref<80x128xf32, #tpu.memory_space<vmem>>) target(%dma_start3A_232 : memref<80x128xf32, #tpu.memory_space<vmem_shared>>) target_semaphore(%run_scoped3A : memref<!tpu.dma_semaphore, #tpu.memory_space<semaphore_mem>>)
      %dma_wait3A_233 = arith.constant 0 : i32
      %dma_wait3A_234 = tpu.memref_slice %arg13[%add3A_125, %dma_wait3A_233] : memref<10240x128xf32, #tpu.memory_space<vmem_shared>> -> memref<80x128xf32, #tpu.memory_space<vmem_shared>>
      %dma_wait3A_235 = arith.constant 0 : i32
      %dma_wait3A_236 = tpu.memref_slice %arg13[%add3A_125, %dma_wait3A_235] : memref<10240x128xf32, #tpu.memory_space<vmem_shared>> -> memref<80x128xf32, #tpu.memory_space<vmem_shared>>
      tpu.wait_dma2 semaphore(%run_scoped3A : memref<!tpu.dma_semaphore, #tpu.memory_space<semaphore_mem>>) src(%arg12 : memref<80x128xf32, #tpu.memory_space<vmem>>) dst(%dma_wait3A_236 : memref<80x128xf32, #tpu.memory_space<vmem_shared>>)
      tpu.yield
    }) : () -> ()
    %barrier3A = arith.constant 0 : index
    tpu.barrier barrier_id(%barrier3A)
    %scan3A = arith.constant 0 : i32
    %scan3A_126 = arith.constant 0 : i32
    %scan3A_127 = arith.constant 62 : i32
    %scan3A_128 = arith.addi %scan3A_126, %scan3A_127 : i32
    %scan3A_129 = arith.constant 1 : i32
    scf.for %scan3A_229 = %scan3A_126 to %scan3A_128 step %scan3A_129  : i32 {
      %mul3A_230 = arith.constant 2 : i32
      %mul3A_231 = arith.muli %mul3A_230, %scan3A_229 : i32
      %mul3A_232 = arith.constant 2 : i32
      %mul3A_233 = arith.muli %mul3A_232, %scan3A_229 : i32
      %add3A_234 = arith.constant 1 : i32
      %add3A_235 = arith.addi %mul3A_233, %add3A_234 : i32
      %get3A_236 = arith.index_cast %add3A_235 : i32 to index
      %get3A_237 = arith.constant 0 : index
      %get3A_238 = tpu.vector_load %arg6[%get3A_236, %get3A_237] {strides = array<i32>} : memref<125x80xi32, #tpu.memory_space<vmem>>, vector<1x16xi32>,
      %get3A_239 = vector.shape_cast %get3A_238 : vector<1x16xi32> to vector<16xi32>
      %and3A_240 = arith.constant 16383 : i32
      %and3A_241 = vector.broadcast %and3A_240 : i32 to vector<16xi32>
      %and3A_242 = arith.andi %get3A_239, %and3A_241 : vector<16xi32>
      %swap3A_243 = arith.constant 0 : index
      %swap3A_244 = tpu.vector_load %arg9[%swap3A_243] {strides = array<i32>} : memref<80xi32, #tpu.memory_space<vmem>>, vector<16xi32>,
      %swap3A_245 = vector.shape_cast %swap3A_244 : vector<16xi32> to vector<16xi32>
      %swap3A_246 = vector.shape_cast %and3A_242 : vector<16xi32> to vector<16xi32>
      tpu.vector_store %arg9[%swap3A_243], %swap3A_246 {strides = array<i32>} : memref<80xi32, #tpu.memory_space<vmem>>, vector<16xi32>,
      %shift_right_arithmetic3A_247 = arith.constant 14 : i32
      %shift_right_arithmetic3A_248 = vector.broadcast %shift_right_arithmetic3A_247 : i32 to vector<16xi32>
      %shift_right_arithmetic3A_249 = arith.shrsi %get3A_239, %shift_right_arithmetic3A_248 : vector<16xi32>
      %swap3A_250 = arith.constant 0 : index
      %swap3A_251 = tpu.vector_load %arg10[%swap3A_250] {strides = array<i32>} : memref<80xi32, #tpu.memory_space<vmem>>, vector<16xi32>,
      %swap3A_252 = vector.shape_cast %swap3A_251 : vector<16xi32> to vector<16xi32>
      %swap3A_253 = vector.shape_cast %shift_right_arithmetic3A_249 : vector<16xi32> to vector<16xi32>
      tpu.vector_store %arg10[%swap3A_250], %swap3A_253 {strides = array<i32>} : memref<80xi32, #tpu.memory_space<vmem>>, vector<16xi32>,
      %get3A_254 = arith.index_cast %add3A_235 : i32 to index
      %get3A_255 = arith.constant 16 : index
      %get3A_256 = tpu.vector_load %arg6[%get3A_254, %get3A_255] {strides = array<i32>} : memref<125x80xi32, #tpu.memory_space<vmem>>, vector<1x16xi32>,
      %get3A_257 = vector.shape_cast %get3A_256 : vector<1x16xi32> to vector<16xi32>
      %and3A_258 = arith.constant 16383 : i32
      %and3A_259 = vector.broadcast %and3A_258 : i32 to vector<16xi32>
      %and3A_260 = arith.andi %get3A_257, %and3A_259 : vector<16xi32>
      %swap3A_261 = arith.constant 16 : index
      %swap3A_262 = tpu.vector_load %arg9[%swap3A_261] {strides = array<i32>} : memref<80xi32, #tpu.memory_space<vmem>>, vector<16xi32>,
      %swap3A_263 = vector.shape_cast %swap3A_262 : vector<16xi32> to vector<16xi32>
      %swap3A_264 = vector.shape_cast %and3A_260 : vector<16xi32> to vector<16xi32>
      tpu.vector_store %arg9[%swap3A_261], %swap3A_264 {strides = array<i32>} : memref<80xi32, #tpu.memory_space<vmem>>, vector<16xi32>,
      %shift_right_arithmetic3A_265 = arith.constant 14 : i32
      %shift_right_arithmetic3A_266 = vector.broadcast %shift_right_arithmetic3A_265 : i32 to vector<16xi32>
      %shift_right_arithmetic3A_267 = arith.shrsi %get3A_257, %shift_right_arithmetic3A_266 : vector<16xi32>
      %swap3A_268 = arith.constant 16 : index
      %swap3A_269 = tpu.vector_load %arg10[%swap3A_268] {strides = array<i32>} : memref<80xi32, #tpu.memory_space<vmem>>, vector<16xi32>,
      %swap3A_270 = vector.shape_cast %swap3A_269 : vector<16xi32> to vector<16xi32>
      %swap3A_271 = vector.shape_cast %shift_right_arithmetic3A_267 : vector<16xi32> to vector<16xi32>
      tpu.vector_store %arg10[%swap3A_268], %swap3A_271 {strides = array<i32>} : memref<80xi32, #tpu.memory_space<vmem>>, vector<16xi32>,
      %get3A_272 = arith.index_cast %add3A_235 : i32 to index
      %get3A_273 = arith.constant 32 : index
      %get3A_274 = tpu.vector_load %arg6[%get3A_272, %get3A_273] {strides = array<i32>} : memref<125x80xi32, #tpu.memory_space<vmem>>, vector<1x16xi32>,
      %get3A_275 = vector.shape_cast %get3A_274 : vector<1x16xi32> to vector<16xi32>
      %and3A_276 = arith.constant 16383 : i32
      %and3A_277 = vector.broadcast %and3A_276 : i32 to vector<16xi32>
      %and3A_278 = arith.andi %get3A_275, %and3A_277 : vector<16xi32>
      %swap3A_279 = arith.constant 32 : index
      %swap3A_280 = tpu.vector_load %arg9[%swap3A_279] {strides = array<i32>} : memref<80xi32, #tpu.memory_space<vmem>>, vector<16xi32>,
      %swap3A_281 = vector.shape_cast %swap3A_280 : vector<16xi32> to vector<16xi32>
      %swap3A_282 = vector.shape_cast %and3A_278 : vector<16xi32> to vector<16xi32>
      tpu.vector_store %arg9[%swap3A_279], %swap3A_282 {strides = array<i32>} : memref<80xi32, #tpu.memory_space<vmem>>, vector<16xi32>,
      %shift_right_arithmetic3A_283 = arith.constant 14 : i32
      %shift_right_arithmetic3A_284 = vector.broadcast %shift_right_arithmetic3A_283 : i32 to vector<16xi32>
      %shift_right_arithmetic3A_285 = arith.shrsi %get3A_275, %shift_right_arithmetic3A_284 : vector<16xi32>
      %swap3A_286 = arith.constant 32 : index
      %swap3A_287 = tpu.vector_load %arg10[%swap3A_286] {strides = array<i32>} : memref<80xi32, #tpu.memory_space<vmem>>, vector<16xi32>,
      %swap3A_288 = vector.shape_cast %swap3A_287 : vector<16xi32> to vector<16xi32>
      %swap3A_289 = vector.shape_cast %shift_right_arithmetic3A_285 : vector<16xi32> to vector<16xi32>
      tpu.vector_store %arg10[%swap3A_286], %swap3A_289 {strides = array<i32>} : memref<80xi32, #tpu.memory_space<vmem>>, vector<16xi32>,
      %get3A_290 = arith.index_cast %add3A_235 : i32 to index
      %get3A_291 = arith.constant 48 : index
      %get3A_292 = tpu.vector_load %arg6[%get3A_290, %get3A_291] {strides = array<i32>} : memref<125x80xi32, #tpu.memory_space<vmem>>, vector<1x16xi32>,
      %get3A_293 = vector.shape_cast %get3A_292 : vector<1x16xi32> to vector<16xi32>
      %and3A_294 = arith.constant 16383 : i32
      %and3A_295 = vector.broadcast %and3A_294 : i32 to vector<16xi32>
      %and3A_296 = arith.andi %get3A_293, %and3A_295 : vector<16xi32>
      %swap3A_297 = arith.constant 48 : index
      %swap3A_298 = tpu.vector_load %arg9[%swap3A_297] {strides = array<i32>} : memref<80xi32, #tpu.memory_space<vmem>>, vector<16xi32>,
      %swap3A_299 = vector.shape_cast %swap3A_298 : vector<16xi32> to vector<16xi32>
      %swap3A_300 = vector.shape_cast %and3A_296 : vector<16xi32> to vector<16xi32>
      tpu.vector_store %arg9[%swap3A_297], %swap3A_300 {strides = array<i32>} : memref<80xi32, #tpu.memory_space<vmem>>, vector<16xi32>,
      %shift_right_arithmetic3A_301 = arith.constant 14 : i32
      %shift_right_arithmetic3A_302 = vector.broadcast %shift_right_arithmetic3A_301 : i32 to vector<16xi32>
      %shift_right_arithmetic3A_303 = arith.shrsi %get3A_293, %shift_right_arithmetic3A_302 : vector<16xi32>
      %swap3A_304 = arith.constant 48 : index
      %swap3A_305 = tpu.vector_load %arg10[%swap3A_304] {strides = array<i32>} : memref<80xi32, #tpu.memory_space<vmem>>, vector<16xi32>,
      %swap3A_306 = vector.shape_cast %swap3A_305 : vector<16xi32> to vector<16xi32>
      %swap3A_307 = vector.shape_cast %shift_right_arithmetic3A_303 : vector<16xi32> to vector<16xi32>
      tpu.vector_store %arg10[%swap3A_304], %swap3A_307 {strides = array<i32>} : memref<80xi32, #tpu.memory_space<vmem>>, vector<16xi32>,
      %get3A_308 = arith.index_cast %add3A_235 : i32 to index
      %get3A_309 = arith.constant 64 : index
      %get3A_310 = tpu.vector_load %arg6[%get3A_308, %get3A_309] {strides = array<i32>} : memref<125x80xi32, #tpu.memory_space<vmem>>, vector<1x16xi32>,
      %get3A_311 = vector.shape_cast %get3A_310 : vector<1x16xi32> to vector<16xi32>
      %and3A_312 = arith.constant 16383 : i32
      %and3A_313 = vector.broadcast %and3A_312 : i32 to vector<16xi32>
      %and3A_314 = arith.andi %get3A_311, %and3A_313 : vector<16xi32>
      %swap3A_315 = arith.constant 64 : index
      %swap3A_316 = tpu.vector_load %arg9[%swap3A_315] {strides = array<i32>} : memref<80xi32, #tpu.memory_space<vmem>>, vector<16xi32>,
      %swap3A_317 = vector.shape_cast %swap3A_316 : vector<16xi32> to vector<16xi32>
      %swap3A_318 = vector.shape_cast %and3A_314 : vector<16xi32> to vector<16xi32>
      tpu.vector_store %arg9[%swap3A_315], %swap3A_318 {strides = array<i32>} : memref<80xi32, #tpu.memory_space<vmem>>, vector<16xi32>,
      %shift_right_arithmetic3A_319 = arith.constant 14 : i32
      %shift_right_arithmetic3A_320 = vector.broadcast %shift_right_arithmetic3A_319 : i32 to vector<16xi32>
      %shift_right_arithmetic3A_321 = arith.shrsi %get3A_311, %shift_right_arithmetic3A_320 : vector<16xi32>
      %swap3A_322 = arith.constant 64 : index
      %swap3A_323 = tpu.vector_load %arg10[%swap3A_322] {strides = array<i32>} : memref<80xi32, #tpu.memory_space<vmem>>, vector<16xi32>,
      %swap3A_324 = vector.shape_cast %swap3A_323 : vector<16xi32> to vector<16xi32>
      %swap3A_325 = vector.shape_cast %shift_right_arithmetic3A_321 : vector<16xi32> to vector<16xi32>
      tpu.vector_store %arg10[%swap3A_322], %swap3A_325 {strides = array<i32>} : memref<80xi32, #tpu.memory_space<vmem>>, vector<16xi32>,
      %dma_start3A_326 = arith.constant 0 : i32
      %dma_start3A_327 = arith.constant 0 : i32
      %dma_start3A_328 = tpu.memref_slice %arg2[%dma_start3A_326, %dma_start3A_327] : memref<10000x128xf32, #tpu.memory_space<hbm>> -> memref<10000x128xf32, #tpu.memory_space<hbm>>
      tpu.enqueue_indirect_dma source(%dma_start3A_328 : memref<10000x128xf32, #tpu.memory_space<hbm>>) target(%arg12 : memref<80x128xf32, #tpu.memory_space<vmem>>) offsets(%arg9 : memref<80xi32, #tpu.memory_space<vmem>>) semaphore(%arg15 : memref<!tpu.dma_semaphore, #tpu.memory_space<semaphore_mem>>)
      %dma_wait3A_329 = arith.constant 0 : i32
      %dma_wait3A_330 = arith.constant 0 : i32
      %dma_wait3A_331 = tpu.memref_slice %arg2[%dma_wait3A_329, %dma_wait3A_330] : memref<10000x128xf32, #tpu.memory_space<hbm>> -> memref<10000x128xf32, #tpu.memory_space<hbm>>
      tpu.wait_indirect_dma semaphore(%arg14 : memref<!tpu.dma_semaphore, #tpu.memory_space<semaphore_mem>>) src(%dma_wait3A_331 : memref<10000x128xf32, #tpu.memory_space<hbm>>) dst(%arg11 : memref<80x128xf32, #tpu.memory_space<vmem>>)
      "tpu.region"() ({
        %run_scoped3A = tpu.sem_alloc : memref<!tpu.dma_semaphore, #tpu.memory_space<semaphore_mem>>
        %dma_start3A_430 = arith.constant 0 : i32
        %dma_start3A_431 = arith.constant 0 : i32
        %dma_start3A_432 = tpu.memref_slice %arg13[%dma_start3A_430, %dma_start3A_431] : memref<10240x128xf32, #tpu.memory_space<vmem_shared>> -> memref<10240x128xf32, #tpu.memory_space<vmem_shared>>
        tpu.enqueue_indirect_dma source(%arg11 : memref<80x128xf32, #tpu.memory_space<vmem>>) target(%dma_start3A_432 : memref<10240x128xf32, #tpu.memory_space<vmem_shared>>) offsets(%arg8 : memref<80xi32, #tpu.memory_space<vmem>>) semaphore(%run_scoped3A : memref<!tpu.dma_semaphore, #tpu.memory_space<semaphore_mem>>) {add = true}
        %dma_wait3A_433 = arith.constant 0 : i32
        %dma_wait3A_434 = arith.constant 0 : i32
        %dma_wait3A_435 = tpu.memref_slice %arg13[%dma_wait3A_433, %dma_wait3A_434] : memref<10240x128xf32, #tpu.memory_space<vmem_shared>> -> memref<10240x128xf32, #tpu.memory_space<vmem_shared>>
        tpu.wait_indirect_dma semaphore(%run_scoped3A : memref<!tpu.dma_semaphore, #tpu.memory_space<semaphore_mem>>) src(%arg11 : memref<80x128xf32, #tpu.memory_space<vmem>>) dst(%dma_wait3A_435 : memref<10240x128xf32, #tpu.memory_space<vmem_shared>>)
        tpu.yield
      }) : () -> ()
      %add3A_332 = arith.constant 2 : i32
      %add3A_333 = arith.addi %mul3A_231, %add3A_332 : i32
      %get3A_334 = arith.index_cast %add3A_333 : i32 to index
      %get3A_335 = arith.constant 0 : index
      %get3A_336 = tpu.vector_load %arg6[%get3A_334, %get3A_335] {strides = array<i32>} : memref<125x80xi32, #tpu.memory_space<vmem>>, vector<1x16xi32>,
      %get3A_337 = vector.shape_cast %get3A_336 : vector<1x16xi32> to vector<16xi32>
      %and3A_338 = arith.constant 16383 : i32
      %and3A_339 = vector.broadcast %and3A_338 : i32 to vector<16xi32>
      %and3A_340 = arith.andi %get3A_337, %and3A_339 : vector<16xi32>
      %swap3A_341 = arith.constant 0 : index
      %swap3A_342 = tpu.vector_load %arg7[%swap3A_341] {strides = array<i32>} : memref<80xi32, #tpu.memory_space<vmem>>, vector<16xi32>,
      %swap3A_343 = vector.shape_cast %swap3A_342 : vector<16xi32> to vector<16xi32>
      %swap3A_344 = vector.shape_cast %and3A_340 : vector<16xi32> to vector<16xi32>
      tpu.vector_store %arg7[%swap3A_341], %swap3A_344 {strides = array<i32>} : memref<80xi32, #tpu.memory_space<vmem>>, vector<16xi32>,
      %shift_right_arithmetic3A_345 = arith.constant 14 : i32
      %shift_right_arithmetic3A_346 = vector.broadcast %shift_right_arithmetic3A_345 : i32 to vector<16xi32>
      %shift_right_arithmetic3A_347 = arith.shrsi %get3A_337, %shift_right_arithmetic3A_346 : vector<16xi32>
      %swap3A_348 = arith.constant 0 : index
      %swap3A_349 = tpu.vector_load %arg8[%swap3A_348] {strides = array<i32>} : memref<80xi32, #tpu.memory_space<vmem>>, vector<16xi32>,
      %swap3A_350 = vector.shape_cast %swap3A_349 : vector<16xi32> to vector<16xi32>
      %swap3A_351 = vector.shape_cast %shift_right_arithmetic3A_347 : vector<16xi32> to vector<16xi32>
      tpu.vector_store %arg8[%swap3A_348], %swap3A_351 {strides = array<i32>} : memref<80xi32, #tpu.memory_space<vmem>>, vector<16xi32>,
      %get3A_352 = arith.index_cast %add3A_333 : i32 to index
      %get3A_353 = arith.constant 16 : index
      %get3A_354 = tpu.vector_load %arg6[%get3A_352, %get3A_353] {strides = array<i32>} : memref<125x80xi32, #tpu.memory_space<vmem>>, vector<1x16xi32>,
      %get3A_355 = vector.shape_cast %get3A_354 : vector<1x16xi32> to vector<16xi32>
      %and3A_356 = arith.constant 16383 : i32
      %and3A_357 = vector.broadcast %and3A_356 : i32 to vector<16xi32>
      %and3A_358 = arith.andi %get3A_355, %and3A_357 : vector<16xi32>
      %swap3A_359 = arith.constant 16 : index
      %swap3A_360 = tpu.vector_load %arg7[%swap3A_359] {strides = array<i32>} : memref<80xi32, #tpu.memory_space<vmem>>, vector<16xi32>,
      %swap3A_361 = vector.shape_cast %swap3A_360 : vector<16xi32> to vector<16xi32>
      %swap3A_362 = vector.shape_cast %and3A_358 : vector<16xi32> to vector<16xi32>
      tpu.vector_store %arg7[%swap3A_359], %swap3A_362 {strides = array<i32>} : memref<80xi32, #tpu.memory_space<vmem>>, vector<16xi32>,
      %shift_right_arithmetic3A_363 = arith.constant 14 : i32
      %shift_right_arithmetic3A_364 = vector.broadcast %shift_right_arithmetic3A_363 : i32 to vector<16xi32>
      %shift_right_arithmetic3A_365 = arith.shrsi %get3A_355, %shift_right_arithmetic3A_364 : vector<16xi32>
      %swap3A_366 = arith.constant 16 : index
      %swap3A_367 = tpu.vector_load %arg8[%swap3A_366] {strides = array<i32>} : memref<80xi32, #tpu.memory_space<vmem>>, vector<16xi32>,
      %swap3A_368 = vector.shape_cast %swap3A_367 : vector<16xi32> to vector<16xi32>
      %swap3A_369 = vector.shape_cast %shift_right_arithmetic3A_365 : vector<16xi32> to vector<16xi32>
      tpu.vector_store %arg8[%swap3A_366], %swap3A_369 {strides = array<i32>} : memref<80xi32, #tpu.memory_space<vmem>>, vector<16xi32>,
      %get3A_370 = arith.index_cast %add3A_333 : i32 to index
      %get3A_371 = arith.constant 32 : index
      %get3A_372 = tpu.vector_load %arg6[%get3A_370, %get3A_371] {strides = array<i32>} : memref<125x80xi32, #tpu.memory_space<vmem>>, vector<1x16xi32>,
      %get3A_373 = vector.shape_cast %get3A_372 : vector<1x16xi32> to vector<16xi32>
      %and3A_374 = arith.constant 16383 : i32
      %and3A_375 = vector.broadcast %and3A_374 : i32 to vector<16xi32>
      %and3A_376 = arith.andi %get3A_373, %and3A_375 : vector<16xi32>
      %swap3A_377 = arith.constant 32 : index
      %swap3A_378 = tpu.vector_load %arg7[%swap3A_377] {strides = array<i32>} : memref<80xi32, #tpu.memory_space<vmem>>, vector<16xi32>,
      %swap3A_379 = vector.shape_cast %swap3A_378 : vector<16xi32> to vector<16xi32>
      %swap3A_380 = vector.shape_cast %and3A_376 : vector<16xi32> to vector<16xi32>
      tpu.vector_store %arg7[%swap3A_377], %swap3A_380 {strides = array<i32>} : memref<80xi32, #tpu.memory_space<vmem>>, vector<16xi32>,
      %shift_right_arithmetic3A_381 = arith.constant 14 : i32
      %shift_right_arithmetic3A_382 = vector.broadcast %shift_right_arithmetic3A_381 : i32 to vector<16xi32>
      %shift_right_arithmetic3A_383 = arith.shrsi %get3A_373, %shift_right_arithmetic3A_382 : vector<16xi32>
      %swap3A_384 = arith.constant 32 : index
      %swap3A_385 = tpu.vector_load %arg8[%swap3A_384] {strides = array<i32>} : memref<80xi32, #tpu.memory_space<vmem>>, vector<16xi32>,
      %swap3A_386 = vector.shape_cast %swap3A_385 : vector<16xi32> to vector<16xi32>
      %swap3A_387 = vector.shape_cast %shift_right_arithmetic3A_383 : vector<16xi32> to vector<16xi32>
      tpu.vector_store %arg8[%swap3A_384], %swap3A_387 {strides = array<i32>} : memref<80xi32, #tpu.memory_space<vmem>>, vector<16xi32>,
      %get3A_388 = arith.index_cast %add3A_333 : i32 to index
      %get3A_389 = arith.constant 48 : index
      %get3A_390 = tpu.vector_load %arg6[%get3A_388, %get3A_389] {strides = array<i32>} : memref<125x80xi32, #tpu.memory_space<vmem>>, vector<1x16xi32>,
      %get3A_391 = vector.shape_cast %get3A_390 : vector<1x16xi32> to vector<16xi32>
      %and3A_392 = arith.constant 16383 : i32
      %and3A_393 = vector.broadcast %and3A_392 : i32 to vector<16xi32>
      %and3A_394 = arith.andi %get3A_391, %and3A_393 : vector<16xi32>
      %swap3A_395 = arith.constant 48 : index
      %swap3A_396 = tpu.vector_load %arg7[%swap3A_395] {strides = array<i32>} : memref<80xi32, #tpu.memory_space<vmem>>, vector<16xi32>,
      %swap3A_397 = vector.shape_cast %swap3A_396 : vector<16xi32> to vector<16xi32>
      %swap3A_398 = vector.shape_cast %and3A_394 : vector<16xi32> to vector<16xi32>
      tpu.vector_store %arg7[%swap3A_395], %swap3A_398 {strides = array<i32>} : memref<80xi32, #tpu.memory_space<vmem>>, vector<16xi32>,
      %shift_right_arithmetic3A_399 = arith.constant 14 : i32
      %shift_right_arithmetic3A_400 = vector.broadcast %shift_right_arithmetic3A_399 : i32 to vector<16xi32>
      %shift_right_arithmetic3A_401 = arith.shrsi %get3A_391, %shift_right_arithmetic3A_400 : vector<16xi32>
      %swap3A_402 = arith.constant 48 : index
      %swap3A_403 = tpu.vector_load %arg8[%swap3A_402] {strides = array<i32>} : memref<80xi32, #tpu.memory_space<vmem>>, vector<16xi32>,
      %swap3A_404 = vector.shape_cast %swap3A_403 : vector<16xi32> to vector<16xi32>
      %swap3A_405 = vector.shape_cast %shift_right_arithmetic3A_401 : vector<16xi32> to vector<16xi32>
      tpu.vector_store %arg8[%swap3A_402], %swap3A_405 {strides = array<i32>} : memref<80xi32, #tpu.memory_space<vmem>>, vector<16xi32>,
      %get3A_406 = arith.index_cast %add3A_333 : i32 to index
      %get3A_407 = arith.constant 64 : index
      %get3A_408 = tpu.vector_load %arg6[%get3A_406, %get3A_407] {strides = array<i32>} : memref<125x80xi32, #tpu.memory_space<vmem>>, vector<1x16xi32>,
      %get3A_409 = vector.shape_cast %get3A_408 : vector<1x16xi32> to vector<16xi32>
      %and3A_410 = arith.constant 16383 : i32
      %and3A_411 = vector.broadcast %and3A_410 : i32 to vector<16xi32>
      %and3A_412 = arith.andi %get3A_409, %and3A_411 : vector<16xi32>
      %swap3A_413 = arith.constant 64 : index
      %swap3A_414 = tpu.vector_load %arg7[%swap3A_413] {strides = array<i32>} : memref<80xi32, #tpu.memory_space<vmem>>, vector<16xi32>,
      %swap3A_415 = vector.shape_cast %swap3A_414 : vector<16xi32> to vector<16xi32>
      %swap3A_416 = vector.shape_cast %and3A_412 : vector<16xi32> to vector<16xi32>
      tpu.vector_store %arg7[%swap3A_413], %swap3A_416 {strides = array<i32>} : memref<80xi32, #tpu.memory_space<vmem>>, vector<16xi32>,
      %shift_right_arithmetic3A_417 = arith.constant 14 : i32
      %shift_right_arithmetic3A_418 = vector.broadcast %shift_right_arithmetic3A_417 : i32 to vector<16xi32>
      %shift_right_arithmetic3A_419 = arith.shrsi %get3A_409, %shift_right_arithmetic3A_418 : vector<16xi32>
      %swap3A_420 = arith.constant 64 : index
      %swap3A_421 = tpu.vector_load %arg8[%swap3A_420] {strides = array<i32>} : memref<80xi32, #tpu.memory_space<vmem>>, vector<16xi32>,
      %swap3A_422 = vector.shape_cast %swap3A_421 : vector<16xi32> to vector<16xi32>
      %swap3A_423 = vector.shape_cast %shift_right_arithmetic3A_419 : vector<16xi32> to vector<16xi32>
      tpu.vector_store %arg8[%swap3A_420], %swap3A_423 {strides = array<i32>} : memref<80xi32, #tpu.memory_space<vmem>>, vector<16xi32>,
      %dma_start3A_424 = arith.constant 0 : i32
      %dma_start3A_425 = arith.constant 0 : i32
      %dma_start3A_426 = tpu.memref_slice %arg2[%dma_start3A_424, %dma_start3A_425] : memref<10000x128xf32, #tpu.memory_space<hbm>> -> memref<10000x128xf32, #tpu.memory_space<hbm>>
      tpu.enqueue_indirect_dma source(%dma_start3A_426 : memref<10000x128xf32, #tpu.memory_space<hbm>>) target(%arg11 : memref<80x128xf32, #tpu.memory_space<vmem>>) offsets(%arg7 : memref<80xi32, #tpu.memory_space<vmem>>) semaphore(%arg14 : memref<!tpu.dma_semaphore, #tpu.memory_space<semaphore_mem>>)
      %dma_wait3A_427 = arith.constant 0 : i32
      %dma_wait3A_428 = arith.constant 0 : i32
      %dma_wait3A_429 = tpu.memref_slice %arg2[%dma_wait3A_427, %dma_wait3A_428] : memref<10000x128xf32, #tpu.memory_space<hbm>> -> memref<10000x128xf32, #tpu.memory_space<hbm>>
      tpu.wait_indirect_dma semaphore(%arg15 : memref<!tpu.dma_semaphore, #tpu.memory_space<semaphore_mem>>) src(%dma_wait3A_429 : memref<10000x128xf32, #tpu.memory_space<hbm>>) dst(%arg12 : memref<80x128xf32, #tpu.memory_space<vmem>>)
      "tpu.region"() ({
        %run_scoped3A = tpu.sem_alloc : memref<!tpu.dma_semaphore, #tpu.memory_space<semaphore_mem>>
        %dma_start3A_430 = arith.constant 0 : i32
        %dma_start3A_431 = arith.constant 0 : i32
        %dma_start3A_432 = tpu.memref_slice %arg13[%dma_start3A_430, %dma_start3A_431] : memref<10240x128xf32, #tpu.memory_space<vmem_shared>> -> memref<10240x128xf32, #tpu.memory_space<vmem_shared>>
        tpu.enqueue_indirect_dma source(%arg12 : memref<80x128xf32, #tpu.memory_space<vmem>>) target(%dma_start3A_432 : memref<10240x128xf32, #tpu.memory_space<vmem_shared>>) offsets(%arg10 : memref<80xi32, #tpu.memory_space<vmem>>) semaphore(%run_scoped3A : memref<!tpu.dma_semaphore, #tpu.memory_space<semaphore_mem>>) {add = true}
        %dma_wait3A_433 = arith.constant 0 : i32
        %dma_wait3A_434 = arith.constant 0 : i32
        %dma_wait3A_435 = tpu.memref_slice %arg13[%dma_wait3A_433, %dma_wait3A_434] : memref<10240x128xf32, #tpu.memory_space<vmem_shared>> -> memref<10240x128xf32, #tpu.memory_space<vmem_shared>>
        tpu.wait_indirect_dma semaphore(%run_scoped3A : memref<!tpu.dma_semaphore, #tpu.memory_space<semaphore_mem>>) src(%arg12 : memref<80x128xf32, #tpu.memory_space<vmem>>) dst(%dma_wait3A_435 : memref<10240x128xf32, #tpu.memory_space<vmem_shared>>)
        tpu.yield
      }) : () -> ()
    }
    %scan3A_130 = arith.constant 62 : i32
    %dma_wait3A = arith.constant 0 : i32
    %dma_wait3A_131 = arith.constant 0 : i32
    %dma_wait3A_132 = tpu.memref_slice %arg2[%dma_wait3A, %dma_wait3A_131] : memref<10000x128xf32, #tpu.memory_space<hbm>> -> memref<10000x128xf32, #tpu.memory_space<hbm>>
    tpu.wait_indirect_dma semaphore(%arg14 : memref<!tpu.dma_semaphore, #tpu.memory_space<semaphore_mem>>) src(%dma_wait3A_132 : memref<10000x128xf32, #tpu.memory_space<hbm>>) dst(%arg11 : memref<80x128xf32, #tpu.memory_space<vmem>>)
    "tpu.region"() ({
      %run_scoped3A = tpu.sem_alloc : memref<!tpu.dma_semaphore, #tpu.memory_space<semaphore_mem>>
      %dma_start3A_229 = arith.constant 0 : i32
      %dma_start3A_230 = arith.constant 0 : i32
      %dma_start3A_231 = tpu.memref_slice %arg13[%dma_start3A_229, %dma_start3A_230] : memref<10240x128xf32, #tpu.memory_space<vmem_shared>> -> memref<10240x128xf32, #tpu.memory_space<vmem_shared>>
      tpu.enqueue_indirect_dma source(%arg11 : memref<80x128xf32, #tpu.memory_space<vmem>>) target(%dma_start3A_231 : memref<10240x128xf32, #tpu.memory_space<vmem_shared>>) offsets(%arg8 : memref<80xi32, #tpu.memory_space<vmem>>) semaphore(%run_scoped3A : memref<!tpu.dma_semaphore, #tpu.memory_space<semaphore_mem>>) {add = true}
      %dma_wait3A_232 = arith.constant 0 : i32
      %dma_wait3A_233 = arith.constant 0 : i32
      %dma_wait3A_234 = tpu.memref_slice %arg13[%dma_wait3A_232, %dma_wait3A_233] : memref<10240x128xf32, #tpu.memory_space<vmem_shared>> -> memref<10240x128xf32, #tpu.memory_space<vmem_shared>>
      tpu.wait_indirect_dma semaphore(%run_scoped3A : memref<!tpu.dma_semaphore, #tpu.memory_space<semaphore_mem>>) src(%arg11 : memref<80x128xf32, #tpu.memory_space<vmem>>) dst(%dma_wait3A_234 : memref<10240x128xf32, #tpu.memory_space<vmem_shared>>)
      tpu.yield
    }) : () -> ()
    %barrier3A_133 = arith.constant 0 : index
    tpu.barrier barrier_id(%barrier3A_133)
    %mul3A_134 = arith.constant 640 : i32
    %mul3A_135 = arith.muli %arg1, %mul3A_134 : i32
    %add3A_136 = arith.constant 0 : i32
    %add3A_137 = arith.addi %mul3A_135, %add3A_136 : i32
    "tpu.region"() ({
      %run_scoped3A = tpu.sem_alloc : memref<!tpu.dma_semaphore, #tpu.memory_space<semaphore_mem>>
      %dma_start3A_229 = arith.constant 0 : i32
      %dma_start3A_230 = tpu.memref_slice %arg13[%add3A_137, %dma_start3A_229] : memref<10240x128xf32, #tpu.memory_space<vmem_shared>> -> memref<80x128xf32, #tpu.memory_space<vmem_shared>>
      %dma_start3A_231 = arith.constant 0 : i32
      %dma_start3A_232 = tpu.memref_slice %arg13[%add3A_137, %dma_start3A_231] : memref<10240x128xf32, #tpu.memory_space<vmem_shared>> -> memref<80x128xf32, #tpu.memory_space<vmem_shared>>
      tpu.enqueue_dma source(%dma_start3A_232 : memref<80x128xf32, #tpu.memory_space<vmem_shared>>) target(%arg11 : memref<80x128xf32, #tpu.memory_space<vmem>>) target_semaphore(%run_scoped3A : memref<!tpu.dma_semaphore, #tpu.memory_space<semaphore_mem>>)
      %dma_wait3A_233 = arith.constant 0 : i32
      %dma_wait3A_234 = tpu.memref_slice %arg13[%add3A_137, %dma_wait3A_233] : memref<10240x128xf32, #tpu.memory_space<vmem_shared>> -> memref<80x128xf32, #tpu.memory_space<vmem_shared>>
      %dma_wait3A_235 = arith.constant 0 : i32
      %dma_wait3A_236 = tpu.memref_slice %arg13[%add3A_137, %dma_wait3A_235] : memref<10240x128xf32, #tpu.memory_space<vmem_shared>> -> memref<80x128xf32, #tpu.memory_space<vmem_shared>>
      tpu.wait_dma2 semaphore(%run_scoped3A : memref<!tpu.dma_semaphore, #tpu.memory_space<semaphore_mem>>) src(%dma_wait3A_236 : memref<80x128xf32, #tpu.memory_space<vmem_shared>>) dst(%arg11 : memref<80x128xf32, #tpu.memory_space<vmem>>)
      tpu.yield
    }) : () -> ()
    %mul3A_138 = arith.constant 10240 : i32
    %mul3A_139 = arith.muli %arg0, %mul3A_138 : i32
    %mul3A_140 = arith.constant 640 : i32
    %mul3A_141 = arith.muli %arg1, %mul3A_140 : i32
    %add3A_142 = arith.addi %mul3A_139, %mul3A_141 : i32
    %add3A_143 = arith.constant 0 : i32
    %add3A_144 = arith.addi %add3A_142, %add3A_143 : i32
    %multiple_of3A = tpu.assume_multiple %add3A_144, 8 : i32
    "tpu.region"() ({
      %run_scoped3A = tpu.sem_alloc : memref<!tpu.dma_semaphore, #tpu.memory_space<semaphore_mem>>
      %dma_start3A_229 = arith.constant 0 : i32
      %dma_start3A_230 = tpu.memref_slice %arg5[%multiple_of3A, %dma_start3A_229] : memref<20480x128xf32, #tpu.memory_space<hbm>> -> memref<80x128xf32, #tpu.memory_space<hbm>>
      %dma_start3A_231 = arith.constant 0 : i32
      %dma_start3A_232 = tpu.memref_slice %arg5[%multiple_of3A, %dma_start3A_231] : memref<20480x128xf32, #tpu.memory_space<hbm>> -> memref<80x128xf32, #tpu.memory_space<hbm>>
      tpu.enqueue_dma source(%arg11 : memref<80x128xf32, #tpu.memory_space<vmem>>) target(%dma_start3A_232 : memref<80x128xf32, #tpu.memory_space<hbm>>) target_semaphore(%run_scoped3A : memref<!tpu.dma_semaphore, #tpu.memory_space<semaphore_mem>>)
      %dma_wait3A_233 = arith.constant 0 : i32
      %dma_wait3A_234 = tpu.memref_slice %arg5[%multiple_of3A, %dma_wait3A_233] : memref<20480x128xf32, #tpu.memory_space<hbm>> -> memref<80x128xf32, #tpu.memory_space<hbm>>
      %dma_wait3A_235 = arith.constant 0 : i32
      %dma_wait3A_236 = tpu.memref_slice %arg5[%multiple_of3A, %dma_wait3A_235] : memref<20480x128xf32, #tpu.memory_space<hbm>> -> memref<80x128xf32, #tpu.memory_space<hbm>>
      tpu.wait_dma2 semaphore(%run_scoped3A : memref<!tpu.dma_semaphore, #tpu.memory_space<semaphore_mem>>) src(%arg11 : memref<80x128xf32, #tpu.memory_space<vmem>>) dst(%dma_wait3A_236 : memref<80x128xf32, #tpu.memory_space<hbm>>)
      tpu.yield
    }) : () -> ()
    %mul3A_145 = arith.constant 640 : i32
    %mul3A_146 = arith.muli %arg1, %mul3A_145 : i32
    %add3A_147 = arith.constant 80 : i32
    %add3A_148 = arith.addi %mul3A_146, %add3A_147 : i32
    "tpu.region"() ({
      %run_scoped3A = tpu.sem_alloc : memref<!tpu.dma_semaphore, #tpu.memory_space<semaphore_mem>>
      %dma_start3A_229 = arith.constant 0 : i32
      %dma_start3A_230 = tpu.memref_slice %arg13[%add3A_148, %dma_start3A_229] : memref<10240x128xf32, #tpu.memory_space<vmem_shared>> -> memref<80x128xf32, #tpu.memory_space<vmem_shared>>
      %dma_start3A_231 = arith.constant 0 : i32
      %dma_start3A_232 = tpu.memref_slice %arg13[%add3A_148, %dma_start3A_231] : memref<10240x128xf32, #tpu.memory_space<vmem_shared>> -> memref<80x128xf32, #tpu.memory_space<vmem_shared>>
      tpu.enqueue_dma source(%dma_start3A_232 : memref<80x128xf32, #tpu.memory_space<vmem_shared>>) target(%arg11 : memref<80x128xf32, #tpu.memory_space<vmem>>) target_semaphore(%run_scoped3A : memref<!tpu.dma_semaphore, #tpu.memory_space<semaphore_mem>>)
      %dma_wait3A_233 = arith.constant 0 : i32
      %dma_wait3A_234 = tpu.memref_slice %arg13[%add3A_148, %dma_wait3A_233] : memref<10240x128xf32, #tpu.memory_space<vmem_shared>> -> memref<80x128xf32, #tpu.memory_space<vmem_shared>>
      %dma_wait3A_235 = arith.constant 0 : i32
      %dma_wait3A_236 = tpu.memref_slice %arg13[%add3A_148, %dma_wait3A_235] : memref<10240x128xf32, #tpu.memory_space<vmem_shared>> -> memref<80x128xf32, #tpu.memory_space<vmem_shared>>
      tpu.wait_dma2 semaphore(%run_scoped3A : memref<!tpu.dma_semaphore, #tpu.memory_space<semaphore_mem>>) src(%dma_wait3A_236 : memref<80x128xf32, #tpu.memory_space<vmem_shared>>) dst(%arg11 : memref<80x128xf32, #tpu.memory_space<vmem>>)
      tpu.yield
    }) : () -> ()
    %mul3A_149 = arith.constant 10240 : i32
    %mul3A_150 = arith.muli %arg0, %mul3A_149 : i32
    %mul3A_151 = arith.constant 640 : i32
    %mul3A_152 = arith.muli %arg1, %mul3A_151 : i32
    %add3A_153 = arith.addi %mul3A_150, %mul3A_152 : i32
    %add3A_154 = arith.constant 80 : i32
    %add3A_155 = arith.addi %add3A_153, %add3A_154 : i32
    %multiple_of3A_156 = tpu.assume_multiple %add3A_155, 8 : i32
    "tpu.region"() ({
      %run_scoped3A = tpu.sem_alloc : memref<!tpu.dma_semaphore, #tpu.memory_space<semaphore_mem>>
      %dma_start3A_229 = arith.constant 0 : i32
      %dma_start3A_230 = tpu.memref_slice %arg5[%multiple_of3A_156, %dma_start3A_229] : memref<20480x128xf32, #tpu.memory_space<hbm>> -> memref<80x128xf32, #tpu.memory_space<hbm>>
      %dma_start3A_231 = arith.constant 0 : i32
      %dma_start3A_232 = tpu.memref_slice %arg5[%multiple_of3A_156, %dma_start3A_231] : memref<20480x128xf32, #tpu.memory_space<hbm>> -> memref<80x128xf32, #tpu.memory_space<hbm>>
      tpu.enqueue_dma source(%arg11 : memref<80x128xf32, #tpu.memory_space<vmem>>) target(%dma_start3A_232 : memref<80x128xf32, #tpu.memory_space<hbm>>) target_semaphore(%run_scoped3A : memref<!tpu.dma_semaphore, #tpu.memory_space<semaphore_mem>>)
      %dma_wait3A_233 = arith.constant 0 : i32
      %dma_wait3A_234 = tpu.memref_slice %arg5[%multiple_of3A_156, %dma_wait3A_233] : memref<20480x128xf32, #tpu.memory_space<hbm>> -> memref<80x128xf32, #tpu.memory_space<hbm>>
      %dma_wait3A_235 = arith.constant 0 : i32
      %dma_wait3A_236 = tpu.memref_slice %arg5[%multiple_of3A_156, %dma_wait3A_235] : memref<20480x128xf32, #tpu.memory_space<hbm>> -> memref<80x128xf32, #tpu.memory_space<hbm>>
      tpu.wait_dma2 semaphore(%run_scoped3A : memref<!tpu.dma_semaphore, #tpu.memory_space<semaphore_mem>>) src(%arg11 : memref<80x128xf32, #tpu.memory_space<vmem>>) dst(%dma_wait3A_236 : memref<80x128xf32, #tpu.memory_space<hbm>>)
      tpu.yield
    }) : () -> ()
    %mul3A_157 = arith.constant 640 : i32
    %mul3A_158 = arith.muli %arg1, %mul3A_157 : i32
    %add3A_159 = arith.constant 160 : i32
    %add3A_160 = arith.addi %mul3A_158, %add3A_159 : i32
    "tpu.region"() ({
      %run_scoped3A = tpu.sem_alloc : memref<!tpu.dma_semaphore, #tpu.memory_space<semaphore_mem>>
      %dma_start3A_229 = arith.constant 0 : i32
      %dma_start3A_230 = tpu.memref_slice %arg13[%add3A_160, %dma_start3A_229] : memref<10240x128xf32, #tpu.memory_space<vmem_shared>> -> memref<80x128xf32, #tpu.memory_space<vmem_shared>>
      %dma_start3A_231 = arith.constant 0 : i32
      %dma_start3A_232 = tpu.memref_slice %arg13[%add3A_160, %dma_start3A_231] : memref<10240x128xf32, #tpu.memory_space<vmem_shared>> -> memref<80x128xf32, #tpu.memory_space<vmem_shared>>
      tpu.enqueue_dma source(%dma_start3A_232 : memref<80x128xf32, #tpu.memory_space<vmem_shared>>) target(%arg11 : memref<80x128xf32, #tpu.memory_space<vmem>>) target_semaphore(%run_scoped3A : memref<!tpu.dma_semaphore, #tpu.memory_space<semaphore_mem>>)
      %dma_wait3A_233 = arith.constant 0 : i32
      %dma_wait3A_234 = tpu.memref_slice %arg13[%add3A_160, %dma_wait3A_233] : memref<10240x128xf32, #tpu.memory_space<vmem_shared>> -> memref<80x128xf32, #tpu.memory_space<vmem_shared>>
      %dma_wait3A_235 = arith.constant 0 : i32
      %dma_wait3A_236 = tpu.memref_slice %arg13[%add3A_160, %dma_wait3A_235] : memref<10240x128xf32, #tpu.memory_space<vmem_shared>> -> memref<80x128xf32, #tpu.memory_space<vmem_shared>>
      tpu.wait_dma2 semaphore(%run_scoped3A : memref<!tpu.dma_semaphore, #tpu.memory_space<semaphore_mem>>) src(%dma_wait3A_236 : memref<80x128xf32, #tpu.memory_space<vmem_shared>>) dst(%arg11 : memref<80x128xf32, #tpu.memory_space<vmem>>)
      tpu.yield
    }) : () -> ()
    %mul3A_161 = arith.constant 10240 : i32
    %mul3A_162 = arith.muli %arg0, %mul3A_161 : i32
    %mul3A_163 = arith.constant 640 : i32
    %mul3A_164 = arith.muli %arg1, %mul3A_163 : i32
    %add3A_165 = arith.addi %mul3A_162, %mul3A_164 : i32
    %add3A_166 = arith.constant 160 : i32
    %add3A_167 = arith.addi %add3A_165, %add3A_166 : i32
    %multiple_of3A_168 = tpu.assume_multiple %add3A_167, 8 : i32
    "tpu.region"() ({
      %run_scoped3A = tpu.sem_alloc : memref<!tpu.dma_semaphore, #tpu.memory_space<semaphore_mem>>
      %dma_start3A_229 = arith.constant 0 : i32
      %dma_start3A_230 = tpu.memref_slice %arg5[%multiple_of3A_168, %dma_start3A_229] : memref<20480x128xf32, #tpu.memory_space<hbm>> -> memref<80x128xf32, #tpu.memory_space<hbm>>
      %dma_start3A_231 = arith.constant 0 : i32
      %dma_start3A_232 = tpu.memref_slice %arg5[%multiple_of3A_168, %dma_start3A_231] : memref<20480x128xf32, #tpu.memory_space<hbm>> -> memref<80x128xf32, #tpu.memory_space<hbm>>
      tpu.enqueue_dma source(%arg11 : memref<80x128xf32, #tpu.memory_space<vmem>>) target(%dma_start3A_232 : memref<80x128xf32, #tpu.memory_space<hbm>>) target_semaphore(%run_scoped3A : memref<!tpu.dma_semaphore, #tpu.memory_space<semaphore_mem>>)
      %dma_wait3A_233 = arith.constant 0 : i32
      %dma_wait3A_234 = tpu.memref_slice %arg5[%multiple_of3A_168, %dma_wait3A_233] : memref<20480x128xf32, #tpu.memory_space<hbm>> -> memref<80x128xf32, #tpu.memory_space<hbm>>
      %dma_wait3A_235 = arith.constant 0 : i32
      %dma_wait3A_236 = tpu.memref_slice %arg5[%multiple_of3A_168, %dma_wait3A_235] : memref<20480x128xf32, #tpu.memory_space<hbm>> -> memref<80x128xf32, #tpu.memory_space<hbm>>
      tpu.wait_dma2 semaphore(%run_scoped3A : memref<!tpu.dma_semaphore, #tpu.memory_space<semaphore_mem>>) src(%arg11 : memref<80x128xf32, #tpu.memory_space<vmem>>) dst(%dma_wait3A_236 : memref<80x128xf32, #tpu.memory_space<hbm>>)
      tpu.yield
    }) : () -> ()
    %mul3A_169 = arith.constant 640 : i32
    %mul3A_170 = arith.muli %arg1, %mul3A_169 : i32
    %add3A_171 = arith.constant 240 : i32
    %add3A_172 = arith.addi %mul3A_170, %add3A_171 : i32
    "tpu.region"() ({
      %run_scoped3A = tpu.sem_alloc : memref<!tpu.dma_semaphore, #tpu.memory_space<semaphore_mem>>
      %dma_start3A_229 = arith.constant 0 : i32
      %dma_start3A_230 = tpu.memref_slice %arg13[%add3A_172, %dma_start3A_229] : memref<10240x128xf32, #tpu.memory_space<vmem_shared>> -> memref<80x128xf32, #tpu.memory_space<vmem_shared>>
      %dma_start3A_231 = arith.constant 0 : i32
      %dma_start3A_232 = tpu.memref_slice %arg13[%add3A_172, %dma_start3A_231] : memref<10240x128xf32, #tpu.memory_space<vmem_shared>> -> memref<80x128xf32, #tpu.memory_space<vmem_shared>>
      tpu.enqueue_dma source(%dma_start3A_232 : memref<80x128xf32, #tpu.memory_space<vmem_shared>>) target(%arg11 : memref<80x128xf32, #tpu.memory_space<vmem>>) target_semaphore(%run_scoped3A : memref<!tpu.dma_semaphore, #tpu.memory_space<semaphore_mem>>)
      %dma_wait3A_233 = arith.constant 0 : i32
      %dma_wait3A_234 = tpu.memref_slice %arg13[%add3A_172, %dma_wait3A_233] : memref<10240x128xf32, #tpu.memory_space<vmem_shared>> -> memref<80x128xf32, #tpu.memory_space<vmem_shared>>
      %dma_wait3A_235 = arith.constant 0 : i32
      %dma_wait3A_236 = tpu.memref_slice %arg13[%add3A_172, %dma_wait3A_235] : memref<10240x128xf32, #tpu.memory_space<vmem_shared>> -> memref<80x128xf32, #tpu.memory_space<vmem_shared>>
      tpu.wait_dma2 semaphore(%run_scoped3A : memref<!tpu.dma_semaphore, #tpu.memory_space<semaphore_mem>>) src(%dma_wait3A_236 : memref<80x128xf32, #tpu.memory_space<vmem_shared>>) dst(%arg11 : memref<80x128xf32, #tpu.memory_space<vmem>>)
      tpu.yield
    }) : () -> ()
    %mul3A_173 = arith.constant 10240 : i32
    %mul3A_174 = arith.muli %arg0, %mul3A_173 : i32
    %mul3A_175 = arith.constant 640 : i32
    %mul3A_176 = arith.muli %arg1, %mul3A_175 : i32
    %add3A_177 = arith.addi %mul3A_174, %mul3A_176 : i32
    %add3A_178 = arith.constant 240 : i32
    %add3A_179 = arith.addi %add3A_177, %add3A_178 : i32
    %multiple_of3A_180 = tpu.assume_multiple %add3A_179, 8 : i32
    "tpu.region"() ({
      %run_scoped3A = tpu.sem_alloc : memref<!tpu.dma_semaphore, #tpu.memory_space<semaphore_mem>>
      %dma_start3A_229 = arith.constant 0 : i32
      %dma_start3A_230 = tpu.memref_slice %arg5[%multiple_of3A_180, %dma_start3A_229] : memref<20480x128xf32, #tpu.memory_space<hbm>> -> memref<80x128xf32, #tpu.memory_space<hbm>>
      %dma_start3A_231 = arith.constant 0 : i32
      %dma_start3A_232 = tpu.memref_slice %arg5[%multiple_of3A_180, %dma_start3A_231] : memref<20480x128xf32, #tpu.memory_space<hbm>> -> memref<80x128xf32, #tpu.memory_space<hbm>>
      tpu.enqueue_dma source(%arg11 : memref<80x128xf32, #tpu.memory_space<vmem>>) target(%dma_start3A_232 : memref<80x128xf32, #tpu.memory_space<hbm>>) target_semaphore(%run_scoped3A : memref<!tpu.dma_semaphore, #tpu.memory_space<semaphore_mem>>)
      %dma_wait3A_233 = arith.constant 0 : i32
      %dma_wait3A_234 = tpu.memref_slice %arg5[%multiple_of3A_180, %dma_wait3A_233] : memref<20480x128xf32, #tpu.memory_space<hbm>> -> memref<80x128xf32, #tpu.memory_space<hbm>>
      %dma_wait3A_235 = arith.constant 0 : i32
      %dma_wait3A_236 = tpu.memref_slice %arg5[%multiple_of3A_180, %dma_wait3A_235] : memref<20480x128xf32, #tpu.memory_space<hbm>> -> memref<80x128xf32, #tpu.memory_space<hbm>>
      tpu.wait_dma2 semaphore(%run_scoped3A : memref<!tpu.dma_semaphore, #tpu.memory_space<semaphore_mem>>) src(%arg11 : memref<80x128xf32, #tpu.memory_space<vmem>>) dst(%dma_wait3A_236 : memref<80x128xf32, #tpu.memory_space<hbm>>)
      tpu.yield
    }) : () -> ()
    %mul3A_181 = arith.constant 640 : i32
    %mul3A_182 = arith.muli %arg1, %mul3A_181 : i32
    %add3A_183 = arith.constant 320 : i32
    %add3A_184 = arith.addi %mul3A_182, %add3A_183 : i32
    "tpu.region"() ({
      %run_scoped3A = tpu.sem_alloc : memref<!tpu.dma_semaphore, #tpu.memory_space<semaphore_mem>>
      %dma_start3A_229 = arith.constant 0 : i32
      %dma_start3A_230 = tpu.memref_slice %arg13[%add3A_184, %dma_start3A_229] : memref<10240x128xf32, #tpu.memory_space<vmem_shared>> -> memref<80x128xf32, #tpu.memory_space<vmem_shared>>
      %dma_start3A_231 = arith.constant 0 : i32
      %dma_start3A_232 = tpu.memref_slice %arg13[%add3A_184, %dma_start3A_231] : memref<10240x128xf32, #tpu.memory_space<vmem_shared>> -> memref<80x128xf32, #tpu.memory_space<vmem_shared>>
      tpu.enqueue_dma source(%dma_start3A_232 : memref<80x128xf32, #tpu.memory_space<vmem_shared>>) target(%arg11 : memref<80x128xf32, #tpu.memory_space<vmem>>) target_semaphore(%run_scoped3A : memref<!tpu.dma_semaphore, #tpu.memory_space<semaphore_mem>>)
      %dma_wait3A_233 = arith.constant 0 : i32
      %dma_wait3A_234 = tpu.memref_slice %arg13[%add3A_184, %dma_wait3A_233] : memref<10240x128xf32, #tpu.memory_space<vmem_shared>> -> memref<80x128xf32, #tpu.memory_space<vmem_shared>>
      %dma_wait3A_235 = arith.constant 0 : i32
      %dma_wait3A_236 = tpu.memref_slice %arg13[%add3A_184, %dma_wait3A_235] : memref<10240x128xf32, #tpu.memory_space<vmem_shared>> -> memref<80x128xf32, #tpu.memory_space<vmem_shared>>
      tpu.wait_dma2 semaphore(%run_scoped3A : memref<!tpu.dma_semaphore, #tpu.memory_space<semaphore_mem>>) src(%dma_wait3A_236 : memref<80x128xf32, #tpu.memory_space<vmem_shared>>) dst(%arg11 : memref<80x128xf32, #tpu.memory_space<vmem>>)
      tpu.yield
    }) : () -> ()
    %mul3A_185 = arith.constant 10240 : i32
    %mul3A_186 = arith.muli %arg0, %mul3A_185 : i32
    %mul3A_187 = arith.constant 640 : i32
    %mul3A_188 = arith.muli %arg1, %mul3A_187 : i32
    %add3A_189 = arith.addi %mul3A_186, %mul3A_188 : i32
    %add3A_190 = arith.constant 320 : i32
    %add3A_191 = arith.addi %add3A_189, %add3A_190 : i32
    %multiple_of3A_192 = tpu.assume_multiple %add3A_191, 8 : i32
    "tpu.region"() ({
      %run_scoped3A = tpu.sem_alloc : memref<!tpu.dma_semaphore, #tpu.memory_space<semaphore_mem>>
      %dma_start3A_229 = arith.constant 0 : i32
      %dma_start3A_230 = tpu.memref_slice %arg5[%multiple_of3A_192, %dma_start3A_229] : memref<20480x128xf32, #tpu.memory_space<hbm>> -> memref<80x128xf32, #tpu.memory_space<hbm>>
      %dma_start3A_231 = arith.constant 0 : i32
      %dma_start3A_232 = tpu.memref_slice %arg5[%multiple_of3A_192, %dma_start3A_231] : memref<20480x128xf32, #tpu.memory_space<hbm>> -> memref<80x128xf32, #tpu.memory_space<hbm>>
      tpu.enqueue_dma source(%arg11 : memref<80x128xf32, #tpu.memory_space<vmem>>) target(%dma_start3A_232 : memref<80x128xf32, #tpu.memory_space<hbm>>) target_semaphore(%run_scoped3A : memref<!tpu.dma_semaphore, #tpu.memory_space<semaphore_mem>>)
      %dma_wait3A_233 = arith.constant 0 : i32
      %dma_wait3A_234 = tpu.memref_slice %arg5[%multiple_of3A_192, %dma_wait3A_233] : memref<20480x128xf32, #tpu.memory_space<hbm>> -> memref<80x128xf32, #tpu.memory_space<hbm>>
      %dma_wait3A_235 = arith.constant 0 : i32
      %dma_wait3A_236 = tpu.memref_slice %arg5[%multiple_of3A_192, %dma_wait3A_235] : memref<20480x128xf32, #tpu.memory_space<hbm>> -> memref<80x128xf32, #tpu.memory_space<hbm>>
      tpu.wait_dma2 semaphore(%run_scoped3A : memref<!tpu.dma_semaphore, #tpu.memory_space<semaphore_mem>>) src(%arg11 : memref<80x128xf32, #tpu.memory_space<vmem>>) dst(%dma_wait3A_236 : memref<80x128xf32, #tpu.memory_space<hbm>>)
      tpu.yield
    }) : () -> ()
    %mul3A_193 = arith.constant 640 : i32
    %mul3A_194 = arith.muli %arg1, %mul3A_193 : i32
    %add3A_195 = arith.constant 400 : i32
    %add3A_196 = arith.addi %mul3A_194, %add3A_195 : i32
    "tpu.region"() ({
      %run_scoped3A = tpu.sem_alloc : memref<!tpu.dma_semaphore, #tpu.memory_space<semaphore_mem>>
      %dma_start3A_229 = arith.constant 0 : i32
      %dma_start3A_230 = tpu.memref_slice %arg13[%add3A_196, %dma_start3A_229] : memref<10240x128xf32, #tpu.memory_space<vmem_shared>> -> memref<80x128xf32, #tpu.memory_space<vmem_shared>>
      %dma_start3A_231 = arith.constant 0 : i32
      %dma_start3A_232 = tpu.memref_slice %arg13[%add3A_196, %dma_start3A_231] : memref<10240x128xf32, #tpu.memory_space<vmem_shared>> -> memref<80x128xf32, #tpu.memory_space<vmem_shared>>
      tpu.enqueue_dma source(%dma_start3A_232 : memref<80x128xf32, #tpu.memory_space<vmem_shared>>) target(%arg11 : memref<80x128xf32, #tpu.memory_space<vmem>>) target_semaphore(%run_scoped3A : memref<!tpu.dma_semaphore, #tpu.memory_space<semaphore_mem>>)
      %dma_wait3A_233 = arith.constant 0 : i32
      %dma_wait3A_234 = tpu.memref_slice %arg13[%add3A_196, %dma_wait3A_233] : memref<10240x128xf32, #tpu.memory_space<vmem_shared>> -> memref<80x128xf32, #tpu.memory_space<vmem_shared>>
      %dma_wait3A_235 = arith.constant 0 : i32
      %dma_wait3A_236 = tpu.memref_slice %arg13[%add3A_196, %dma_wait3A_235] : memref<10240x128xf32, #tpu.memory_space<vmem_shared>> -> memref<80x128xf32, #tpu.memory_space<vmem_shared>>
      tpu.wait_dma2 semaphore(%run_scoped3A : memref<!tpu.dma_semaphore, #tpu.memory_space<semaphore_mem>>) src(%dma_wait3A_236 : memref<80x128xf32, #tpu.memory_space<vmem_shared>>) dst(%arg11 : memref<80x128xf32, #tpu.memory_space<vmem>>)
      tpu.yield
    }) : () -> ()
    %mul3A_197 = arith.constant 10240 : i32
    %mul3A_198 = arith.muli %arg0, %mul3A_197 : i32
    %mul3A_199 = arith.constant 640 : i32
    %mul3A_200 = arith.muli %arg1, %mul3A_199 : i32
    %add3A_201 = arith.addi %mul3A_198, %mul3A_200 : i32
    %add3A_202 = arith.constant 400 : i32
    %add3A_203 = arith.addi %add3A_201, %add3A_202 : i32
    %multiple_of3A_204 = tpu.assume_multiple %add3A_203, 8 : i32
    "tpu.region"() ({
      %run_scoped3A = tpu.sem_alloc : memref<!tpu.dma_semaphore, #tpu.memory_space<semaphore_mem>>
      %dma_start3A_229 = arith.constant 0 : i32
      %dma_start3A_230 = tpu.memref_slice %arg5[%multiple_of3A_204, %dma_start3A_229] : memref<20480x128xf32, #tpu.memory_space<hbm>> -> memref<80x128xf32, #tpu.memory_space<hbm>>
      %dma_start3A_231 = arith.constant 0 : i32
      %dma_start3A_232 = tpu.memref_slice %arg5[%multiple_of3A_204, %dma_start3A_231] : memref<20480x128xf32, #tpu.memory_space<hbm>> -> memref<80x128xf32, #tpu.memory_space<hbm>>
      tpu.enqueue_dma source(%arg11 : memref<80x128xf32, #tpu.memory_space<vmem>>) target(%dma_start3A_232 : memref<80x128xf32, #tpu.memory_space<hbm>>) target_semaphore(%run_scoped3A : memref<!tpu.dma_semaphore, #tpu.memory_space<semaphore_mem>>)
      %dma_wait3A_233 = arith.constant 0 : i32
      %dma_wait3A_234 = tpu.memref_slice %arg5[%multiple_of3A_204, %dma_wait3A_233] : memref<20480x128xf32, #tpu.memory_space<hbm>> -> memref<80x128xf32, #tpu.memory_space<hbm>>
      %dma_wait3A_235 = arith.constant 0 : i32
      %dma_wait3A_236 = tpu.memref_slice %arg5[%multiple_of3A_204, %dma_wait3A_235] : memref<20480x128xf32, #tpu.memory_space<hbm>> -> memref<80x128xf32, #tpu.memory_space<hbm>>
      tpu.wait_dma2 semaphore(%run_scoped3A : memref<!tpu.dma_semaphore, #tpu.memory_space<semaphore_mem>>) src(%arg11 : memref<80x128xf32, #tpu.memory_space<vmem>>) dst(%dma_wait3A_236 : memref<80x128xf32, #tpu.memory_space<hbm>>)
      tpu.yield
    }) : () -> ()
    %mul3A_205 = arith.constant 640 : i32
    %mul3A_206 = arith.muli %arg1, %mul3A_205 : i32
    %add3A_207 = arith.constant 480 : i32
    %add3A_208 = arith.addi %mul3A_206, %add3A_207 : i32
    "tpu.region"() ({
      %run_scoped3A = tpu.sem_alloc : memref<!tpu.dma_semaphore, #tpu.memory_space<semaphore_mem>>
      %dma_start3A_229 = arith.constant 0 : i32
      %dma_start3A_230 = tpu.memref_slice %arg13[%add3A_208, %dma_start3A_229] : memref<10240x128xf32, #tpu.memory_space<vmem_shared>> -> memref<80x128xf32, #tpu.memory_space<vmem_shared>>
      %dma_start3A_231 = arith.constant 0 : i32
      %dma_start3A_232 = tpu.memref_slice %arg13[%add3A_208, %dma_start3A_231] : memref<10240x128xf32, #tpu.memory_space<vmem_shared>> -> memref<80x128xf32, #tpu.memory_space<vmem_shared>>
      tpu.enqueue_dma source(%dma_start3A_232 : memref<80x128xf32, #tpu.memory_space<vmem_shared>>) target(%arg11 : memref<80x128xf32, #tpu.memory_space<vmem>>) target_semaphore(%run_scoped3A : memref<!tpu.dma_semaphore, #tpu.memory_space<semaphore_mem>>)
      %dma_wait3A_233 = arith.constant 0 : i32
      %dma_wait3A_234 = tpu.memref_slice %arg13[%add3A_208, %dma_wait3A_233] : memref<10240x128xf32, #tpu.memory_space<vmem_shared>> -> memref<80x128xf32, #tpu.memory_space<vmem_shared>>
      %dma_wait3A_235 = arith.constant 0 : i32
      %dma_wait3A_236 = tpu.memref_slice %arg13[%add3A_208, %dma_wait3A_235] : memref<10240x128xf32, #tpu.memory_space<vmem_shared>> -> memref<80x128xf32, #tpu.memory_space<vmem_shared>>
      tpu.wait_dma2 semaphore(%run_scoped3A : memref<!tpu.dma_semaphore, #tpu.memory_space<semaphore_mem>>) src(%dma_wait3A_236 : memref<80x128xf32, #tpu.memory_space<vmem_shared>>) dst(%arg11 : memref<80x128xf32, #tpu.memory_space<vmem>>)
      tpu.yield
    }) : () -> ()
    %mul3A_209 = arith.constant 10240 : i32
    %mul3A_210 = arith.muli %arg0, %mul3A_209 : i32
    %mul3A_211 = arith.constant 640 : i32
    %mul3A_212 = arith.muli %arg1, %mul3A_211 : i32
    %add3A_213 = arith.addi %mul3A_210, %mul3A_212 : i32
    %add3A_214 = arith.constant 480 : i32
    %add3A_215 = arith.addi %add3A_213, %add3A_214 : i32
    %multiple_of3A_216 = tpu.assume_multiple %add3A_215, 8 : i32
    "tpu.region"() ({
      %run_scoped3A = tpu.sem_alloc : memref<!tpu.dma_semaphore, #tpu.memory_space<semaphore_mem>>
      %dma_start3A_229 = arith.constant 0 : i32
      %dma_start3A_230 = tpu.memref_slice %arg5[%multiple_of3A_216, %dma_start3A_229] : memref<20480x128xf32, #tpu.memory_space<hbm>> -> memref<80x128xf32, #tpu.memory_space<hbm>>
      %dma_start3A_231 = arith.constant 0 : i32
      %dma_start3A_232 = tpu.memref_slice %arg5[%multiple_of3A_216, %dma_start3A_231] : memref<20480x128xf32, #tpu.memory_space<hbm>> -> memref<80x128xf32, #tpu.memory_space<hbm>>
      tpu.enqueue_dma source(%arg11 : memref<80x128xf32, #tpu.memory_space<vmem>>) target(%dma_start3A_232 : memref<80x128xf32, #tpu.memory_space<hbm>>) target_semaphore(%run_scoped3A : memref<!tpu.dma_semaphore, #tpu.memory_space<semaphore_mem>>)
      %dma_wait3A_233 = arith.constant 0 : i32
      %dma_wait3A_234 = tpu.memref_slice %arg5[%multiple_of3A_216, %dma_wait3A_233] : memref<20480x128xf32, #tpu.memory_space<hbm>> -> memref<80x128xf32, #tpu.memory_space<hbm>>
      %dma_wait3A_235 = arith.constant 0 : i32
      %dma_wait3A_236 = tpu.memref_slice %arg5[%multiple_of3A_216, %dma_wait3A_235] : memref<20480x128xf32, #tpu.memory_space<hbm>> -> memref<80x128xf32, #tpu.memory_space<hbm>>
      tpu.wait_dma2 semaphore(%run_scoped3A : memref<!tpu.dma_semaphore, #tpu.memory_space<semaphore_mem>>) src(%arg11 : memref<80x128xf32, #tpu.memory_space<vmem>>) dst(%dma_wait3A_236 : memref<80x128xf32, #tpu.memory_space<hbm>>)
      tpu.yield
    }) : () -> ()
    %mul3A_217 = arith.constant 640 : i32
    %mul3A_218 = arith.muli %arg1, %mul3A_217 : i32
    %add3A_219 = arith.constant 560 : i32
    %add3A_220 = arith.addi %mul3A_218, %add3A_219 : i32
    "tpu.region"() ({
      %run_scoped3A = tpu.sem_alloc : memref<!tpu.dma_semaphore, #tpu.memory_space<semaphore_mem>>
      %dma_start3A_229 = arith.constant 0 : i32
      %dma_start3A_230 = tpu.memref_slice %arg13[%add3A_220, %dma_start3A_229] : memref<10240x128xf32, #tpu.memory_space<vmem_shared>> -> memref<80x128xf32, #tpu.memory_space<vmem_shared>>
      %dma_start3A_231 = arith.constant 0 : i32
      %dma_start3A_232 = tpu.memref_slice %arg13[%add3A_220, %dma_start3A_231] : memref<10240x128xf32, #tpu.memory_space<vmem_shared>> -> memref<80x128xf32, #tpu.memory_space<vmem_shared>>
      tpu.enqueue_dma source(%dma_start3A_232 : memref<80x128xf32, #tpu.memory_space<vmem_shared>>) target(%arg11 : memref<80x128xf32, #tpu.memory_space<vmem>>) target_semaphore(%run_scoped3A : memref<!tpu.dma_semaphore, #tpu.memory_space<semaphore_mem>>)
      %dma_wait3A_233 = arith.constant 0 : i32
      %dma_wait3A_234 = tpu.memref_slice %arg13[%add3A_220, %dma_wait3A_233] : memref<10240x128xf32, #tpu.memory_space<vmem_shared>> -> memref<80x128xf32, #tpu.memory_space<vmem_shared>>
      %dma_wait3A_235 = arith.constant 0 : i32
      %dma_wait3A_236 = tpu.memref_slice %arg13[%add3A_220, %dma_wait3A_235] : memref<10240x128xf32, #tpu.memory_space<vmem_shared>> -> memref<80x128xf32, #tpu.memory_space<vmem_shared>>
      tpu.wait_dma2 semaphore(%run_scoped3A : memref<!tpu.dma_semaphore, #tpu.memory_space<semaphore_mem>>) src(%dma_wait3A_236 : memref<80x128xf32, #tpu.memory_space<vmem_shared>>) dst(%arg11 : memref<80x128xf32, #tpu.memory_space<vmem>>)
      tpu.yield
    }) : () -> ()
    %mul3A_221 = arith.constant 10240 : i32
    %mul3A_222 = arith.muli %arg0, %mul3A_221 : i32
    %mul3A_223 = arith.constant 640 : i32
    %mul3A_224 = arith.muli %arg1, %mul3A_223 : i32
    %add3A_225 = arith.addi %mul3A_222, %mul3A_224 : i32
    %add3A_226 = arith.constant 560 : i32
    %add3A_227 = arith.addi %add3A_225, %add3A_226 : i32
    %multiple_of3A_228 = tpu.assume_multiple %add3A_227, 8 : i32
    "tpu.region"() ({
      %run_scoped3A = tpu.sem_alloc : memref<!tpu.dma_semaphore, #tpu.memory_space<semaphore_mem>>
      %dma_start3A_229 = arith.constant 0 : i32
      %dma_start3A_230 = tpu.memref_slice %arg5[%multiple_of3A_228, %dma_start3A_229] : memref<20480x128xf32, #tpu.memory_space<hbm>> -> memref<80x128xf32, #tpu.memory_space<hbm>>
      %dma_start3A_231 = arith.constant 0 : i32
      %dma_start3A_232 = tpu.memref_slice %arg5[%multiple_of3A_228, %dma_start3A_231] : memref<20480x128xf32, #tpu.memory_space<hbm>> -> memref<80x128xf32, #tpu.memory_space<hbm>>
      tpu.enqueue_dma source(%arg11 : memref<80x128xf32, #tpu.memory_space<vmem>>) target(%dma_start3A_232 : memref<80x128xf32, #tpu.memory_space<hbm>>) target_semaphore(%run_scoped3A : memref<!tpu.dma_semaphore, #tpu.memory_space<semaphore_mem>>)
      %dma_wait3A_233 = arith.constant 0 : i32
      %dma_wait3A_234 = tpu.memref_slice %arg5[%multiple_of3A_228, %dma_wait3A_233] : memref<20480x128xf32, #tpu.memory_space<hbm>> -> memref<80x128xf32, #tpu.memory_space<hbm>>
      %dma_wait3A_235 = arith.constant 0 : i32
      %dma_wait3A_236 = tpu.memref_slice %arg5[%multiple_of3A_228, %dma_wait3A_235] : memref<20480x128xf32, #tpu.memory_space<hbm>> -> memref<80x128xf32, #tpu.memory_space<hbm>>
      tpu.wait_dma2 semaphore(%run_scoped3A : memref<!tpu.dma_semaphore, #tpu.memory_space<semaphore_mem>>) src(%arg11 : memref<80x128xf32, #tpu.memory_space<vmem>>) dst(%dma_wait3A_236 : memref<80x128xf32, #tpu.memory_space<hbm>>)
      tpu.yield
    }) : () -> ()
    return
  }
}

#map = affine_map<(d0, d1) -> (0, 0, 0)>
#map1 = affine_map<(d0, d1) -> (0)>
module attributes {stable_mosaic.version = 14 : i64} {
  func.func @_deg_count(%arg0: i32, %arg1: i32, %arg2: memref<32x125x80xi32, #tpu.memory_space<hbm>>, %arg3: memref<80xf32, #tpu.memory_space<hbm>>, %arg4: memref<640xf32, #tpu.memory_space<hbm>>, %arg5: memref<20480xf32, #tpu.memory_space<hbm>>, %arg6: memref<125x80xi32, #tpu.memory_space<vmem>>, %arg7: memref<80xf32, #tpu.memory_space<vmem>>, %arg8: memref<640xf32, #tpu.memory_space<vmem>>, %arg9: memref<10240xf32, #tpu.memory_space<vmem_shared>>) attributes {dimension_semantics = [#tpu.dimension_semantics<core_parallel>, #tpu.dimension_semantics<subcore_parallel>], iteration_bounds = array<i64: 2, 16>, scalar_prefetch = 0 : i64, scratch_operands = 4 : i64, tpu.core_type = #tpu.core_type<sc_vector_subcore>, window_params = [{transform_indices = #map}, {transform_indices = #map1}, {transform_indices = #map1}, {transform_indices = #map1}]} {
    %mul3A = arith.constant 16 : i32
    %mul3A_0 = arith.muli %arg0, %mul3A : i32
    %add3A = arith.addi %mul3A_0, %arg1 : i32
    "tpu.region"() ({
      %run_scoped3A = tpu.sem_alloc : memref<!tpu.dma_semaphore, #tpu.memory_space<semaphore_mem>>
      %dma_start3A = arith.constant 0 : i32
      %dma_start3A_16 = arith.constant 0 : i32
      %dma_start3A_17 = tpu.memref_slice %arg2[%add3A, %dma_start3A, %dma_start3A_16] : memref<32x125x80xi32, #tpu.memory_space<hbm>> -> memref<1x125x80xi32, #tpu.memory_space<hbm>>
      %dma_start3A_18 = tpu.memref_squeeze %dma_start3A_17 : memref<1x125x80xi32, #tpu.memory_space<hbm>> -> memref<125x80xi32, #tpu.memory_space<hbm>>
      %dma_start3A_19 = arith.constant 0 : i32
      %dma_start3A_20 = arith.constant 0 : i32
      %dma_start3A_21 = tpu.memref_slice %arg2[%add3A, %dma_start3A_19, %dma_start3A_20] : memref<32x125x80xi32, #tpu.memory_space<hbm>> -> memref<1x125x80xi32, #tpu.memory_space<hbm>>
      %dma_start3A_22 = tpu.memref_squeeze %dma_start3A_21 : memref<1x125x80xi32, #tpu.memory_space<hbm>> -> memref<125x80xi32, #tpu.memory_space<hbm>>
      tpu.enqueue_dma source(%dma_start3A_22 : memref<125x80xi32, #tpu.memory_space<hbm>>) target(%arg6 : memref<125x80xi32, #tpu.memory_space<vmem>>) target_semaphore(%run_scoped3A : memref<!tpu.dma_semaphore, #tpu.memory_space<semaphore_mem>>)
      %dma_wait3A = arith.constant 0 : i32
      %dma_wait3A_23 = arith.constant 0 : i32
      %dma_wait3A_24 = tpu.memref_slice %arg2[%add3A, %dma_wait3A, %dma_wait3A_23] : memref<32x125x80xi32, #tpu.memory_space<hbm>> -> memref<1x125x80xi32, #tpu.memory_space<hbm>>
      %dma_wait3A_25 = tpu.memref_squeeze %dma_wait3A_24 : memref<1x125x80xi32, #tpu.memory_space<hbm>> -> memref<125x80xi32, #tpu.memory_space<hbm>>
      %dma_wait3A_26 = arith.constant 0 : i32
      %dma_wait3A_27 = arith.constant 0 : i32
      %dma_wait3A_28 = tpu.memref_slice %arg2[%add3A, %dma_wait3A_26, %dma_wait3A_27] : memref<32x125x80xi32, #tpu.memory_space<hbm>> -> memref<1x125x80xi32, #tpu.memory_space<hbm>>
      %dma_wait3A_29 = tpu.memref_squeeze %dma_wait3A_28 : memref<1x125x80xi32, #tpu.memory_space<hbm>> -> memref<125x80xi32, #tpu.memory_space<hbm>>
      tpu.wait_dma2 semaphore(%run_scoped3A : memref<!tpu.dma_semaphore, #tpu.memory_space<semaphore_mem>>) src(%dma_wait3A_29 : memref<125x80xi32, #tpu.memory_space<hbm>>) dst(%arg6 : memref<125x80xi32, #tpu.memory_space<vmem>>)
      tpu.yield
    }) : () -> ()
    "tpu.region"() ({
      %run_scoped3A = tpu.sem_alloc : memref<!tpu.dma_semaphore, #tpu.memory_space<semaphore_mem>>
      tpu.enqueue_dma source(%arg3 : memref<80xf32, #tpu.memory_space<hbm>>) target(%arg7 : memref<80xf32, #tpu.memory_space<vmem>>) target_semaphore(%run_scoped3A : memref<!tpu.dma_semaphore, #tpu.memory_space<semaphore_mem>>)
      tpu.wait_dma2 semaphore(%run_scoped3A : memref<!tpu.dma_semaphore, #tpu.memory_space<semaphore_mem>>) src(%arg3 : memref<80xf32, #tpu.memory_space<hbm>>) dst(%arg7 : memref<80xf32, #tpu.memory_space<vmem>>)
      tpu.yield
    }) : () -> ()
    "tpu.region"() ({
      %run_scoped3A = tpu.sem_alloc : memref<!tpu.dma_semaphore, #tpu.memory_space<semaphore_mem>>
      tpu.enqueue_dma source(%arg4 : memref<640xf32, #tpu.memory_space<hbm>>) target(%arg8 : memref<640xf32, #tpu.memory_space<vmem>>) target_semaphore(%run_scoped3A : memref<!tpu.dma_semaphore, #tpu.memory_space<semaphore_mem>>)
      tpu.wait_dma2 semaphore(%run_scoped3A : memref<!tpu.dma_semaphore, #tpu.memory_space<semaphore_mem>>) src(%arg4 : memref<640xf32, #tpu.memory_space<hbm>>) dst(%arg8 : memref<640xf32, #tpu.memory_space<vmem>>)
      tpu.yield
    }) : () -> ()
    %mul3A_1 = arith.constant 640 : i32
    %mul3A_2 = arith.muli %arg1, %mul3A_1 : i32
    "tpu.region"() ({
      %run_scoped3A = tpu.sem_alloc : memref<!tpu.dma_semaphore, #tpu.memory_space<semaphore_mem>>
      %dma_start3A = tpu.memref_slice %arg9[%mul3A_2] : memref<10240xf32, #tpu.memory_space<vmem_shared>> -> memref<640xf32, #tpu.memory_space<vmem_shared>>
      %dma_start3A_16 = tpu.memref_slice %arg9[%mul3A_2] : memref<10240xf32, #tpu.memory_space<vmem_shared>> -> memref<640xf32, #tpu.memory_space<vmem_shared>>
      tpu.enqueue_dma source(%arg8 : memref<640xf32, #tpu.memory_space<vmem>>) target(%dma_start3A_16 : memref<640xf32, #tpu.memory_space<vmem_shared>>) target_semaphore(%run_scoped3A : memref<!tpu.dma_semaphore, #tpu.memory_space<semaphore_mem>>)
      %dma_wait3A = tpu.memref_slice %arg9[%mul3A_2] : memref<10240xf32, #tpu.memory_space<vmem_shared>> -> memref<640xf32, #tpu.memory_space<vmem_shared>>
      %dma_wait3A_17 = tpu.memref_slice %arg9[%mul3A_2] : memref<10240xf32, #tpu.memory_space<vmem_shared>> -> memref<640xf32, #tpu.memory_space<vmem_shared>>
      tpu.wait_dma2 semaphore(%run_scoped3A : memref<!tpu.dma_semaphore, #tpu.memory_space<semaphore_mem>>) src(%arg8 : memref<640xf32, #tpu.memory_space<vmem>>) dst(%dma_wait3A_17 : memref<640xf32, #tpu.memory_space<vmem_shared>>)
      tpu.yield
    }) : () -> ()
    %barrier3A = arith.constant 0 : index
    tpu.barrier barrier_id(%barrier3A)
    %scan3A = arith.constant 0 : i32
    %scan3A_3 = arith.constant 0 : i32
    %scan3A_4 = arith.constant 125 : i32
    %scan3A_5 = arith.addi %scan3A_3, %scan3A_4 : i32
    %scan3A_6 = arith.constant 1 : i32
    scf.for %scan3A_16 = %scan3A_3 to %scan3A_5 step %scan3A_6  : i32 {
      "tpu.region"() ({
        %run_scoped3A = tpu.sem_alloc : memref<!tpu.dma_semaphore, #tpu.memory_space<semaphore_mem>>
        %dma_start3A = arith.constant 0 : i32
        %dma_start3A_17 = tpu.memref_slice %arg6[%scan3A_16, %dma_start3A] : memref<125x80xi32, #tpu.memory_space<vmem>> -> memref<1x80xi32, #tpu.memory_space<vmem>>
        %dma_start3A_18 = tpu.memref_squeeze %dma_start3A_17 : memref<1x80xi32, #tpu.memory_space<vmem>> -> memref<80xi32, #tpu.memory_space<vmem>>
        %dma_start3A_19 = arith.constant 0 : i32
        %dma_start3A_20 = tpu.memref_slice %arg9[%dma_start3A_19] : memref<10240xf32, #tpu.memory_space<vmem_shared>> -> memref<10240xf32, #tpu.memory_space<vmem_shared>>
        tpu.enqueue_indirect_dma source(%arg7 : memref<80xf32, #tpu.memory_space<vmem>>) target(%dma_start3A_20 : memref<10240xf32, #tpu.memory_space<vmem_shared>>) offsets(%dma_start3A_18 : memref<80xi32, #tpu.memory_space<vmem>>) semaphore(%run_scoped3A : memref<!tpu.dma_semaphore, #tpu.memory_space<semaphore_mem>>) {add = true}
        %dma_wait3A = arith.constant 0 : i32
        %dma_wait3A_21 = tpu.memref_slice %arg6[%scan3A_16, %dma_wait3A] : memref<125x80xi32, #tpu.memory_space<vmem>> -> memref<1x80xi32, #tpu.memory_space<vmem>>
        %dma_wait3A_22 = tpu.memref_squeeze %dma_wait3A_21 : memref<1x80xi32, #tpu.memory_space<vmem>> -> memref<80xi32, #tpu.memory_space<vmem>>
        %dma_wait3A_23 = arith.constant 0 : i32
        %dma_wait3A_24 = tpu.memref_slice %arg9[%dma_wait3A_23] : memref<10240xf32, #tpu.memory_space<vmem_shared>> -> memref<10240xf32, #tpu.memory_space<vmem_shared>>
        tpu.wait_indirect_dma semaphore(%run_scoped3A : memref<!tpu.dma_semaphore, #tpu.memory_space<semaphore_mem>>) src(%arg7 : memref<80xf32, #tpu.memory_space<vmem>>) dst(%dma_wait3A_24 : memref<10240xf32, #tpu.memory_space<vmem_shared>>)
        tpu.yield
      }) : () -> ()
    }
    %scan3A_7 = arith.constant 125 : i32
    %barrier3A_8 = arith.constant 0 : index
    tpu.barrier barrier_id(%barrier3A_8)
    %mul3A_9 = arith.constant 640 : i32
    %mul3A_10 = arith.muli %arg1, %mul3A_9 : i32
    "tpu.region"() ({
      %run_scoped3A = tpu.sem_alloc : memref<!tpu.dma_semaphore, #tpu.memory_space<semaphore_mem>>
      %dma_start3A = tpu.memref_slice %arg9[%mul3A_10] : memref<10240xf32, #tpu.memory_space<vmem_shared>> -> memref<640xf32, #tpu.memory_space<vmem_shared>>
      %dma_start3A_16 = tpu.memref_slice %arg9[%mul3A_10] : memref<10240xf32, #tpu.memory_space<vmem_shared>> -> memref<640xf32, #tpu.memory_space<vmem_shared>>
      tpu.enqueue_dma source(%dma_start3A_16 : memref<640xf32, #tpu.memory_space<vmem_shared>>) target(%arg8 : memref<640xf32, #tpu.memory_space<vmem>>) target_semaphore(%run_scoped3A : memref<!tpu.dma_semaphore, #tpu.memory_space<semaphore_mem>>)
      %dma_wait3A = tpu.memref_slice %arg9[%mul3A_10] : memref<10240xf32, #tpu.memory_space<vmem_shared>> -> memref<640xf32, #tpu.memory_space<vmem_shared>>
      %dma_wait3A_17 = tpu.memref_slice %arg9[%mul3A_10] : memref<10240xf32, #tpu.memory_space<vmem_shared>> -> memref<640xf32, #tpu.memory_space<vmem_shared>>
      tpu.wait_dma2 semaphore(%run_scoped3A : memref<!tpu.dma_semaphore, #tpu.memory_space<semaphore_mem>>) src(%dma_wait3A_17 : memref<640xf32, #tpu.memory_space<vmem_shared>>) dst(%arg8 : memref<640xf32, #tpu.memory_space<vmem>>)
      tpu.yield
    }) : () -> ()
    %mul3A_11 = arith.constant 10240 : i32
    %mul3A_12 = arith.muli %arg0, %mul3A_11 : i32
    %mul3A_13 = arith.constant 640 : i32
    %mul3A_14 = arith.muli %arg1, %mul3A_13 : i32
    %add3A_15 = arith.addi %mul3A_12, %mul3A_14 : i32
    %multiple_of3A = tpu.assume_multiple %add3A_15, 8 : i32
    "tpu.region"() ({
      %run_scoped3A = tpu.sem_alloc : memref<!tpu.dma_semaphore, #tpu.memory_space<semaphore_mem>>
      %dma_start3A = tpu.memref_slice %arg5[%multiple_of3A] : memref<20480xf32, #tpu.memory_space<hbm>> -> memref<640xf32, #tpu.memory_space<hbm>>
      %dma_start3A_16 = tpu.memref_slice %arg5[%multiple_of3A] : memref<20480xf32, #tpu.memory_space<hbm>> -> memref<640xf32, #tpu.memory_space<hbm>>
      tpu.enqueue_dma source(%arg8 : memref<640xf32, #tpu.memory_space<vmem>>) target(%dma_start3A_16 : memref<640xf32, #tpu.memory_space<hbm>>) target_semaphore(%run_scoped3A : memref<!tpu.dma_semaphore, #tpu.memory_space<semaphore_mem>>)
      %dma_wait3A = tpu.memref_slice %arg5[%multiple_of3A] : memref<20480xf32, #tpu.memory_space<hbm>> -> memref<640xf32, #tpu.memory_space<hbm>>
      %dma_wait3A_17 = tpu.memref_slice %arg5[%multiple_of3A] : memref<20480xf32, #tpu.memory_space<hbm>> -> memref<640xf32, #tpu.memory_space<hbm>>
      tpu.wait_dma2 semaphore(%run_scoped3A : memref<!tpu.dma_semaphore, #tpu.memory_space<semaphore_mem>>) src(%arg8 : memref<640xf32, #tpu.memory_space<vmem>>) dst(%dma_wait3A_17 : memref<640xf32, #tpu.memory_space<hbm>>)
      tpu.yield
    }) : () -> ()
    return
  }
}

#map = affine_map<(d0, d1) -> (0, 0)>
#map1 = affine_map<(d0, d1) -> (0, 0, 0)>
module attributes {stable_mosaic.version = 14 : i64} {
  func.func @_agg(%arg0: i32, %arg1: i32, %arg2: memref<10000x128xf32, #tpu.memory_space<hbm>>, %arg3: memref<32x125x80xi32, #tpu.memory_space<hbm>>, %arg4: memref<80x128xf32, #tpu.memory_space<hbm>>, %arg5: memref<20480x128xf32, #tpu.memory_space<hbm>>, %arg6: memref<125x80xi32, #tpu.memory_space<vmem>>, %arg7: memref<80xi32, #tpu.memory_space<vmem>>, %arg8: memref<80xi32, #tpu.memory_space<vmem>>, %arg9: memref<80xi32, #tpu.memory_space<vmem>>, %arg10: memref<80xi32, #tpu.memory_space<vmem>>, %arg11: memref<80x128xf32, #tpu.memory_space<vmem>>, %arg12: memref<80x128xf32, #tpu.memory_space<vmem>>, %arg13: memref<10240x128xf32, #tpu.memory_space<vmem_shared>>, %arg14: memref<!tpu.dma_semaphore, #tpu.memory_space<semaphore_mem>>, %arg15: memref<!tpu.dma_semaphore, #tpu.memory_space<semaphore_mem>>) attributes {dimension_semantics = [#tpu.dimension_semantics<core_parallel>, #tpu.dimension_semantics<subcore_parallel>], iteration_bounds = array<i64: 2, 16>, scalar_prefetch = 0 : i64, scratch_operands = 10 : i64, tpu.core_type = #tpu.core_type<sc_vector_subcore>, window_params = [{transform_indices = #map}, {transform_indices = #map1}, {transform_indices = #map}, {transform_indices = #map}]} {
    %mul3A = arith.constant 16 : i32
    %mul3A_0 = arith.muli %arg0, %mul3A : i32
    %add3A = arith.addi %mul3A_0, %arg1 : i32
    "tpu.region"() ({
      %run_scoped3A = tpu.sem_alloc : memref<!tpu.dma_semaphore, #tpu.memory_space<semaphore_mem>>
      %dma_start3A_229 = arith.constant 0 : i32
      %dma_start3A_230 = arith.constant 0 : i32
      %dma_start3A_231 = tpu.memref_slice %arg3[%add3A, %dma_start3A_229, %dma_start3A_230] : memref<32x125x80xi32, #tpu.memory_space<hbm>> -> memref<1x125x80xi32, #tpu.memory_space<hbm>>
      %dma_start3A_232 = tpu.memref_squeeze %dma_start3A_231 : memref<1x125x80xi32, #tpu.memory_space<hbm>> -> memref<125x80xi32, #tpu.memory_space<hbm>>
      %dma_start3A_233 = arith.constant 0 : i32
      %dma_start3A_234 = arith.constant 0 : i32
      %dma_start3A_235 = tpu.memref_slice %arg3[%add3A, %dma_start3A_233, %dma_start3A_234] : memref<32x125x80xi32, #tpu.memory_space<hbm>> -> memref<1x125x80xi32, #tpu.memory_space<hbm>>
      %dma_start3A_236 = tpu.memref_squeeze %dma_start3A_235 : memref<1x125x80xi32, #tpu.memory_space<hbm>> -> memref<125x80xi32, #tpu.memory_space<hbm>>
      tpu.enqueue_dma source(%dma_start3A_236 : memref<125x80xi32, #tpu.memory_space<hbm>>) target(%arg6 : memref<125x80xi32, #tpu.memory_space<vmem>>) target_semaphore(%run_scoped3A : memref<!tpu.dma_semaphore, #tpu.memory_space<semaphore_mem>>)
      %dma_wait3A_237 = arith.constant 0 : i32
      %dma_wait3A_238 = arith.constant 0 : i32
      %dma_wait3A_239 = tpu.memref_slice %arg3[%add3A, %dma_wait3A_237, %dma_wait3A_238] : memref<32x125x80xi32, #tpu.memory_space<hbm>> -> memref<1x125x80xi32, #tpu.memory_space<hbm>>
      %dma_wait3A_240 = tpu.memref_squeeze %dma_wait3A_239 : memref<1x125x80xi32, #tpu.memory_space<hbm>> -> memref<125x80xi32, #tpu.memory_space<hbm>>
      %dma_wait3A_241 = arith.constant 0 : i32
      %dma_wait3A_242 = arith.constant 0 : i32
      %dma_wait3A_243 = tpu.memref_slice %arg3[%add3A, %dma_wait3A_241, %dma_wait3A_242] : memref<32x125x80xi32, #tpu.memory_space<hbm>> -> memref<1x125x80xi32, #tpu.memory_space<hbm>>
      %dma_wait3A_244 = tpu.memref_squeeze %dma_wait3A_243 : memref<1x125x80xi32, #tpu.memory_space<hbm>> -> memref<125x80xi32, #tpu.memory_space<hbm>>
      tpu.wait_dma2 semaphore(%run_scoped3A : memref<!tpu.dma_semaphore, #tpu.memory_space<semaphore_mem>>) src(%dma_wait3A_244 : memref<125x80xi32, #tpu.memory_space<hbm>>) dst(%arg6 : memref<125x80xi32, #tpu.memory_space<vmem>>)
      tpu.yield
    }) : () -> ()
    %get3A = arith.constant 0 : i32
    %get3A_1 = arith.index_cast %get3A : i32 to index
    %get3A_2 = arith.constant 0 : index
    %get3A_3 = tpu.vector_load %arg6[%get3A_1, %get3A_2] {strides = array<i32>} : memref<125x80xi32, #tpu.memory_space<vmem>>, vector<1x16xi32>,
    %get3A_4 = vector.shape_cast %get3A_3 : vector<1x16xi32> to vector<16xi32>
    %and3A = arith.constant 16383 : i32
    %and3A_5 = vector.broadcast %and3A : i32 to vector<16xi32>
    %and3A_6 = arith.andi %get3A_4, %and3A_5 : vector<16xi32>
    %swap3A = arith.constant 0 : index
    %swap3A_7 = tpu.vector_load %arg7[%swap3A] {strides = array<i32>} : memref<80xi32, #tpu.memory_space<vmem>>, vector<16xi32>,
    %swap3A_8 = vector.shape_cast %swap3A_7 : vector<16xi32> to vector<16xi32>
    %swap3A_9 = vector.shape_cast %and3A_6 : vector<16xi32> to vector<16xi32>
    tpu.vector_store %arg7[%swap3A], %swap3A_9 {strides = array<i32>} : memref<80xi32, #tpu.memory_space<vmem>>, vector<16xi32>,
    %shift_right_arithmetic3A = arith.constant 14 : i32
    %shift_right_arithmetic3A_10 = vector.broadcast %shift_right_arithmetic3A : i32 to vector<16xi32>
    %shift_right_arithmetic3A_11 = arith.shrsi %get3A_4, %shift_right_arithmetic3A_10 : vector<16xi32>
    %swap3A_12 = arith.constant 0 : index
    %swap3A_13 = tpu.vector_load %arg8[%swap3A_12] {strides = array<i32>} : memref<80xi32, #tpu.memory_space<vmem>>, vector<16xi32>,
    %swap3A_14 = vector.shape_cast %swap3A_13 : vector<16xi32> to vector<16xi32>
    %swap3A_15 = vector.shape_cast %shift_right_arithmetic3A_11 : vector<16xi32> to vector<16xi32>
    tpu.vector_store %arg8[%swap3A_12], %swap3A_15 {strides = array<i32>} : memref<80xi32, #tpu.memory_space<vmem>>, vector<16xi32>,
    %get3A_16 = arith.constant 0 : i32
    %get3A_17 = arith.index_cast %get3A_16 : i32 to index
    %get3A_18 = arith.constant 16 : index
    %get3A_19 = tpu.vector_load %arg6[%get3A_17, %get3A_18] {strides = array<i32>} : memref<125x80xi32, #tpu.memory_space<vmem>>, vector<1x16xi32>,
    %get3A_20 = vector.shape_cast %get3A_19 : vector<1x16xi32> to vector<16xi32>
    %and3A_21 = arith.constant 16383 : i32
    %and3A_22 = vector.broadcast %and3A_21 : i32 to vector<16xi32>
    %and3A_23 = arith.andi %get3A_20, %and3A_22 : vector<16xi32>
    %swap3A_24 = arith.constant 16 : index
    %swap3A_25 = tpu.vector_load %arg7[%swap3A_24] {strides = array<i32>} : memref<80xi32, #tpu.memory_space<vmem>>, vector<16xi32>,
    %swap3A_26 = vector.shape_cast %swap3A_25 : vector<16xi32> to vector<16xi32>
    %swap3A_27 = vector.shape_cast %and3A_23 : vector<16xi32> to vector<16xi32>
    tpu.vector_store %arg7[%swap3A_24], %swap3A_27 {strides = array<i32>} : memref<80xi32, #tpu.memory_space<vmem>>, vector<16xi32>,
    %shift_right_arithmetic3A_28 = arith.constant 14 : i32
    %shift_right_arithmetic3A_29 = vector.broadcast %shift_right_arithmetic3A_28 : i32 to vector<16xi32>
    %shift_right_arithmetic3A_30 = arith.shrsi %get3A_20, %shift_right_arithmetic3A_29 : vector<16xi32>
    %swap3A_31 = arith.constant 16 : index
    %swap3A_32 = tpu.vector_load %arg8[%swap3A_31] {strides = array<i32>} : memref<80xi32, #tpu.memory_space<vmem>>, vector<16xi32>,
    %swap3A_33 = vector.shape_cast %swap3A_32 : vector<16xi32> to vector<16xi32>
    %swap3A_34 = vector.shape_cast %shift_right_arithmetic3A_30 : vector<16xi32> to vector<16xi32>
    tpu.vector_store %arg8[%swap3A_31], %swap3A_34 {strides = array<i32>} : memref<80xi32, #tpu.memory_space<vmem>>, vector<16xi32>,
    %get3A_35 = arith.constant 0 : i32
    %get3A_36 = arith.index_cast %get3A_35 : i32 to index
    %get3A_37 = arith.constant 32 : index
    %get3A_38 = tpu.vector_load %arg6[%get3A_36, %get3A_37] {strides = array<i32>} : memref<125x80xi32, #tpu.memory_space<vmem>>, vector<1x16xi32>,
    %get3A_39 = vector.shape_cast %get3A_38 : vector<1x16xi32> to vector<16xi32>
    %and3A_40 = arith.constant 16383 : i32
    %and3A_41 = vector.broadcast %and3A_40 : i32 to vector<16xi32>
    %and3A_42 = arith.andi %get3A_39, %and3A_41 : vector<16xi32>
    %swap3A_43 = arith.constant 32 : index
    %swap3A_44 = tpu.vector_load %arg7[%swap3A_43] {strides = array<i32>} : memref<80xi32, #tpu.memory_space<vmem>>, vector<16xi32>,
    %swap3A_45 = vector.shape_cast %swap3A_44 : vector<16xi32> to vector<16xi32>
    %swap3A_46 = vector.shape_cast %and3A_42 : vector<16xi32> to vector<16xi32>
    tpu.vector_store %arg7[%swap3A_43], %swap3A_46 {strides = array<i32>} : memref<80xi32, #tpu.memory_space<vmem>>, vector<16xi32>,
    %shift_right_arithmetic3A_47 = arith.constant 14 : i32
    %shift_right_arithmetic3A_48 = vector.broadcast %shift_right_arithmetic3A_47 : i32 to vector<16xi32>
    %shift_right_arithmetic3A_49 = arith.shrsi %get3A_39, %shift_right_arithmetic3A_48 : vector<16xi32>
    %swap3A_50 = arith.constant 32 : index
    %swap3A_51 = tpu.vector_load %arg8[%swap3A_50] {strides = array<i32>} : memref<80xi32, #tpu.memory_space<vmem>>, vector<16xi32>,
    %swap3A_52 = vector.shape_cast %swap3A_51 : vector<16xi32> to vector<16xi32>
    %swap3A_53 = vector.shape_cast %shift_right_arithmetic3A_49 : vector<16xi32> to vector<16xi32>
    tpu.vector_store %arg8[%swap3A_50], %swap3A_53 {strides = array<i32>} : memref<80xi32, #tpu.memory_space<vmem>>, vector<16xi32>,
    %get3A_54 = arith.constant 0 : i32
    %get3A_55 = arith.index_cast %get3A_54 : i32 to index
    %get3A_56 = arith.constant 48 : index
    %get3A_57 = tpu.vector_load %arg6[%get3A_55, %get3A_56] {strides = array<i32>} : memref<125x80xi32, #tpu.memory_space<vmem>>, vector<1x16xi32>,
    %get3A_58 = vector.shape_cast %get3A_57 : vector<1x16xi32> to vector<16xi32>
    %and3A_59 = arith.constant 16383 : i32
    %and3A_60 = vector.broadcast %and3A_59 : i32 to vector<16xi32>
    %and3A_61 = arith.andi %get3A_58, %and3A_60 : vector<16xi32>
    %swap3A_62 = arith.constant 48 : index
    %swap3A_63 = tpu.vector_load %arg7[%swap3A_62] {strides = array<i32>} : memref<80xi32, #tpu.memory_space<vmem>>, vector<16xi32>,
    %swap3A_64 = vector.shape_cast %swap3A_63 : vector<16xi32> to vector<16xi32>
    %swap3A_65 = vector.shape_cast %and3A_61 : vector<16xi32> to vector<16xi32>
    tpu.vector_store %arg7[%swap3A_62], %swap3A_65 {strides = array<i32>} : memref<80xi32, #tpu.memory_space<vmem>>, vector<16xi32>,
    %shift_right_arithmetic3A_66 = arith.constant 14 : i32
    %shift_right_arithmetic3A_67 = vector.broadcast %shift_right_arithmetic3A_66 : i32 to vector<16xi32>
    %shift_right_arithmetic3A_68 = arith.shrsi %get3A_58, %shift_right_arithmetic3A_67 : vector<16xi32>
    %swap3A_69 = arith.constant 48 : index
    %swap3A_70 = tpu.vector_load %arg8[%swap3A_69] {strides = array<i32>} : memref<80xi32, #tpu.memory_space<vmem>>, vector<16xi32>,
    %swap3A_71 = vector.shape_cast %swap3A_70 : vector<16xi32> to vector<16xi32>
    %swap3A_72 = vector.shape_cast %shift_right_arithmetic3A_68 : vector<16xi32> to vector<16xi32>
    tpu.vector_store %arg8[%swap3A_69], %swap3A_72 {strides = array<i32>} : memref<80xi32, #tpu.memory_space<vmem>>, vector<16xi32>,
    %get3A_73 = arith.constant 0 : i32
    %get3A_74 = arith.index_cast %get3A_73 : i32 to index
    %get3A_75 = arith.constant 64 : index
    %get3A_76 = tpu.vector_load %arg6[%get3A_74, %get3A_75] {strides = array<i32>} : memref<125x80xi32, #tpu.memory_space<vmem>>, vector<1x16xi32>,
    %get3A_77 = vector.shape_cast %get3A_76 : vector<1x16xi32> to vector<16xi32>
    %and3A_78 = arith.constant 16383 : i32
    %and3A_79 = vector.broadcast %and3A_78 : i32 to vector<16xi32>
    %and3A_80 = arith.andi %get3A_77, %and3A_79 : vector<16xi32>
    %swap3A_81 = arith.constant 64 : index
    %swap3A_82 = tpu.vector_load %arg7[%swap3A_81] {strides = array<i32>} : memref<80xi32, #tpu.memory_space<vmem>>, vector<16xi32>,
    %swap3A_83 = vector.shape_cast %swap3A_82 : vector<16xi32> to vector<16xi32>
    %swap3A_84 = vector.shape_cast %and3A_80 : vector<16xi32> to vector<16xi32>
    tpu.vector_store %arg7[%swap3A_81], %swap3A_84 {strides = array<i32>} : memref<80xi32, #tpu.memory_space<vmem>>, vector<16xi32>,
    %shift_right_arithmetic3A_85 = arith.constant 14 : i32
    %shift_right_arithmetic3A_86 = vector.broadcast %shift_right_arithmetic3A_85 : i32 to vector<16xi32>
    %shift_right_arithmetic3A_87 = arith.shrsi %get3A_77, %shift_right_arithmetic3A_86 : vector<16xi32>
    %swap3A_88 = arith.constant 64 : index
    %swap3A_89 = tpu.vector_load %arg8[%swap3A_88] {strides = array<i32>} : memref<80xi32, #tpu.memory_space<vmem>>, vector<16xi32>,
    %swap3A_90 = vector.shape_cast %swap3A_89 : vector<16xi32> to vector<16xi32>
    %swap3A_91 = vector.shape_cast %shift_right_arithmetic3A_87 : vector<16xi32> to vector<16xi32>
    tpu.vector_store %arg8[%swap3A_88], %swap3A_91 {strides = array<i32>} : memref<80xi32, #tpu.memory_space<vmem>>, vector<16xi32>,
    %dma_start3A = arith.constant 0 : i32
    %dma_start3A_92 = arith.constant 0 : i32
    %dma_start3A_93 = tpu.memref_slice %arg2[%dma_start3A, %dma_start3A_92] : memref<10000x128xf32, #tpu.memory_space<hbm>> -> memref<10000x128xf32, #tpu.memory_space<hbm>>
    tpu.enqueue_indirect_dma source(%dma_start3A_93 : memref<10000x128xf32, #tpu.memory_space<hbm>>) target(%arg11 : memref<80x128xf32, #tpu.memory_space<vmem>>) offsets(%arg7 : memref<80xi32, #tpu.memory_space<vmem>>) semaphore(%arg14 : memref<!tpu.dma_semaphore, #tpu.memory_space<semaphore_mem>>)
    "tpu.region"() ({
      %run_scoped3A = tpu.sem_alloc : memref<!tpu.dma_semaphore, #tpu.memory_space<semaphore_mem>>
      tpu.enqueue_dma source(%arg4 : memref<80x128xf32, #tpu.memory_space<hbm>>) target(%arg12 : memref<80x128xf32, #tpu.memory_space<vmem>>) target_semaphore(%run_scoped3A : memref<!tpu.dma_semaphore, #tpu.memory_space<semaphore_mem>>)
      tpu.wait_dma2 semaphore(%run_scoped3A : memref<!tpu.dma_semaphore, #tpu.memory_space<semaphore_mem>>) src(%arg4 : memref<80x128xf32, #tpu.memory_space<hbm>>) dst(%arg12 : memref<80x128xf32, #tpu.memory_space<vmem>>)
      tpu.yield
    }) : () -> ()
    %mul3A_94 = arith.constant 640 : i32
    %mul3A_95 = arith.muli %arg1, %mul3A_94 : i32
    %add3A_96 = arith.constant 0 : i32
    %add3A_97 = arith.addi %mul3A_95, %add3A_96 : i32
    "tpu.region"() ({
      %run_scoped3A = tpu.sem_alloc : memref<!tpu.dma_semaphore, #tpu.memory_space<semaphore_mem>>
      %dma_start3A_229 = arith.constant 0 : i32
      %dma_start3A_230 = tpu.memref_slice %arg13[%add3A_97, %dma_start3A_229] : memref<10240x128xf32, #tpu.memory_space<vmem_shared>> -> memref<80x128xf32, #tpu.memory_space<vmem_shared>>
      %dma_start3A_231 = arith.constant 0 : i32
      %dma_start3A_232 = tpu.memref_slice %arg13[%add3A_97, %dma_start3A_231] : memref<10240x128xf32, #tpu.memory_space<vmem_shared>> -> memref<80x128xf32, #tpu.memory_space<vmem_shared>>
      tpu.enqueue_dma source(%arg12 : memref<80x128xf32, #tpu.memory_space<vmem>>) target(%dma_start3A_232 : memref<80x128xf32, #tpu.memory_space<vmem_shared>>) target_semaphore(%run_scoped3A : memref<!tpu.dma_semaphore, #tpu.memory_space<semaphore_mem>>)
      %dma_wait3A_233 = arith.constant 0 : i32
      %dma_wait3A_234 = tpu.memref_slice %arg13[%add3A_97, %dma_wait3A_233] : memref<10240x128xf32, #tpu.memory_space<vmem_shared>> -> memref<80x128xf32, #tpu.memory_space<vmem_shared>>
      %dma_wait3A_235 = arith.constant 0 : i32
      %dma_wait3A_236 = tpu.memref_slice %arg13[%add3A_97, %dma_wait3A_235] : memref<10240x128xf32, #tpu.memory_space<vmem_shared>> -> memref<80x128xf32, #tpu.memory_space<vmem_shared>>
      tpu.wait_dma2 semaphore(%run_scoped3A : memref<!tpu.dma_semaphore, #tpu.memory_space<semaphore_mem>>) src(%arg12 : memref<80x128xf32, #tpu.memory_space<vmem>>) dst(%dma_wait3A_236 : memref<80x128xf32, #tpu.memory_space<vmem_shared>>)
      tpu.yield
    }) : () -> ()
    %mul3A_98 = arith.constant 640 : i32
    %mul3A_99 = arith.muli %arg1, %mul3A_98 : i32
    %add3A_100 = arith.constant 80 : i32
    %add3A_101 = arith.addi %mul3A_99, %add3A_100 : i32
    "tpu.region"() ({
      %run_scoped3A = tpu.sem_alloc : memref<!tpu.dma_semaphore, #tpu.memory_space<semaphore_mem>>
      %dma_start3A_229 = arith.constant 0 : i32
      %dma_start3A_230 = tpu.memref_slice %arg13[%add3A_101, %dma_start3A_229] : memref<10240x128xf32, #tpu.memory_space<vmem_shared>> -> memref<80x128xf32, #tpu.memory_space<vmem_shared>>
      %dma_start3A_231 = arith.constant 0 : i32
      %dma_start3A_232 = tpu.memref_slice %arg13[%add3A_101, %dma_start3A_231] : memref<10240x128xf32, #tpu.memory_space<vmem_shared>> -> memref<80x128xf32, #tpu.memory_space<vmem_shared>>
      tpu.enqueue_dma source(%arg12 : memref<80x128xf32, #tpu.memory_space<vmem>>) target(%dma_start3A_232 : memref<80x128xf32, #tpu.memory_space<vmem_shared>>) target_semaphore(%run_scoped3A : memref<!tpu.dma_semaphore, #tpu.memory_space<semaphore_mem>>)
      %dma_wait3A_233 = arith.constant 0 : i32
      %dma_wait3A_234 = tpu.memref_slice %arg13[%add3A_101, %dma_wait3A_233] : memref<10240x128xf32, #tpu.memory_space<vmem_shared>> -> memref<80x128xf32, #tpu.memory_space<vmem_shared>>
      %dma_wait3A_235 = arith.constant 0 : i32
      %dma_wait3A_236 = tpu.memref_slice %arg13[%add3A_101, %dma_wait3A_235] : memref<10240x128xf32, #tpu.memory_space<vmem_shared>> -> memref<80x128xf32, #tpu.memory_space<vmem_shared>>
      tpu.wait_dma2 semaphore(%run_scoped3A : memref<!tpu.dma_semaphore, #tpu.memory_space<semaphore_mem>>) src(%arg12 : memref<80x128xf32, #tpu.memory_space<vmem>>) dst(%dma_wait3A_236 : memref<80x128xf32, #tpu.memory_space<vmem_shared>>)
      tpu.yield
    }) : () -> ()
    %mul3A_102 = arith.constant 640 : i32
    %mul3A_103 = arith.muli %arg1, %mul3A_102 : i32
    %add3A_104 = arith.constant 160 : i32
    %add3A_105 = arith.addi %mul3A_103, %add3A_104 : i32
    "tpu.region"() ({
      %run_scoped3A = tpu.sem_alloc : memref<!tpu.dma_semaphore, #tpu.memory_space<semaphore_mem>>
      %dma_start3A_229 = arith.constant 0 : i32
      %dma_start3A_230 = tpu.memref_slice %arg13[%add3A_105, %dma_start3A_229] : memref<10240x128xf32, #tpu.memory_space<vmem_shared>> -> memref<80x128xf32, #tpu.memory_space<vmem_shared>>
      %dma_start3A_231 = arith.constant 0 : i32
      %dma_start3A_232 = tpu.memref_slice %arg13[%add3A_105, %dma_start3A_231] : memref<10240x128xf32, #tpu.memory_space<vmem_shared>> -> memref<80x128xf32, #tpu.memory_space<vmem_shared>>
      tpu.enqueue_dma source(%arg12 : memref<80x128xf32, #tpu.memory_space<vmem>>) target(%dma_start3A_232 : memref<80x128xf32, #tpu.memory_space<vmem_shared>>) target_semaphore(%run_scoped3A : memref<!tpu.dma_semaphore, #tpu.memory_space<semaphore_mem>>)
      %dma_wait3A_233 = arith.constant 0 : i32
      %dma_wait3A_234 = tpu.memref_slice %arg13[%add3A_105, %dma_wait3A_233] : memref<10240x128xf32, #tpu.memory_space<vmem_shared>> -> memref<80x128xf32, #tpu.memory_space<vmem_shared>>
      %dma_wait3A_235 = arith.constant 0 : i32
      %dma_wait3A_236 = tpu.memref_slice %arg13[%add3A_105, %dma_wait3A_235] : memref<10240x128xf32, #tpu.memory_space<vmem_shared>> -> memref<80x128xf32, #tpu.memory_space<vmem_shared>>
      tpu.wait_dma2 semaphore(%run_scoped3A : memref<!tpu.dma_semaphore, #tpu.memory_space<semaphore_mem>>) src(%arg12 : memref<80x128xf32, #tpu.memory_space<vmem>>) dst(%dma_wait3A_236 : memref<80x128xf32, #tpu.memory_space<vmem_shared>>)
      tpu.yield
    }) : () -> ()
    %mul3A_106 = arith.constant 640 : i32
    %mul3A_107 = arith.muli %arg1, %mul3A_106 : i32
    %add3A_108 = arith.constant 240 : i32
    %add3A_109 = arith.addi %mul3A_107, %add3A_108 : i32
    "tpu.region"() ({
      %run_scoped3A = tpu.sem_alloc : memref<!tpu.dma_semaphore, #tpu.memory_space<semaphore_mem>>
      %dma_start3A_229 = arith.constant 0 : i32
      %dma_start3A_230 = tpu.memref_slice %arg13[%add3A_109, %dma_start3A_229] : memref<10240x128xf32, #tpu.memory_space<vmem_shared>> -> memref<80x128xf32, #tpu.memory_space<vmem_shared>>
      %dma_start3A_231 = arith.constant 0 : i32
      %dma_start3A_232 = tpu.memref_slice %arg13[%add3A_109, %dma_start3A_231] : memref<10240x128xf32, #tpu.memory_space<vmem_shared>> -> memref<80x128xf32, #tpu.memory_space<vmem_shared>>
      tpu.enqueue_dma source(%arg12 : memref<80x128xf32, #tpu.memory_space<vmem>>) target(%dma_start3A_232 : memref<80x128xf32, #tpu.memory_space<vmem_shared>>) target_semaphore(%run_scoped3A : memref<!tpu.dma_semaphore, #tpu.memory_space<semaphore_mem>>)
      %dma_wait3A_233 = arith.constant 0 : i32
      %dma_wait3A_234 = tpu.memref_slice %arg13[%add3A_109, %dma_wait3A_233] : memref<10240x128xf32, #tpu.memory_space<vmem_shared>> -> memref<80x128xf32, #tpu.memory_space<vmem_shared>>
      %dma_wait3A_235 = arith.constant 0 : i32
      %dma_wait3A_236 = tpu.memref_slice %arg13[%add3A_109, %dma_wait3A_235] : memref<10240x128xf32, #tpu.memory_space<vmem_shared>> -> memref<80x128xf32, #tpu.memory_space<vmem_shared>>
      tpu.wait_dma2 semaphore(%run_scoped3A : memref<!tpu.dma_semaphore, #tpu.memory_space<semaphore_mem>>) src(%arg12 : memref<80x128xf32, #tpu.memory_space<vmem>>) dst(%dma_wait3A_236 : memref<80x128xf32, #tpu.memory_space<vmem_shared>>)
      tpu.yield
    }) : () -> ()
    %mul3A_110 = arith.constant 640 : i32
    %mul3A_111 = arith.muli %arg1, %mul3A_110 : i32
    %add3A_112 = arith.constant 320 : i32
    %add3A_113 = arith.addi %mul3A_111, %add3A_112 : i32
    "tpu.region"() ({
      %run_scoped3A = tpu.sem_alloc : memref<!tpu.dma_semaphore, #tpu.memory_space<semaphore_mem>>
      %dma_start3A_229 = arith.constant 0 : i32
      %dma_start3A_230 = tpu.memref_slice %arg13[%add3A_113, %dma_start3A_229] : memref<10240x128xf32, #tpu.memory_space<vmem_shared>> -> memref<80x128xf32, #tpu.memory_space<vmem_shared>>
      %dma_start3A_231 = arith.constant 0 : i32
      %dma_start3A_232 = tpu.memref_slice %arg13[%add3A_113, %dma_start3A_231] : memref<10240x128xf32, #tpu.memory_space<vmem_shared>> -> memref<80x128xf32, #tpu.memory_space<vmem_shared>>
      tpu.enqueue_dma source(%arg12 : memref<80x128xf32, #tpu.memory_space<vmem>>) target(%dma_start3A_232 : memref<80x128xf32, #tpu.memory_space<vmem_shared>>) target_semaphore(%run_scoped3A : memref<!tpu.dma_semaphore, #tpu.memory_space<semaphore_mem>>)
      %dma_wait3A_233 = arith.constant 0 : i32
      %dma_wait3A_234 = tpu.memref_slice %arg13[%add3A_113, %dma_wait3A_233] : memref<10240x128xf32, #tpu.memory_space<vmem_shared>> -> memref<80x128xf32, #tpu.memory_space<vmem_shared>>
      %dma_wait3A_235 = arith.constant 0 : i32
      %dma_wait3A_236 = tpu.memref_slice %arg13[%add3A_113, %dma_wait3A_235] : memref<10240x128xf32, #tpu.memory_space<vmem_shared>> -> memref<80x128xf32, #tpu.memory_space<vmem_shared>>
      tpu.wait_dma2 semaphore(%run_scoped3A : memref<!tpu.dma_semaphore, #tpu.memory_space<semaphore_mem>>) src(%arg12 : memref<80x128xf32, #tpu.memory_space<vmem>>) dst(%dma_wait3A_236 : memref<80x128xf32, #tpu.memory_space<vmem_shared>>)
      tpu.yield
    }) : () -> ()
    %mul3A_114 = arith.constant 640 : i32
    %mul3A_115 = arith.muli %arg1, %mul3A_114 : i32
    %add3A_116 = arith.constant 400 : i32
    %add3A_117 = arith.addi %mul3A_115, %add3A_116 : i32
    "tpu.region"() ({
      %run_scoped3A = tpu.sem_alloc : memref<!tpu.dma_semaphore, #tpu.memory_space<semaphore_mem>>
      %dma_start3A_229 = arith.constant 0 : i32
      %dma_start3A_230 = tpu.memref_slice %arg13[%add3A_117, %dma_start3A_229] : memref<10240x128xf32, #tpu.memory_space<vmem_shared>> -> memref<80x128xf32, #tpu.memory_space<vmem_shared>>
      %dma_start3A_231 = arith.constant 0 : i32
      %dma_start3A_232 = tpu.memref_slice %arg13[%add3A_117, %dma_start3A_231] : memref<10240x128xf32, #tpu.memory_space<vmem_shared>> -> memref<80x128xf32, #tpu.memory_space<vmem_shared>>
      tpu.enqueue_dma source(%arg12 : memref<80x128xf32, #tpu.memory_space<vmem>>) target(%dma_start3A_232 : memref<80x128xf32, #tpu.memory_space<vmem_shared>>) target_semaphore(%run_scoped3A : memref<!tpu.dma_semaphore, #tpu.memory_space<semaphore_mem>>)
      %dma_wait3A_233 = arith.constant 0 : i32
      %dma_wait3A_234 = tpu.memref_slice %arg13[%add3A_117, %dma_wait3A_233] : memref<10240x128xf32, #tpu.memory_space<vmem_shared>> -> memref<80x128xf32, #tpu.memory_space<vmem_shared>>
      %dma_wait3A_235 = arith.constant 0 : i32
      %dma_wait3A_236 = tpu.memref_slice %arg13[%add3A_117, %dma_wait3A_235] : memref<10240x128xf32, #tpu.memory_space<vmem_shared>> -> memref<80x128xf32, #tpu.memory_space<vmem_shared>>
      tpu.wait_dma2 semaphore(%run_scoped3A : memref<!tpu.dma_semaphore, #tpu.memory_space<semaphore_mem>>) src(%arg12 : memref<80x128xf32, #tpu.memory_space<vmem>>) dst(%dma_wait3A_236 : memref<80x128xf32, #tpu.memory_space<vmem_shared>>)
      tpu.yield
    }) : () -> ()
    %mul3A_118 = arith.constant 640 : i32
    %mul3A_119 = arith.muli %arg1, %mul3A_118 : i32
    %add3A_120 = arith.constant 480 : i32
    %add3A_121 = arith.addi %mul3A_119, %add3A_120 : i32
    "tpu.region"() ({
      %run_scoped3A = tpu.sem_alloc : memref<!tpu.dma_semaphore, #tpu.memory_space<semaphore_mem>>
      %dma_start3A_229 = arith.constant 0 : i32
      %dma_start3A_230 = tpu.memref_slice %arg13[%add3A_121, %dma_start3A_229] : memref<10240x128xf32, #tpu.memory_space<vmem_shared>> -> memref<80x128xf32, #tpu.memory_space<vmem_shared>>
      %dma_start3A_231 = arith.constant 0 : i32
      %dma_start3A_232 = tpu.memref_slice %arg13[%add3A_121, %dma_start3A_231] : memref<10240x128xf32, #tpu.memory_space<vmem_shared>> -> memref<80x128xf32, #tpu.memory_space<vmem_shared>>
      tpu.enqueue_dma source(%arg12 : memref<80x128xf32, #tpu.memory_space<vmem>>) target(%dma_start3A_232 : memref<80x128xf32, #tpu.memory_space<vmem_shared>>) target_semaphore(%run_scoped3A : memref<!tpu.dma_semaphore, #tpu.memory_space<semaphore_mem>>)
      %dma_wait3A_233 = arith.constant 0 : i32
      %dma_wait3A_234 = tpu.memref_slice %arg13[%add3A_121, %dma_wait3A_233] : memref<10240x128xf32, #tpu.memory_space<vmem_shared>> -> memref<80x128xf32, #tpu.memory_space<vmem_shared>>
      %dma_wait3A_235 = arith.constant 0 : i32
      %dma_wait3A_236 = tpu.memref_slice %arg13[%add3A_121, %dma_wait3A_235] : memref<10240x128xf32, #tpu.memory_space<vmem_shared>> -> memref<80x128xf32, #tpu.memory_space<vmem_shared>>
      tpu.wait_dma2 semaphore(%run_scoped3A : memref<!tpu.dma_semaphore, #tpu.memory_space<semaphore_mem>>) src(%arg12 : memref<80x128xf32, #tpu.memory_space<vmem>>) dst(%dma_wait3A_236 : memref<80x128xf32, #tpu.memory_space<vmem_shared>>)
      tpu.yield
    }) : () -> ()
    %mul3A_122 = arith.constant 640 : i32
    %mul3A_123 = arith.muli %arg1, %mul3A_122 : i32
    %add3A_124 = arith.constant 560 : i32
    %add3A_125 = arith.addi %mul3A_123, %add3A_124 : i32
    "tpu.region"() ({
      %run_scoped3A = tpu.sem_alloc : memref<!tpu.dma_semaphore, #tpu.memory_space<semaphore_mem>>
      %dma_start3A_229 = arith.constant 0 : i32
      %dma_start3A_230 = tpu.memref_slice %arg13[%add3A_125, %dma_start3A_229] : memref<10240x128xf32, #tpu.memory_space<vmem_shared>> -> memref<80x128xf32, #tpu.memory_space<vmem_shared>>
      %dma_start3A_231 = arith.constant 0 : i32
      %dma_start3A_232 = tpu.memref_slice %arg13[%add3A_125, %dma_start3A_231] : memref<10240x128xf32, #tpu.memory_space<vmem_shared>> -> memref<80x128xf32, #tpu.memory_space<vmem_shared>>
      tpu.enqueue_dma source(%arg12 : memref<80x128xf32, #tpu.memory_space<vmem>>) target(%dma_start3A_232 : memref<80x128xf32, #tpu.memory_space<vmem_shared>>) target_semaphore(%run_scoped3A : memref<!tpu.dma_semaphore, #tpu.memory_space<semaphore_mem>>)
      %dma_wait3A_233 = arith.constant 0 : i32
      %dma_wait3A_234 = tpu.memref_slice %arg13[%add3A_125, %dma_wait3A_233] : memref<10240x128xf32, #tpu.memory_space<vmem_shared>> -> memref<80x128xf32, #tpu.memory_space<vmem_shared>>
      %dma_wait3A_235 = arith.constant 0 : i32
      %dma_wait3A_236 = tpu.memref_slice %arg13[%add3A_125, %dma_wait3A_235] : memref<10240x128xf32, #tpu.memory_space<vmem_shared>> -> memref<80x128xf32, #tpu.memory_space<vmem_shared>>
      tpu.wait_dma2 semaphore(%run_scoped3A : memref<!tpu.dma_semaphore, #tpu.memory_space<semaphore_mem>>) src(%arg12 : memref<80x128xf32, #tpu.memory_space<vmem>>) dst(%dma_wait3A_236 : memref<80x128xf32, #tpu.memory_space<vmem_shared>>)
      tpu.yield
    }) : () -> ()
    %barrier3A = arith.constant 0 : index
    tpu.barrier barrier_id(%barrier3A)
    %scan3A = arith.constant 0 : i32
    %scan3A_126 = arith.constant 0 : i32
    %scan3A_127 = arith.constant 62 : i32
    %scan3A_128 = arith.addi %scan3A_126, %scan3A_127 : i32
    %scan3A_129 = arith.constant 1 : i32
    scf.for %scan3A_229 = %scan3A_126 to %scan3A_128 step %scan3A_129  : i32 {
      %mul3A_230 = arith.constant 2 : i32
      %mul3A_231 = arith.muli %mul3A_230, %scan3A_229 : i32
      %mul3A_232 = arith.constant 2 : i32
      %mul3A_233 = arith.muli %mul3A_232, %scan3A_229 : i32
      %add3A_234 = arith.constant 1 : i32
      %add3A_235 = arith.addi %mul3A_233, %add3A_234 : i32
      %get3A_236 = arith.index_cast %add3A_235 : i32 to index
      %get3A_237 = arith.constant 0 : index
      %get3A_238 = tpu.vector_load %arg6[%get3A_236, %get3A_237] {strides = array<i32>} : memref<125x80xi32, #tpu.memory_space<vmem>>, vector<1x16xi32>,
      %get3A_239 = vector.shape_cast %get3A_238 : vector<1x16xi32> to vector<16xi32>
      %and3A_240 = arith.constant 16383 : i32
      %and3A_241 = vector.broadcast %and3A_240 : i32 to vector<16xi32>
      %and3A_242 = arith.andi %get3A_239, %and3A_241 : vector<16xi32>
      %swap3A_243 = arith.constant 0 : index
      %swap3A_244 = tpu.vector_load %arg9[%swap3A_243] {strides = array<i32>} : memref<80xi32, #tpu.memory_space<vmem>>, vector<16xi32>,
      %swap3A_245 = vector.shape_cast %swap3A_244 : vector<16xi32> to vector<16xi32>
      %swap3A_246 = vector.shape_cast %and3A_242 : vector<16xi32> to vector<16xi32>
      tpu.vector_store %arg9[%swap3A_243], %swap3A_246 {strides = array<i32>} : memref<80xi32, #tpu.memory_space<vmem>>, vector<16xi32>,
      %shift_right_arithmetic3A_247 = arith.constant 14 : i32
      %shift_right_arithmetic3A_248 = vector.broadcast %shift_right_arithmetic3A_247 : i32 to vector<16xi32>
      %shift_right_arithmetic3A_249 = arith.shrsi %get3A_239, %shift_right_arithmetic3A_248 : vector<16xi32>
      %swap3A_250 = arith.constant 0 : index
      %swap3A_251 = tpu.vector_load %arg10[%swap3A_250] {strides = array<i32>} : memref<80xi32, #tpu.memory_space<vmem>>, vector<16xi32>,
      %swap3A_252 = vector.shape_cast %swap3A_251 : vector<16xi32> to vector<16xi32>
      %swap3A_253 = vector.shape_cast %shift_right_arithmetic3A_249 : vector<16xi32> to vector<16xi32>
      tpu.vector_store %arg10[%swap3A_250], %swap3A_253 {strides = array<i32>} : memref<80xi32, #tpu.memory_space<vmem>>, vector<16xi32>,
      %get3A_254 = arith.index_cast %add3A_235 : i32 to index
      %get3A_255 = arith.constant 16 : index
      %get3A_256 = tpu.vector_load %arg6[%get3A_254, %get3A_255] {strides = array<i32>} : memref<125x80xi32, #tpu.memory_space<vmem>>, vector<1x16xi32>,
      %get3A_257 = vector.shape_cast %get3A_256 : vector<1x16xi32> to vector<16xi32>
      %and3A_258 = arith.constant 16383 : i32
      %and3A_259 = vector.broadcast %and3A_258 : i32 to vector<16xi32>
      %and3A_260 = arith.andi %get3A_257, %and3A_259 : vector<16xi32>
      %swap3A_261 = arith.constant 16 : index
      %swap3A_262 = tpu.vector_load %arg9[%swap3A_261] {strides = array<i32>} : memref<80xi32, #tpu.memory_space<vmem>>, vector<16xi32>,
      %swap3A_263 = vector.shape_cast %swap3A_262 : vector<16xi32> to vector<16xi32>
      %swap3A_264 = vector.shape_cast %and3A_260 : vector<16xi32> to vector<16xi32>
      tpu.vector_store %arg9[%swap3A_261], %swap3A_264 {strides = array<i32>} : memref<80xi32, #tpu.memory_space<vmem>>, vector<16xi32>,
      %shift_right_arithmetic3A_265 = arith.constant 14 : i32
      %shift_right_arithmetic3A_266 = vector.broadcast %shift_right_arithmetic3A_265 : i32 to vector<16xi32>
      %shift_right_arithmetic3A_267 = arith.shrsi %get3A_257, %shift_right_arithmetic3A_266 : vector<16xi32>
      %swap3A_268 = arith.constant 16 : index
      %swap3A_269 = tpu.vector_load %arg10[%swap3A_268] {strides = array<i32>} : memref<80xi32, #tpu.memory_space<vmem>>, vector<16xi32>,
      %swap3A_270 = vector.shape_cast %swap3A_269 : vector<16xi32> to vector<16xi32>
      %swap3A_271 = vector.shape_cast %shift_right_arithmetic3A_267 : vector<16xi32> to vector<16xi32>
      tpu.vector_store %arg10[%swap3A_268], %swap3A_271 {strides = array<i32>} : memref<80xi32, #tpu.memory_space<vmem>>, vector<16xi32>,
      %get3A_272 = arith.index_cast %add3A_235 : i32 to index
      %get3A_273 = arith.constant 32 : index
      %get3A_274 = tpu.vector_load %arg6[%get3A_272, %get3A_273] {strides = array<i32>} : memref<125x80xi32, #tpu.memory_space<vmem>>, vector<1x16xi32>,
      %get3A_275 = vector.shape_cast %get3A_274 : vector<1x16xi32> to vector<16xi32>
      %and3A_276 = arith.constant 16383 : i32
      %and3A_277 = vector.broadcast %and3A_276 : i32 to vector<16xi32>
      %and3A_278 = arith.andi %get3A_275, %and3A_277 : vector<16xi32>
      %swap3A_279 = arith.constant 32 : index
      %swap3A_280 = tpu.vector_load %arg9[%swap3A_279] {strides = array<i32>} : memref<80xi32, #tpu.memory_space<vmem>>, vector<16xi32>,
      %swap3A_281 = vector.shape_cast %swap3A_280 : vector<16xi32> to vector<16xi32>
      %swap3A_282 = vector.shape_cast %and3A_278 : vector<16xi32> to vector<16xi32>
      tpu.vector_store %arg9[%swap3A_279], %swap3A_282 {strides = array<i32>} : memref<80xi32, #tpu.memory_space<vmem>>, vector<16xi32>,
      %shift_right_arithmetic3A_283 = arith.constant 14 : i32
      %shift_right_arithmetic3A_284 = vector.broadcast %shift_right_arithmetic3A_283 : i32 to vector<16xi32>
      %shift_right_arithmetic3A_285 = arith.shrsi %get3A_275, %shift_right_arithmetic3A_284 : vector<16xi32>
      %swap3A_286 = arith.constant 32 : index
      %swap3A_287 = tpu.vector_load %arg10[%swap3A_286] {strides = array<i32>} : memref<80xi32, #tpu.memory_space<vmem>>, vector<16xi32>,
      %swap3A_288 = vector.shape_cast %swap3A_287 : vector<16xi32> to vector<16xi32>
      %swap3A_289 = vector.shape_cast %shift_right_arithmetic3A_285 : vector<16xi32> to vector<16xi32>
      tpu.vector_store %arg10[%swap3A_286], %swap3A_289 {strides = array<i32>} : memref<80xi32, #tpu.memory_space<vmem>>, vector<16xi32>,
      %get3A_290 = arith.index_cast %add3A_235 : i32 to index
      %get3A_291 = arith.constant 48 : index
      %get3A_292 = tpu.vector_load %arg6[%get3A_290, %get3A_291] {strides = array<i32>} : memref<125x80xi32, #tpu.memory_space<vmem>>, vector<1x16xi32>,
      %get3A_293 = vector.shape_cast %get3A_292 : vector<1x16xi32> to vector<16xi32>
      %and3A_294 = arith.constant 16383 : i32
      %and3A_295 = vector.broadcast %and3A_294 : i32 to vector<16xi32>
      %and3A_296 = arith.andi %get3A_293, %and3A_295 : vector<16xi32>
      %swap3A_297 = arith.constant 48 : index
      %swap3A_298 = tpu.vector_load %arg9[%swap3A_297] {strides = array<i32>} : memref<80xi32, #tpu.memory_space<vmem>>, vector<16xi32>,
      %swap3A_299 = vector.shape_cast %swap3A_298 : vector<16xi32> to vector<16xi32>
      %swap3A_300 = vector.shape_cast %and3A_296 : vector<16xi32> to vector<16xi32>
      tpu.vector_store %arg9[%swap3A_297], %swap3A_300 {strides = array<i32>} : memref<80xi32, #tpu.memory_space<vmem>>, vector<16xi32>,
      %shift_right_arithmetic3A_301 = arith.constant 14 : i32
      %shift_right_arithmetic3A_302 = vector.broadcast %shift_right_arithmetic3A_301 : i32 to vector<16xi32>
      %shift_right_arithmetic3A_303 = arith.shrsi %get3A_293, %shift_right_arithmetic3A_302 : vector<16xi32>
      %swap3A_304 = arith.constant 48 : index
      %swap3A_305 = tpu.vector_load %arg10[%swap3A_304] {strides = array<i32>} : memref<80xi32, #tpu.memory_space<vmem>>, vector<16xi32>,
      %swap3A_306 = vector.shape_cast %swap3A_305 : vector<16xi32> to vector<16xi32>
      %swap3A_307 = vector.shape_cast %shift_right_arithmetic3A_303 : vector<16xi32> to vector<16xi32>
      tpu.vector_store %arg10[%swap3A_304], %swap3A_307 {strides = array<i32>} : memref<80xi32, #tpu.memory_space<vmem>>, vector<16xi32>,
      %get3A_308 = arith.index_cast %add3A_235 : i32 to index
      %get3A_309 = arith.constant 64 : index
      %get3A_310 = tpu.vector_load %arg6[%get3A_308, %get3A_309] {strides = array<i32>} : memref<125x80xi32, #tpu.memory_space<vmem>>, vector<1x16xi32>,
      %get3A_311 = vector.shape_cast %get3A_310 : vector<1x16xi32> to vector<16xi32>
      %and3A_312 = arith.constant 16383 : i32
      %and3A_313 = vector.broadcast %and3A_312 : i32 to vector<16xi32>
      %and3A_314 = arith.andi %get3A_311, %and3A_313 : vector<16xi32>
      %swap3A_315 = arith.constant 64 : index
      %swap3A_316 = tpu.vector_load %arg9[%swap3A_315] {strides = array<i32>} : memref<80xi32, #tpu.memory_space<vmem>>, vector<16xi32>,
      %swap3A_317 = vector.shape_cast %swap3A_316 : vector<16xi32> to vector<16xi32>
      %swap3A_318 = vector.shape_cast %and3A_314 : vector<16xi32> to vector<16xi32>
      tpu.vector_store %arg9[%swap3A_315], %swap3A_318 {strides = array<i32>} : memref<80xi32, #tpu.memory_space<vmem>>, vector<16xi32>,
      %shift_right_arithmetic3A_319 = arith.constant 14 : i32
      %shift_right_arithmetic3A_320 = vector.broadcast %shift_right_arithmetic3A_319 : i32 to vector<16xi32>
      %shift_right_arithmetic3A_321 = arith.shrsi %get3A_311, %shift_right_arithmetic3A_320 : vector<16xi32>
      %swap3A_322 = arith.constant 64 : index
      %swap3A_323 = tpu.vector_load %arg10[%swap3A_322] {strides = array<i32>} : memref<80xi32, #tpu.memory_space<vmem>>, vector<16xi32>,
      %swap3A_324 = vector.shape_cast %swap3A_323 : vector<16xi32> to vector<16xi32>
      %swap3A_325 = vector.shape_cast %shift_right_arithmetic3A_321 : vector<16xi32> to vector<16xi32>
      tpu.vector_store %arg10[%swap3A_322], %swap3A_325 {strides = array<i32>} : memref<80xi32, #tpu.memory_space<vmem>>, vector<16xi32>,
      %dma_start3A_326 = arith.constant 0 : i32
      %dma_start3A_327 = arith.constant 0 : i32
      %dma_start3A_328 = tpu.memref_slice %arg2[%dma_start3A_326, %dma_start3A_327] : memref<10000x128xf32, #tpu.memory_space<hbm>> -> memref<10000x128xf32, #tpu.memory_space<hbm>>
      tpu.enqueue_indirect_dma source(%dma_start3A_328 : memref<10000x128xf32, #tpu.memory_space<hbm>>) target(%arg12 : memref<80x128xf32, #tpu.memory_space<vmem>>) offsets(%arg9 : memref<80xi32, #tpu.memory_space<vmem>>) semaphore(%arg15 : memref<!tpu.dma_semaphore, #tpu.memory_space<semaphore_mem>>)
      %dma_wait3A_329 = arith.constant 0 : i32
      %dma_wait3A_330 = arith.constant 0 : i32
      %dma_wait3A_331 = tpu.memref_slice %arg2[%dma_wait3A_329, %dma_wait3A_330] : memref<10000x128xf32, #tpu.memory_space<hbm>> -> memref<10000x128xf32, #tpu.memory_space<hbm>>
      tpu.wait_indirect_dma semaphore(%arg14 : memref<!tpu.dma_semaphore, #tpu.memory_space<semaphore_mem>>) src(%dma_wait3A_331 : memref<10000x128xf32, #tpu.memory_space<hbm>>) dst(%arg11 : memref<80x128xf32, #tpu.memory_space<vmem>>)
      "tpu.region"() ({
        %run_scoped3A = tpu.sem_alloc : memref<!tpu.dma_semaphore, #tpu.memory_space<semaphore_mem>>
        %dma_start3A_430 = arith.constant 0 : i32
        %dma_start3A_431 = arith.constant 0 : i32
        %dma_start3A_432 = tpu.memref_slice %arg13[%dma_start3A_430, %dma_start3A_431] : memref<10240x128xf32, #tpu.memory_space<vmem_shared>> -> memref<10240x128xf32, #tpu.memory_space<vmem_shared>>
        tpu.enqueue_indirect_dma source(%arg11 : memref<80x128xf32, #tpu.memory_space<vmem>>) target(%dma_start3A_432 : memref<10240x128xf32, #tpu.memory_space<vmem_shared>>) offsets(%arg8 : memref<80xi32, #tpu.memory_space<vmem>>) semaphore(%run_scoped3A : memref<!tpu.dma_semaphore, #tpu.memory_space<semaphore_mem>>) {add = true}
        %dma_wait3A_433 = arith.constant 0 : i32
        %dma_wait3A_434 = arith.constant 0 : i32
        %dma_wait3A_435 = tpu.memref_slice %arg13[%dma_wait3A_433, %dma_wait3A_434] : memref<10240x128xf32, #tpu.memory_space<vmem_shared>> -> memref<10240x128xf32, #tpu.memory_space<vmem_shared>>
        tpu.wait_indirect_dma semaphore(%run_scoped3A : memref<!tpu.dma_semaphore, #tpu.memory_space<semaphore_mem>>) src(%arg11 : memref<80x128xf32, #tpu.memory_space<vmem>>) dst(%dma_wait3A_435 : memref<10240x128xf32, #tpu.memory_space<vmem_shared>>)
        tpu.yield
      }) : () -> ()
      %add3A_332 = arith.constant 2 : i32
      %add3A_333 = arith.addi %mul3A_231, %add3A_332 : i32
      %get3A_334 = arith.index_cast %add3A_333 : i32 to index
      %get3A_335 = arith.constant 0 : index
      %get3A_336 = tpu.vector_load %arg6[%get3A_334, %get3A_335] {strides = array<i32>} : memref<125x80xi32, #tpu.memory_space<vmem>>, vector<1x16xi32>,
      %get3A_337 = vector.shape_cast %get3A_336 : vector<1x16xi32> to vector<16xi32>
      %and3A_338 = arith.constant 16383 : i32
      %and3A_339 = vector.broadcast %and3A_338 : i32 to vector<16xi32>
      %and3A_340 = arith.andi %get3A_337, %and3A_339 : vector<16xi32>
      %swap3A_341 = arith.constant 0 : index
      %swap3A_342 = tpu.vector_load %arg7[%swap3A_341] {strides = array<i32>} : memref<80xi32, #tpu.memory_space<vmem>>, vector<16xi32>,
      %swap3A_343 = vector.shape_cast %swap3A_342 : vector<16xi32> to vector<16xi32>
      %swap3A_344 = vector.shape_cast %and3A_340 : vector<16xi32> to vector<16xi32>
      tpu.vector_store %arg7[%swap3A_341], %swap3A_344 {strides = array<i32>} : memref<80xi32, #tpu.memory_space<vmem>>, vector<16xi32>,
      %shift_right_arithmetic3A_345 = arith.constant 14 : i32
      %shift_right_arithmetic3A_346 = vector.broadcast %shift_right_arithmetic3A_345 : i32 to vector<16xi32>
      %shift_right_arithmetic3A_347 = arith.shrsi %get3A_337, %shift_right_arithmetic3A_346 : vector<16xi32>
      %swap3A_348 = arith.constant 0 : index
      %swap3A_349 = tpu.vector_load %arg8[%swap3A_348] {strides = array<i32>} : memref<80xi32, #tpu.memory_space<vmem>>, vector<16xi32>,
      %swap3A_350 = vector.shape_cast %swap3A_349 : vector<16xi32> to vector<16xi32>
      %swap3A_351 = vector.shape_cast %shift_right_arithmetic3A_347 : vector<16xi32> to vector<16xi32>
      tpu.vector_store %arg8[%swap3A_348], %swap3A_351 {strides = array<i32>} : memref<80xi32, #tpu.memory_space<vmem>>, vector<16xi32>,
      %get3A_352 = arith.index_cast %add3A_333 : i32 to index
      %get3A_353 = arith.constant 16 : index
      %get3A_354 = tpu.vector_load %arg6[%get3A_352, %get3A_353] {strides = array<i32>} : memref<125x80xi32, #tpu.memory_space<vmem>>, vector<1x16xi32>,
      %get3A_355 = vector.shape_cast %get3A_354 : vector<1x16xi32> to vector<16xi32>
      %and3A_356 = arith.constant 16383 : i32
      %and3A_357 = vector.broadcast %and3A_356 : i32 to vector<16xi32>
      %and3A_358 = arith.andi %get3A_355, %and3A_357 : vector<16xi32>
      %swap3A_359 = arith.constant 16 : index
      %swap3A_360 = tpu.vector_load %arg7[%swap3A_359] {strides = array<i32>} : memref<80xi32, #tpu.memory_space<vmem>>, vector<16xi32>,
      %swap3A_361 = vector.shape_cast %swap3A_360 : vector<16xi32> to vector<16xi32>
      %swap3A_362 = vector.shape_cast %and3A_358 : vector<16xi32> to vector<16xi32>
      tpu.vector_store %arg7[%swap3A_359], %swap3A_362 {strides = array<i32>} : memref<80xi32, #tpu.memory_space<vmem>>, vector<16xi32>,
      %shift_right_arithmetic3A_363 = arith.constant 14 : i32
      %shift_right_arithmetic3A_364 = vector.broadcast %shift_right_arithmetic3A_363 : i32 to vector<16xi32>
      %shift_right_arithmetic3A_365 = arith.shrsi %get3A_355, %shift_right_arithmetic3A_364 : vector<16xi32>
      %swap3A_366 = arith.constant 16 : index
      %swap3A_367 = tpu.vector_load %arg8[%swap3A_366] {strides = array<i32>} : memref<80xi32, #tpu.memory_space<vmem>>, vector<16xi32>,
      %swap3A_368 = vector.shape_cast %swap3A_367 : vector<16xi32> to vector<16xi32>
      %swap3A_369 = vector.shape_cast %shift_right_arithmetic3A_365 : vector<16xi32> to vector<16xi32>
      tpu.vector_store %arg8[%swap3A_366], %swap3A_369 {strides = array<i32>} : memref<80xi32, #tpu.memory_space<vmem>>, vector<16xi32>,
      %get3A_370 = arith.index_cast %add3A_333 : i32 to index
      %get3A_371 = arith.constant 32 : index
      %get3A_372 = tpu.vector_load %arg6[%get3A_370, %get3A_371] {strides = array<i32>} : memref<125x80xi32, #tpu.memory_space<vmem>>, vector<1x16xi32>,
      %get3A_373 = vector.shape_cast %get3A_372 : vector<1x16xi32> to vector<16xi32>
      %and3A_374 = arith.constant 16383 : i32
      %and3A_375 = vector.broadcast %and3A_374 : i32 to vector<16xi32>
      %and3A_376 = arith.andi %get3A_373, %and3A_375 : vector<16xi32>
      %swap3A_377 = arith.constant 32 : index
      %swap3A_378 = tpu.vector_load %arg7[%swap3A_377] {strides = array<i32>} : memref<80xi32, #tpu.memory_space<vmem>>, vector<16xi32>,
      %swap3A_379 = vector.shape_cast %swap3A_378 : vector<16xi32> to vector<16xi32>
      %swap3A_380 = vector.shape_cast %and3A_376 : vector<16xi32> to vector<16xi32>
      tpu.vector_store %arg7[%swap3A_377], %swap3A_380 {strides = array<i32>} : memref<80xi32, #tpu.memory_space<vmem>>, vector<16xi32>,
      %shift_right_arithmetic3A_381 = arith.constant 14 : i32
      %shift_right_arithmetic3A_382 = vector.broadcast %shift_right_arithmetic3A_381 : i32 to vector<16xi32>
      %shift_right_arithmetic3A_383 = arith.shrsi %get3A_373, %shift_right_arithmetic3A_382 : vector<16xi32>
      %swap3A_384 = arith.constant 32 : index
      %swap3A_385 = tpu.vector_load %arg8[%swap3A_384] {strides = array<i32>} : memref<80xi32, #tpu.memory_space<vmem>>, vector<16xi32>,
      %swap3A_386 = vector.shape_cast %swap3A_385 : vector<16xi32> to vector<16xi32>
      %swap3A_387 = vector.shape_cast %shift_right_arithmetic3A_383 : vector<16xi32> to vector<16xi32>
      tpu.vector_store %arg8[%swap3A_384], %swap3A_387 {strides = array<i32>} : memref<80xi32, #tpu.memory_space<vmem>>, vector<16xi32>,
      %get3A_388 = arith.index_cast %add3A_333 : i32 to index
      %get3A_389 = arith.constant 48 : index
      %get3A_390 = tpu.vector_load %arg6[%get3A_388, %get3A_389] {strides = array<i32>} : memref<125x80xi32, #tpu.memory_space<vmem>>, vector<1x16xi32>,
      %get3A_391 = vector.shape_cast %get3A_390 : vector<1x16xi32> to vector<16xi32>
      %and3A_392 = arith.constant 16383 : i32
      %and3A_393 = vector.broadcast %and3A_392 : i32 to vector<16xi32>
      %and3A_394 = arith.andi %get3A_391, %and3A_393 : vector<16xi32>
      %swap3A_395 = arith.constant 48 : index
      %swap3A_396 = tpu.vector_load %arg7[%swap3A_395] {strides = array<i32>} : memref<80xi32, #tpu.memory_space<vmem>>, vector<16xi32>,
      %swap3A_397 = vector.shape_cast %swap3A_396 : vector<16xi32> to vector<16xi32>
      %swap3A_398 = vector.shape_cast %and3A_394 : vector<16xi32> to vector<16xi32>
      tpu.vector_store %arg7[%swap3A_395], %swap3A_398 {strides = array<i32>} : memref<80xi32, #tpu.memory_space<vmem>>, vector<16xi32>,
      %shift_right_arithmetic3A_399 = arith.constant 14 : i32
      %shift_right_arithmetic3A_400 = vector.broadcast %shift_right_arithmetic3A_399 : i32 to vector<16xi32>
      %shift_right_arithmetic3A_401 = arith.shrsi %get3A_391, %shift_right_arithmetic3A_400 : vector<16xi32>
      %swap3A_402 = arith.constant 48 : index
      %swap3A_403 = tpu.vector_load %arg8[%swap3A_402] {strides = array<i32>} : memref<80xi32, #tpu.memory_space<vmem>>, vector<16xi32>,
      %swap3A_404 = vector.shape_cast %swap3A_403 : vector<16xi32> to vector<16xi32>
      %swap3A_405 = vector.shape_cast %shift_right_arithmetic3A_401 : vector<16xi32> to vector<16xi32>
      tpu.vector_store %arg8[%swap3A_402], %swap3A_405 {strides = array<i32>} : memref<80xi32, #tpu.memory_space<vmem>>, vector<16xi32>,
      %get3A_406 = arith.index_cast %add3A_333 : i32 to index
      %get3A_407 = arith.constant 64 : index
      %get3A_408 = tpu.vector_load %arg6[%get3A_406, %get3A_407] {strides = array<i32>} : memref<125x80xi32, #tpu.memory_space<vmem>>, vector<1x16xi32>,
      %get3A_409 = vector.shape_cast %get3A_408 : vector<1x16xi32> to vector<16xi32>
      %and3A_410 = arith.constant 16383 : i32
      %and3A_411 = vector.broadcast %and3A_410 : i32 to vector<16xi32>
      %and3A_412 = arith.andi %get3A_409, %and3A_411 : vector<16xi32>
      %swap3A_413 = arith.constant 64 : index
      %swap3A_414 = tpu.vector_load %arg7[%swap3A_413] {strides = array<i32>} : memref<80xi32, #tpu.memory_space<vmem>>, vector<16xi32>,
      %swap3A_415 = vector.shape_cast %swap3A_414 : vector<16xi32> to vector<16xi32>
      %swap3A_416 = vector.shape_cast %and3A_412 : vector<16xi32> to vector<16xi32>
      tpu.vector_store %arg7[%swap3A_413], %swap3A_416 {strides = array<i32>} : memref<80xi32, #tpu.memory_space<vmem>>, vector<16xi32>,
      %shift_right_arithmetic3A_417 = arith.constant 14 : i32
      %shift_right_arithmetic3A_418 = vector.broadcast %shift_right_arithmetic3A_417 : i32 to vector<16xi32>
      %shift_right_arithmetic3A_419 = arith.shrsi %get3A_409, %shift_right_arithmetic3A_418 : vector<16xi32>
      %swap3A_420 = arith.constant 64 : index
      %swap3A_421 = tpu.vector_load %arg8[%swap3A_420] {strides = array<i32>} : memref<80xi32, #tpu.memory_space<vmem>>, vector<16xi32>,
      %swap3A_422 = vector.shape_cast %swap3A_421 : vector<16xi32> to vector<16xi32>
      %swap3A_423 = vector.shape_cast %shift_right_arithmetic3A_419 : vector<16xi32> to vector<16xi32>
      tpu.vector_store %arg8[%swap3A_420], %swap3A_423 {strides = array<i32>} : memref<80xi32, #tpu.memory_space<vmem>>, vector<16xi32>,
      %dma_start3A_424 = arith.constant 0 : i32
      %dma_start3A_425 = arith.constant 0 : i32
      %dma_start3A_426 = tpu.memref_slice %arg2[%dma_start3A_424, %dma_start3A_425] : memref<10000x128xf32, #tpu.memory_space<hbm>> -> memref<10000x128xf32, #tpu.memory_space<hbm>>
      tpu.enqueue_indirect_dma source(%dma_start3A_426 : memref<10000x128xf32, #tpu.memory_space<hbm>>) target(%arg11 : memref<80x128xf32, #tpu.memory_space<vmem>>) offsets(%arg7 : memref<80xi32, #tpu.memory_space<vmem>>) semaphore(%arg14 : memref<!tpu.dma_semaphore, #tpu.memory_space<semaphore_mem>>)
      %dma_wait3A_427 = arith.constant 0 : i32
      %dma_wait3A_428 = arith.constant 0 : i32
      %dma_wait3A_429 = tpu.memref_slice %arg2[%dma_wait3A_427, %dma_wait3A_428] : memref<10000x128xf32, #tpu.memory_space<hbm>> -> memref<10000x128xf32, #tpu.memory_space<hbm>>
      tpu.wait_indirect_dma semaphore(%arg15 : memref<!tpu.dma_semaphore, #tpu.memory_space<semaphore_mem>>) src(%dma_wait3A_429 : memref<10000x128xf32, #tpu.memory_space<hbm>>) dst(%arg12 : memref<80x128xf32, #tpu.memory_space<vmem>>)
      "tpu.region"() ({
        %run_scoped3A = tpu.sem_alloc : memref<!tpu.dma_semaphore, #tpu.memory_space<semaphore_mem>>
        %dma_start3A_430 = arith.constant 0 : i32
        %dma_start3A_431 = arith.constant 0 : i32
        %dma_start3A_432 = tpu.memref_slice %arg13[%dma_start3A_430, %dma_start3A_431] : memref<10240x128xf32, #tpu.memory_space<vmem_shared>> -> memref<10240x128xf32, #tpu.memory_space<vmem_shared>>
        tpu.enqueue_indirect_dma source(%arg12 : memref<80x128xf32, #tpu.memory_space<vmem>>) target(%dma_start3A_432 : memref<10240x128xf32, #tpu.memory_space<vmem_shared>>) offsets(%arg10 : memref<80xi32, #tpu.memory_space<vmem>>) semaphore(%run_scoped3A : memref<!tpu.dma_semaphore, #tpu.memory_space<semaphore_mem>>) {add = true}
        %dma_wait3A_433 = arith.constant 0 : i32
        %dma_wait3A_434 = arith.constant 0 : i32
        %dma_wait3A_435 = tpu.memref_slice %arg13[%dma_wait3A_433, %dma_wait3A_434] : memref<10240x128xf32, #tpu.memory_space<vmem_shared>> -> memref<10240x128xf32, #tpu.memory_space<vmem_shared>>
        tpu.wait_indirect_dma semaphore(%run_scoped3A : memref<!tpu.dma_semaphore, #tpu.memory_space<semaphore_mem>>) src(%arg12 : memref<80x128xf32, #tpu.memory_space<vmem>>) dst(%dma_wait3A_435 : memref<10240x128xf32, #tpu.memory_space<vmem_shared>>)
        tpu.yield
      }) : () -> ()
    }
    %scan3A_130 = arith.constant 62 : i32
    %dma_wait3A = arith.constant 0 : i32
    %dma_wait3A_131 = arith.constant 0 : i32
    %dma_wait3A_132 = tpu.memref_slice %arg2[%dma_wait3A, %dma_wait3A_131] : memref<10000x128xf32, #tpu.memory_space<hbm>> -> memref<10000x128xf32, #tpu.memory_space<hbm>>
    tpu.wait_indirect_dma semaphore(%arg14 : memref<!tpu.dma_semaphore, #tpu.memory_space<semaphore_mem>>) src(%dma_wait3A_132 : memref<10000x128xf32, #tpu.memory_space<hbm>>) dst(%arg11 : memref<80x128xf32, #tpu.memory_space<vmem>>)
    "tpu.region"() ({
      %run_scoped3A = tpu.sem_alloc : memref<!tpu.dma_semaphore, #tpu.memory_space<semaphore_mem>>
      %dma_start3A_229 = arith.constant 0 : i32
      %dma_start3A_230 = arith.constant 0 : i32
      %dma_start3A_231 = tpu.memref_slice %arg13[%dma_start3A_229, %dma_start3A_230] : memref<10240x128xf32, #tpu.memory_space<vmem_shared>> -> memref<10240x128xf32, #tpu.memory_space<vmem_shared>>
      tpu.enqueue_indirect_dma source(%arg11 : memref<80x128xf32, #tpu.memory_space<vmem>>) target(%dma_start3A_231 : memref<10240x128xf32, #tpu.memory_space<vmem_shared>>) offsets(%arg8 : memref<80xi32, #tpu.memory_space<vmem>>) semaphore(%run_scoped3A : memref<!tpu.dma_semaphore, #tpu.memory_space<semaphore_mem>>) {add = true}
      %dma_wait3A_232 = arith.constant 0 : i32
      %dma_wait3A_233 = arith.constant 0 : i32
      %dma_wait3A_234 = tpu.memref_slice %arg13[%dma_wait3A_232, %dma_wait3A_233] : memref<10240x128xf32, #tpu.memory_space<vmem_shared>> -> memref<10240x128xf32, #tpu.memory_space<vmem_shared>>
      tpu.wait_indirect_dma semaphore(%run_scoped3A : memref<!tpu.dma_semaphore, #tpu.memory_space<semaphore_mem>>) src(%arg11 : memref<80x128xf32, #tpu.memory_space<vmem>>) dst(%dma_wait3A_234 : memref<10240x128xf32, #tpu.memory_space<vmem_shared>>)
      tpu.yield
    }) : () -> ()
    %barrier3A_133 = arith.constant 0 : index
    tpu.barrier barrier_id(%barrier3A_133)
    %mul3A_134 = arith.constant 640 : i32
    %mul3A_135 = arith.muli %arg1, %mul3A_134 : i32
    %add3A_136 = arith.constant 0 : i32
    %add3A_137 = arith.addi %mul3A_135, %add3A_136 : i32
    "tpu.region"() ({
      %run_scoped3A = tpu.sem_alloc : memref<!tpu.dma_semaphore, #tpu.memory_space<semaphore_mem>>
      %dma_start3A_229 = arith.constant 0 : i32
      %dma_start3A_230 = tpu.memref_slice %arg13[%add3A_137, %dma_start3A_229] : memref<10240x128xf32, #tpu.memory_space<vmem_shared>> -> memref<80x128xf32, #tpu.memory_space<vmem_shared>>
      %dma_start3A_231 = arith.constant 0 : i32
      %dma_start3A_232 = tpu.memref_slice %arg13[%add3A_137, %dma_start3A_231] : memref<10240x128xf32, #tpu.memory_space<vmem_shared>> -> memref<80x128xf32, #tpu.memory_space<vmem_shared>>
      tpu.enqueue_dma source(%dma_start3A_232 : memref<80x128xf32, #tpu.memory_space<vmem_shared>>) target(%arg11 : memref<80x128xf32, #tpu.memory_space<vmem>>) target_semaphore(%run_scoped3A : memref<!tpu.dma_semaphore, #tpu.memory_space<semaphore_mem>>)
      %dma_wait3A_233 = arith.constant 0 : i32
      %dma_wait3A_234 = tpu.memref_slice %arg13[%add3A_137, %dma_wait3A_233] : memref<10240x128xf32, #tpu.memory_space<vmem_shared>> -> memref<80x128xf32, #tpu.memory_space<vmem_shared>>
      %dma_wait3A_235 = arith.constant 0 : i32
      %dma_wait3A_236 = tpu.memref_slice %arg13[%add3A_137, %dma_wait3A_235] : memref<10240x128xf32, #tpu.memory_space<vmem_shared>> -> memref<80x128xf32, #tpu.memory_space<vmem_shared>>
      tpu.wait_dma2 semaphore(%run_scoped3A : memref<!tpu.dma_semaphore, #tpu.memory_space<semaphore_mem>>) src(%dma_wait3A_236 : memref<80x128xf32, #tpu.memory_space<vmem_shared>>) dst(%arg11 : memref<80x128xf32, #tpu.memory_space<vmem>>)
      tpu.yield
    }) : () -> ()
    %mul3A_138 = arith.constant 10240 : i32
    %mul3A_139 = arith.muli %arg0, %mul3A_138 : i32
    %mul3A_140 = arith.constant 640 : i32
    %mul3A_141 = arith.muli %arg1, %mul3A_140 : i32
    %add3A_142 = arith.addi %mul3A_139, %mul3A_141 : i32
    %add3A_143 = arith.constant 0 : i32
    %add3A_144 = arith.addi %add3A_142, %add3A_143 : i32
    %multiple_of3A = tpu.assume_multiple %add3A_144, 8 : i32
    "tpu.region"() ({
      %run_scoped3A = tpu.sem_alloc : memref<!tpu.dma_semaphore, #tpu.memory_space<semaphore_mem>>
      %dma_start3A_229 = arith.constant 0 : i32
      %dma_start3A_230 = tpu.memref_slice %arg5[%multiple_of3A, %dma_start3A_229] : memref<20480x128xf32, #tpu.memory_space<hbm>> -> memref<80x128xf32, #tpu.memory_space<hbm>>
      %dma_start3A_231 = arith.constant 0 : i32
      %dma_start3A_232 = tpu.memref_slice %arg5[%multiple_of3A, %dma_start3A_231] : memref<20480x128xf32, #tpu.memory_space<hbm>> -> memref<80x128xf32, #tpu.memory_space<hbm>>
      tpu.enqueue_dma source(%arg11 : memref<80x128xf32, #tpu.memory_space<vmem>>) target(%dma_start3A_232 : memref<80x128xf32, #tpu.memory_space<hbm>>) target_semaphore(%run_scoped3A : memref<!tpu.dma_semaphore, #tpu.memory_space<semaphore_mem>>)
      %dma_wait3A_233 = arith.constant 0 : i32
      %dma_wait3A_234 = tpu.memref_slice %arg5[%multiple_of3A, %dma_wait3A_233] : memref<20480x128xf32, #tpu.memory_space<hbm>> -> memref<80x128xf32, #tpu.memory_space<hbm>>
      %dma_wait3A_235 = arith.constant 0 : i32
      %dma_wait3A_236 = tpu.memref_slice %arg5[%multiple_of3A, %dma_wait3A_235] : memref<20480x128xf32, #tpu.memory_space<hbm>> -> memref<80x128xf32, #tpu.memory_space<hbm>>
      tpu.wait_dma2 semaphore(%run_scoped3A : memref<!tpu.dma_semaphore, #tpu.memory_space<semaphore_mem>>) src(%arg11 : memref<80x128xf32, #tpu.memory_space<vmem>>) dst(%dma_wait3A_236 : memref<80x128xf32, #tpu.memory_space<hbm>>)
      tpu.yield
    }) : () -> ()
    %mul3A_145 = arith.constant 640 : i32
    %mul3A_146 = arith.muli %arg1, %mul3A_145 : i32
    %add3A_147 = arith.constant 80 : i32
    %add3A_148 = arith.addi %mul3A_146, %add3A_147 : i32
    "tpu.region"() ({
      %run_scoped3A = tpu.sem_alloc : memref<!tpu.dma_semaphore, #tpu.memory_space<semaphore_mem>>
      %dma_start3A_229 = arith.constant 0 : i32
      %dma_start3A_230 = tpu.memref_slice %arg13[%add3A_148, %dma_start3A_229] : memref<10240x128xf32, #tpu.memory_space<vmem_shared>> -> memref<80x128xf32, #tpu.memory_space<vmem_shared>>
      %dma_start3A_231 = arith.constant 0 : i32
      %dma_start3A_232 = tpu.memref_slice %arg13[%add3A_148, %dma_start3A_231] : memref<10240x128xf32, #tpu.memory_space<vmem_shared>> -> memref<80x128xf32, #tpu.memory_space<vmem_shared>>
      tpu.enqueue_dma source(%dma_start3A_232 : memref<80x128xf32, #tpu.memory_space<vmem_shared>>) target(%arg11 : memref<80x128xf32, #tpu.memory_space<vmem>>) target_semaphore(%run_scoped3A : memref<!tpu.dma_semaphore, #tpu.memory_space<semaphore_mem>>)
      %dma_wait3A_233 = arith.constant 0 : i32
      %dma_wait3A_234 = tpu.memref_slice %arg13[%add3A_148, %dma_wait3A_233] : memref<10240x128xf32, #tpu.memory_space<vmem_shared>> -> memref<80x128xf32, #tpu.memory_space<vmem_shared>>
      %dma_wait3A_235 = arith.constant 0 : i32
      %dma_wait3A_236 = tpu.memref_slice %arg13[%add3A_148, %dma_wait3A_235] : memref<10240x128xf32, #tpu.memory_space<vmem_shared>> -> memref<80x128xf32, #tpu.memory_space<vmem_shared>>
      tpu.wait_dma2 semaphore(%run_scoped3A : memref<!tpu.dma_semaphore, #tpu.memory_space<semaphore_mem>>) src(%dma_wait3A_236 : memref<80x128xf32, #tpu.memory_space<vmem_shared>>) dst(%arg11 : memref<80x128xf32, #tpu.memory_space<vmem>>)
      tpu.yield
    }) : () -> ()
    %mul3A_149 = arith.constant 10240 : i32
    %mul3A_150 = arith.muli %arg0, %mul3A_149 : i32
    %mul3A_151 = arith.constant 640 : i32
    %mul3A_152 = arith.muli %arg1, %mul3A_151 : i32
    %add3A_153 = arith.addi %mul3A_150, %mul3A_152 : i32
    %add3A_154 = arith.constant 80 : i32
    %add3A_155 = arith.addi %add3A_153, %add3A_154 : i32
    %multiple_of3A_156 = tpu.assume_multiple %add3A_155, 8 : i32
    "tpu.region"() ({
      %run_scoped3A = tpu.sem_alloc : memref<!tpu.dma_semaphore, #tpu.memory_space<semaphore_mem>>
      %dma_start3A_229 = arith.constant 0 : i32
      %dma_start3A_230 = tpu.memref_slice %arg5[%multiple_of3A_156, %dma_start3A_229] : memref<20480x128xf32, #tpu.memory_space<hbm>> -> memref<80x128xf32, #tpu.memory_space<hbm>>
      %dma_start3A_231 = arith.constant 0 : i32
      %dma_start3A_232 = tpu.memref_slice %arg5[%multiple_of3A_156, %dma_start3A_231] : memref<20480x128xf32, #tpu.memory_space<hbm>> -> memref<80x128xf32, #tpu.memory_space<hbm>>
      tpu.enqueue_dma source(%arg11 : memref<80x128xf32, #tpu.memory_space<vmem>>) target(%dma_start3A_232 : memref<80x128xf32, #tpu.memory_space<hbm>>) target_semaphore(%run_scoped3A : memref<!tpu.dma_semaphore, #tpu.memory_space<semaphore_mem>>)
      %dma_wait3A_233 = arith.constant 0 : i32
      %dma_wait3A_234 = tpu.memref_slice %arg5[%multiple_of3A_156, %dma_wait3A_233] : memref<20480x128xf32, #tpu.memory_space<hbm>> -> memref<80x128xf32, #tpu.memory_space<hbm>>
      %dma_wait3A_235 = arith.constant 0 : i32
      %dma_wait3A_236 = tpu.memref_slice %arg5[%multiple_of3A_156, %dma_wait3A_235] : memref<20480x128xf32, #tpu.memory_space<hbm>> -> memref<80x128xf32, #tpu.memory_space<hbm>>
      tpu.wait_dma2 semaphore(%run_scoped3A : memref<!tpu.dma_semaphore, #tpu.memory_space<semaphore_mem>>) src(%arg11 : memref<80x128xf32, #tpu.memory_space<vmem>>) dst(%dma_wait3A_236 : memref<80x128xf32, #tpu.memory_space<hbm>>)
      tpu.yield
    }) : () -> ()
    %mul3A_157 = arith.constant 640 : i32
    %mul3A_158 = arith.muli %arg1, %mul3A_157 : i32
    %add3A_159 = arith.constant 160 : i32
    %add3A_160 = arith.addi %mul3A_158, %add3A_159 : i32
    "tpu.region"() ({
      %run_scoped3A = tpu.sem_alloc : memref<!tpu.dma_semaphore, #tpu.memory_space<semaphore_mem>>
      %dma_start3A_229 = arith.constant 0 : i32
      %dma_start3A_230 = tpu.memref_slice %arg13[%add3A_160, %dma_start3A_229] : memref<10240x128xf32, #tpu.memory_space<vmem_shared>> -> memref<80x128xf32, #tpu.memory_space<vmem_shared>>
      %dma_start3A_231 = arith.constant 0 : i32
      %dma_start3A_232 = tpu.memref_slice %arg13[%add3A_160, %dma_start3A_231] : memref<10240x128xf32, #tpu.memory_space<vmem_shared>> -> memref<80x128xf32, #tpu.memory_space<vmem_shared>>
      tpu.enqueue_dma source(%dma_start3A_232 : memref<80x128xf32, #tpu.memory_space<vmem_shared>>) target(%arg11 : memref<80x128xf32, #tpu.memory_space<vmem>>) target_semaphore(%run_scoped3A : memref<!tpu.dma_semaphore, #tpu.memory_space<semaphore_mem>>)
      %dma_wait3A_233 = arith.constant 0 : i32
      %dma_wait3A_234 = tpu.memref_slice %arg13[%add3A_160, %dma_wait3A_233] : memref<10240x128xf32, #tpu.memory_space<vmem_shared>> -> memref<80x128xf32, #tpu.memory_space<vmem_shared>>
      %dma_wait3A_235 = arith.constant 0 : i32
      %dma_wait3A_236 = tpu.memref_slice %arg13[%add3A_160, %dma_wait3A_235] : memref<10240x128xf32, #tpu.memory_space<vmem_shared>> -> memref<80x128xf32, #tpu.memory_space<vmem_shared>>
      tpu.wait_dma2 semaphore(%run_scoped3A : memref<!tpu.dma_semaphore, #tpu.memory_space<semaphore_mem>>) src(%dma_wait3A_236 : memref<80x128xf32, #tpu.memory_space<vmem_shared>>) dst(%arg11 : memref<80x128xf32, #tpu.memory_space<vmem>>)
      tpu.yield
    }) : () -> ()
    %mul3A_161 = arith.constant 10240 : i32
    %mul3A_162 = arith.muli %arg0, %mul3A_161 : i32
    %mul3A_163 = arith.constant 640 : i32
    %mul3A_164 = arith.muli %arg1, %mul3A_163 : i32
    %add3A_165 = arith.addi %mul3A_162, %mul3A_164 : i32
    %add3A_166 = arith.constant 160 : i32
    %add3A_167 = arith.addi %add3A_165, %add3A_166 : i32
    %multiple_of3A_168 = tpu.assume_multiple %add3A_167, 8 : i32
    "tpu.region"() ({
      %run_scoped3A = tpu.sem_alloc : memref<!tpu.dma_semaphore, #tpu.memory_space<semaphore_mem>>
      %dma_start3A_229 = arith.constant 0 : i32
      %dma_start3A_230 = tpu.memref_slice %arg5[%multiple_of3A_168, %dma_start3A_229] : memref<20480x128xf32, #tpu.memory_space<hbm>> -> memref<80x128xf32, #tpu.memory_space<hbm>>
      %dma_start3A_231 = arith.constant 0 : i32
      %dma_start3A_232 = tpu.memref_slice %arg5[%multiple_of3A_168, %dma_start3A_231] : memref<20480x128xf32, #tpu.memory_space<hbm>> -> memref<80x128xf32, #tpu.memory_space<hbm>>
      tpu.enqueue_dma source(%arg11 : memref<80x128xf32, #tpu.memory_space<vmem>>) target(%dma_start3A_232 : memref<80x128xf32, #tpu.memory_space<hbm>>) target_semaphore(%run_scoped3A : memref<!tpu.dma_semaphore, #tpu.memory_space<semaphore_mem>>)
      %dma_wait3A_233 = arith.constant 0 : i32
      %dma_wait3A_234 = tpu.memref_slice %arg5[%multiple_of3A_168, %dma_wait3A_233] : memref<20480x128xf32, #tpu.memory_space<hbm>> -> memref<80x128xf32, #tpu.memory_space<hbm>>
      %dma_wait3A_235 = arith.constant 0 : i32
      %dma_wait3A_236 = tpu.memref_slice %arg5[%multiple_of3A_168, %dma_wait3A_235] : memref<20480x128xf32, #tpu.memory_space<hbm>> -> memref<80x128xf32, #tpu.memory_space<hbm>>
      tpu.wait_dma2 semaphore(%run_scoped3A : memref<!tpu.dma_semaphore, #tpu.memory_space<semaphore_mem>>) src(%arg11 : memref<80x128xf32, #tpu.memory_space<vmem>>) dst(%dma_wait3A_236 : memref<80x128xf32, #tpu.memory_space<hbm>>)
      tpu.yield
    }) : () -> ()
    %mul3A_169 = arith.constant 640 : i32
    %mul3A_170 = arith.muli %arg1, %mul3A_169 : i32
    %add3A_171 = arith.constant 240 : i32
    %add3A_172 = arith.addi %mul3A_170, %add3A_171 : i32
    "tpu.region"() ({
      %run_scoped3A = tpu.sem_alloc : memref<!tpu.dma_semaphore, #tpu.memory_space<semaphore_mem>>
      %dma_start3A_229 = arith.constant 0 : i32
      %dma_start3A_230 = tpu.memref_slice %arg13[%add3A_172, %dma_start3A_229] : memref<10240x128xf32, #tpu.memory_space<vmem_shared>> -> memref<80x128xf32, #tpu.memory_space<vmem_shared>>
      %dma_start3A_231 = arith.constant 0 : i32
      %dma_start3A_232 = tpu.memref_slice %arg13[%add3A_172, %dma_start3A_231] : memref<10240x128xf32, #tpu.memory_space<vmem_shared>> -> memref<80x128xf32, #tpu.memory_space<vmem_shared>>
      tpu.enqueue_dma source(%dma_start3A_232 : memref<80x128xf32, #tpu.memory_space<vmem_shared>>) target(%arg11 : memref<80x128xf32, #tpu.memory_space<vmem>>) target_semaphore(%run_scoped3A : memref<!tpu.dma_semaphore, #tpu.memory_space<semaphore_mem>>)
      %dma_wait3A_233 = arith.constant 0 : i32
      %dma_wait3A_234 = tpu.memref_slice %arg13[%add3A_172, %dma_wait3A_233] : memref<10240x128xf32, #tpu.memory_space<vmem_shared>> -> memref<80x128xf32, #tpu.memory_space<vmem_shared>>
      %dma_wait3A_235 = arith.constant 0 : i32
      %dma_wait3A_236 = tpu.memref_slice %arg13[%add3A_172, %dma_wait3A_235] : memref<10240x128xf32, #tpu.memory_space<vmem_shared>> -> memref<80x128xf32, #tpu.memory_space<vmem_shared>>
      tpu.wait_dma2 semaphore(%run_scoped3A : memref<!tpu.dma_semaphore, #tpu.memory_space<semaphore_mem>>) src(%dma_wait3A_236 : memref<80x128xf32, #tpu.memory_space<vmem_shared>>) dst(%arg11 : memref<80x128xf32, #tpu.memory_space<vmem>>)
      tpu.yield
    }) : () -> ()
    %mul3A_173 = arith.constant 10240 : i32
    %mul3A_174 = arith.muli %arg0, %mul3A_173 : i32
    %mul3A_175 = arith.constant 640 : i32
    %mul3A_176 = arith.muli %arg1, %mul3A_175 : i32
    %add3A_177 = arith.addi %mul3A_174, %mul3A_176 : i32
    %add3A_178 = arith.constant 240 : i32
    %add3A_179 = arith.addi %add3A_177, %add3A_178 : i32
    %multiple_of3A_180 = tpu.assume_multiple %add3A_179, 8 : i32
    "tpu.region"() ({
      %run_scoped3A = tpu.sem_alloc : memref<!tpu.dma_semaphore, #tpu.memory_space<semaphore_mem>>
      %dma_start3A_229 = arith.constant 0 : i32
      %dma_start3A_230 = tpu.memref_slice %arg5[%multiple_of3A_180, %dma_start3A_229] : memref<20480x128xf32, #tpu.memory_space<hbm>> -> memref<80x128xf32, #tpu.memory_space<hbm>>
      %dma_start3A_231 = arith.constant 0 : i32
      %dma_start3A_232 = tpu.memref_slice %arg5[%multiple_of3A_180, %dma_start3A_231] : memref<20480x128xf32, #tpu.memory_space<hbm>> -> memref<80x128xf32, #tpu.memory_space<hbm>>
      tpu.enqueue_dma source(%arg11 : memref<80x128xf32, #tpu.memory_space<vmem>>) target(%dma_start3A_232 : memref<80x128xf32, #tpu.memory_space<hbm>>) target_semaphore(%run_scoped3A : memref<!tpu.dma_semaphore, #tpu.memory_space<semaphore_mem>>)
      %dma_wait3A_233 = arith.constant 0 : i32
      %dma_wait3A_234 = tpu.memref_slice %arg5[%multiple_of3A_180, %dma_wait3A_233] : memref<20480x128xf32, #tpu.memory_space<hbm>> -> memref<80x128xf32, #tpu.memory_space<hbm>>
      %dma_wait3A_235 = arith.constant 0 : i32
      %dma_wait3A_236 = tpu.memref_slice %arg5[%multiple_of3A_180, %dma_wait3A_235] : memref<20480x128xf32, #tpu.memory_space<hbm>> -> memref<80x128xf32, #tpu.memory_space<hbm>>
      tpu.wait_dma2 semaphore(%run_scoped3A : memref<!tpu.dma_semaphore, #tpu.memory_space<semaphore_mem>>) src(%arg11 : memref<80x128xf32, #tpu.memory_space<vmem>>) dst(%dma_wait3A_236 : memref<80x128xf32, #tpu.memory_space<hbm>>)
      tpu.yield
    }) : () -> ()
    %mul3A_181 = arith.constant 640 : i32
    %mul3A_182 = arith.muli %arg1, %mul3A_181 : i32
    %add3A_183 = arith.constant 320 : i32
    %add3A_184 = arith.addi %mul3A_182, %add3A_183 : i32
    "tpu.region"() ({
      %run_scoped3A = tpu.sem_alloc : memref<!tpu.dma_semaphore, #tpu.memory_space<semaphore_mem>>
      %dma_start3A_229 = arith.constant 0 : i32
      %dma_start3A_230 = tpu.memref_slice %arg13[%add3A_184, %dma_start3A_229] : memref<10240x128xf32, #tpu.memory_space<vmem_shared>> -> memref<80x128xf32, #tpu.memory_space<vmem_shared>>
      %dma_start3A_231 = arith.constant 0 : i32
      %dma_start3A_232 = tpu.memref_slice %arg13[%add3A_184, %dma_start3A_231] : memref<10240x128xf32, #tpu.memory_space<vmem_shared>> -> memref<80x128xf32, #tpu.memory_space<vmem_shared>>
      tpu.enqueue_dma source(%dma_start3A_232 : memref<80x128xf32, #tpu.memory_space<vmem_shared>>) target(%arg11 : memref<80x128xf32, #tpu.memory_space<vmem>>) target_semaphore(%run_scoped3A : memref<!tpu.dma_semaphore, #tpu.memory_space<semaphore_mem>>)
      %dma_wait3A_233 = arith.constant 0 : i32
      %dma_wait3A_234 = tpu.memref_slice %arg13[%add3A_184, %dma_wait3A_233] : memref<10240x128xf32, #tpu.memory_space<vmem_shared>> -> memref<80x128xf32, #tpu.memory_space<vmem_shared>>
      %dma_wait3A_235 = arith.constant 0 : i32
      %dma_wait3A_236 = tpu.memref_slice %arg13[%add3A_184, %dma_wait3A_235] : memref<10240x128xf32, #tpu.memory_space<vmem_shared>> -> memref<80x128xf32, #tpu.memory_space<vmem_shared>>
      tpu.wait_dma2 semaphore(%run_scoped3A : memref<!tpu.dma_semaphore, #tpu.memory_space<semaphore_mem>>) src(%dma_wait3A_236 : memref<80x128xf32, #tpu.memory_space<vmem_shared>>) dst(%arg11 : memref<80x128xf32, #tpu.memory_space<vmem>>)
      tpu.yield
    }) : () -> ()
    %mul3A_185 = arith.constant 10240 : i32
    %mul3A_186 = arith.muli %arg0, %mul3A_185 : i32
    %mul3A_187 = arith.constant 640 : i32
    %mul3A_188 = arith.muli %arg1, %mul3A_187 : i32
    %add3A_189 = arith.addi %mul3A_186, %mul3A_188 : i32
    %add3A_190 = arith.constant 320 : i32
    %add3A_191 = arith.addi %add3A_189, %add3A_190 : i32
    %multiple_of3A_192 = tpu.assume_multiple %add3A_191, 8 : i32
    "tpu.region"() ({
      %run_scoped3A = tpu.sem_alloc : memref<!tpu.dma_semaphore, #tpu.memory_space<semaphore_mem>>
      %dma_start3A_229 = arith.constant 0 : i32
      %dma_start3A_230 = tpu.memref_slice %arg5[%multiple_of3A_192, %dma_start3A_229] : memref<20480x128xf32, #tpu.memory_space<hbm>> -> memref<80x128xf32, #tpu.memory_space<hbm>>
      %dma_start3A_231 = arith.constant 0 : i32
      %dma_start3A_232 = tpu.memref_slice %arg5[%multiple_of3A_192, %dma_start3A_231] : memref<20480x128xf32, #tpu.memory_space<hbm>> -> memref<80x128xf32, #tpu.memory_space<hbm>>
      tpu.enqueue_dma source(%arg11 : memref<80x128xf32, #tpu.memory_space<vmem>>) target(%dma_start3A_232 : memref<80x128xf32, #tpu.memory_space<hbm>>) target_semaphore(%run_scoped3A : memref<!tpu.dma_semaphore, #tpu.memory_space<semaphore_mem>>)
      %dma_wait3A_233 = arith.constant 0 : i32
      %dma_wait3A_234 = tpu.memref_slice %arg5[%multiple_of3A_192, %dma_wait3A_233] : memref<20480x128xf32, #tpu.memory_space<hbm>> -> memref<80x128xf32, #tpu.memory_space<hbm>>
      %dma_wait3A_235 = arith.constant 0 : i32
      %dma_wait3A_236 = tpu.memref_slice %arg5[%multiple_of3A_192, %dma_wait3A_235] : memref<20480x128xf32, #tpu.memory_space<hbm>> -> memref<80x128xf32, #tpu.memory_space<hbm>>
      tpu.wait_dma2 semaphore(%run_scoped3A : memref<!tpu.dma_semaphore, #tpu.memory_space<semaphore_mem>>) src(%arg11 : memref<80x128xf32, #tpu.memory_space<vmem>>) dst(%dma_wait3A_236 : memref<80x128xf32, #tpu.memory_space<hbm>>)
      tpu.yield
    }) : () -> ()
    %mul3A_193 = arith.constant 640 : i32
    %mul3A_194 = arith.muli %arg1, %mul3A_193 : i32
    %add3A_195 = arith.constant 400 : i32
    %add3A_196 = arith.addi %mul3A_194, %add3A_195 : i32
    "tpu.region"() ({
      %run_scoped3A = tpu.sem_alloc : memref<!tpu.dma_semaphore, #tpu.memory_space<semaphore_mem>>
      %dma_start3A_229 = arith.constant 0 : i32
      %dma_start3A_230 = tpu.memref_slice %arg13[%add3A_196, %dma_start3A_229] : memref<10240x128xf32, #tpu.memory_space<vmem_shared>> -> memref<80x128xf32, #tpu.memory_space<vmem_shared>>
      %dma_start3A_231 = arith.constant 0 : i32
      %dma_start3A_232 = tpu.memref_slice %arg13[%add3A_196, %dma_start3A_231] : memref<10240x128xf32, #tpu.memory_space<vmem_shared>> -> memref<80x128xf32, #tpu.memory_space<vmem_shared>>
      tpu.enqueue_dma source(%dma_start3A_232 : memref<80x128xf32, #tpu.memory_space<vmem_shared>>) target(%arg11 : memref<80x128xf32, #tpu.memory_space<vmem>>) target_semaphore(%run_scoped3A : memref<!tpu.dma_semaphore, #tpu.memory_space<semaphore_mem>>)
      %dma_wait3A_233 = arith.constant 0 : i32
      %dma_wait3A_234 = tpu.memref_slice %arg13[%add3A_196, %dma_wait3A_233] : memref<10240x128xf32, #tpu.memory_space<vmem_shared>> -> memref<80x128xf32, #tpu.memory_space<vmem_shared>>
      %dma_wait3A_235 = arith.constant 0 : i32
      %dma_wait3A_236 = tpu.memref_slice %arg13[%add3A_196, %dma_wait3A_235] : memref<10240x128xf32, #tpu.memory_space<vmem_shared>> -> memref<80x128xf32, #tpu.memory_space<vmem_shared>>
      tpu.wait_dma2 semaphore(%run_scoped3A : memref<!tpu.dma_semaphore, #tpu.memory_space<semaphore_mem>>) src(%dma_wait3A_236 : memref<80x128xf32, #tpu.memory_space<vmem_shared>>) dst(%arg11 : memref<80x128xf32, #tpu.memory_space<vmem>>)
      tpu.yield
    }) : () -> ()
    %mul3A_197 = arith.constant 10240 : i32
    %mul3A_198 = arith.muli %arg0, %mul3A_197 : i32
    %mul3A_199 = arith.constant 640 : i32
    %mul3A_200 = arith.muli %arg1, %mul3A_199 : i32
    %add3A_201 = arith.addi %mul3A_198, %mul3A_200 : i32
    %add3A_202 = arith.constant 400 : i32
    %add3A_203 = arith.addi %add3A_201, %add3A_202 : i32
    %multiple_of3A_204 = tpu.assume_multiple %add3A_203, 8 : i32
    "tpu.region"() ({
      %run_scoped3A = tpu.sem_alloc : memref<!tpu.dma_semaphore, #tpu.memory_space<semaphore_mem>>
      %dma_start3A_229 = arith.constant 0 : i32
      %dma_start3A_230 = tpu.memref_slice %arg5[%multiple_of3A_204, %dma_start3A_229] : memref<20480x128xf32, #tpu.memory_space<hbm>> -> memref<80x128xf32, #tpu.memory_space<hbm>>
      %dma_start3A_231 = arith.constant 0 : i32
      %dma_start3A_232 = tpu.memref_slice %arg5[%multiple_of3A_204, %dma_start3A_231] : memref<20480x128xf32, #tpu.memory_space<hbm>> -> memref<80x128xf32, #tpu.memory_space<hbm>>
      tpu.enqueue_dma source(%arg11 : memref<80x128xf32, #tpu.memory_space<vmem>>) target(%dma_start3A_232 : memref<80x128xf32, #tpu.memory_space<hbm>>) target_semaphore(%run_scoped3A : memref<!tpu.dma_semaphore, #tpu.memory_space<semaphore_mem>>)
      %dma_wait3A_233 = arith.constant 0 : i32
      %dma_wait3A_234 = tpu.memref_slice %arg5[%multiple_of3A_204, %dma_wait3A_233] : memref<20480x128xf32, #tpu.memory_space<hbm>> -> memref<80x128xf32, #tpu.memory_space<hbm>>
      %dma_wait3A_235 = arith.constant 0 : i32
      %dma_wait3A_236 = tpu.memref_slice %arg5[%multiple_of3A_204, %dma_wait3A_235] : memref<20480x128xf32, #tpu.memory_space<hbm>> -> memref<80x128xf32, #tpu.memory_space<hbm>>
      tpu.wait_dma2 semaphore(%run_scoped3A : memref<!tpu.dma_semaphore, #tpu.memory_space<semaphore_mem>>) src(%arg11 : memref<80x128xf32, #tpu.memory_space<vmem>>) dst(%dma_wait3A_236 : memref<80x128xf32, #tpu.memory_space<hbm>>)
      tpu.yield
    }) : () -> ()
    %mul3A_205 = arith.constant 640 : i32
    %mul3A_206 = arith.muli %arg1, %mul3A_205 : i32
    %add3A_207 = arith.constant 480 : i32
    %add3A_208 = arith.addi %mul3A_206, %add3A_207 : i32
    "tpu.region"() ({
      %run_scoped3A = tpu.sem_alloc : memref<!tpu.dma_semaphore, #tpu.memory_space<semaphore_mem>>
      %dma_start3A_229 = arith.constant 0 : i32
      %dma_start3A_230 = tpu.memref_slice %arg13[%add3A_208, %dma_start3A_229] : memref<10240x128xf32, #tpu.memory_space<vmem_shared>> -> memref<80x128xf32, #tpu.memory_space<vmem_shared>>
      %dma_start3A_231 = arith.constant 0 : i32
      %dma_start3A_232 = tpu.memref_slice %arg13[%add3A_208, %dma_start3A_231] : memref<10240x128xf32, #tpu.memory_space<vmem_shared>> -> memref<80x128xf32, #tpu.memory_space<vmem_shared>>
      tpu.enqueue_dma source(%dma_start3A_232 : memref<80x128xf32, #tpu.memory_space<vmem_shared>>) target(%arg11 : memref<80x128xf32, #tpu.memory_space<vmem>>) target_semaphore(%run_scoped3A : memref<!tpu.dma_semaphore, #tpu.memory_space<semaphore_mem>>)
      %dma_wait3A_233 = arith.constant 0 : i32
      %dma_wait3A_234 = tpu.memref_slice %arg13[%add3A_208, %dma_wait3A_233] : memref<10240x128xf32, #tpu.memory_space<vmem_shared>> -> memref<80x128xf32, #tpu.memory_space<vmem_shared>>
      %dma_wait3A_235 = arith.constant 0 : i32
      %dma_wait3A_236 = tpu.memref_slice %arg13[%add3A_208, %dma_wait3A_235] : memref<10240x128xf32, #tpu.memory_space<vmem_shared>> -> memref<80x128xf32, #tpu.memory_space<vmem_shared>>
      tpu.wait_dma2 semaphore(%run_scoped3A : memref<!tpu.dma_semaphore, #tpu.memory_space<semaphore_mem>>) src(%dma_wait3A_236 : memref<80x128xf32, #tpu.memory_space<vmem_shared>>) dst(%arg11 : memref<80x128xf32, #tpu.memory_space<vmem>>)
      tpu.yield
    }) : () -> ()
    %mul3A_209 = arith.constant 10240 : i32
    %mul3A_210 = arith.muli %arg0, %mul3A_209 : i32
    %mul3A_211 = arith.constant 640 : i32
    %mul3A_212 = arith.muli %arg1, %mul3A_211 : i32
    %add3A_213 = arith.addi %mul3A_210, %mul3A_212 : i32
    %add3A_214 = arith.constant 480 : i32
    %add3A_215 = arith.addi %add3A_213, %add3A_214 : i32
    %multiple_of3A_216 = tpu.assume_multiple %add3A_215, 8 : i32
    "tpu.region"() ({
      %run_scoped3A = tpu.sem_alloc : memref<!tpu.dma_semaphore, #tpu.memory_space<semaphore_mem>>
      %dma_start3A_229 = arith.constant 0 : i32
      %dma_start3A_230 = tpu.memref_slice %arg5[%multiple_of3A_216, %dma_start3A_229] : memref<20480x128xf32, #tpu.memory_space<hbm>> -> memref<80x128xf32, #tpu.memory_space<hbm>>
      %dma_start3A_231 = arith.constant 0 : i32
      %dma_start3A_232 = tpu.memref_slice %arg5[%multiple_of3A_216, %dma_start3A_231] : memref<20480x128xf32, #tpu.memory_space<hbm>> -> memref<80x128xf32, #tpu.memory_space<hbm>>
      tpu.enqueue_dma source(%arg11 : memref<80x128xf32, #tpu.memory_space<vmem>>) target(%dma_start3A_232 : memref<80x128xf32, #tpu.memory_space<hbm>>) target_semaphore(%run_scoped3A : memref<!tpu.dma_semaphore, #tpu.memory_space<semaphore_mem>>)
      %dma_wait3A_233 = arith.constant 0 : i32
      %dma_wait3A_234 = tpu.memref_slice %arg5[%multiple_of3A_216, %dma_wait3A_233] : memref<20480x128xf32, #tpu.memory_space<hbm>> -> memref<80x128xf32, #tpu.memory_space<hbm>>
      %dma_wait3A_235 = arith.constant 0 : i32
      %dma_wait3A_236 = tpu.memref_slice %arg5[%multiple_of3A_216, %dma_wait3A_235] : memref<20480x128xf32, #tpu.memory_space<hbm>> -> memref<80x128xf32, #tpu.memory_space<hbm>>
      tpu.wait_dma2 semaphore(%run_scoped3A : memref<!tpu.dma_semaphore, #tpu.memory_space<semaphore_mem>>) src(%arg11 : memref<80x128xf32, #tpu.memory_space<vmem>>) dst(%dma_wait3A_236 : memref<80x128xf32, #tpu.memory_space<hbm>>)
      tpu.yield
    }) : () -> ()
    %mul3A_217 = arith.constant 640 : i32
    %mul3A_218 = arith.muli %arg1, %mul3A_217 : i32
    %add3A_219 = arith.constant 560 : i32
    %add3A_220 = arith.addi %mul3A_218, %add3A_219 : i32
    "tpu.region"() ({
      %run_scoped3A = tpu.sem_alloc : memref<!tpu.dma_semaphore, #tpu.memory_space<semaphore_mem>>
      %dma_start3A_229 = arith.constant 0 : i32
      %dma_start3A_230 = tpu.memref_slice %arg13[%add3A_220, %dma_start3A_229] : memref<10240x128xf32, #tpu.memory_space<vmem_shared>> -> memref<80x128xf32, #tpu.memory_space<vmem_shared>>
      %dma_start3A_231 = arith.constant 0 : i32
      %dma_start3A_232 = tpu.memref_slice %arg13[%add3A_220, %dma_start3A_231] : memref<10240x128xf32, #tpu.memory_space<vmem_shared>> -> memref<80x128xf32, #tpu.memory_space<vmem_shared>>
      tpu.enqueue_dma source(%dma_start3A_232 : memref<80x128xf32, #tpu.memory_space<vmem_shared>>) target(%arg11 : memref<80x128xf32, #tpu.memory_space<vmem>>) target_semaphore(%run_scoped3A : memref<!tpu.dma_semaphore, #tpu.memory_space<semaphore_mem>>)
      %dma_wait3A_233 = arith.constant 0 : i32
      %dma_wait3A_234 = tpu.memref_slice %arg13[%add3A_220, %dma_wait3A_233] : memref<10240x128xf32, #tpu.memory_space<vmem_shared>> -> memref<80x128xf32, #tpu.memory_space<vmem_shared>>
      %dma_wait3A_235 = arith.constant 0 : i32
      %dma_wait3A_236 = tpu.memref_slice %arg13[%add3A_220, %dma_wait3A_235] : memref<10240x128xf32, #tpu.memory_space<vmem_shared>> -> memref<80x128xf32, #tpu.memory_space<vmem_shared>>
      tpu.wait_dma2 semaphore(%run_scoped3A : memref<!tpu.dma_semaphore, #tpu.memory_space<semaphore_mem>>) src(%dma_wait3A_236 : memref<80x128xf32, #tpu.memory_space<vmem_shared>>) dst(%arg11 : memref<80x128xf32, #tpu.memory_space<vmem>>)
      tpu.yield
    }) : () -> ()
    %mul3A_221 = arith.constant 10240 : i32
    %mul3A_222 = arith.muli %arg0, %mul3A_221 : i32
    %mul3A_223 = arith.constant 640 : i32
    %mul3A_224 = arith.muli %arg1, %mul3A_223 : i32
    %add3A_225 = arith.addi %mul3A_222, %mul3A_224 : i32
    %add3A_226 = arith.constant 560 : i32
    %add3A_227 = arith.addi %add3A_225, %add3A_226 : i32
    %multiple_of3A_228 = tpu.assume_multiple %add3A_227, 8 : i32
    "tpu.region"() ({
      %run_scoped3A = tpu.sem_alloc : memref<!tpu.dma_semaphore, #tpu.memory_space<semaphore_mem>>
      %dma_start3A_229 = arith.constant 0 : i32
      %dma_start3A_230 = tpu.memref_slice %arg5[%multiple_of3A_228, %dma_start3A_229] : memref<20480x128xf32, #tpu.memory_space<hbm>> -> memref<80x128xf32, #tpu.memory_space<hbm>>
      %dma_start3A_231 = arith.constant 0 : i32
      %dma_start3A_232 = tpu.memref_slice %arg5[%multiple_of3A_228, %dma_start3A_231] : memref<20480x128xf32, #tpu.memory_space<hbm>> -> memref<80x128xf32, #tpu.memory_space<hbm>>
      tpu.enqueue_dma source(%arg11 : memref<80x128xf32, #tpu.memory_space<vmem>>) target(%dma_start3A_232 : memref<80x128xf32, #tpu.memory_space<hbm>>) target_semaphore(%run_scoped3A : memref<!tpu.dma_semaphore, #tpu.memory_space<semaphore_mem>>)
      %dma_wait3A_233 = arith.constant 0 : i32
      %dma_wait3A_234 = tpu.memref_slice %arg5[%multiple_of3A_228, %dma_wait3A_233] : memref<20480x128xf32, #tpu.memory_space<hbm>> -> memref<80x128xf32, #tpu.memory_space<hbm>>
      %dma_wait3A_235 = arith.constant 0 : i32
      %dma_wait3A_236 = tpu.memref_slice %arg5[%multiple_of3A_228, %dma_wait3A_235] : memref<20480x128xf32, #tpu.memory_space<hbm>> -> memref<80x128xf32, #tpu.memory_space<hbm>>
      tpu.wait_dma2 semaphore(%run_scoped3A : memref<!tpu.dma_semaphore, #tpu.memory_space<semaphore_mem>>) src(%arg11 : memref<80x128xf32, #tpu.memory_space<vmem>>) dst(%dma_wait3A_236 : memref<80x128xf32, #tpu.memory_space<hbm>>)
      tpu.yield
    }) : () -> ()
    return
  }
}

#map = affine_map<(d0, d1) -> (0, 0)>
#map1 = affine_map<(d0, d1) -> (0, 0, 0)>
module attributes {stable_mosaic.version = 14 : i64} {
  func.func @_agg(%arg0: i32, %arg1: i32, %arg2: memref<10000x128xf32, #tpu.memory_space<hbm>>, %arg3: memref<32x125x80xi32, #tpu.memory_space<hbm>>, %arg4: memref<80x128xf32, #tpu.memory_space<hbm>>, %arg5: memref<20480x128xf32, #tpu.memory_space<hbm>>, %arg6: memref<125x80xi32, #tpu.memory_space<vmem>>, %arg7: memref<80xi32, #tpu.memory_space<vmem>>, %arg8: memref<80xi32, #tpu.memory_space<vmem>>, %arg9: memref<80xi32, #tpu.memory_space<vmem>>, %arg10: memref<80xi32, #tpu.memory_space<vmem>>, %arg11: memref<80x128xf32, #tpu.memory_space<vmem>>, %arg12: memref<80x128xf32, #tpu.memory_space<vmem>>, %arg13: memref<10240x128xf32, #tpu.memory_space<vmem_shared>>, %arg14: memref<!tpu.dma_semaphore, #tpu.memory_space<semaphore_mem>>, %arg15: memref<!tpu.dma_semaphore, #tpu.memory_space<semaphore_mem>>) attributes {dimension_semantics = [#tpu.dimension_semantics<core_parallel>, #tpu.dimension_semantics<subcore_parallel>], iteration_bounds = array<i64: 2, 16>, scalar_prefetch = 0 : i64, scratch_operands = 10 : i64, tpu.core_type = #tpu.core_type<sc_vector_subcore>, window_params = [{transform_indices = #map}, {transform_indices = #map1}, {transform_indices = #map}, {transform_indices = #map}]} {
    %mul3A = arith.constant 16 : i32
    %mul3A_0 = arith.muli %arg0, %mul3A : i32
    %add3A = arith.addi %mul3A_0, %arg1 : i32
    "tpu.region"() ({
      %run_scoped3A = tpu.sem_alloc : memref<!tpu.dma_semaphore, #tpu.memory_space<semaphore_mem>>
      %dma_start3A_229 = arith.constant 0 : i32
      %dma_start3A_230 = arith.constant 0 : i32
      %dma_start3A_231 = tpu.memref_slice %arg3[%add3A, %dma_start3A_229, %dma_start3A_230] : memref<32x125x80xi32, #tpu.memory_space<hbm>> -> memref<1x125x80xi32, #tpu.memory_space<hbm>>
      %dma_start3A_232 = tpu.memref_squeeze %dma_start3A_231 : memref<1x125x80xi32, #tpu.memory_space<hbm>> -> memref<125x80xi32, #tpu.memory_space<hbm>>
      %dma_start3A_233 = arith.constant 0 : i32
      %dma_start3A_234 = arith.constant 0 : i32
      %dma_start3A_235 = tpu.memref_slice %arg3[%add3A, %dma_start3A_233, %dma_start3A_234] : memref<32x125x80xi32, #tpu.memory_space<hbm>> -> memref<1x125x80xi32, #tpu.memory_space<hbm>>
      %dma_start3A_236 = tpu.memref_squeeze %dma_start3A_235 : memref<1x125x80xi32, #tpu.memory_space<hbm>> -> memref<125x80xi32, #tpu.memory_space<hbm>>
      tpu.enqueue_dma source(%dma_start3A_236 : memref<125x80xi32, #tpu.memory_space<hbm>>) target(%arg6 : memref<125x80xi32, #tpu.memory_space<vmem>>) target_semaphore(%run_scoped3A : memref<!tpu.dma_semaphore, #tpu.memory_space<semaphore_mem>>)
      %dma_wait3A_237 = arith.constant 0 : i32
      %dma_wait3A_238 = arith.constant 0 : i32
      %dma_wait3A_239 = tpu.memref_slice %arg3[%add3A, %dma_wait3A_237, %dma_wait3A_238] : memref<32x125x80xi32, #tpu.memory_space<hbm>> -> memref<1x125x80xi32, #tpu.memory_space<hbm>>
      %dma_wait3A_240 = tpu.memref_squeeze %dma_wait3A_239 : memref<1x125x80xi32, #tpu.memory_space<hbm>> -> memref<125x80xi32, #tpu.memory_space<hbm>>
      %dma_wait3A_241 = arith.constant 0 : i32
      %dma_wait3A_242 = arith.constant 0 : i32
      %dma_wait3A_243 = tpu.memref_slice %arg3[%add3A, %dma_wait3A_241, %dma_wait3A_242] : memref<32x125x80xi32, #tpu.memory_space<hbm>> -> memref<1x125x80xi32, #tpu.memory_space<hbm>>
      %dma_wait3A_244 = tpu.memref_squeeze %dma_wait3A_243 : memref<1x125x80xi32, #tpu.memory_space<hbm>> -> memref<125x80xi32, #tpu.memory_space<hbm>>
      tpu.wait_dma2 semaphore(%run_scoped3A : memref<!tpu.dma_semaphore, #tpu.memory_space<semaphore_mem>>) src(%dma_wait3A_244 : memref<125x80xi32, #tpu.memory_space<hbm>>) dst(%arg6 : memref<125x80xi32, #tpu.memory_space<vmem>>)
      tpu.yield
    }) : () -> ()
    %get3A = arith.constant 0 : i32
    %get3A_1 = arith.index_cast %get3A : i32 to index
    %get3A_2 = arith.constant 0 : index
    %get3A_3 = tpu.vector_load %arg6[%get3A_1, %get3A_2] {strides = array<i32>} : memref<125x80xi32, #tpu.memory_space<vmem>>, vector<1x16xi32>,
    %get3A_4 = vector.shape_cast %get3A_3 : vector<1x16xi32> to vector<16xi32>
    %and3A = arith.constant 16383 : i32
    %and3A_5 = vector.broadcast %and3A : i32 to vector<16xi32>
    %and3A_6 = arith.andi %get3A_4, %and3A_5 : vector<16xi32>
    %swap3A = arith.constant 0 : index
    %swap3A_7 = tpu.vector_load %arg7[%swap3A] {strides = array<i32>} : memref<80xi32, #tpu.memory_space<vmem>>, vector<16xi32>,
    %swap3A_8 = vector.shape_cast %swap3A_7 : vector<16xi32> to vector<16xi32>
    %swap3A_9 = vector.shape_cast %and3A_6 : vector<16xi32> to vector<16xi32>
    tpu.vector_store %arg7[%swap3A], %swap3A_9 {strides = array<i32>} : memref<80xi32, #tpu.memory_space<vmem>>, vector<16xi32>,
    %shift_right_arithmetic3A = arith.constant 14 : i32
    %shift_right_arithmetic3A_10 = vector.broadcast %shift_right_arithmetic3A : i32 to vector<16xi32>
    %shift_right_arithmetic3A_11 = arith.shrsi %get3A_4, %shift_right_arithmetic3A_10 : vector<16xi32>
    %swap3A_12 = arith.constant 0 : index
    %swap3A_13 = tpu.vector_load %arg8[%swap3A_12] {strides = array<i32>} : memref<80xi32, #tpu.memory_space<vmem>>, vector<16xi32>,
    %swap3A_14 = vector.shape_cast %swap3A_13 : vector<16xi32> to vector<16xi32>
    %swap3A_15 = vector.shape_cast %shift_right_arithmetic3A_11 : vector<16xi32> to vector<16xi32>
    tpu.vector_store %arg8[%swap3A_12], %swap3A_15 {strides = array<i32>} : memref<80xi32, #tpu.memory_space<vmem>>, vector<16xi32>,
    %get3A_16 = arith.constant 0 : i32
    %get3A_17 = arith.index_cast %get3A_16 : i32 to index
    %get3A_18 = arith.constant 16 : index
    %get3A_19 = tpu.vector_load %arg6[%get3A_17, %get3A_18] {strides = array<i32>} : memref<125x80xi32, #tpu.memory_space<vmem>>, vector<1x16xi32>,
    %get3A_20 = vector.shape_cast %get3A_19 : vector<1x16xi32> to vector<16xi32>
    %and3A_21 = arith.constant 16383 : i32
    %and3A_22 = vector.broadcast %and3A_21 : i32 to vector<16xi32>
    %and3A_23 = arith.andi %get3A_20, %and3A_22 : vector<16xi32>
    %swap3A_24 = arith.constant 16 : index
    %swap3A_25 = tpu.vector_load %arg7[%swap3A_24] {strides = array<i32>} : memref<80xi32, #tpu.memory_space<vmem>>, vector<16xi32>,
    %swap3A_26 = vector.shape_cast %swap3A_25 : vector<16xi32> to vector<16xi32>
    %swap3A_27 = vector.shape_cast %and3A_23 : vector<16xi32> to vector<16xi32>
    tpu.vector_store %arg7[%swap3A_24], %swap3A_27 {strides = array<i32>} : memref<80xi32, #tpu.memory_space<vmem>>, vector<16xi32>,
    %shift_right_arithmetic3A_28 = arith.constant 14 : i32
    %shift_right_arithmetic3A_29 = vector.broadcast %shift_right_arithmetic3A_28 : i32 to vector<16xi32>
    %shift_right_arithmetic3A_30 = arith.shrsi %get3A_20, %shift_right_arithmetic3A_29 : vector<16xi32>
    %swap3A_31 = arith.constant 16 : index
    %swap3A_32 = tpu.vector_load %arg8[%swap3A_31] {strides = array<i32>} : memref<80xi32, #tpu.memory_space<vmem>>, vector<16xi32>,
    %swap3A_33 = vector.shape_cast %swap3A_32 : vector<16xi32> to vector<16xi32>
    %swap3A_34 = vector.shape_cast %shift_right_arithmetic3A_30 : vector<16xi32> to vector<16xi32>
    tpu.vector_store %arg8[%swap3A_31], %swap3A_34 {strides = array<i32>} : memref<80xi32, #tpu.memory_space<vmem>>, vector<16xi32>,
    %get3A_35 = arith.constant 0 : i32
    %get3A_36 = arith.index_cast %get3A_35 : i32 to index
    %get3A_37 = arith.constant 32 : index
    %get3A_38 = tpu.vector_load %arg6[%get3A_36, %get3A_37] {strides = array<i32>} : memref<125x80xi32, #tpu.memory_space<vmem>>, vector<1x16xi32>,
    %get3A_39 = vector.shape_cast %get3A_38 : vector<1x16xi32> to vector<16xi32>
    %and3A_40 = arith.constant 16383 : i32
    %and3A_41 = vector.broadcast %and3A_40 : i32 to vector<16xi32>
    %and3A_42 = arith.andi %get3A_39, %and3A_41 : vector<16xi32>
    %swap3A_43 = arith.constant 32 : index
    %swap3A_44 = tpu.vector_load %arg7[%swap3A_43] {strides = array<i32>} : memref<80xi32, #tpu.memory_space<vmem>>, vector<16xi32>,
    %swap3A_45 = vector.shape_cast %swap3A_44 : vector<16xi32> to vector<16xi32>
    %swap3A_46 = vector.shape_cast %and3A_42 : vector<16xi32> to vector<16xi32>
    tpu.vector_store %arg7[%swap3A_43], %swap3A_46 {strides = array<i32>} : memref<80xi32, #tpu.memory_space<vmem>>, vector<16xi32>,
    %shift_right_arithmetic3A_47 = arith.constant 14 : i32
    %shift_right_arithmetic3A_48 = vector.broadcast %shift_right_arithmetic3A_47 : i32 to vector<16xi32>
    %shift_right_arithmetic3A_49 = arith.shrsi %get3A_39, %shift_right_arithmetic3A_48 : vector<16xi32>
    %swap3A_50 = arith.constant 32 : index
    %swap3A_51 = tpu.vector_load %arg8[%swap3A_50] {strides = array<i32>} : memref<80xi32, #tpu.memory_space<vmem>>, vector<16xi32>,
    %swap3A_52 = vector.shape_cast %swap3A_51 : vector<16xi32> to vector<16xi32>
    %swap3A_53 = vector.shape_cast %shift_right_arithmetic3A_49 : vector<16xi32> to vector<16xi32>
    tpu.vector_store %arg8[%swap3A_50], %swap3A_53 {strides = array<i32>} : memref<80xi32, #tpu.memory_space<vmem>>, vector<16xi32>,
    %get3A_54 = arith.constant 0 : i32
    %get3A_55 = arith.index_cast %get3A_54 : i32 to index
    %get3A_56 = arith.constant 48 : index
    %get3A_57 = tpu.vector_load %arg6[%get3A_55, %get3A_56] {strides = array<i32>} : memref<125x80xi32, #tpu.memory_space<vmem>>, vector<1x16xi32>,
    %get3A_58 = vector.shape_cast %get3A_57 : vector<1x16xi32> to vector<16xi32>
    %and3A_59 = arith.constant 16383 : i32
    %and3A_60 = vector.broadcast %and3A_59 : i32 to vector<16xi32>
    %and3A_61 = arith.andi %get3A_58, %and3A_60 : vector<16xi32>
    %swap3A_62 = arith.constant 48 : index
    %swap3A_63 = tpu.vector_load %arg7[%swap3A_62] {strides = array<i32>} : memref<80xi32, #tpu.memory_space<vmem>>, vector<16xi32>,
    %swap3A_64 = vector.shape_cast %swap3A_63 : vector<16xi32> to vector<16xi32>
    %swap3A_65 = vector.shape_cast %and3A_61 : vector<16xi32> to vector<16xi32>
    tpu.vector_store %arg7[%swap3A_62], %swap3A_65 {strides = array<i32>} : memref<80xi32, #tpu.memory_space<vmem>>, vector<16xi32>,
    %shift_right_arithmetic3A_66 = arith.constant 14 : i32
    %shift_right_arithmetic3A_67 = vector.broadcast %shift_right_arithmetic3A_66 : i32 to vector<16xi32>
    %shift_right_arithmetic3A_68 = arith.shrsi %get3A_58, %shift_right_arithmetic3A_67 : vector<16xi32>
    %swap3A_69 = arith.constant 48 : index
    %swap3A_70 = tpu.vector_load %arg8[%swap3A_69] {strides = array<i32>} : memref<80xi32, #tpu.memory_space<vmem>>, vector<16xi32>,
    %swap3A_71 = vector.shape_cast %swap3A_70 : vector<16xi32> to vector<16xi32>
    %swap3A_72 = vector.shape_cast %shift_right_arithmetic3A_68 : vector<16xi32> to vector<16xi32>
    tpu.vector_store %arg8[%swap3A_69], %swap3A_72 {strides = array<i32>} : memref<80xi32, #tpu.memory_space<vmem>>, vector<16xi32>,
    %get3A_73 = arith.constant 0 : i32
    %get3A_74 = arith.index_cast %get3A_73 : i32 to index
    %get3A_75 = arith.constant 64 : index
    %get3A_76 = tpu.vector_load %arg6[%get3A_74, %get3A_75] {strides = array<i32>} : memref<125x80xi32, #tpu.memory_space<vmem>>, vector<1x16xi32>,
    %get3A_77 = vector.shape_cast %get3A_76 : vector<1x16xi32> to vector<16xi32>
    %and3A_78 = arith.constant 16383 : i32
    %and3A_79 = vector.broadcast %and3A_78 : i32 to vector<16xi32>
    %and3A_80 = arith.andi %get3A_77, %and3A_79 : vector<16xi32>
    %swap3A_81 = arith.constant 64 : index
    %swap3A_82 = tpu.vector_load %arg7[%swap3A_81] {strides = array<i32>} : memref<80xi32, #tpu.memory_space<vmem>>, vector<16xi32>,
    %swap3A_83 = vector.shape_cast %swap3A_82 : vector<16xi32> to vector<16xi32>
    %swap3A_84 = vector.shape_cast %and3A_80 : vector<16xi32> to vector<16xi32>
    tpu.vector_store %arg7[%swap3A_81], %swap3A_84 {strides = array<i32>} : memref<80xi32, #tpu.memory_space<vmem>>, vector<16xi32>,
    %shift_right_arithmetic3A_85 = arith.constant 14 : i32
    %shift_right_arithmetic3A_86 = vector.broadcast %shift_right_arithmetic3A_85 : i32 to vector<16xi32>
    %shift_right_arithmetic3A_87 = arith.shrsi %get3A_77, %shift_right_arithmetic3A_86 : vector<16xi32>
    %swap3A_88 = arith.constant 64 : index
    %swap3A_89 = tpu.vector_load %arg8[%swap3A_88] {strides = array<i32>} : memref<80xi32, #tpu.memory_space<vmem>>, vector<16xi32>,
    %swap3A_90 = vector.shape_cast %swap3A_89 : vector<16xi32> to vector<16xi32>
    %swap3A_91 = vector.shape_cast %shift_right_arithmetic3A_87 : vector<16xi32> to vector<16xi32>
    tpu.vector_store %arg8[%swap3A_88], %swap3A_91 {strides = array<i32>} : memref<80xi32, #tpu.memory_space<vmem>>, vector<16xi32>,
    %dma_start3A = arith.constant 0 : i32
    %dma_start3A_92 = arith.constant 0 : i32
    %dma_start3A_93 = tpu.memref_slice %arg2[%dma_start3A, %dma_start3A_92] : memref<10000x128xf32, #tpu.memory_space<hbm>> -> memref<10000x128xf32, #tpu.memory_space<hbm>>
    tpu.enqueue_indirect_dma source(%dma_start3A_93 : memref<10000x128xf32, #tpu.memory_space<hbm>>) target(%arg11 : memref<80x128xf32, #tpu.memory_space<vmem>>) offsets(%arg7 : memref<80xi32, #tpu.memory_space<vmem>>) semaphore(%arg14 : memref<!tpu.dma_semaphore, #tpu.memory_space<semaphore_mem>>)
    "tpu.region"() ({
      %run_scoped3A = tpu.sem_alloc : memref<!tpu.dma_semaphore, #tpu.memory_space<semaphore_mem>>
      tpu.enqueue_dma source(%arg4 : memref<80x128xf32, #tpu.memory_space<hbm>>) target(%arg12 : memref<80x128xf32, #tpu.memory_space<vmem>>) target_semaphore(%run_scoped3A : memref<!tpu.dma_semaphore, #tpu.memory_space<semaphore_mem>>)
      tpu.wait_dma2 semaphore(%run_scoped3A : memref<!tpu.dma_semaphore, #tpu.memory_space<semaphore_mem>>) src(%arg4 : memref<80x128xf32, #tpu.memory_space<hbm>>) dst(%arg12 : memref<80x128xf32, #tpu.memory_space<vmem>>)
      tpu.yield
    }) : () -> ()
    %mul3A_94 = arith.constant 640 : i32
    %mul3A_95 = arith.muli %arg1, %mul3A_94 : i32
    %add3A_96 = arith.constant 0 : i32
    %add3A_97 = arith.addi %mul3A_95, %add3A_96 : i32
    "tpu.region"() ({
      %run_scoped3A = tpu.sem_alloc : memref<!tpu.dma_semaphore, #tpu.memory_space<semaphore_mem>>
      %dma_start3A_229 = arith.constant 0 : i32
      %dma_start3A_230 = tpu.memref_slice %arg13[%add3A_97, %dma_start3A_229] : memref<10240x128xf32, #tpu.memory_space<vmem_shared>> -> memref<80x128xf32, #tpu.memory_space<vmem_shared>>
      %dma_start3A_231 = arith.constant 0 : i32
      %dma_start3A_232 = tpu.memref_slice %arg13[%add3A_97, %dma_start3A_231] : memref<10240x128xf32, #tpu.memory_space<vmem_shared>> -> memref<80x128xf32, #tpu.memory_space<vmem_shared>>
      tpu.enqueue_dma source(%arg12 : memref<80x128xf32, #tpu.memory_space<vmem>>) target(%dma_start3A_232 : memref<80x128xf32, #tpu.memory_space<vmem_shared>>) target_semaphore(%run_scoped3A : memref<!tpu.dma_semaphore, #tpu.memory_space<semaphore_mem>>)
      %dma_wait3A_233 = arith.constant 0 : i32
      %dma_wait3A_234 = tpu.memref_slice %arg13[%add3A_97, %dma_wait3A_233] : memref<10240x128xf32, #tpu.memory_space<vmem_shared>> -> memref<80x128xf32, #tpu.memory_space<vmem_shared>>
      %dma_wait3A_235 = arith.constant 0 : i32
      %dma_wait3A_236 = tpu.memref_slice %arg13[%add3A_97, %dma_wait3A_235] : memref<10240x128xf32, #tpu.memory_space<vmem_shared>> -> memref<80x128xf32, #tpu.memory_space<vmem_shared>>
      tpu.wait_dma2 semaphore(%run_scoped3A : memref<!tpu.dma_semaphore, #tpu.memory_space<semaphore_mem>>) src(%arg12 : memref<80x128xf32, #tpu.memory_space<vmem>>) dst(%dma_wait3A_236 : memref<80x128xf32, #tpu.memory_space<vmem_shared>>)
      tpu.yield
    }) : () -> ()
    %mul3A_98 = arith.constant 640 : i32
    %mul3A_99 = arith.muli %arg1, %mul3A_98 : i32
    %add3A_100 = arith.constant 80 : i32
    %add3A_101 = arith.addi %mul3A_99, %add3A_100 : i32
    "tpu.region"() ({
      %run_scoped3A = tpu.sem_alloc : memref<!tpu.dma_semaphore, #tpu.memory_space<semaphore_mem>>
      %dma_start3A_229 = arith.constant 0 : i32
      %dma_start3A_230 = tpu.memref_slice %arg13[%add3A_101, %dma_start3A_229] : memref<10240x128xf32, #tpu.memory_space<vmem_shared>> -> memref<80x128xf32, #tpu.memory_space<vmem_shared>>
      %dma_start3A_231 = arith.constant 0 : i32
      %dma_start3A_232 = tpu.memref_slice %arg13[%add3A_101, %dma_start3A_231] : memref<10240x128xf32, #tpu.memory_space<vmem_shared>> -> memref<80x128xf32, #tpu.memory_space<vmem_shared>>
      tpu.enqueue_dma source(%arg12 : memref<80x128xf32, #tpu.memory_space<vmem>>) target(%dma_start3A_232 : memref<80x128xf32, #tpu.memory_space<vmem_shared>>) target_semaphore(%run_scoped3A : memref<!tpu.dma_semaphore, #tpu.memory_space<semaphore_mem>>)
      %dma_wait3A_233 = arith.constant 0 : i32
      %dma_wait3A_234 = tpu.memref_slice %arg13[%add3A_101, %dma_wait3A_233] : memref<10240x128xf32, #tpu.memory_space<vmem_shared>> -> memref<80x128xf32, #tpu.memory_space<vmem_shared>>
      %dma_wait3A_235 = arith.constant 0 : i32
      %dma_wait3A_236 = tpu.memref_slice %arg13[%add3A_101, %dma_wait3A_235] : memref<10240x128xf32, #tpu.memory_space<vmem_shared>> -> memref<80x128xf32, #tpu.memory_space<vmem_shared>>
      tpu.wait_dma2 semaphore(%run_scoped3A : memref<!tpu.dma_semaphore, #tpu.memory_space<semaphore_mem>>) src(%arg12 : memref<80x128xf32, #tpu.memory_space<vmem>>) dst(%dma_wait3A_236 : memref<80x128xf32, #tpu.memory_space<vmem_shared>>)
      tpu.yield
    }) : () -> ()
    %mul3A_102 = arith.constant 640 : i32
    %mul3A_103 = arith.muli %arg1, %mul3A_102 : i32
    %add3A_104 = arith.constant 160 : i32
    %add3A_105 = arith.addi %mul3A_103, %add3A_104 : i32
    "tpu.region"() ({
      %run_scoped3A = tpu.sem_alloc : memref<!tpu.dma_semaphore, #tpu.memory_space<semaphore_mem>>
      %dma_start3A_229 = arith.constant 0 : i32
      %dma_start3A_230 = tpu.memref_slice %arg13[%add3A_105, %dma_start3A_229] : memref<10240x128xf32, #tpu.memory_space<vmem_shared>> -> memref<80x128xf32, #tpu.memory_space<vmem_shared>>
      %dma_start3A_231 = arith.constant 0 : i32
      %dma_start3A_232 = tpu.memref_slice %arg13[%add3A_105, %dma_start3A_231] : memref<10240x128xf32, #tpu.memory_space<vmem_shared>> -> memref<80x128xf32, #tpu.memory_space<vmem_shared>>
      tpu.enqueue_dma source(%arg12 : memref<80x128xf32, #tpu.memory_space<vmem>>) target(%dma_start3A_232 : memref<80x128xf32, #tpu.memory_space<vmem_shared>>) target_semaphore(%run_scoped3A : memref<!tpu.dma_semaphore, #tpu.memory_space<semaphore_mem>>)
      %dma_wait3A_233 = arith.constant 0 : i32
      %dma_wait3A_234 = tpu.memref_slice %arg13[%add3A_105, %dma_wait3A_233] : memref<10240x128xf32, #tpu.memory_space<vmem_shared>> -> memref<80x128xf32, #tpu.memory_space<vmem_shared>>
      %dma_wait3A_235 = arith.constant 0 : i32
      %dma_wait3A_236 = tpu.memref_slice %arg13[%add3A_105, %dma_wait3A_235] : memref<10240x128xf32, #tpu.memory_space<vmem_shared>> -> memref<80x128xf32, #tpu.memory_space<vmem_shared>>
      tpu.wait_dma2 semaphore(%run_scoped3A : memref<!tpu.dma_semaphore, #tpu.memory_space<semaphore_mem>>) src(%arg12 : memref<80x128xf32, #tpu.memory_space<vmem>>) dst(%dma_wait3A_236 : memref<80x128xf32, #tpu.memory_space<vmem_shared>>)
      tpu.yield
    }) : () -> ()
    %mul3A_106 = arith.constant 640 : i32
    %mul3A_107 = arith.muli %arg1, %mul3A_106 : i32
    %add3A_108 = arith.constant 240 : i32
    %add3A_109 = arith.addi %mul3A_107, %add3A_108 : i32
    "tpu.region"() ({
      %run_scoped3A = tpu.sem_alloc : memref<!tpu.dma_semaphore, #tpu.memory_space<semaphore_mem>>
      %dma_start3A_229 = arith.constant 0 : i32
      %dma_start3A_230 = tpu.memref_slice %arg13[%add3A_109, %dma_start3A_229] : memref<10240x128xf32, #tpu.memory_space<vmem_shared>> -> memref<80x128xf32, #tpu.memory_space<vmem_shared>>
      %dma_start3A_231 = arith.constant 0 : i32
      %dma_start3A_232 = tpu.memref_slice %arg13[%add3A_109, %dma_start3A_231] : memref<10240x128xf32, #tpu.memory_space<vmem_shared>> -> memref<80x128xf32, #tpu.memory_space<vmem_shared>>
      tpu.enqueue_dma source(%arg12 : memref<80x128xf32, #tpu.memory_space<vmem>>) target(%dma_start3A_232 : memref<80x128xf32, #tpu.memory_space<vmem_shared>>) target_semaphore(%run_scoped3A : memref<!tpu.dma_semaphore, #tpu.memory_space<semaphore_mem>>)
      %dma_wait3A_233 = arith.constant 0 : i32
      %dma_wait3A_234 = tpu.memref_slice %arg13[%add3A_109, %dma_wait3A_233] : memref<10240x128xf32, #tpu.memory_space<vmem_shared>> -> memref<80x128xf32, #tpu.memory_space<vmem_shared>>
      %dma_wait3A_235 = arith.constant 0 : i32
      %dma_wait3A_236 = tpu.memref_slice %arg13[%add3A_109, %dma_wait3A_235] : memref<10240x128xf32, #tpu.memory_space<vmem_shared>> -> memref<80x128xf32, #tpu.memory_space<vmem_shared>>
      tpu.wait_dma2 semaphore(%run_scoped3A : memref<!tpu.dma_semaphore, #tpu.memory_space<semaphore_mem>>) src(%arg12 : memref<80x128xf32, #tpu.memory_space<vmem>>) dst(%dma_wait3A_236 : memref<80x128xf32, #tpu.memory_space<vmem_shared>>)
      tpu.yield
    }) : () -> ()
    %mul3A_110 = arith.constant 640 : i32
    %mul3A_111 = arith.muli %arg1, %mul3A_110 : i32
    %add3A_112 = arith.constant 320 : i32
    %add3A_113 = arith.addi %mul3A_111, %add3A_112 : i32
    "tpu.region"() ({
      %run_scoped3A = tpu.sem_alloc : memref<!tpu.dma_semaphore, #tpu.memory_space<semaphore_mem>>
      %dma_start3A_229 = arith.constant 0 : i32
      %dma_start3A_230 = tpu.memref_slice %arg13[%add3A_113, %dma_start3A_229] : memref<10240x128xf32, #tpu.memory_space<vmem_shared>> -> memref<80x128xf32, #tpu.memory_space<vmem_shared>>
      %dma_start3A_231 = arith.constant 0 : i32
      %dma_start3A_232 = tpu.memref_slice %arg13[%add3A_113, %dma_start3A_231] : memref<10240x128xf32, #tpu.memory_space<vmem_shared>> -> memref<80x128xf32, #tpu.memory_space<vmem_shared>>
      tpu.enqueue_dma source(%arg12 : memref<80x128xf32, #tpu.memory_space<vmem>>) target(%dma_start3A_232 : memref<80x128xf32, #tpu.memory_space<vmem_shared>>) target_semaphore(%run_scoped3A : memref<!tpu.dma_semaphore, #tpu.memory_space<semaphore_mem>>)
      %dma_wait3A_233 = arith.constant 0 : i32
      %dma_wait3A_234 = tpu.memref_slice %arg13[%add3A_113, %dma_wait3A_233] : memref<10240x128xf32, #tpu.memory_space<vmem_shared>> -> memref<80x128xf32, #tpu.memory_space<vmem_shared>>
      %dma_wait3A_235 = arith.constant 0 : i32
      %dma_wait3A_236 = tpu.memref_slice %arg13[%add3A_113, %dma_wait3A_235] : memref<10240x128xf32, #tpu.memory_space<vmem_shared>> -> memref<80x128xf32, #tpu.memory_space<vmem_shared>>
      tpu.wait_dma2 semaphore(%run_scoped3A : memref<!tpu.dma_semaphore, #tpu.memory_space<semaphore_mem>>) src(%arg12 : memref<80x128xf32, #tpu.memory_space<vmem>>) dst(%dma_wait3A_236 : memref<80x128xf32, #tpu.memory_space<vmem_shared>>)
      tpu.yield
    }) : () -> ()
    %mul3A_114 = arith.constant 640 : i32
    %mul3A_115 = arith.muli %arg1, %mul3A_114 : i32
    %add3A_116 = arith.constant 400 : i32
    %add3A_117 = arith.addi %mul3A_115, %add3A_116 : i32
    "tpu.region"() ({
      %run_scoped3A = tpu.sem_alloc : memref<!tpu.dma_semaphore, #tpu.memory_space<semaphore_mem>>
      %dma_start3A_229 = arith.constant 0 : i32
      %dma_start3A_230 = tpu.memref_slice %arg13[%add3A_117, %dma_start3A_229] : memref<10240x128xf32, #tpu.memory_space<vmem_shared>> -> memref<80x128xf32, #tpu.memory_space<vmem_shared>>
      %dma_start3A_231 = arith.constant 0 : i32
      %dma_start3A_232 = tpu.memref_slice %arg13[%add3A_117, %dma_start3A_231] : memref<10240x128xf32, #tpu.memory_space<vmem_shared>> -> memref<80x128xf32, #tpu.memory_space<vmem_shared>>
      tpu.enqueue_dma source(%arg12 : memref<80x128xf32, #tpu.memory_space<vmem>>) target(%dma_start3A_232 : memref<80x128xf32, #tpu.memory_space<vmem_shared>>) target_semaphore(%run_scoped3A : memref<!tpu.dma_semaphore, #tpu.memory_space<semaphore_mem>>)
      %dma_wait3A_233 = arith.constant 0 : i32
      %dma_wait3A_234 = tpu.memref_slice %arg13[%add3A_117, %dma_wait3A_233] : memref<10240x128xf32, #tpu.memory_space<vmem_shared>> -> memref<80x128xf32, #tpu.memory_space<vmem_shared>>
      %dma_wait3A_235 = arith.constant 0 : i32
      %dma_wait3A_236 = tpu.memref_slice %arg13[%add3A_117, %dma_wait3A_235] : memref<10240x128xf32, #tpu.memory_space<vmem_shared>> -> memref<80x128xf32, #tpu.memory_space<vmem_shared>>
      tpu.wait_dma2 semaphore(%run_scoped3A : memref<!tpu.dma_semaphore, #tpu.memory_space<semaphore_mem>>) src(%arg12 : memref<80x128xf32, #tpu.memory_space<vmem>>) dst(%dma_wait3A_236 : memref<80x128xf32, #tpu.memory_space<vmem_shared>>)
      tpu.yield
    }) : () -> ()
    %mul3A_118 = arith.constant 640 : i32
    %mul3A_119 = arith.muli %arg1, %mul3A_118 : i32
    %add3A_120 = arith.constant 480 : i32
    %add3A_121 = arith.addi %mul3A_119, %add3A_120 : i32
    "tpu.region"() ({
      %run_scoped3A = tpu.sem_alloc : memref<!tpu.dma_semaphore, #tpu.memory_space<semaphore_mem>>
      %dma_start3A_229 = arith.constant 0 : i32
      %dma_start3A_230 = tpu.memref_slice %arg13[%add3A_121, %dma_start3A_229] : memref<10240x128xf32, #tpu.memory_space<vmem_shared>> -> memref<80x128xf32, #tpu.memory_space<vmem_shared>>
      %dma_start3A_231 = arith.constant 0 : i32
      %dma_start3A_232 = tpu.memref_slice %arg13[%add3A_121, %dma_start3A_231] : memref<10240x128xf32, #tpu.memory_space<vmem_shared>> -> memref<80x128xf32, #tpu.memory_space<vmem_shared>>
      tpu.enqueue_dma source(%arg12 : memref<80x128xf32, #tpu.memory_space<vmem>>) target(%dma_start3A_232 : memref<80x128xf32, #tpu.memory_space<vmem_shared>>) target_semaphore(%run_scoped3A : memref<!tpu.dma_semaphore, #tpu.memory_space<semaphore_mem>>)
      %dma_wait3A_233 = arith.constant 0 : i32
      %dma_wait3A_234 = tpu.memref_slice %arg13[%add3A_121, %dma_wait3A_233] : memref<10240x128xf32, #tpu.memory_space<vmem_shared>> -> memref<80x128xf32, #tpu.memory_space<vmem_shared>>
      %dma_wait3A_235 = arith.constant 0 : i32
      %dma_wait3A_236 = tpu.memref_slice %arg13[%add3A_121, %dma_wait3A_235] : memref<10240x128xf32, #tpu.memory_space<vmem_shared>> -> memref<80x128xf32, #tpu.memory_space<vmem_shared>>
      tpu.wait_dma2 semaphore(%run_scoped3A : memref<!tpu.dma_semaphore, #tpu.memory_space<semaphore_mem>>) src(%arg12 : memref<80x128xf32, #tpu.memory_space<vmem>>) dst(%dma_wait3A_236 : memref<80x128xf32, #tpu.memory_space<vmem_shared>>)
      tpu.yield
    }) : () -> ()
    %mul3A_122 = arith.constant 640 : i32
    %mul3A_123 = arith.muli %arg1, %mul3A_122 : i32
    %add3A_124 = arith.constant 560 : i32
    %add3A_125 = arith.addi %mul3A_123, %add3A_124 : i32
    "tpu.region"() ({
      %run_scoped3A = tpu.sem_alloc : memref<!tpu.dma_semaphore, #tpu.memory_space<semaphore_mem>>
      %dma_start3A_229 = arith.constant 0 : i32
      %dma_start3A_230 = tpu.memref_slice %arg13[%add3A_125, %dma_start3A_229] : memref<10240x128xf32, #tpu.memory_space<vmem_shared>> -> memref<80x128xf32, #tpu.memory_space<vmem_shared>>
      %dma_start3A_231 = arith.constant 0 : i32
      %dma_start3A_232 = tpu.memref_slice %arg13[%add3A_125, %dma_start3A_231] : memref<10240x128xf32, #tpu.memory_space<vmem_shared>> -> memref<80x128xf32, #tpu.memory_space<vmem_shared>>
      tpu.enqueue_dma source(%arg12 : memref<80x128xf32, #tpu.memory_space<vmem>>) target(%dma_start3A_232 : memref<80x128xf32, #tpu.memory_space<vmem_shared>>) target_semaphore(%run_scoped3A : memref<!tpu.dma_semaphore, #tpu.memory_space<semaphore_mem>>)
      %dma_wait3A_233 = arith.constant 0 : i32
      %dma_wait3A_234 = tpu.memref_slice %arg13[%add3A_125, %dma_wait3A_233] : memref<10240x128xf32, #tpu.memory_space<vmem_shared>> -> memref<80x128xf32, #tpu.memory_space<vmem_shared>>
      %dma_wait3A_235 = arith.constant 0 : i32
      %dma_wait3A_236 = tpu.memref_slice %arg13[%add3A_125, %dma_wait3A_235] : memref<10240x128xf32, #tpu.memory_space<vmem_shared>> -> memref<80x128xf32, #tpu.memory_space<vmem_shared>>
      tpu.wait_dma2 semaphore(%run_scoped3A : memref<!tpu.dma_semaphore, #tpu.memory_space<semaphore_mem>>) src(%arg12 : memref<80x128xf32, #tpu.memory_space<vmem>>) dst(%dma_wait3A_236 : memref<80x128xf32, #tpu.memory_space<vmem_shared>>)
      tpu.yield
    }) : () -> ()
    %barrier3A = arith.constant 0 : index
    tpu.barrier barrier_id(%barrier3A)
    %scan3A = arith.constant 0 : i32
    %scan3A_126 = arith.constant 0 : i32
    %scan3A_127 = arith.constant 62 : i32
    %scan3A_128 = arith.addi %scan3A_126, %scan3A_127 : i32
    %scan3A_129 = arith.constant 1 : i32
    scf.for %scan3A_229 = %scan3A_126 to %scan3A_128 step %scan3A_129  : i32 {
      %mul3A_230 = arith.constant 2 : i32
      %mul3A_231 = arith.muli %mul3A_230, %scan3A_229 : i32
      %mul3A_232 = arith.constant 2 : i32
      %mul3A_233 = arith.muli %mul3A_232, %scan3A_229 : i32
      %add3A_234 = arith.constant 1 : i32
      %add3A_235 = arith.addi %mul3A_233, %add3A_234 : i32
      %get3A_236 = arith.index_cast %add3A_235 : i32 to index
      %get3A_237 = arith.constant 0 : index
      %get3A_238 = tpu.vector_load %arg6[%get3A_236, %get3A_237] {strides = array<i32>} : memref<125x80xi32, #tpu.memory_space<vmem>>, vector<1x16xi32>,
      %get3A_239 = vector.shape_cast %get3A_238 : vector<1x16xi32> to vector<16xi32>
      %and3A_240 = arith.constant 16383 : i32
      %and3A_241 = vector.broadcast %and3A_240 : i32 to vector<16xi32>
      %and3A_242 = arith.andi %get3A_239, %and3A_241 : vector<16xi32>
      %swap3A_243 = arith.constant 0 : index
      %swap3A_244 = tpu.vector_load %arg9[%swap3A_243] {strides = array<i32>} : memref<80xi32, #tpu.memory_space<vmem>>, vector<16xi32>,
      %swap3A_245 = vector.shape_cast %swap3A_244 : vector<16xi32> to vector<16xi32>
      %swap3A_246 = vector.shape_cast %and3A_242 : vector<16xi32> to vector<16xi32>
      tpu.vector_store %arg9[%swap3A_243], %swap3A_246 {strides = array<i32>} : memref<80xi32, #tpu.memory_space<vmem>>, vector<16xi32>,
      %shift_right_arithmetic3A_247 = arith.constant 14 : i32
      %shift_right_arithmetic3A_248 = vector.broadcast %shift_right_arithmetic3A_247 : i32 to vector<16xi32>
      %shift_right_arithmetic3A_249 = arith.shrsi %get3A_239, %shift_right_arithmetic3A_248 : vector<16xi32>
      %swap3A_250 = arith.constant 0 : index
      %swap3A_251 = tpu.vector_load %arg10[%swap3A_250] {strides = array<i32>} : memref<80xi32, #tpu.memory_space<vmem>>, vector<16xi32>,
      %swap3A_252 = vector.shape_cast %swap3A_251 : vector<16xi32> to vector<16xi32>
      %swap3A_253 = vector.shape_cast %shift_right_arithmetic3A_249 : vector<16xi32> to vector<16xi32>
      tpu.vector_store %arg10[%swap3A_250], %swap3A_253 {strides = array<i32>} : memref<80xi32, #tpu.memory_space<vmem>>, vector<16xi32>,
      %get3A_254 = arith.index_cast %add3A_235 : i32 to index
      %get3A_255 = arith.constant 16 : index
      %get3A_256 = tpu.vector_load %arg6[%get3A_254, %get3A_255] {strides = array<i32>} : memref<125x80xi32, #tpu.memory_space<vmem>>, vector<1x16xi32>,
      %get3A_257 = vector.shape_cast %get3A_256 : vector<1x16xi32> to vector<16xi32>
      %and3A_258 = arith.constant 16383 : i32
      %and3A_259 = vector.broadcast %and3A_258 : i32 to vector<16xi32>
      %and3A_260 = arith.andi %get3A_257, %and3A_259 : vector<16xi32>
      %swap3A_261 = arith.constant 16 : index
      %swap3A_262 = tpu.vector_load %arg9[%swap3A_261] {strides = array<i32>} : memref<80xi32, #tpu.memory_space<vmem>>, vector<16xi32>,
      %swap3A_263 = vector.shape_cast %swap3A_262 : vector<16xi32> to vector<16xi32>
      %swap3A_264 = vector.shape_cast %and3A_260 : vector<16xi32> to vector<16xi32>
      tpu.vector_store %arg9[%swap3A_261], %swap3A_264 {strides = array<i32>} : memref<80xi32, #tpu.memory_space<vmem>>, vector<16xi32>,
      %shift_right_arithmetic3A_265 = arith.constant 14 : i32
      %shift_right_arithmetic3A_266 = vector.broadcast %shift_right_arithmetic3A_265 : i32 to vector<16xi32>
      %shift_right_arithmetic3A_267 = arith.shrsi %get3A_257, %shift_right_arithmetic3A_266 : vector<16xi32>
      %swap3A_268 = arith.constant 16 : index
      %swap3A_269 = tpu.vector_load %arg10[%swap3A_268] {strides = array<i32>} : memref<80xi32, #tpu.memory_space<vmem>>, vector<16xi32>,
      %swap3A_270 = vector.shape_cast %swap3A_269 : vector<16xi32> to vector<16xi32>
      %swap3A_271 = vector.shape_cast %shift_right_arithmetic3A_267 : vector<16xi32> to vector<16xi32>
      tpu.vector_store %arg10[%swap3A_268], %swap3A_271 {strides = array<i32>} : memref<80xi32, #tpu.memory_space<vmem>>, vector<16xi32>,
      %get3A_272 = arith.index_cast %add3A_235 : i32 to index
      %get3A_273 = arith.constant 32 : index
      %get3A_274 = tpu.vector_load %arg6[%get3A_272, %get3A_273] {strides = array<i32>} : memref<125x80xi32, #tpu.memory_space<vmem>>, vector<1x16xi32>,
      %get3A_275 = vector.shape_cast %get3A_274 : vector<1x16xi32> to vector<16xi32>
      %and3A_276 = arith.constant 16383 : i32
      %and3A_277 = vector.broadcast %and3A_276 : i32 to vector<16xi32>
      %and3A_278 = arith.andi %get3A_275, %and3A_277 : vector<16xi32>
      %swap3A_279 = arith.constant 32 : index
      %swap3A_280 = tpu.vector_load %arg9[%swap3A_279] {strides = array<i32>} : memref<80xi32, #tpu.memory_space<vmem>>, vector<16xi32>,
      %swap3A_281 = vector.shape_cast %swap3A_280 : vector<16xi32> to vector<16xi32>
      %swap3A_282 = vector.shape_cast %and3A_278 : vector<16xi32> to vector<16xi32>
      tpu.vector_store %arg9[%swap3A_279], %swap3A_282 {strides = array<i32>} : memref<80xi32, #tpu.memory_space<vmem>>, vector<16xi32>,
      %shift_right_arithmetic3A_283 = arith.constant 14 : i32
      %shift_right_arithmetic3A_284 = vector.broadcast %shift_right_arithmetic3A_283 : i32 to vector<16xi32>
      %shift_right_arithmetic3A_285 = arith.shrsi %get3A_275, %shift_right_arithmetic3A_284 : vector<16xi32>
      %swap3A_286 = arith.constant 32 : index
      %swap3A_287 = tpu.vector_load %arg10[%swap3A_286] {strides = array<i32>} : memref<80xi32, #tpu.memory_space<vmem>>, vector<16xi32>,
      %swap3A_288 = vector.shape_cast %swap3A_287 : vector<16xi32> to vector<16xi32>
      %swap3A_289 = vector.shape_cast %shift_right_arithmetic3A_285 : vector<16xi32> to vector<16xi32>
      tpu.vector_store %arg10[%swap3A_286], %swap3A_289 {strides = array<i32>} : memref<80xi32, #tpu.memory_space<vmem>>, vector<16xi32>,
      %get3A_290 = arith.index_cast %add3A_235 : i32 to index
      %get3A_291 = arith.constant 48 : index
      %get3A_292 = tpu.vector_load %arg6[%get3A_290, %get3A_291] {strides = array<i32>} : memref<125x80xi32, #tpu.memory_space<vmem>>, vector<1x16xi32>,
      %get3A_293 = vector.shape_cast %get3A_292 : vector<1x16xi32> to vector<16xi32>
      %and3A_294 = arith.constant 16383 : i32
      %and3A_295 = vector.broadcast %and3A_294 : i32 to vector<16xi32>
      %and3A_296 = arith.andi %get3A_293, %and3A_295 : vector<16xi32>
      %swap3A_297 = arith.constant 48 : index
      %swap3A_298 = tpu.vector_load %arg9[%swap3A_297] {strides = array<i32>} : memref<80xi32, #tpu.memory_space<vmem>>, vector<16xi32>,
      %swap3A_299 = vector.shape_cast %swap3A_298 : vector<16xi32> to vector<16xi32>
      %swap3A_300 = vector.shape_cast %and3A_296 : vector<16xi32> to vector<16xi32>
      tpu.vector_store %arg9[%swap3A_297], %swap3A_300 {strides = array<i32>} : memref<80xi32, #tpu.memory_space<vmem>>, vector<16xi32>,
      %shift_right_arithmetic3A_301 = arith.constant 14 : i32
      %shift_right_arithmetic3A_302 = vector.broadcast %shift_right_arithmetic3A_301 : i32 to vector<16xi32>
      %shift_right_arithmetic3A_303 = arith.shrsi %get3A_293, %shift_right_arithmetic3A_302 : vector<16xi32>
      %swap3A_304 = arith.constant 48 : index
      %swap3A_305 = tpu.vector_load %arg10[%swap3A_304] {strides = array<i32>} : memref<80xi32, #tpu.memory_space<vmem>>, vector<16xi32>,
      %swap3A_306 = vector.shape_cast %swap3A_305 : vector<16xi32> to vector<16xi32>
      %swap3A_307 = vector.shape_cast %shift_right_arithmetic3A_303 : vector<16xi32> to vector<16xi32>
      tpu.vector_store %arg10[%swap3A_304], %swap3A_307 {strides = array<i32>} : memref<80xi32, #tpu.memory_space<vmem>>, vector<16xi32>,
      %get3A_308 = arith.index_cast %add3A_235 : i32 to index
      %get3A_309 = arith.constant 64 : index
      %get3A_310 = tpu.vector_load %arg6[%get3A_308, %get3A_309] {strides = array<i32>} : memref<125x80xi32, #tpu.memory_space<vmem>>, vector<1x16xi32>,
      %get3A_311 = vector.shape_cast %get3A_310 : vector<1x16xi32> to vector<16xi32>
      %and3A_312 = arith.constant 16383 : i32
      %and3A_313 = vector.broadcast %and3A_312 : i32 to vector<16xi32>
      %and3A_314 = arith.andi %get3A_311, %and3A_313 : vector<16xi32>
      %swap3A_315 = arith.constant 64 : index
      %swap3A_316 = tpu.vector_load %arg9[%swap3A_315] {strides = array<i32>} : memref<80xi32, #tpu.memory_space<vmem>>, vector<16xi32>,
      %swap3A_317 = vector.shape_cast %swap3A_316 : vector<16xi32> to vector<16xi32>
      %swap3A_318 = vector.shape_cast %and3A_314 : vector<16xi32> to vector<16xi32>
      tpu.vector_store %arg9[%swap3A_315], %swap3A_318 {strides = array<i32>} : memref<80xi32, #tpu.memory_space<vmem>>, vector<16xi32>,
      %shift_right_arithmetic3A_319 = arith.constant 14 : i32
      %shift_right_arithmetic3A_320 = vector.broadcast %shift_right_arithmetic3A_319 : i32 to vector<16xi32>
      %shift_right_arithmetic3A_321 = arith.shrsi %get3A_311, %shift_right_arithmetic3A_320 : vector<16xi32>
      %swap3A_322 = arith.constant 64 : index
      %swap3A_323 = tpu.vector_load %arg10[%swap3A_322] {strides = array<i32>} : memref<80xi32, #tpu.memory_space<vmem>>, vector<16xi32>,
      %swap3A_324 = vector.shape_cast %swap3A_323 : vector<16xi32> to vector<16xi32>
      %swap3A_325 = vector.shape_cast %shift_right_arithmetic3A_321 : vector<16xi32> to vector<16xi32>
      tpu.vector_store %arg10[%swap3A_322], %swap3A_325 {strides = array<i32>} : memref<80xi32, #tpu.memory_space<vmem>>, vector<16xi32>,
      %dma_start3A_326 = arith.constant 0 : i32
      %dma_start3A_327 = arith.constant 0 : i32
      %dma_start3A_328 = tpu.memref_slice %arg2[%dma_start3A_326, %dma_start3A_327] : memref<10000x128xf32, #tpu.memory_space<hbm>> -> memref<10000x128xf32, #tpu.memory_space<hbm>>
      tpu.enqueue_indirect_dma source(%dma_start3A_328 : memref<10000x128xf32, #tpu.memory_space<hbm>>) target(%arg12 : memref<80x128xf32, #tpu.memory_space<vmem>>) offsets(%arg9 : memref<80xi32, #tpu.memory_space<vmem>>) semaphore(%arg15 : memref<!tpu.dma_semaphore, #tpu.memory_space<semaphore_mem>>)
      %dma_wait3A_329 = arith.constant 0 : i32
      %dma_wait3A_330 = arith.constant 0 : i32
      %dma_wait3A_331 = tpu.memref_slice %arg2[%dma_wait3A_329, %dma_wait3A_330] : memref<10000x128xf32, #tpu.memory_space<hbm>> -> memref<10000x128xf32, #tpu.memory_space<hbm>>
      tpu.wait_indirect_dma semaphore(%arg14 : memref<!tpu.dma_semaphore, #tpu.memory_space<semaphore_mem>>) src(%dma_wait3A_331 : memref<10000x128xf32, #tpu.memory_space<hbm>>) dst(%arg11 : memref<80x128xf32, #tpu.memory_space<vmem>>)
      "tpu.region"() ({
        %run_scoped3A = tpu.sem_alloc : memref<!tpu.dma_semaphore, #tpu.memory_space<semaphore_mem>>
        %dma_start3A_430 = arith.constant 0 : i32
        %dma_start3A_431 = arith.constant 0 : i32
        %dma_start3A_432 = tpu.memref_slice %arg13[%dma_start3A_430, %dma_start3A_431] : memref<10240x128xf32, #tpu.memory_space<vmem_shared>> -> memref<10240x128xf32, #tpu.memory_space<vmem_shared>>
        tpu.enqueue_indirect_dma source(%arg11 : memref<80x128xf32, #tpu.memory_space<vmem>>) target(%dma_start3A_432 : memref<10240x128xf32, #tpu.memory_space<vmem_shared>>) offsets(%arg8 : memref<80xi32, #tpu.memory_space<vmem>>) semaphore(%run_scoped3A : memref<!tpu.dma_semaphore, #tpu.memory_space<semaphore_mem>>) {add = true}
        %dma_wait3A_433 = arith.constant 0 : i32
        %dma_wait3A_434 = arith.constant 0 : i32
        %dma_wait3A_435 = tpu.memref_slice %arg13[%dma_wait3A_433, %dma_wait3A_434] : memref<10240x128xf32, #tpu.memory_space<vmem_shared>> -> memref<10240x128xf32, #tpu.memory_space<vmem_shared>>
        tpu.wait_indirect_dma semaphore(%run_scoped3A : memref<!tpu.dma_semaphore, #tpu.memory_space<semaphore_mem>>) src(%arg11 : memref<80x128xf32, #tpu.memory_space<vmem>>) dst(%dma_wait3A_435 : memref<10240x128xf32, #tpu.memory_space<vmem_shared>>)
        tpu.yield
      }) : () -> ()
      %add3A_332 = arith.constant 2 : i32
      %add3A_333 = arith.addi %mul3A_231, %add3A_332 : i32
      %get3A_334 = arith.index_cast %add3A_333 : i32 to index
      %get3A_335 = arith.constant 0 : index
      %get3A_336 = tpu.vector_load %arg6[%get3A_334, %get3A_335] {strides = array<i32>} : memref<125x80xi32, #tpu.memory_space<vmem>>, vector<1x16xi32>,
      %get3A_337 = vector.shape_cast %get3A_336 : vector<1x16xi32> to vector<16xi32>
      %and3A_338 = arith.constant 16383 : i32
      %and3A_339 = vector.broadcast %and3A_338 : i32 to vector<16xi32>
      %and3A_340 = arith.andi %get3A_337, %and3A_339 : vector<16xi32>
      %swap3A_341 = arith.constant 0 : index
      %swap3A_342 = tpu.vector_load %arg7[%swap3A_341] {strides = array<i32>} : memref<80xi32, #tpu.memory_space<vmem>>, vector<16xi32>,
      %swap3A_343 = vector.shape_cast %swap3A_342 : vector<16xi32> to vector<16xi32>
      %swap3A_344 = vector.shape_cast %and3A_340 : vector<16xi32> to vector<16xi32>
      tpu.vector_store %arg7[%swap3A_341], %swap3A_344 {strides = array<i32>} : memref<80xi32, #tpu.memory_space<vmem>>, vector<16xi32>,
      %shift_right_arithmetic3A_345 = arith.constant 14 : i32
      %shift_right_arithmetic3A_346 = vector.broadcast %shift_right_arithmetic3A_345 : i32 to vector<16xi32>
      %shift_right_arithmetic3A_347 = arith.shrsi %get3A_337, %shift_right_arithmetic3A_346 : vector<16xi32>
      %swap3A_348 = arith.constant 0 : index
      %swap3A_349 = tpu.vector_load %arg8[%swap3A_348] {strides = array<i32>} : memref<80xi32, #tpu.memory_space<vmem>>, vector<16xi32>,
      %swap3A_350 = vector.shape_cast %swap3A_349 : vector<16xi32> to vector<16xi32>
      %swap3A_351 = vector.shape_cast %shift_right_arithmetic3A_347 : vector<16xi32> to vector<16xi32>
      tpu.vector_store %arg8[%swap3A_348], %swap3A_351 {strides = array<i32>} : memref<80xi32, #tpu.memory_space<vmem>>, vector<16xi32>,
      %get3A_352 = arith.index_cast %add3A_333 : i32 to index
      %get3A_353 = arith.constant 16 : index
      %get3A_354 = tpu.vector_load %arg6[%get3A_352, %get3A_353] {strides = array<i32>} : memref<125x80xi32, #tpu.memory_space<vmem>>, vector<1x16xi32>,
      %get3A_355 = vector.shape_cast %get3A_354 : vector<1x16xi32> to vector<16xi32>
      %and3A_356 = arith.constant 16383 : i32
      %and3A_357 = vector.broadcast %and3A_356 : i32 to vector<16xi32>
      %and3A_358 = arith.andi %get3A_355, %and3A_357 : vector<16xi32>
      %swap3A_359 = arith.constant 16 : index
      %swap3A_360 = tpu.vector_load %arg7[%swap3A_359] {strides = array<i32>} : memref<80xi32, #tpu.memory_space<vmem>>, vector<16xi32>,
      %swap3A_361 = vector.shape_cast %swap3A_360 : vector<16xi32> to vector<16xi32>
      %swap3A_362 = vector.shape_cast %and3A_358 : vector<16xi32> to vector<16xi32>
      tpu.vector_store %arg7[%swap3A_359], %swap3A_362 {strides = array<i32>} : memref<80xi32, #tpu.memory_space<vmem>>, vector<16xi32>,
      %shift_right_arithmetic3A_363 = arith.constant 14 : i32
      %shift_right_arithmetic3A_364 = vector.broadcast %shift_right_arithmetic3A_363 : i32 to vector<16xi32>
      %shift_right_arithmetic3A_365 = arith.shrsi %get3A_355, %shift_right_arithmetic3A_364 : vector<16xi32>
      %swap3A_366 = arith.constant 16 : index
      %swap3A_367 = tpu.vector_load %arg8[%swap3A_366] {strides = array<i32>} : memref<80xi32, #tpu.memory_space<vmem>>, vector<16xi32>,
      %swap3A_368 = vector.shape_cast %swap3A_367 : vector<16xi32> to vector<16xi32>
      %swap3A_369 = vector.shape_cast %shift_right_arithmetic3A_365 : vector<16xi32> to vector<16xi32>
      tpu.vector_store %arg8[%swap3A_366], %swap3A_369 {strides = array<i32>} : memref<80xi32, #tpu.memory_space<vmem>>, vector<16xi32>,
      %get3A_370 = arith.index_cast %add3A_333 : i32 to index
      %get3A_371 = arith.constant 32 : index
      %get3A_372 = tpu.vector_load %arg6[%get3A_370, %get3A_371] {strides = array<i32>} : memref<125x80xi32, #tpu.memory_space<vmem>>, vector<1x16xi32>,
      %get3A_373 = vector.shape_cast %get3A_372 : vector<1x16xi32> to vector<16xi32>
      %and3A_374 = arith.constant 16383 : i32
      %and3A_375 = vector.broadcast %and3A_374 : i32 to vector<16xi32>
      %and3A_376 = arith.andi %get3A_373, %and3A_375 : vector<16xi32>
      %swap3A_377 = arith.constant 32 : index
      %swap3A_378 = tpu.vector_load %arg7[%swap3A_377] {strides = array<i32>} : memref<80xi32, #tpu.memory_space<vmem>>, vector<16xi32>,
      %swap3A_379 = vector.shape_cast %swap3A_378 : vector<16xi32> to vector<16xi32>
      %swap3A_380 = vector.shape_cast %and3A_376 : vector<16xi32> to vector<16xi32>
      tpu.vector_store %arg7[%swap3A_377], %swap3A_380 {strides = array<i32>} : memref<80xi32, #tpu.memory_space<vmem>>, vector<16xi32>,
      %shift_right_arithmetic3A_381 = arith.constant 14 : i32
      %shift_right_arithmetic3A_382 = vector.broadcast %shift_right_arithmetic3A_381 : i32 to vector<16xi32>
      %shift_right_arithmetic3A_383 = arith.shrsi %get3A_373, %shift_right_arithmetic3A_382 : vector<16xi32>
      %swap3A_384 = arith.constant 32 : index
      %swap3A_385 = tpu.vector_load %arg8[%swap3A_384] {strides = array<i32>} : memref<80xi32, #tpu.memory_space<vmem>>, vector<16xi32>,
      %swap3A_386 = vector.shape_cast %swap3A_385 : vector<16xi32> to vector<16xi32>
      %swap3A_387 = vector.shape_cast %shift_right_arithmetic3A_383 : vector<16xi32> to vector<16xi32>
      tpu.vector_store %arg8[%swap3A_384], %swap3A_387 {strides = array<i32>} : memref<80xi32, #tpu.memory_space<vmem>>, vector<16xi32>,
      %get3A_388 = arith.index_cast %add3A_333 : i32 to index
      %get3A_389 = arith.constant 48 : index
      %get3A_390 = tpu.vector_load %arg6[%get3A_388, %get3A_389] {strides = array<i32>} : memref<125x80xi32, #tpu.memory_space<vmem>>, vector<1x16xi32>,
      %get3A_391 = vector.shape_cast %get3A_390 : vector<1x16xi32> to vector<16xi32>
      %and3A_392 = arith.constant 16383 : i32
      %and3A_393 = vector.broadcast %and3A_392 : i32 to vector<16xi32>
      %and3A_394 = arith.andi %get3A_391, %and3A_393 : vector<16xi32>
      %swap3A_395 = arith.constant 48 : index
      %swap3A_396 = tpu.vector_load %arg7[%swap3A_395] {strides = array<i32>} : memref<80xi32, #tpu.memory_space<vmem>>, vector<16xi32>,
      %swap3A_397 = vector.shape_cast %swap3A_396 : vector<16xi32> to vector<16xi32>
      %swap3A_398 = vector.shape_cast %and3A_394 : vector<16xi32> to vector<16xi32>
      tpu.vector_store %arg7[%swap3A_395], %swap3A_398 {strides = array<i32>} : memref<80xi32, #tpu.memory_space<vmem>>, vector<16xi32>,
      %shift_right_arithmetic3A_399 = arith.constant 14 : i32
      %shift_right_arithmetic3A_400 = vector.broadcast %shift_right_arithmetic3A_399 : i32 to vector<16xi32>
      %shift_right_arithmetic3A_401 = arith.shrsi %get3A_391, %shift_right_arithmetic3A_400 : vector<16xi32>
      %swap3A_402 = arith.constant 48 : index
      %swap3A_403 = tpu.vector_load %arg8[%swap3A_402] {strides = array<i32>} : memref<80xi32, #tpu.memory_space<vmem>>, vector<16xi32>,
      %swap3A_404 = vector.shape_cast %swap3A_403 : vector<16xi32> to vector<16xi32>
      %swap3A_405 = vector.shape_cast %shift_right_arithmetic3A_401 : vector<16xi32> to vector<16xi32>
      tpu.vector_store %arg8[%swap3A_402], %swap3A_405 {strides = array<i32>} : memref<80xi32, #tpu.memory_space<vmem>>, vector<16xi32>,
      %get3A_406 = arith.index_cast %add3A_333 : i32 to index
      %get3A_407 = arith.constant 64 : index
      %get3A_408 = tpu.vector_load %arg6[%get3A_406, %get3A_407] {strides = array<i32>} : memref<125x80xi32, #tpu.memory_space<vmem>>, vector<1x16xi32>,
      %get3A_409 = vector.shape_cast %get3A_408 : vector<1x16xi32> to vector<16xi32>
      %and3A_410 = arith.constant 16383 : i32
      %and3A_411 = vector.broadcast %and3A_410 : i32 to vector<16xi32>
      %and3A_412 = arith.andi %get3A_409, %and3A_411 : vector<16xi32>
      %swap3A_413 = arith.constant 64 : index
      %swap3A_414 = tpu.vector_load %arg7[%swap3A_413] {strides = array<i32>} : memref<80xi32, #tpu.memory_space<vmem>>, vector<16xi32>,
      %swap3A_415 = vector.shape_cast %swap3A_414 : vector<16xi32> to vector<16xi32>
      %swap3A_416 = vector.shape_cast %and3A_412 : vector<16xi32> to vector<16xi32>
      tpu.vector_store %arg7[%swap3A_413], %swap3A_416 {strides = array<i32>} : memref<80xi32, #tpu.memory_space<vmem>>, vector<16xi32>,
      %shift_right_arithmetic3A_417 = arith.constant 14 : i32
      %shift_right_arithmetic3A_418 = vector.broadcast %shift_right_arithmetic3A_417 : i32 to vector<16xi32>
      %shift_right_arithmetic3A_419 = arith.shrsi %get3A_409, %shift_right_arithmetic3A_418 : vector<16xi32>
      %swap3A_420 = arith.constant 64 : index
      %swap3A_421 = tpu.vector_load %arg8[%swap3A_420] {strides = array<i32>} : memref<80xi32, #tpu.memory_space<vmem>>, vector<16xi32>,
      %swap3A_422 = vector.shape_cast %swap3A_421 : vector<16xi32> to vector<16xi32>
      %swap3A_423 = vector.shape_cast %shift_right_arithmetic3A_419 : vector<16xi32> to vector<16xi32>
      tpu.vector_store %arg8[%swap3A_420], %swap3A_423 {strides = array<i32>} : memref<80xi32, #tpu.memory_space<vmem>>, vector<16xi32>,
      %dma_start3A_424 = arith.constant 0 : i32
      %dma_start3A_425 = arith.constant 0 : i32
      %dma_start3A_426 = tpu.memref_slice %arg2[%dma_start3A_424, %dma_start3A_425] : memref<10000x128xf32, #tpu.memory_space<hbm>> -> memref<10000x128xf32, #tpu.memory_space<hbm>>
      tpu.enqueue_indirect_dma source(%dma_start3A_426 : memref<10000x128xf32, #tpu.memory_space<hbm>>) target(%arg11 : memref<80x128xf32, #tpu.memory_space<vmem>>) offsets(%arg7 : memref<80xi32, #tpu.memory_space<vmem>>) semaphore(%arg14 : memref<!tpu.dma_semaphore, #tpu.memory_space<semaphore_mem>>)
      %dma_wait3A_427 = arith.constant 0 : i32
      %dma_wait3A_428 = arith.constant 0 : i32
      %dma_wait3A_429 = tpu.memref_slice %arg2[%dma_wait3A_427, %dma_wait3A_428] : memref<10000x128xf32, #tpu.memory_space<hbm>> -> memref<10000x128xf32, #tpu.memory_space<hbm>>
      tpu.wait_indirect_dma semaphore(%arg15 : memref<!tpu.dma_semaphore, #tpu.memory_space<semaphore_mem>>) src(%dma_wait3A_429 : memref<10000x128xf32, #tpu.memory_space<hbm>>) dst(%arg12 : memref<80x128xf32, #tpu.memory_space<vmem>>)
      "tpu.region"() ({
        %run_scoped3A = tpu.sem_alloc : memref<!tpu.dma_semaphore, #tpu.memory_space<semaphore_mem>>
        %dma_start3A_430 = arith.constant 0 : i32
        %dma_start3A_431 = arith.constant 0 : i32
        %dma_start3A_432 = tpu.memref_slice %arg13[%dma_start3A_430, %dma_start3A_431] : memref<10240x128xf32, #tpu.memory_space<vmem_shared>> -> memref<10240x128xf32, #tpu.memory_space<vmem_shared>>
        tpu.enqueue_indirect_dma source(%arg12 : memref<80x128xf32, #tpu.memory_space<vmem>>) target(%dma_start3A_432 : memref<10240x128xf32, #tpu.memory_space<vmem_shared>>) offsets(%arg10 : memref<80xi32, #tpu.memory_space<vmem>>) semaphore(%run_scoped3A : memref<!tpu.dma_semaphore, #tpu.memory_space<semaphore_mem>>) {add = true}
        %dma_wait3A_433 = arith.constant 0 : i32
        %dma_wait3A_434 = arith.constant 0 : i32
        %dma_wait3A_435 = tpu.memref_slice %arg13[%dma_wait3A_433, %dma_wait3A_434] : memref<10240x128xf32, #tpu.memory_space<vmem_shared>> -> memref<10240x128xf32, #tpu.memory_space<vmem_shared>>
        tpu.wait_indirect_dma semaphore(%run_scoped3A : memref<!tpu.dma_semaphore, #tpu.memory_space<semaphore_mem>>) src(%arg12 : memref<80x128xf32, #tpu.memory_space<vmem>>) dst(%dma_wait3A_435 : memref<10240x128xf32, #tpu.memory_space<vmem_shared>>)
        tpu.yield
      }) : () -> ()
    }
    %scan3A_130 = arith.constant 62 : i32
    %dma_wait3A = arith.constant 0 : i32
    %dma_wait3A_131 = arith.constant 0 : i32
    %dma_wait3A_132 = tpu.memref_slice %arg2[%dma_wait3A, %dma_wait3A_131] : memref<10000x128xf32, #tpu.memory_space<hbm>> -> memref<10000x128xf32, #tpu.memory_space<hbm>>
    tpu.wait_indirect_dma semaphore(%arg14 : memref<!tpu.dma_semaphore, #tpu.memory_space<semaphore_mem>>) src(%dma_wait3A_132 : memref<10000x128xf32, #tpu.memory_space<hbm>>) dst(%arg11 : memref<80x128xf32, #tpu.memory_space<vmem>>)
    "tpu.region"() ({
      %run_scoped3A = tpu.sem_alloc : memref<!tpu.dma_semaphore, #tpu.memory_space<semaphore_mem>>
      %dma_start3A_229 = arith.constant 0 : i32
      %dma_start3A_230 = arith.constant 0 : i32
      %dma_start3A_231 = tpu.memref_slice %arg13[%dma_start3A_229, %dma_start3A_230] : memref<10240x128xf32, #tpu.memory_space<vmem_shared>> -> memref<10240x128xf32, #tpu.memory_space<vmem_shared>>
      tpu.enqueue_indirect_dma source(%arg11 : memref<80x128xf32, #tpu.memory_space<vmem>>) target(%dma_start3A_231 : memref<10240x128xf32, #tpu.memory_space<vmem_shared>>) offsets(%arg8 : memref<80xi32, #tpu.memory_space<vmem>>) semaphore(%run_scoped3A : memref<!tpu.dma_semaphore, #tpu.memory_space<semaphore_mem>>) {add = true}
      %dma_wait3A_232 = arith.constant 0 : i32
      %dma_wait3A_233 = arith.constant 0 : i32
      %dma_wait3A_234 = tpu.memref_slice %arg13[%dma_wait3A_232, %dma_wait3A_233] : memref<10240x128xf32, #tpu.memory_space<vmem_shared>> -> memref<10240x128xf32, #tpu.memory_space<vmem_shared>>
      tpu.wait_indirect_dma semaphore(%run_scoped3A : memref<!tpu.dma_semaphore, #tpu.memory_space<semaphore_mem>>) src(%arg11 : memref<80x128xf32, #tpu.memory_space<vmem>>) dst(%dma_wait3A_234 : memref<10240x128xf32, #tpu.memory_space<vmem_shared>>)
      tpu.yield
    }) : () -> ()
    %barrier3A_133 = arith.constant 0 : index
    tpu.barrier barrier_id(%barrier3A_133)
    %mul3A_134 = arith.constant 640 : i32
    %mul3A_135 = arith.muli %arg1, %mul3A_134 : i32
    %add3A_136 = arith.constant 0 : i32
    %add3A_137 = arith.addi %mul3A_135, %add3A_136 : i32
    "tpu.region"() ({
      %run_scoped3A = tpu.sem_alloc : memref<!tpu.dma_semaphore, #tpu.memory_space<semaphore_mem>>
      %dma_start3A_229 = arith.constant 0 : i32
      %dma_start3A_230 = tpu.memref_slice %arg13[%add3A_137, %dma_start3A_229] : memref<10240x128xf32, #tpu.memory_space<vmem_shared>> -> memref<80x128xf32, #tpu.memory_space<vmem_shared>>
      %dma_start3A_231 = arith.constant 0 : i32
      %dma_start3A_232 = tpu.memref_slice %arg13[%add3A_137, %dma_start3A_231] : memref<10240x128xf32, #tpu.memory_space<vmem_shared>> -> memref<80x128xf32, #tpu.memory_space<vmem_shared>>
      tpu.enqueue_dma source(%dma_start3A_232 : memref<80x128xf32, #tpu.memory_space<vmem_shared>>) target(%arg11 : memref<80x128xf32, #tpu.memory_space<vmem>>) target_semaphore(%run_scoped3A : memref<!tpu.dma_semaphore, #tpu.memory_space<semaphore_mem>>)
      %dma_wait3A_233 = arith.constant 0 : i32
      %dma_wait3A_234 = tpu.memref_slice %arg13[%add3A_137, %dma_wait3A_233] : memref<10240x128xf32, #tpu.memory_space<vmem_shared>> -> memref<80x128xf32, #tpu.memory_space<vmem_shared>>
      %dma_wait3A_235 = arith.constant 0 : i32
      %dma_wait3A_236 = tpu.memref_slice %arg13[%add3A_137, %dma_wait3A_235] : memref<10240x128xf32, #tpu.memory_space<vmem_shared>> -> memref<80x128xf32, #tpu.memory_space<vmem_shared>>
      tpu.wait_dma2 semaphore(%run_scoped3A : memref<!tpu.dma_semaphore, #tpu.memory_space<semaphore_mem>>) src(%dma_wait3A_236 : memref<80x128xf32, #tpu.memory_space<vmem_shared>>) dst(%arg11 : memref<80x128xf32, #tpu.memory_space<vmem>>)
      tpu.yield
    }) : () -> ()
    %mul3A_138 = arith.constant 10240 : i32
    %mul3A_139 = arith.muli %arg0, %mul3A_138 : i32
    %mul3A_140 = arith.constant 640 : i32
    %mul3A_141 = arith.muli %arg1, %mul3A_140 : i32
    %add3A_142 = arith.addi %mul3A_139, %mul3A_141 : i32
    %add3A_143 = arith.constant 0 : i32
    %add3A_144 = arith.addi %add3A_142, %add3A_143 : i32
    %multiple_of3A = tpu.assume_multiple %add3A_144, 8 : i32
    "tpu.region"() ({
      %run_scoped3A = tpu.sem_alloc : memref<!tpu.dma_semaphore, #tpu.memory_space<semaphore_mem>>
      %dma_start3A_229 = arith.constant 0 : i32
      %dma_start3A_230 = tpu.memref_slice %arg5[%multiple_of3A, %dma_start3A_229] : memref<20480x128xf32, #tpu.memory_space<hbm>> -> memref<80x128xf32, #tpu.memory_space<hbm>>
      %dma_start3A_231 = arith.constant 0 : i32
      %dma_start3A_232 = tpu.memref_slice %arg5[%multiple_of3A, %dma_start3A_231] : memref<20480x128xf32, #tpu.memory_space<hbm>> -> memref<80x128xf32, #tpu.memory_space<hbm>>
      tpu.enqueue_dma source(%arg11 : memref<80x128xf32, #tpu.memory_space<vmem>>) target(%dma_start3A_232 : memref<80x128xf32, #tpu.memory_space<hbm>>) target_semaphore(%run_scoped3A : memref<!tpu.dma_semaphore, #tpu.memory_space<semaphore_mem>>)
      %dma_wait3A_233 = arith.constant 0 : i32
      %dma_wait3A_234 = tpu.memref_slice %arg5[%multiple_of3A, %dma_wait3A_233] : memref<20480x128xf32, #tpu.memory_space<hbm>> -> memref<80x128xf32, #tpu.memory_space<hbm>>
      %dma_wait3A_235 = arith.constant 0 : i32
      %dma_wait3A_236 = tpu.memref_slice %arg5[%multiple_of3A, %dma_wait3A_235] : memref<20480x128xf32, #tpu.memory_space<hbm>> -> memref<80x128xf32, #tpu.memory_space<hbm>>
      tpu.wait_dma2 semaphore(%run_scoped3A : memref<!tpu.dma_semaphore, #tpu.memory_space<semaphore_mem>>) src(%arg11 : memref<80x128xf32, #tpu.memory_space<vmem>>) dst(%dma_wait3A_236 : memref<80x128xf32, #tpu.memory_space<hbm>>)
      tpu.yield
    }) : () -> ()
    %mul3A_145 = arith.constant 640 : i32
    %mul3A_146 = arith.muli %arg1, %mul3A_145 : i32
    %add3A_147 = arith.constant 80 : i32
    %add3A_148 = arith.addi %mul3A_146, %add3A_147 : i32
    "tpu.region"() ({
      %run_scoped3A = tpu.sem_alloc : memref<!tpu.dma_semaphore, #tpu.memory_space<semaphore_mem>>
      %dma_start3A_229 = arith.constant 0 : i32
      %dma_start3A_230 = tpu.memref_slice %arg13[%add3A_148, %dma_start3A_229] : memref<10240x128xf32, #tpu.memory_space<vmem_shared>> -> memref<80x128xf32, #tpu.memory_space<vmem_shared>>
      %dma_start3A_231 = arith.constant 0 : i32
      %dma_start3A_232 = tpu.memref_slice %arg13[%add3A_148, %dma_start3A_231] : memref<10240x128xf32, #tpu.memory_space<vmem_shared>> -> memref<80x128xf32, #tpu.memory_space<vmem_shared>>
      tpu.enqueue_dma source(%dma_start3A_232 : memref<80x128xf32, #tpu.memory_space<vmem_shared>>) target(%arg11 : memref<80x128xf32, #tpu.memory_space<vmem>>) target_semaphore(%run_scoped3A : memref<!tpu.dma_semaphore, #tpu.memory_space<semaphore_mem>>)
      %dma_wait3A_233 = arith.constant 0 : i32
      %dma_wait3A_234 = tpu.memref_slice %arg13[%add3A_148, %dma_wait3A_233] : memref<10240x128xf32, #tpu.memory_space<vmem_shared>> -> memref<80x128xf32, #tpu.memory_space<vmem_shared>>
      %dma_wait3A_235 = arith.constant 0 : i32
      %dma_wait3A_236 = tpu.memref_slice %arg13[%add3A_148, %dma_wait3A_235] : memref<10240x128xf32, #tpu.memory_space<vmem_shared>> -> memref<80x128xf32, #tpu.memory_space<vmem_shared>>
      tpu.wait_dma2 semaphore(%run_scoped3A : memref<!tpu.dma_semaphore, #tpu.memory_space<semaphore_mem>>) src(%dma_wait3A_236 : memref<80x128xf32, #tpu.memory_space<vmem_shared>>) dst(%arg11 : memref<80x128xf32, #tpu.memory_space<vmem>>)
      tpu.yield
    }) : () -> ()
    %mul3A_149 = arith.constant 10240 : i32
    %mul3A_150 = arith.muli %arg0, %mul3A_149 : i32
    %mul3A_151 = arith.constant 640 : i32
    %mul3A_152 = arith.muli %arg1, %mul3A_151 : i32
    %add3A_153 = arith.addi %mul3A_150, %mul3A_152 : i32
    %add3A_154 = arith.constant 80 : i32
    %add3A_155 = arith.addi %add3A_153, %add3A_154 : i32
    %multiple_of3A_156 = tpu.assume_multiple %add3A_155, 8 : i32
    "tpu.region"() ({
      %run_scoped3A = tpu.sem_alloc : memref<!tpu.dma_semaphore, #tpu.memory_space<semaphore_mem>>
      %dma_start3A_229 = arith.constant 0 : i32
      %dma_start3A_230 = tpu.memref_slice %arg5[%multiple_of3A_156, %dma_start3A_229] : memref<20480x128xf32, #tpu.memory_space<hbm>> -> memref<80x128xf32, #tpu.memory_space<hbm>>
      %dma_start3A_231 = arith.constant 0 : i32
      %dma_start3A_232 = tpu.memref_slice %arg5[%multiple_of3A_156, %dma_start3A_231] : memref<20480x128xf32, #tpu.memory_space<hbm>> -> memref<80x128xf32, #tpu.memory_space<hbm>>
      tpu.enqueue_dma source(%arg11 : memref<80x128xf32, #tpu.memory_space<vmem>>) target(%dma_start3A_232 : memref<80x128xf32, #tpu.memory_space<hbm>>) target_semaphore(%run_scoped3A : memref<!tpu.dma_semaphore, #tpu.memory_space<semaphore_mem>>)
      %dma_wait3A_233 = arith.constant 0 : i32
      %dma_wait3A_234 = tpu.memref_slice %arg5[%multiple_of3A_156, %dma_wait3A_233] : memref<20480x128xf32, #tpu.memory_space<hbm>> -> memref<80x128xf32, #tpu.memory_space<hbm>>
      %dma_wait3A_235 = arith.constant 0 : i32
      %dma_wait3A_236 = tpu.memref_slice %arg5[%multiple_of3A_156, %dma_wait3A_235] : memref<20480x128xf32, #tpu.memory_space<hbm>> -> memref<80x128xf32, #tpu.memory_space<hbm>>
      tpu.wait_dma2 semaphore(%run_scoped3A : memref<!tpu.dma_semaphore, #tpu.memory_space<semaphore_mem>>) src(%arg11 : memref<80x128xf32, #tpu.memory_space<vmem>>) dst(%dma_wait3A_236 : memref<80x128xf32, #tpu.memory_space<hbm>>)
      tpu.yield
    }) : () -> ()
    %mul3A_157 = arith.constant 640 : i32
    %mul3A_158 = arith.muli %arg1, %mul3A_157 : i32
    %add3A_159 = arith.constant 160 : i32
    %add3A_160 = arith.addi %mul3A_158, %add3A_159 : i32
    "tpu.region"() ({
      %run_scoped3A = tpu.sem_alloc : memref<!tpu.dma_semaphore, #tpu.memory_space<semaphore_mem>>
      %dma_start3A_229 = arith.constant 0 : i32
      %dma_start3A_230 = tpu.memref_slice %arg13[%add3A_160, %dma_start3A_229] : memref<10240x128xf32, #tpu.memory_space<vmem_shared>> -> memref<80x128xf32, #tpu.memory_space<vmem_shared>>
      %dma_start3A_231 = arith.constant 0 : i32
      %dma_start3A_232 = tpu.memref_slice %arg13[%add3A_160, %dma_start3A_231] : memref<10240x128xf32, #tpu.memory_space<vmem_shared>> -> memref<80x128xf32, #tpu.memory_space<vmem_shared>>
      tpu.enqueue_dma source(%dma_start3A_232 : memref<80x128xf32, #tpu.memory_space<vmem_shared>>) target(%arg11 : memref<80x128xf32, #tpu.memory_space<vmem>>) target_semaphore(%run_scoped3A : memref<!tpu.dma_semaphore, #tpu.memory_space<semaphore_mem>>)
      %dma_wait3A_233 = arith.constant 0 : i32
      %dma_wait3A_234 = tpu.memref_slice %arg13[%add3A_160, %dma_wait3A_233] : memref<10240x128xf32, #tpu.memory_space<vmem_shared>> -> memref<80x128xf32, #tpu.memory_space<vmem_shared>>
      %dma_wait3A_235 = arith.constant 0 : i32
      %dma_wait3A_236 = tpu.memref_slice %arg13[%add3A_160, %dma_wait3A_235] : memref<10240x128xf32, #tpu.memory_space<vmem_shared>> -> memref<80x128xf32, #tpu.memory_space<vmem_shared>>
      tpu.wait_dma2 semaphore(%run_scoped3A : memref<!tpu.dma_semaphore, #tpu.memory_space<semaphore_mem>>) src(%dma_wait3A_236 : memref<80x128xf32, #tpu.memory_space<vmem_shared>>) dst(%arg11 : memref<80x128xf32, #tpu.memory_space<vmem>>)
      tpu.yield
    }) : () -> ()
    %mul3A_161 = arith.constant 10240 : i32
    %mul3A_162 = arith.muli %arg0, %mul3A_161 : i32
    %mul3A_163 = arith.constant 640 : i32
    %mul3A_164 = arith.muli %arg1, %mul3A_163 : i32
    %add3A_165 = arith.addi %mul3A_162, %mul3A_164 : i32
    %add3A_166 = arith.constant 160 : i32
    %add3A_167 = arith.addi %add3A_165, %add3A_166 : i32
    %multiple_of3A_168 = tpu.assume_multiple %add3A_167, 8 : i32
    "tpu.region"() ({
      %run_scoped3A = tpu.sem_alloc : memref<!tpu.dma_semaphore, #tpu.memory_space<semaphore_mem>>
      %dma_start3A_229 = arith.constant 0 : i32
      %dma_start3A_230 = tpu.memref_slice %arg5[%multiple_of3A_168, %dma_start3A_229] : memref<20480x128xf32, #tpu.memory_space<hbm>> -> memref<80x128xf32, #tpu.memory_space<hbm>>
      %dma_start3A_231 = arith.constant 0 : i32
      %dma_start3A_232 = tpu.memref_slice %arg5[%multiple_of3A_168, %dma_start3A_231] : memref<20480x128xf32, #tpu.memory_space<hbm>> -> memref<80x128xf32, #tpu.memory_space<hbm>>
      tpu.enqueue_dma source(%arg11 : memref<80x128xf32, #tpu.memory_space<vmem>>) target(%dma_start3A_232 : memref<80x128xf32, #tpu.memory_space<hbm>>) target_semaphore(%run_scoped3A : memref<!tpu.dma_semaphore, #tpu.memory_space<semaphore_mem>>)
      %dma_wait3A_233 = arith.constant 0 : i32
      %dma_wait3A_234 = tpu.memref_slice %arg5[%multiple_of3A_168, %dma_wait3A_233] : memref<20480x128xf32, #tpu.memory_space<hbm>> -> memref<80x128xf32, #tpu.memory_space<hbm>>
      %dma_wait3A_235 = arith.constant 0 : i32
      %dma_wait3A_236 = tpu.memref_slice %arg5[%multiple_of3A_168, %dma_wait3A_235] : memref<20480x128xf32, #tpu.memory_space<hbm>> -> memref<80x128xf32, #tpu.memory_space<hbm>>
      tpu.wait_dma2 semaphore(%run_scoped3A : memref<!tpu.dma_semaphore, #tpu.memory_space<semaphore_mem>>) src(%arg11 : memref<80x128xf32, #tpu.memory_space<vmem>>) dst(%dma_wait3A_236 : memref<80x128xf32, #tpu.memory_space<hbm>>)
      tpu.yield
    }) : () -> ()
    %mul3A_169 = arith.constant 640 : i32
    %mul3A_170 = arith.muli %arg1, %mul3A_169 : i32
    %add3A_171 = arith.constant 240 : i32
    %add3A_172 = arith.addi %mul3A_170, %add3A_171 : i32
    "tpu.region"() ({
      %run_scoped3A = tpu.sem_alloc : memref<!tpu.dma_semaphore, #tpu.memory_space<semaphore_mem>>
      %dma_start3A_229 = arith.constant 0 : i32
      %dma_start3A_230 = tpu.memref_slice %arg13[%add3A_172, %dma_start3A_229] : memref<10240x128xf32, #tpu.memory_space<vmem_shared>> -> memref<80x128xf32, #tpu.memory_space<vmem_shared>>
      %dma_start3A_231 = arith.constant 0 : i32
      %dma_start3A_232 = tpu.memref_slice %arg13[%add3A_172, %dma_start3A_231] : memref<10240x128xf32, #tpu.memory_space<vmem_shared>> -> memref<80x128xf32, #tpu.memory_space<vmem_shared>>
      tpu.enqueue_dma source(%dma_start3A_232 : memref<80x128xf32, #tpu.memory_space<vmem_shared>>) target(%arg11 : memref<80x128xf32, #tpu.memory_space<vmem>>) target_semaphore(%run_scoped3A : memref<!tpu.dma_semaphore, #tpu.memory_space<semaphore_mem>>)
      %dma_wait3A_233 = arith.constant 0 : i32
      %dma_wait3A_234 = tpu.memref_slice %arg13[%add3A_172, %dma_wait3A_233] : memref<10240x128xf32, #tpu.memory_space<vmem_shared>> -> memref<80x128xf32, #tpu.memory_space<vmem_shared>>
      %dma_wait3A_235 = arith.constant 0 : i32
      %dma_wait3A_236 = tpu.memref_slice %arg13[%add3A_172, %dma_wait3A_235] : memref<10240x128xf32, #tpu.memory_space<vmem_shared>> -> memref<80x128xf32, #tpu.memory_space<vmem_shared>>
      tpu.wait_dma2 semaphore(%run_scoped3A : memref<!tpu.dma_semaphore, #tpu.memory_space<semaphore_mem>>) src(%dma_wait3A_236 : memref<80x128xf32, #tpu.memory_space<vmem_shared>>) dst(%arg11 : memref<80x128xf32, #tpu.memory_space<vmem>>)
      tpu.yield
    }) : () -> ()
    %mul3A_173 = arith.constant 10240 : i32
    %mul3A_174 = arith.muli %arg0, %mul3A_173 : i32
    %mul3A_175 = arith.constant 640 : i32
    %mul3A_176 = arith.muli %arg1, %mul3A_175 : i32
    %add3A_177 = arith.addi %mul3A_174, %mul3A_176 : i32
    %add3A_178 = arith.constant 240 : i32
    %add3A_179 = arith.addi %add3A_177, %add3A_178 : i32
    %multiple_of3A_180 = tpu.assume_multiple %add3A_179, 8 : i32
    "tpu.region"() ({
      %run_scoped3A = tpu.sem_alloc : memref<!tpu.dma_semaphore, #tpu.memory_space<semaphore_mem>>
      %dma_start3A_229 = arith.constant 0 : i32
      %dma_start3A_230 = tpu.memref_slice %arg5[%multiple_of3A_180, %dma_start3A_229] : memref<20480x128xf32, #tpu.memory_space<hbm>> -> memref<80x128xf32, #tpu.memory_space<hbm>>
      %dma_start3A_231 = arith.constant 0 : i32
      %dma_start3A_232 = tpu.memref_slice %arg5[%multiple_of3A_180, %dma_start3A_231] : memref<20480x128xf32, #tpu.memory_space<hbm>> -> memref<80x128xf32, #tpu.memory_space<hbm>>
      tpu.enqueue_dma source(%arg11 : memref<80x128xf32, #tpu.memory_space<vmem>>) target(%dma_start3A_232 : memref<80x128xf32, #tpu.memory_space<hbm>>) target_semaphore(%run_scoped3A : memref<!tpu.dma_semaphore, #tpu.memory_space<semaphore_mem>>)
      %dma_wait3A_233 = arith.constant 0 : i32
      %dma_wait3A_234 = tpu.memref_slice %arg5[%multiple_of3A_180, %dma_wait3A_233] : memref<20480x128xf32, #tpu.memory_space<hbm>> -> memref<80x128xf32, #tpu.memory_space<hbm>>
      %dma_wait3A_235 = arith.constant 0 : i32
      %dma_wait3A_236 = tpu.memref_slice %arg5[%multiple_of3A_180, %dma_wait3A_235] : memref<20480x128xf32, #tpu.memory_space<hbm>> -> memref<80x128xf32, #tpu.memory_space<hbm>>
      tpu.wait_dma2 semaphore(%run_scoped3A : memref<!tpu.dma_semaphore, #tpu.memory_space<semaphore_mem>>) src(%arg11 : memref<80x128xf32, #tpu.memory_space<vmem>>) dst(%dma_wait3A_236 : memref<80x128xf32, #tpu.memory_space<hbm>>)
      tpu.yield
    }) : () -> ()
    %mul3A_181 = arith.constant 640 : i32
    %mul3A_182 = arith.muli %arg1, %mul3A_181 : i32
    %add3A_183 = arith.constant 320 : i32
    %add3A_184 = arith.addi %mul3A_182, %add3A_183 : i32
    "tpu.region"() ({
      %run_scoped3A = tpu.sem_alloc : memref<!tpu.dma_semaphore, #tpu.memory_space<semaphore_mem>>
      %dma_start3A_229 = arith.constant 0 : i32
      %dma_start3A_230 = tpu.memref_slice %arg13[%add3A_184, %dma_start3A_229] : memref<10240x128xf32, #tpu.memory_space<vmem_shared>> -> memref<80x128xf32, #tpu.memory_space<vmem_shared>>
      %dma_start3A_231 = arith.constant 0 : i32
      %dma_start3A_232 = tpu.memref_slice %arg13[%add3A_184, %dma_start3A_231] : memref<10240x128xf32, #tpu.memory_space<vmem_shared>> -> memref<80x128xf32, #tpu.memory_space<vmem_shared>>
      tpu.enqueue_dma source(%dma_start3A_232 : memref<80x128xf32, #tpu.memory_space<vmem_shared>>) target(%arg11 : memref<80x128xf32, #tpu.memory_space<vmem>>) target_semaphore(%run_scoped3A : memref<!tpu.dma_semaphore, #tpu.memory_space<semaphore_mem>>)
      %dma_wait3A_233 = arith.constant 0 : i32
      %dma_wait3A_234 = tpu.memref_slice %arg13[%add3A_184, %dma_wait3A_233] : memref<10240x128xf32, #tpu.memory_space<vmem_shared>> -> memref<80x128xf32, #tpu.memory_space<vmem_shared>>
      %dma_wait3A_235 = arith.constant 0 : i32
      %dma_wait3A_236 = tpu.memref_slice %arg13[%add3A_184, %dma_wait3A_235] : memref<10240x128xf32, #tpu.memory_space<vmem_shared>> -> memref<80x128xf32, #tpu.memory_space<vmem_shared>>
      tpu.wait_dma2 semaphore(%run_scoped3A : memref<!tpu.dma_semaphore, #tpu.memory_space<semaphore_mem>>) src(%dma_wait3A_236 : memref<80x128xf32, #tpu.memory_space<vmem_shared>>) dst(%arg11 : memref<80x128xf32, #tpu.memory_space<vmem>>)
      tpu.yield
    }) : () -> ()
    %mul3A_185 = arith.constant 10240 : i32
    %mul3A_186 = arith.muli %arg0, %mul3A_185 : i32
    %mul3A_187 = arith.constant 640 : i32
    %mul3A_188 = arith.muli %arg1, %mul3A_187 : i32
    %add3A_189 = arith.addi %mul3A_186, %mul3A_188 : i32
    %add3A_190 = arith.constant 320 : i32
    %add3A_191 = arith.addi %add3A_189, %add3A_190 : i32
    %multiple_of3A_192 = tpu.assume_multiple %add3A_191, 8 : i32
    "tpu.region"() ({
      %run_scoped3A = tpu.sem_alloc : memref<!tpu.dma_semaphore, #tpu.memory_space<semaphore_mem>>
      %dma_start3A_229 = arith.constant 0 : i32
      %dma_start3A_230 = tpu.memref_slice %arg5[%multiple_of3A_192, %dma_start3A_229] : memref<20480x128xf32, #tpu.memory_space<hbm>> -> memref<80x128xf32, #tpu.memory_space<hbm>>
      %dma_start3A_231 = arith.constant 0 : i32
      %dma_start3A_232 = tpu.memref_slice %arg5[%multiple_of3A_192, %dma_start3A_231] : memref<20480x128xf32, #tpu.memory_space<hbm>> -> memref<80x128xf32, #tpu.memory_space<hbm>>
      tpu.enqueue_dma source(%arg11 : memref<80x128xf32, #tpu.memory_space<vmem>>) target(%dma_start3A_232 : memref<80x128xf32, #tpu.memory_space<hbm>>) target_semaphore(%run_scoped3A : memref<!tpu.dma_semaphore, #tpu.memory_space<semaphore_mem>>)
      %dma_wait3A_233 = arith.constant 0 : i32
      %dma_wait3A_234 = tpu.memref_slice %arg5[%multiple_of3A_192, %dma_wait3A_233] : memref<20480x128xf32, #tpu.memory_space<hbm>> -> memref<80x128xf32, #tpu.memory_space<hbm>>
      %dma_wait3A_235 = arith.constant 0 : i32
      %dma_wait3A_236 = tpu.memref_slice %arg5[%multiple_of3A_192, %dma_wait3A_235] : memref<20480x128xf32, #tpu.memory_space<hbm>> -> memref<80x128xf32, #tpu.memory_space<hbm>>
      tpu.wait_dma2 semaphore(%run_scoped3A : memref<!tpu.dma_semaphore, #tpu.memory_space<semaphore_mem>>) src(%arg11 : memref<80x128xf32, #tpu.memory_space<vmem>>) dst(%dma_wait3A_236 : memref<80x128xf32, #tpu.memory_space<hbm>>)
      tpu.yield
    }) : () -> ()
    %mul3A_193 = arith.constant 640 : i32
    %mul3A_194 = arith.muli %arg1, %mul3A_193 : i32
    %add3A_195 = arith.constant 400 : i32
    %add3A_196 = arith.addi %mul3A_194, %add3A_195 : i32
    "tpu.region"() ({
      %run_scoped3A = tpu.sem_alloc : memref<!tpu.dma_semaphore, #tpu.memory_space<semaphore_mem>>
      %dma_start3A_229 = arith.constant 0 : i32
      %dma_start3A_230 = tpu.memref_slice %arg13[%add3A_196, %dma_start3A_229] : memref<10240x128xf32, #tpu.memory_space<vmem_shared>> -> memref<80x128xf32, #tpu.memory_space<vmem_shared>>
      %dma_start3A_231 = arith.constant 0 : i32
      %dma_start3A_232 = tpu.memref_slice %arg13[%add3A_196, %dma_start3A_231] : memref<10240x128xf32, #tpu.memory_space<vmem_shared>> -> memref<80x128xf32, #tpu.memory_space<vmem_shared>>
      tpu.enqueue_dma source(%dma_start3A_232 : memref<80x128xf32, #tpu.memory_space<vmem_shared>>) target(%arg11 : memref<80x128xf32, #tpu.memory_space<vmem>>) target_semaphore(%run_scoped3A : memref<!tpu.dma_semaphore, #tpu.memory_space<semaphore_mem>>)
      %dma_wait3A_233 = arith.constant 0 : i32
      %dma_wait3A_234 = tpu.memref_slice %arg13[%add3A_196, %dma_wait3A_233] : memref<10240x128xf32, #tpu.memory_space<vmem_shared>> -> memref<80x128xf32, #tpu.memory_space<vmem_shared>>
      %dma_wait3A_235 = arith.constant 0 : i32
      %dma_wait3A_236 = tpu.memref_slice %arg13[%add3A_196, %dma_wait3A_235] : memref<10240x128xf32, #tpu.memory_space<vmem_shared>> -> memref<80x128xf32, #tpu.memory_space<vmem_shared>>
      tpu.wait_dma2 semaphore(%run_scoped3A : memref<!tpu.dma_semaphore, #tpu.memory_space<semaphore_mem>>) src(%dma_wait3A_236 : memref<80x128xf32, #tpu.memory_space<vmem_shared>>) dst(%arg11 : memref<80x128xf32, #tpu.memory_space<vmem>>)
      tpu.yield
    }) : () -> ()
    %mul3A_197 = arith.constant 10240 : i32
    %mul3A_198 = arith.muli %arg0, %mul3A_197 : i32
    %mul3A_199 = arith.constant 640 : i32
    %mul3A_200 = arith.muli %arg1, %mul3A_199 : i32
    %add3A_201 = arith.addi %mul3A_198, %mul3A_200 : i32
    %add3A_202 = arith.constant 400 : i32
    %add3A_203 = arith.addi %add3A_201, %add3A_202 : i32
    %multiple_of3A_204 = tpu.assume_multiple %add3A_203, 8 : i32
    "tpu.region"() ({
      %run_scoped3A = tpu.sem_alloc : memref<!tpu.dma_semaphore, #tpu.memory_space<semaphore_mem>>
      %dma_start3A_229 = arith.constant 0 : i32
      %dma_start3A_230 = tpu.memref_slice %arg5[%multiple_of3A_204, %dma_start3A_229] : memref<20480x128xf32, #tpu.memory_space<hbm>> -> memref<80x128xf32, #tpu.memory_space<hbm>>
      %dma_start3A_231 = arith.constant 0 : i32
      %dma_start3A_232 = tpu.memref_slice %arg5[%multiple_of3A_204, %dma_start3A_231] : memref<20480x128xf32, #tpu.memory_space<hbm>> -> memref<80x128xf32, #tpu.memory_space<hbm>>
      tpu.enqueue_dma source(%arg11 : memref<80x128xf32, #tpu.memory_space<vmem>>) target(%dma_start3A_232 : memref<80x128xf32, #tpu.memory_space<hbm>>) target_semaphore(%run_scoped3A : memref<!tpu.dma_semaphore, #tpu.memory_space<semaphore_mem>>)
      %dma_wait3A_233 = arith.constant 0 : i32
      %dma_wait3A_234 = tpu.memref_slice %arg5[%multiple_of3A_204, %dma_wait3A_233] : memref<20480x128xf32, #tpu.memory_space<hbm>> -> memref<80x128xf32, #tpu.memory_space<hbm>>
      %dma_wait3A_235 = arith.constant 0 : i32
      %dma_wait3A_236 = tpu.memref_slice %arg5[%multiple_of3A_204, %dma_wait3A_235] : memref<20480x128xf32, #tpu.memory_space<hbm>> -> memref<80x128xf32, #tpu.memory_space<hbm>>
      tpu.wait_dma2 semaphore(%run_scoped3A : memref<!tpu.dma_semaphore, #tpu.memory_space<semaphore_mem>>) src(%arg11 : memref<80x128xf32, #tpu.memory_space<vmem>>) dst(%dma_wait3A_236 : memref<80x128xf32, #tpu.memory_space<hbm>>)
      tpu.yield
    }) : () -> ()
    %mul3A_205 = arith.constant 640 : i32
    %mul3A_206 = arith.muli %arg1, %mul3A_205 : i32
    %add3A_207 = arith.constant 480 : i32
    %add3A_208 = arith.addi %mul3A_206, %add3A_207 : i32
    "tpu.region"() ({
      %run_scoped3A = tpu.sem_alloc : memref<!tpu.dma_semaphore, #tpu.memory_space<semaphore_mem>>
      %dma_start3A_229 = arith.constant 0 : i32
      %dma_start3A_230 = tpu.memref_slice %arg13[%add3A_208, %dma_start3A_229] : memref<10240x128xf32, #tpu.memory_space<vmem_shared>> -> memref<80x128xf32, #tpu.memory_space<vmem_shared>>
      %dma_start3A_231 = arith.constant 0 : i32
      %dma_start3A_232 = tpu.memref_slice %arg13[%add3A_208, %dma_start3A_231] : memref<10240x128xf32, #tpu.memory_space<vmem_shared>> -> memref<80x128xf32, #tpu.memory_space<vmem_shared>>
      tpu.enqueue_dma source(%dma_start3A_232 : memref<80x128xf32, #tpu.memory_space<vmem_shared>>) target(%arg11 : memref<80x128xf32, #tpu.memory_space<vmem>>) target_semaphore(%run_scoped3A : memref<!tpu.dma_semaphore, #tpu.memory_space<semaphore_mem>>)
      %dma_wait3A_233 = arith.constant 0 : i32
      %dma_wait3A_234 = tpu.memref_slice %arg13[%add3A_208, %dma_wait3A_233] : memref<10240x128xf32, #tpu.memory_space<vmem_shared>> -> memref<80x128xf32, #tpu.memory_space<vmem_shared>>
      %dma_wait3A_235 = arith.constant 0 : i32
      %dma_wait3A_236 = tpu.memref_slice %arg13[%add3A_208, %dma_wait3A_235] : memref<10240x128xf32, #tpu.memory_space<vmem_shared>> -> memref<80x128xf32, #tpu.memory_space<vmem_shared>>
      tpu.wait_dma2 semaphore(%run_scoped3A : memref<!tpu.dma_semaphore, #tpu.memory_space<semaphore_mem>>) src(%dma_wait3A_236 : memref<80x128xf32, #tpu.memory_space<vmem_shared>>) dst(%arg11 : memref<80x128xf32, #tpu.memory_space<vmem>>)
      tpu.yield
    }) : () -> ()
    %mul3A_209 = arith.constant 10240 : i32
    %mul3A_210 = arith.muli %arg0, %mul3A_209 : i32
    %mul3A_211 = arith.constant 640 : i32
    %mul3A_212 = arith.muli %arg1, %mul3A_211 : i32
    %add3A_213 = arith.addi %mul3A_210, %mul3A_212 : i32
    %add3A_214 = arith.constant 480 : i32
    %add3A_215 = arith.addi %add3A_213, %add3A_214 : i32
    %multiple_of3A_216 = tpu.assume_multiple %add3A_215, 8 : i32
    "tpu.region"() ({
      %run_scoped3A = tpu.sem_alloc : memref<!tpu.dma_semaphore, #tpu.memory_space<semaphore_mem>>
      %dma_start3A_229 = arith.constant 0 : i32
      %dma_start3A_230 = tpu.memref_slice %arg5[%multiple_of3A_216, %dma_start3A_229] : memref<20480x128xf32, #tpu.memory_space<hbm>> -> memref<80x128xf32, #tpu.memory_space<hbm>>
      %dma_start3A_231 = arith.constant 0 : i32
      %dma_start3A_232 = tpu.memref_slice %arg5[%multiple_of3A_216, %dma_start3A_231] : memref<20480x128xf32, #tpu.memory_space<hbm>> -> memref<80x128xf32, #tpu.memory_space<hbm>>
      tpu.enqueue_dma source(%arg11 : memref<80x128xf32, #tpu.memory_space<vmem>>) target(%dma_start3A_232 : memref<80x128xf32, #tpu.memory_space<hbm>>) target_semaphore(%run_scoped3A : memref<!tpu.dma_semaphore, #tpu.memory_space<semaphore_mem>>)
      %dma_wait3A_233 = arith.constant 0 : i32
      %dma_wait3A_234 = tpu.memref_slice %arg5[%multiple_of3A_216, %dma_wait3A_233] : memref<20480x128xf32, #tpu.memory_space<hbm>> -> memref<80x128xf32, #tpu.memory_space<hbm>>
      %dma_wait3A_235 = arith.constant 0 : i32
      %dma_wait3A_236 = tpu.memref_slice %arg5[%multiple_of3A_216, %dma_wait3A_235] : memref<20480x128xf32, #tpu.memory_space<hbm>> -> memref<80x128xf32, #tpu.memory_space<hbm>>
      tpu.wait_dma2 semaphore(%run_scoped3A : memref<!tpu.dma_semaphore, #tpu.memory_space<semaphore_mem>>) src(%arg11 : memref<80x128xf32, #tpu.memory_space<vmem>>) dst(%dma_wait3A_236 : memref<80x128xf32, #tpu.memory_space<hbm>>)
      tpu.yield
    }) : () -> ()
    %mul3A_217 = arith.constant 640 : i32
    %mul3A_218 = arith.muli %arg1, %mul3A_217 : i32
    %add3A_219 = arith.constant 560 : i32
    %add3A_220 = arith.addi %mul3A_218, %add3A_219 : i32
    "tpu.region"() ({
      %run_scoped3A = tpu.sem_alloc : memref<!tpu.dma_semaphore, #tpu.memory_space<semaphore_mem>>
      %dma_start3A_229 = arith.constant 0 : i32
      %dma_start3A_230 = tpu.memref_slice %arg13[%add3A_220, %dma_start3A_229] : memref<10240x128xf32, #tpu.memory_space<vmem_shared>> -> memref<80x128xf32, #tpu.memory_space<vmem_shared>>
      %dma_start3A_231 = arith.constant 0 : i32
      %dma_start3A_232 = tpu.memref_slice %arg13[%add3A_220, %dma_start3A_231] : memref<10240x128xf32, #tpu.memory_space<vmem_shared>> -> memref<80x128xf32, #tpu.memory_space<vmem_shared>>
      tpu.enqueue_dma source(%dma_start3A_232 : memref<80x128xf32, #tpu.memory_space<vmem_shared>>) target(%arg11 : memref<80x128xf32, #tpu.memory_space<vmem>>) target_semaphore(%run_scoped3A : memref<!tpu.dma_semaphore, #tpu.memory_space<semaphore_mem>>)
      %dma_wait3A_233 = arith.constant 0 : i32
      %dma_wait3A_234 = tpu.memref_slice %arg13[%add3A_220, %dma_wait3A_233] : memref<10240x128xf32, #tpu.memory_space<vmem_shared>> -> memref<80x128xf32, #tpu.memory_space<vmem_shared>>
      %dma_wait3A_235 = arith.constant 0 : i32
      %dma_wait3A_236 = tpu.memref_slice %arg13[%add3A_220, %dma_wait3A_235] : memref<10240x128xf32, #tpu.memory_space<vmem_shared>> -> memref<80x128xf32, #tpu.memory_space<vmem_shared>>
      tpu.wait_dma2 semaphore(%run_scoped3A : memref<!tpu.dma_semaphore, #tpu.memory_space<semaphore_mem>>) src(%dma_wait3A_236 : memref<80x128xf32, #tpu.memory_space<vmem_shared>>) dst(%arg11 : memref<80x128xf32, #tpu.memory_space<vmem>>)
      tpu.yield
    }) : () -> ()
    %mul3A_221 = arith.constant 10240 : i32
    %mul3A_222 = arith.muli %arg0, %mul3A_221 : i32
    %mul3A_223 = arith.constant 640 : i32
    %mul3A_224 = arith.muli %arg1, %mul3A_223 : i32
    %add3A_225 = arith.addi %mul3A_222, %mul3A_224 : i32
    %add3A_226 = arith.constant 560 : i32
    %add3A_227 = arith.addi %add3A_225, %add3A_226 : i32
    %multiple_of3A_228 = tpu.assume_multiple %add3A_227, 8 : i32
    "tpu.region"() ({
      %run_scoped3A = tpu.sem_alloc : memref<!tpu.dma_semaphore, #tpu.memory_space<semaphore_mem>>
      %dma_start3A_229 = arith.constant 0 : i32
      %dma_start3A_230 = tpu.memref_slice %arg5[%multiple_of3A_228, %dma_start3A_229] : memref<20480x128xf32, #tpu.memory_space<hbm>> -> memref<80x128xf32, #tpu.memory_space<hbm>>
      %dma_start3A_231 = arith.constant 0 : i32
      %dma_start3A_232 = tpu.memref_slice %arg5[%multiple_of3A_228, %dma_start3A_231] : memref<20480x128xf32, #tpu.memory_space<hbm>> -> memref<80x128xf32, #tpu.memory_space<hbm>>
      tpu.enqueue_dma source(%arg11 : memref<80x128xf32, #tpu.memory_space<vmem>>) target(%dma_start3A_232 : memref<80x128xf32, #tpu.memory_space<hbm>>) target_semaphore(%run_scoped3A : memref<!tpu.dma_semaphore, #tpu.memory_space<semaphore_mem>>)
      %dma_wait3A_233 = arith.constant 0 : i32
      %dma_wait3A_234 = tpu.memref_slice %arg5[%multiple_of3A_228, %dma_wait3A_233] : memref<20480x128xf32, #tpu.memory_space<hbm>> -> memref<80x128xf32, #tpu.memory_space<hbm>>
      %dma_wait3A_235 = arith.constant 0 : i32
      %dma_wait3A_236 = tpu.memref_slice %arg5[%multiple_of3A_228, %dma_wait3A_235] : memref<20480x128xf32, #tpu.memory_space<hbm>> -> memref<80x128xf32, #tpu.memory_space<hbm>>
      tpu.wait_dma2 semaphore(%run_scoped3A : memref<!tpu.dma_semaphore, #tpu.memory_space<semaphore_mem>>) src(%arg11 : memref<80x128xf32, #tpu.memory_space<vmem>>) dst(%dma_wait3A_236 : memref<80x128xf32, #tpu.memory_space<hbm>>)
      tpu.yield
    }) : () -> ()
    return
  }
}

module attributes {stable_mosaic.version = 14 : i64} {
  func.func @_prep0_body(%arg0: i32, %arg1: memref<1024x128xf32, #tpu.memory_space<vmem>>, %arg2: memref<1024x1xf32, #tpu.memory_space<vmem>>, %arg3: memref<1024x4xf32, #tpu.memory_space<vmem>>, %arg4: memref<128x4xf32, #tpu.memory_space<vmem>>, %arg5: memref<128x4xf32, #tpu.memory_space<vmem>>, %arg6: memref<4x128x128xf32, #tpu.memory_space<vmem>>, %arg7: memref<4x128xf32, #tpu.memory_space<vmem>>, %arg8: memref<1024x128xf32, #tpu.memory_space<vmem>>) attributes {dimension_semantics = [#tpu.dimension_semantics<arbitrary>], iteration_bounds = array<i64: 10>, scalar_prefetch = 0 : i64, scratch_operands = 0 : i64, tpu.core_type = #tpu.core_type<tc>, window_params = [{transform_indices = @transform_0, window_bounds = array<i64: 1024, 128>}, {transform_indices = @transform_1, window_bounds = array<i64: 1024, 1>}, {transform_indices = @transform_2, window_bounds = array<i64: 1024, 4>}, {pipeline_mode = #tpu.pipeline_mode<synchronous>, transform_indices = @transform_3, window_bounds = array<i64: 128, 4>}, {pipeline_mode = #tpu.pipeline_mode<synchronous>, transform_indices = @transform_4, window_bounds = array<i64: 128, 4>}, {pipeline_mode = #tpu.pipeline_mode<synchronous>, transform_indices = @transform_5, window_bounds = array<i64: 4, 128, 128>}, {pipeline_mode = #tpu.pipeline_mode<synchronous>, transform_indices = @transform_6, window_bounds = array<i64: 4, 128>}, {transform_indices = @transform_7, window_bounds = array<i64: 1024, 128>}]} {
    %get3A = arith.constant 0 : index
    %get3A_0 = arith.constant 0 : index
    %get3A_1 = vector.load %arg1[%get3A, %get3A_0] : memref<1024x128xf32, #tpu.memory_space<vmem>>, vector<1024x128xf32>
    %get3A_2 = arith.constant 0 : index
    %get3A_3 = arith.constant 0 : index
    %get3A_4 = vector.load %arg2[%get3A_2, %get3A_3] : memref<1024x1xf32, #tpu.memory_space<vmem>>, vector<1024x1xf32>
    %get3A_5 = arith.constant 0 : index
    %get3A_6 = arith.constant 0 : index
    %get3A_7 = vector.load %arg3[%get3A_5, %get3A_6] : memref<1024x4xf32, #tpu.memory_space<vmem>>, vector<1024x4xf32>
    %convert_element_type3A = arith.truncf %get3A_1 : vector<1024x128xf32> to vector<1024x128xbf16>
    %get3A_8 = arith.constant 0 : index
    %get3A_9 = arith.constant 0 : index
    %get3A_10 = vector.load %arg4[%get3A_8, %get3A_9] : memref<128x4xf32, #tpu.memory_space<vmem>>, vector<128x4xf32>
    %convert_element_type3A_11 = arith.truncf %get3A_10 : vector<128x4xf32> to vector<128x4xbf16>
    %dot_general3A = arith.constant dense<0.000000e+00> : vector<1024x4xf32>
    %dot_general3A_12 = tpu.matmul %convert_element_type3A, %convert_element_type3A_11, %dot_general3A {dimension_numbers = #tpu.dot_dimension_numbers<[1], [0], [0], [1], [0, 0, 1, 1], [], []>, transpose_lhs_hint = false} : vector<1024x128xbf16>, vector<128x4xbf16>, vector<1024x4xf32> -> vector<1024x4xf32>
    %get3A_13 = arith.constant 0 : index
    %get3A_14 = arith.constant 0 : index
    %get3A_15 = vector.load %arg5[%get3A_13, %get3A_14] : memref<128x4xf32, #tpu.memory_space<vmem>>, vector<128x4xf32>
    %convert_element_type3A_16 = arith.truncf %get3A_15 : vector<128x4xf32> to vector<128x4xbf16>
    %dot_general3A_17 = arith.constant dense<0.000000e+00> : vector<1024x4xf32>
    %dot_general3A_18 = tpu.matmul %convert_element_type3A, %convert_element_type3A_16, %dot_general3A_17 {dimension_numbers = #tpu.dot_dimension_numbers<[1], [0], [0], [1], [0, 0, 1, 1], [], []>, transpose_lhs_hint = false} : vector<1024x128xbf16>, vector<128x4xbf16>, vector<1024x4xf32> -> vector<1024x4xf32>
    %custom_jvp_call3A = arith.constant 0.000000e+00 : f32
    %max3A = vector.broadcast %custom_jvp_call3A : f32 to vector<1024x4xf32>
    %max3A_19 = arith.maximumf %dot_general3A_18, %max3A : vector<1024x4xf32>
    %sub3A = vector.broadcast %custom_jvp_call3A : f32 to vector<1024x4xf32>
    %sub3A_20 = arith.subf %dot_general3A_18, %sub3A : vector<1024x4xf32>
    %ne3A = arith.cmpf one, %sub3A_20, %sub3A_20 : vector<1024x4xf32>
    %add3A = vector.broadcast %custom_jvp_call3A : f32 to vector<1024x4xf32>
    %add3A_21 = arith.addf %dot_general3A_18, %add3A : vector<1024x4xf32>
    %abs3A = math.absf %sub3A_20 : vector<1024x4xf32>
    %neg3A = arith.constant 0.000000e+00 : f32
    %neg3A_22 = vector.broadcast %neg3A : f32 to vector<1024x4xf32>
    %neg3A_23 = arith.subf %neg3A_22, %abs3A : vector<1024x4xf32>
    %exp3A = math.exp %neg3A_23 : vector<1024x4xf32>
    %log1p3A = math.log1p %exp3A : vector<1024x4xf32>
    %add3A_24 = arith.addf %max3A_19, %log1p3A : vector<1024x4xf32>
    %select_n3A = arith.select %ne3A, %add3A_21, %add3A_24 : vector<1024x4xi1>, vector<1024x4xf32>
    %add3A_25 = arith.constant 0.00999999977 : f32
    %add3A_26 = vector.broadcast %add3A_25 : f32 to vector<1024x4xf32>
    %add3A_27 = arith.addf %select_n3A, %add3A_26 : vector<1024x4xf32>
    %mul3A = arith.mulf %get3A_7, %add3A_27 : vector<1024x4xf32>
    %add3A_28 = arith.addf %dot_general3A_12, %mul3A : vector<1024x4xf32>
    %slice3A = vector.extract_strided_slice %add3A_28 {offsets = [0, 0], sizes = [1024, 1], strides = [1, 1]} : vector<1024x4xf32> to vector<1024x1xf32>
    %broadcast_in_dim3A = arith.constant 0 : i32
    %broadcast_in_dim3A_29 = vector.broadcast %broadcast_in_dim3A : i32 to vector<1024x1xi32>
    %slice3A_30 = vector.extract_strided_slice %add3A_28 {offsets = [0, 1], sizes = [1024, 1], strides = [1, 1]} : vector<1024x4xf32> to vector<1024x1xf32>
    %gt3A = arith.cmpf ogt, %slice3A_30, %slice3A : vector<1024x1xf32>
    %select_n3A_31 = arith.select %gt3A, %slice3A_30, %slice3A : vector<1024x1xi1>, vector<1024x1xf32>
    %jit3A = arith.constant 1 : i32
    %broadcast_in_dim3A_32 = vector.broadcast %jit3A : i32 to vector<1024x1xi32>
    %select_n3A_33 = arith.select %gt3A, %broadcast_in_dim3A_32, %broadcast_in_dim3A_29 : vector<1024x1xi1>, vector<1024x1xi32>
    %slice3A_34 = vector.extract_strided_slice %add3A_28 {offsets = [0, 2], sizes = [1024, 1], strides = [1, 1]} : vector<1024x4xf32> to vector<1024x1xf32>
    %gt3A_35 = arith.cmpf ogt, %slice3A_34, %select_n3A_31 : vector<1024x1xf32>
    %select_n3A_36 = arith.select %gt3A_35, %slice3A_34, %select_n3A_31 : vector<1024x1xi1>, vector<1024x1xf32>
    %jit3A_37 = arith.constant 2 : i32
    %broadcast_in_dim3A_38 = vector.broadcast %jit3A_37 : i32 to vector<1024x1xi32>
    %select_n3A_39 = arith.select %gt3A_35, %broadcast_in_dim3A_38, %select_n3A_33 : vector<1024x1xi1>, vector<1024x1xi32>
    %slice3A_40 = vector.extract_strided_slice %add3A_28 {offsets = [0, 3], sizes = [1024, 1], strides = [1, 1]} : vector<1024x4xf32> to vector<1024x1xf32>
    %gt3A_41 = arith.cmpf ogt, %slice3A_40, %select_n3A_36 : vector<1024x1xf32>
    %jit3A_42 = arith.constant 3 : i32
    %broadcast_in_dim3A_43 = vector.broadcast %jit3A_42 : i32 to vector<1024x1xi32>
    %select_n3A_44 = arith.select %gt3A_41, %broadcast_in_dim3A_43, %select_n3A_39 : vector<1024x1xi1>, vector<1024x1xi32>
    %convert_element_type3A_45 = arith.truncf %get3A_1 : vector<1024x128xf32> to vector<1024x128xbf16>
    %convert_element_type3A_46 = arith.extf %convert_element_type3A_45 : vector<1024x128xbf16> to vector<1024x128xf32>
    %sub3A_47 = arith.subf %get3A_1, %convert_element_type3A_46 : vector<1024x128xf32>
    %convert_element_type3A_48 = arith.truncf %sub3A_47 : vector<1024x128xf32> to vector<1024x128xbf16>
    %convert_element_type3A_49 = arith.extf %convert_element_type3A_48 : vector<1024x128xbf16> to vector<1024x128xf32>
    %sub3A_50 = arith.subf %sub3A_47, %convert_element_type3A_49 : vector<1024x128xf32>
    %convert_element_type3A_51 = arith.truncf %sub3A_50 : vector<1024x128xf32> to vector<1024x128xbf16>
    %broadcast_in_dim3A_52 = arith.constant 0.000000e+00 : f32
    %broadcast_in_dim3A_53 = vector.broadcast %broadcast_in_dim3A_52 : f32 to vector<1024x128xf32>
    %eq3A = arith.constant 0 : i32
    %eq3A_54 = vector.broadcast %eq3A : i32 to vector<1024x1xi32>
    %eq3A_55 = arith.cmpi eq, %select_n3A_44, %eq3A_54 : vector<1024x1xi32>
    %convert_element_type3A_56 = arith.extui %eq3A_55 : vector<1024x1xi1> to vector<1024x1xi32>
    %convert_element_type3A_57 = arith.sitofp %convert_element_type3A_56 : vector<1024x1xi32> to vector<1024x1xf32>
    %get3A_58 = arith.constant 0 : index
    %get3A_59 = arith.constant 0 : index
    %get3A_60 = arith.constant 0 : index
    %get3A_61 = vector.load %arg6[%get3A_58, %get3A_59, %get3A_60] : memref<4x128x128xf32, #tpu.memory_space<vmem>>, vector<1x128x128xf32>
    %get3A_62 = vector.shape_cast %get3A_61 : vector<1x128x128xf32> to vector<128x128xf32>
    %convert_element_type3A_63 = arith.truncf %get3A_62 : vector<128x128xf32> to vector<128x128xbf16>
    %convert_element_type3A_64 = arith.extf %convert_element_type3A_63 : vector<128x128xbf16> to vector<128x128xf32>
    %sub3A_65 = arith.subf %get3A_62, %convert_element_type3A_64 : vector<128x128xf32>
    %convert_element_type3A_66 = arith.truncf %sub3A_65 : vector<128x128xf32> to vector<128x128xbf16>
    %convert_element_type3A_67 = arith.extf %convert_element_type3A_66 : vector<128x128xbf16> to vector<128x128xf32>
    %sub3A_68 = arith.subf %sub3A_65, %convert_element_type3A_67 : vector<128x128xf32>
    %convert_element_type3A_69 = arith.truncf %sub3A_68 : vector<128x128xf32> to vector<128x128xbf16>
    %dot_general3A_70 = arith.constant dense<0.000000e+00> : vector<1024x128xf32>
    %dot_general3A_71 = tpu.matmul %convert_element_type3A_45, %convert_element_type3A_69, %dot_general3A_70 {dimension_numbers = #tpu.dot_dimension_numbers<[1], [0], [0], [1], [0, 0, 1, 1], [], []>, transpose_lhs_hint = false} : vector<1024x128xbf16>, vector<128x128xbf16>, vector<1024x128xf32> -> vector<1024x128xf32>
    %dot_general3A_72 = arith.constant dense<0.000000e+00> : vector<1024x128xf32>
    %dot_general3A_73 = tpu.matmul %convert_element_type3A_48, %convert_element_type3A_66, %dot_general3A_72 {dimension_numbers = #tpu.dot_dimension_numbers<[1], [0], [0], [1], [0, 0, 1, 1], [], []>, transpose_lhs_hint = false} : vector<1024x128xbf16>, vector<128x128xbf16>, vector<1024x128xf32> -> vector<1024x128xf32>
    %add3A_74 = arith.addf %dot_general3A_71, %dot_general3A_73 : vector<1024x128xf32>
    %dot_general3A_75 = arith.constant dense<0.000000e+00> : vector<1024x128xf32>
    %dot_general3A_76 = tpu.matmul %convert_element_type3A_51, %convert_element_type3A_63, %dot_general3A_75 {dimension_numbers = #tpu.dot_dimension_numbers<[1], [0], [0], [1], [0, 0, 1, 1], [], []>, transpose_lhs_hint = false} : vector<1024x128xbf16>, vector<128x128xbf16>, vector<1024x128xf32> -> vector<1024x128xf32>
    %add3A_77 = arith.addf %add3A_74, %dot_general3A_76 : vector<1024x128xf32>
    %dot_general3A_78 = arith.constant dense<0.000000e+00> : vector<1024x128xf32>
    %dot_general3A_79 = tpu.matmul %convert_element_type3A_45, %convert_element_type3A_66, %dot_general3A_78 {dimension_numbers = #tpu.dot_dimension_numbers<[1], [0], [0], [1], [0, 0, 1, 1], [], []>, transpose_lhs_hint = false} : vector<1024x128xbf16>, vector<128x128xbf16>, vector<1024x128xf32> -> vector<1024x128xf32>
    %add3A_80 = arith.addf %add3A_77, %dot_general3A_79 : vector<1024x128xf32>
    %dot_general3A_81 = arith.constant dense<0.000000e+00> : vector<1024x128xf32>
    %dot_general3A_82 = tpu.matmul %convert_element_type3A_48, %convert_element_type3A_63, %dot_general3A_81 {dimension_numbers = #tpu.dot_dimension_numbers<[1], [0], [0], [1], [0, 0, 1, 1], [], []>, transpose_lhs_hint = false} : vector<1024x128xbf16>, vector<128x128xbf16>, vector<1024x128xf32> -> vector<1024x128xf32>
    %add3A_83 = arith.addf %add3A_80, %dot_general3A_82 : vector<1024x128xf32>
    %dot_general3A_84 = arith.constant dense<0.000000e+00> : vector<1024x128xf32>
    %dot_general3A_85 = tpu.matmul %convert_element_type3A_45, %convert_element_type3A_63, %dot_general3A_84 {dimension_numbers = #tpu.dot_dimension_numbers<[1], [0], [0], [1], [0, 0, 1, 1], [], []>, transpose_lhs_hint = false} : vector<1024x128xbf16>, vector<128x128xbf16>, vector<1024x128xf32> -> vector<1024x128xf32>
    %add3A_86 = arith.addf %add3A_83, %dot_general3A_85 : vector<1024x128xf32>
    %get3A_87 = arith.constant 0 : index
    %get3A_88 = arith.constant 0 : index
    %get3A_89 = vector.load %arg7[%get3A_87, %get3A_88] : memref<4x128xf32, #tpu.memory_space<vmem>>, vector<1x128xf32>
    %add3A_90 = vector.broadcast %get3A_89 : vector<1x128xf32> to vector<1024x128xf32>
    %add3A_91 = arith.addf %add3A_86, %add3A_90 : vector<1024x128xf32>
    %mul3A_92 = vector.broadcast %convert_element_type3A_57 : vector<1024x1xf32> to vector<1024x128xf32>
    %mul3A_93 = arith.mulf %mul3A_92, %add3A_91 : vector<1024x128xf32>
    %add3A_94 = arith.addf %broadcast_in_dim3A_53, %mul3A_93 : vector<1024x128xf32>
    %eq3A_95 = arith.constant 1 : i32
    %eq3A_96 = vector.broadcast %eq3A_95 : i32 to vector<1024x1xi32>
    %eq3A_97 = arith.cmpi eq, %select_n3A_44, %eq3A_96 : vector<1024x1xi32>
    %convert_element_type3A_98 = arith.extui %eq3A_97 : vector<1024x1xi1> to vector<1024x1xi32>
    %convert_element_type3A_99 = arith.sitofp %convert_element_type3A_98 : vector<1024x1xi32> to vector<1024x1xf32>
    %get3A_100 = arith.constant 1 : index
    %get3A_101 = arith.constant 0 : index
    %get3A_102 = arith.constant 0 : index
    %get3A_103 = vector.load %arg6[%get3A_100, %get3A_101, %get3A_102] : memref<4x128x128xf32, #tpu.memory_space<vmem>>, vector<1x128x128xf32>
    %get3A_104 = vector.shape_cast %get3A_103 : vector<1x128x128xf32> to vector<128x128xf32>
    %convert_element_type3A_105 = arith.truncf %get3A_104 : vector<128x128xf32> to vector<128x128xbf16>
    %convert_element_type3A_106 = arith.extf %convert_element_type3A_105 : vector<128x128xbf16> to vector<128x128xf32>
    %sub3A_107 = arith.subf %get3A_104, %convert_element_type3A_106 : vector<128x128xf32>
    %convert_element_type3A_108 = arith.truncf %sub3A_107 : vector<128x128xf32> to vector<128x128xbf16>
    %convert_element_type3A_109 = arith.extf %convert_element_type3A_108 : vector<128x128xbf16> to vector<128x128xf32>
    %sub3A_110 = arith.subf %sub3A_107, %convert_element_type3A_109 : vector<128x128xf32>
    %convert_element_type3A_111 = arith.truncf %sub3A_110 : vector<128x128xf32> to vector<128x128xbf16>
    %dot_general3A_112 = arith.constant dense<0.000000e+00> : vector<1024x128xf32>
    %dot_general3A_113 = tpu.matmul %convert_element_type3A_45, %convert_element_type3A_111, %dot_general3A_112 {dimension_numbers = #tpu.dot_dimension_numbers<[1], [0], [0], [1], [0, 0, 1, 1], [], []>, transpose_lhs_hint = false} : vector<1024x128xbf16>, vector<128x128xbf16>, vector<1024x128xf32> -> vector<1024x128xf32>
    %dot_general3A_114 = arith.constant dense<0.000000e+00> : vector<1024x128xf32>
    %dot_general3A_115 = tpu.matmul %convert_element_type3A_48, %convert_element_type3A_108, %dot_general3A_114 {dimension_numbers = #tpu.dot_dimension_numbers<[1], [0], [0], [1], [0, 0, 1, 1], [], []>, transpose_lhs_hint = false} : vector<1024x128xbf16>, vector<128x128xbf16>, vector<1024x128xf32> -> vector<1024x128xf32>
    %add3A_116 = arith.addf %dot_general3A_113, %dot_general3A_115 : vector<1024x128xf32>
    %dot_general3A_117 = arith.constant dense<0.000000e+00> : vector<1024x128xf32>
    %dot_general3A_118 = tpu.matmul %convert_element_type3A_51, %convert_element_type3A_105, %dot_general3A_117 {dimension_numbers = #tpu.dot_dimension_numbers<[1], [0], [0], [1], [0, 0, 1, 1], [], []>, transpose_lhs_hint = false} : vector<1024x128xbf16>, vector<128x128xbf16>, vector<1024x128xf32> -> vector<1024x128xf32>
    %add3A_119 = arith.addf %add3A_116, %dot_general3A_118 : vector<1024x128xf32>
    %dot_general3A_120 = arith.constant dense<0.000000e+00> : vector<1024x128xf32>
    %dot_general3A_121 = tpu.matmul %convert_element_type3A_45, %convert_element_type3A_108, %dot_general3A_120 {dimension_numbers = #tpu.dot_dimension_numbers<[1], [0], [0], [1], [0, 0, 1, 1], [], []>, transpose_lhs_hint = false} : vector<1024x128xbf16>, vector<128x128xbf16>, vector<1024x128xf32> -> vector<1024x128xf32>
    %add3A_122 = arith.addf %add3A_119, %dot_general3A_121 : vector<1024x128xf32>
    %dot_general3A_123 = arith.constant dense<0.000000e+00> : vector<1024x128xf32>
    %dot_general3A_124 = tpu.matmul %convert_element_type3A_48, %convert_element_type3A_105, %dot_general3A_123 {dimension_numbers = #tpu.dot_dimension_numbers<[1], [0], [0], [1], [0, 0, 1, 1], [], []>, transpose_lhs_hint = false} : vector<1024x128xbf16>, vector<128x128xbf16>, vector<1024x128xf32> -> vector<1024x128xf32>
    %add3A_125 = arith.addf %add3A_122, %dot_general3A_124 : vector<1024x128xf32>
    %dot_general3A_126 = arith.constant dense<0.000000e+00> : vector<1024x128xf32>
    %dot_general3A_127 = tpu.matmul %convert_element_type3A_45, %convert_element_type3A_105, %dot_general3A_126 {dimension_numbers = #tpu.dot_dimension_numbers<[1], [0], [0], [1], [0, 0, 1, 1], [], []>, transpose_lhs_hint = false} : vector<1024x128xbf16>, vector<128x128xbf16>, vector<1024x128xf32> -> vector<1024x128xf32>
    %add3A_128 = arith.addf %add3A_125, %dot_general3A_127 : vector<1024x128xf32>
    %get3A_129 = arith.constant 1 : index
    %get3A_130 = arith.constant 0 : index
    %get3A_131 = vector.load %arg7[%get3A_129, %get3A_130] : memref<4x128xf32, #tpu.memory_space<vmem>>, vector<1x128xf32>
    %add3A_132 = vector.broadcast %get3A_131 : vector<1x128xf32> to vector<1024x128xf32>
    %add3A_133 = arith.addf %add3A_128, %add3A_132 : vector<1024x128xf32>
    %mul3A_134 = vector.broadcast %convert_element_type3A_99 : vector<1024x1xf32> to vector<1024x128xf32>
    %mul3A_135 = arith.mulf %mul3A_134, %add3A_133 : vector<1024x128xf32>
    %add3A_136 = arith.addf %add3A_94, %mul3A_135 : vector<1024x128xf32>
    %eq3A_137 = arith.constant 2 : i32
    %eq3A_138 = vector.broadcast %eq3A_137 : i32 to vector<1024x1xi32>
    %eq3A_139 = arith.cmpi eq, %select_n3A_44, %eq3A_138 : vector<1024x1xi32>
    %convert_element_type3A_140 = arith.extui %eq3A_139 : vector<1024x1xi1> to vector<1024x1xi32>
    %convert_element_type3A_141 = arith.sitofp %convert_element_type3A_140 : vector<1024x1xi32> to vector<1024x1xf32>
    %get3A_142 = arith.constant 2 : index
    %get3A_143 = arith.constant 0 : index
    %get3A_144 = arith.constant 0 : index
    %get3A_145 = vector.load %arg6[%get3A_142, %get3A_143, %get3A_144] : memref<4x128x128xf32, #tpu.memory_space<vmem>>, vector<1x128x128xf32>
    %get3A_146 = vector.shape_cast %get3A_145 : vector<1x128x128xf32> to vector<128x128xf32>
    %convert_element_type3A_147 = arith.truncf %get3A_146 : vector<128x128xf32> to vector<128x128xbf16>
    %convert_element_type3A_148 = arith.extf %convert_element_type3A_147 : vector<128x128xbf16> to vector<128x128xf32>
    %sub3A_149 = arith.subf %get3A_146, %convert_element_type3A_148 : vector<128x128xf32>
    %convert_element_type3A_150 = arith.truncf %sub3A_149 : vector<128x128xf32> to vector<128x128xbf16>
    %convert_element_type3A_151 = arith.extf %convert_element_type3A_150 : vector<128x128xbf16> to vector<128x128xf32>
    %sub3A_152 = arith.subf %sub3A_149, %convert_element_type3A_151 : vector<128x128xf32>
    %convert_element_type3A_153 = arith.truncf %sub3A_152 : vector<128x128xf32> to vector<128x128xbf16>
    %dot_general3A_154 = arith.constant dense<0.000000e+00> : vector<1024x128xf32>
    %dot_general3A_155 = tpu.matmul %convert_element_type3A_45, %convert_element_type3A_153, %dot_general3A_154 {dimension_numbers = #tpu.dot_dimension_numbers<[1], [0], [0], [1], [0, 0, 1, 1], [], []>, transpose_lhs_hint = false} : vector<1024x128xbf16>, vector<128x128xbf16>, vector<1024x128xf32> -> vector<1024x128xf32>
    %dot_general3A_156 = arith.constant dense<0.000000e+00> : vector<1024x128xf32>
    %dot_general3A_157 = tpu.matmul %convert_element_type3A_48, %convert_element_type3A_150, %dot_general3A_156 {dimension_numbers = #tpu.dot_dimension_numbers<[1], [0], [0], [1], [0, 0, 1, 1], [], []>, transpose_lhs_hint = false} : vector<1024x128xbf16>, vector<128x128xbf16>, vector<1024x128xf32> -> vector<1024x128xf32>
    %add3A_158 = arith.addf %dot_general3A_155, %dot_general3A_157 : vector<1024x128xf32>
    %dot_general3A_159 = arith.constant dense<0.000000e+00> : vector<1024x128xf32>
    %dot_general3A_160 = tpu.matmul %convert_element_type3A_51, %convert_element_type3A_147, %dot_general3A_159 {dimension_numbers = #tpu.dot_dimension_numbers<[1], [0], [0], [1], [0, 0, 1, 1], [], []>, transpose_lhs_hint = false} : vector<1024x128xbf16>, vector<128x128xbf16>, vector<1024x128xf32> -> vector<1024x128xf32>
    %add3A_161 = arith.addf %add3A_158, %dot_general3A_160 : vector<1024x128xf32>
    %dot_general3A_162 = arith.constant dense<0.000000e+00> : vector<1024x128xf32>
    %dot_general3A_163 = tpu.matmul %convert_element_type3A_45, %convert_element_type3A_150, %dot_general3A_162 {dimension_numbers = #tpu.dot_dimension_numbers<[1], [0], [0], [1], [0, 0, 1, 1], [], []>, transpose_lhs_hint = false} : vector<1024x128xbf16>, vector<128x128xbf16>, vector<1024x128xf32> -> vector<1024x128xf32>
    %add3A_164 = arith.addf %add3A_161, %dot_general3A_163 : vector<1024x128xf32>
    %dot_general3A_165 = arith.constant dense<0.000000e+00> : vector<1024x128xf32>
    %dot_general3A_166 = tpu.matmul %convert_element_type3A_48, %convert_element_type3A_147, %dot_general3A_165 {dimension_numbers = #tpu.dot_dimension_numbers<[1], [0], [0], [1], [0, 0, 1, 1], [], []>, transpose_lhs_hint = false} : vector<1024x128xbf16>, vector<128x128xbf16>, vector<1024x128xf32> -> vector<1024x128xf32>
    %add3A_167 = arith.addf %add3A_164, %dot_general3A_166 : vector<1024x128xf32>
    %dot_general3A_168 = arith.constant dense<0.000000e+00> : vector<1024x128xf32>
    %dot_general3A_169 = tpu.matmul %convert_element_type3A_45, %convert_element_type3A_147, %dot_general3A_168 {dimension_numbers = #tpu.dot_dimension_numbers<[1], [0], [0], [1], [0, 0, 1, 1], [], []>, transpose_lhs_hint = false} : vector<1024x128xbf16>, vector<128x128xbf16>, vector<1024x128xf32> -> vector<1024x128xf32>
    %add3A_170 = arith.addf %add3A_167, %dot_general3A_169 : vector<1024x128xf32>
    %get3A_171 = arith.constant 2 : index
    %get3A_172 = arith.constant 0 : index
    %get3A_173 = vector.load %arg7[%get3A_171, %get3A_172] : memref<4x128xf32, #tpu.memory_space<vmem>>, vector<1x128xf32>
    %add3A_174 = vector.broadcast %get3A_173 : vector<1x128xf32> to vector<1024x128xf32>
    %add3A_175 = arith.addf %add3A_170, %add3A_174 : vector<1024x128xf32>
    %mul3A_176 = vector.broadcast %convert_element_type3A_141 : vector<1024x1xf32> to vector<1024x128xf32>
    %mul3A_177 = arith.mulf %mul3A_176, %add3A_175 : vector<1024x128xf32>
    %add3A_178 = arith.addf %add3A_136, %mul3A_177 : vector<1024x128xf32>
    %eq3A_179 = arith.constant 3 : i32
    %eq3A_180 = vector.broadcast %eq3A_179 : i32 to vector<1024x1xi32>
    %eq3A_181 = arith.cmpi eq, %select_n3A_44, %eq3A_180 : vector<1024x1xi32>
    %convert_element_type3A_182 = arith.extui %eq3A_181 : vector<1024x1xi1> to vector<1024x1xi32>
    %convert_element_type3A_183 = arith.sitofp %convert_element_type3A_182 : vector<1024x1xi32> to vector<1024x1xf32>
    %get3A_184 = arith.constant 3 : index
    %get3A_185 = arith.constant 0 : index
    %get3A_186 = arith.constant 0 : index
    %get3A_187 = vector.load %arg6[%get3A_184, %get3A_185, %get3A_186] : memref<4x128x128xf32, #tpu.memory_space<vmem>>, vector<1x128x128xf32>
    %get3A_188 = vector.shape_cast %get3A_187 : vector<1x128x128xf32> to vector<128x128xf32>
    %convert_element_type3A_189 = arith.truncf %get3A_188 : vector<128x128xf32> to vector<128x128xbf16>
    %convert_element_type3A_190 = arith.extf %convert_element_type3A_189 : vector<128x128xbf16> to vector<128x128xf32>
    %sub3A_191 = arith.subf %get3A_188, %convert_element_type3A_190 : vector<128x128xf32>
    %convert_element_type3A_192 = arith.truncf %sub3A_191 : vector<128x128xf32> to vector<128x128xbf16>
    %convert_element_type3A_193 = arith.extf %convert_element_type3A_192 : vector<128x128xbf16> to vector<128x128xf32>
    %sub3A_194 = arith.subf %sub3A_191, %convert_element_type3A_193 : vector<128x128xf32>
    %convert_element_type3A_195 = arith.truncf %sub3A_194 : vector<128x128xf32> to vector<128x128xbf16>
    %dot_general3A_196 = arith.constant dense<0.000000e+00> : vector<1024x128xf32>
    %dot_general3A_197 = tpu.matmul %convert_element_type3A_45, %convert_element_type3A_195, %dot_general3A_196 {dimension_numbers = #tpu.dot_dimension_numbers<[1], [0], [0], [1], [0, 0, 1, 1], [], []>, transpose_lhs_hint = false} : vector<1024x128xbf16>, vector<128x128xbf16>, vector<1024x128xf32> -> vector<1024x128xf32>
    %dot_general3A_198 = arith.constant dense<0.000000e+00> : vector<1024x128xf32>
    %dot_general3A_199 = tpu.matmul %convert_element_type3A_48, %convert_element_type3A_192, %dot_general3A_198 {dimension_numbers = #tpu.dot_dimension_numbers<[1], [0], [0], [1], [0, 0, 1, 1], [], []>, transpose_lhs_hint = false} : vector<1024x128xbf16>, vector<128x128xbf16>, vector<1024x128xf32> -> vector<1024x128xf32>
    %add3A_200 = arith.addf %dot_general3A_197, %dot_general3A_199 : vector<1024x128xf32>
    %dot_general3A_201 = arith.constant dense<0.000000e+00> : vector<1024x128xf32>
    %dot_general3A_202 = tpu.matmul %convert_element_type3A_51, %convert_element_type3A_189, %dot_general3A_201 {dimension_numbers = #tpu.dot_dimension_numbers<[1], [0], [0], [1], [0, 0, 1, 1], [], []>, transpose_lhs_hint = false} : vector<1024x128xbf16>, vector<128x128xbf16>, vector<1024x128xf32> -> vector<1024x128xf32>
    %add3A_203 = arith.addf %add3A_200, %dot_general3A_202 : vector<1024x128xf32>
    %dot_general3A_204 = arith.constant dense<0.000000e+00> : vector<1024x128xf32>
    %dot_general3A_205 = tpu.matmul %convert_element_type3A_45, %convert_element_type3A_192, %dot_general3A_204 {dimension_numbers = #tpu.dot_dimension_numbers<[1], [0], [0], [1], [0, 0, 1, 1], [], []>, transpose_lhs_hint = false} : vector<1024x128xbf16>, vector<128x128xbf16>, vector<1024x128xf32> -> vector<1024x128xf32>
    %add3A_206 = arith.addf %add3A_203, %dot_general3A_205 : vector<1024x128xf32>
    %dot_general3A_207 = arith.constant dense<0.000000e+00> : vector<1024x128xf32>
    %dot_general3A_208 = tpu.matmul %convert_element_type3A_48, %convert_element_type3A_189, %dot_general3A_207 {dimension_numbers = #tpu.dot_dimension_numbers<[1], [0], [0], [1], [0, 0, 1, 1], [], []>, transpose_lhs_hint = false} : vector<1024x128xbf16>, vector<128x128xbf16>, vector<1024x128xf32> -> vector<1024x128xf32>
    %add3A_209 = arith.addf %add3A_206, %dot_general3A_208 : vector<1024x128xf32>
    %dot_general3A_210 = arith.constant dense<0.000000e+00> : vector<1024x128xf32>
    %dot_general3A_211 = tpu.matmul %convert_element_type3A_45, %convert_element_type3A_189, %dot_general3A_210 {dimension_numbers = #tpu.dot_dimension_numbers<[1], [0], [0], [1], [0, 0, 1, 1], [], []>, transpose_lhs_hint = false} : vector<1024x128xbf16>, vector<128x128xbf16>, vector<1024x128xf32> -> vector<1024x128xf32>
    %add3A_212 = arith.addf %add3A_209, %dot_general3A_211 : vector<1024x128xf32>
    %get3A_213 = arith.constant 3 : index
    %get3A_214 = arith.constant 0 : index
    %get3A_215 = vector.load %arg7[%get3A_213, %get3A_214] : memref<4x128xf32, #tpu.memory_space<vmem>>, vector<1x128xf32>
    %add3A_216 = vector.broadcast %get3A_215 : vector<1x128xf32> to vector<1024x128xf32>
    %add3A_217 = arith.addf %add3A_212, %add3A_216 : vector<1024x128xf32>
    %mul3A_218 = vector.broadcast %convert_element_type3A_183 : vector<1024x1xf32> to vector<1024x128xf32>
    %mul3A_219 = arith.mulf %mul3A_218, %add3A_217 : vector<1024x128xf32>
    %add3A_220 = arith.addf %add3A_178, %mul3A_219 : vector<1024x128xf32>
    %mul3A_221 = vector.broadcast %get3A_4 : vector<1024x1xf32> to vector<1024x128xf32>
    %mul3A_222 = arith.mulf %add3A_220, %mul3A_221 : vector<1024x128xf32>
    %swap3A = arith.constant 0 : index
    %swap3A_223 = arith.constant 0 : index
    %swap3A_224 = vector.load %arg8[%swap3A, %swap3A_223] : memref<1024x128xf32, #tpu.memory_space<vmem>>, vector<1024x128xf32>
    tpu.vector_store %arg8[%swap3A, %swap3A_223], %mul3A_222 {strides = array<i32>} : memref<1024x128xf32, #tpu.memory_space<vmem>>, vector<1024x128xf32>,
    return
  }
  func.func @transform_0(%arg0: i32) -> (i32, i32) {
    %c0_i32 = arith.constant 0 : i32
    %c0_i32_0 = arith.constant 0 : i32
    return %arg0, %c0_i32 : i32, i32
  }
  func.func @transform_1(%arg0: i32) -> (i32, i32) {
    %c0_i32 = arith.constant 0 : i32
    %c0_i32_0 = arith.constant 0 : i32
    return %arg0, %c0_i32 : i32, i32
  }
  func.func @transform_2(%arg0: i32) -> (i32, i32) {
    %c0_i32 = arith.constant 0 : i32
    %c0_i32_0 = arith.constant 0 : i32
    return %arg0, %c0_i32 : i32, i32
  }
  func.func @transform_3(%arg0: i32) -> (i32, i32) {
    %c0_i32 = arith.constant 0 : i32
    %c0_i32_0 = arith.constant 0 : i32
    %c0_i32_1 = arith.constant 0 : i32
    return %c0_i32, %c0_i32_0 : i32, i32
  }
  func.func @transform_4(%arg0: i32) -> (i32, i32) {
    %c0_i32 = arith.constant 0 : i32
    %c0_i32_0 = arith.constant 0 : i32
    %c0_i32_1 = arith.constant 0 : i32
    return %c0_i32, %c0_i32_0 : i32, i32
  }
  func.func @transform_5(%arg0: i32) -> (i32, i32, i32) {
    %c0_i32 = arith.constant 0 : i32
    %c0_i32_0 = arith.constant 0 : i32
    %c0_i32_1 = arith.constant 0 : i32
    %c0_i32_2 = arith.constant 0 : i32
    return %c0_i32, %c0_i32_0, %c0_i32_1 : i32, i32, i32
  }
  func.func @transform_6(%arg0: i32) -> (i32, i32) {
    %c0_i32 = arith.constant 0 : i32
    %c0_i32_0 = arith.constant 0 : i32
    %c0_i32_1 = arith.constant 0 : i32
    return %c0_i32, %c0_i32_0 : i32, i32
  }
  func.func @transform_7(%arg0: i32) -> (i32, i32) {
    %c0_i32 = arith.constant 0 : i32
    %c0_i32_0 = arith.constant 0 : i32
    return %arg0, %c0_i32 : i32, i32
  }
}

module attributes {stable_mosaic.version = 14 : i64} {
  func.func @_prep1_body(%arg0: i32, %arg1: memref<2x1024x128xf32, #tpu.memory_space<vmem>>, %arg2: memref<1024x1xf32, #tpu.memory_space<vmem>>, %arg3: memref<1024x128xf32, #tpu.memory_space<vmem>>, %arg4: memref<1024x4xf32, #tpu.memory_space<vmem>>, %arg5: memref<128x4xf32, #tpu.memory_space<vmem>>, %arg6: memref<128x4xf32, #tpu.memory_space<vmem>>, %arg7: memref<4x128x128xf32, #tpu.memory_space<vmem>>, %arg8: memref<4x128xf32, #tpu.memory_space<vmem>>, %arg9: memref<1024x128xf32, #tpu.memory_space<vmem>>) attributes {dimension_semantics = [#tpu.dimension_semantics<arbitrary>], iteration_bounds = array<i64: 10>, scalar_prefetch = 0 : i64, scratch_operands = 0 : i64, tpu.core_type = #tpu.core_type<tc>, window_params = [{transform_indices = @transform_0, window_bounds = array<i64: 2, 1024, 128>}, {transform_indices = @transform_1, window_bounds = array<i64: 1024, 1>}, {transform_indices = @transform_2, window_bounds = array<i64: 1024, 128>}, {transform_indices = @transform_3, window_bounds = array<i64: 1024, 4>}, {pipeline_mode = #tpu.pipeline_mode<synchronous>, transform_indices = @transform_4, window_bounds = array<i64: 128, 4>}, {pipeline_mode = #tpu.pipeline_mode<synchronous>, transform_indices = @transform_5, window_bounds = array<i64: 128, 4>}, {pipeline_mode = #tpu.pipeline_mode<synchronous>, transform_indices = @transform_6, window_bounds = array<i64: 4, 128, 128>}, {pipeline_mode = #tpu.pipeline_mode<synchronous>, transform_indices = @transform_7, window_bounds = array<i64: 4, 128>}, {transform_indices = @transform_8, window_bounds = array<i64: 1024, 128>}]} {
    %get3A = arith.constant 0 : index
    %get3A_0 = arith.constant 0 : index
    %get3A_1 = arith.constant 0 : index
    %get3A_2 = vector.load %arg1[%get3A, %get3A_0, %get3A_1] : memref<2x1024x128xf32, #tpu.memory_space<vmem>>, vector<1x1024x128xf32>
    %get3A_3 = vector.shape_cast %get3A_2 : vector<1x1024x128xf32> to vector<1024x128xf32>
    %get3A_4 = arith.constant 1 : index
    %get3A_5 = arith.constant 0 : index
    %get3A_6 = arith.constant 0 : index
    %get3A_7 = vector.load %arg1[%get3A_4, %get3A_5, %get3A_6] : memref<2x1024x128xf32, #tpu.memory_space<vmem>>, vector<1x1024x128xf32>
    %get3A_8 = vector.shape_cast %get3A_7 : vector<1x1024x128xf32> to vector<1024x128xf32>
    %add3A = arith.addf %get3A_3, %get3A_8 : vector<1024x128xf32>
    %get3A_9 = arith.constant 0 : index
    %get3A_10 = arith.constant 0 : index
    %get3A_11 = vector.load %arg2[%get3A_9, %get3A_10] : memref<1024x1xf32, #tpu.memory_space<vmem>>, vector<1024x1xf32>
    %mul3A = vector.broadcast %get3A_11 : vector<1024x1xf32> to vector<1024x128xf32>
    %mul3A_12 = arith.mulf %add3A, %mul3A : vector<1024x128xf32>
    %get3A_13 = arith.constant 0 : index
    %get3A_14 = arith.constant 0 : index
    %get3A_15 = vector.load %arg3[%get3A_13, %get3A_14] : memref<1024x128xf32, #tpu.memory_space<vmem>>, vector<1024x128xf32>
    %mul3A_16 = arith.constant 0.761181771 : f32
    %mul3A_17 = vector.broadcast %mul3A_16 : f32 to vector<1024x128xf32>
    %mul3A_18 = arith.mulf %mul3A_17, %get3A_15 : vector<1024x128xf32>
    %add3A_19 = arith.addf %mul3A_12, %mul3A_18 : vector<1024x128xf32>
    %max3A = arith.constant 0.000000e+00 : f32
    %max3A_20 = vector.broadcast %max3A : f32 to vector<1024x128xf32>
    %max3A_21 = arith.maximumf %add3A_19, %max3A_20 : vector<1024x128xf32>
    %get3A_22 = arith.constant 0 : index
    %get3A_23 = arith.constant 0 : index
    %get3A_24 = vector.load %arg4[%get3A_22, %get3A_23] : memref<1024x4xf32, #tpu.memory_space<vmem>>, vector<1024x4xf32>
    %convert_element_type3A = arith.truncf %max3A_21 : vector<1024x128xf32> to vector<1024x128xbf16>
    %get3A_25 = arith.constant 0 : index
    %get3A_26 = arith.constant 0 : index
    %get3A_27 = vector.load %arg5[%get3A_25, %get3A_26] : memref<128x4xf32, #tpu.memory_space<vmem>>, vector<128x4xf32>
    %convert_element_type3A_28 = arith.truncf %get3A_27 : vector<128x4xf32> to vector<128x4xbf16>
    %dot_general3A = arith.constant dense<0.000000e+00> : vector<1024x4xf32>
    %dot_general3A_29 = tpu.matmul %convert_element_type3A, %convert_element_type3A_28, %dot_general3A {dimension_numbers = #tpu.dot_dimension_numbers<[1], [0], [0], [1], [0, 0, 1, 1], [], []>, transpose_lhs_hint = false} : vector<1024x128xbf16>, vector<128x4xbf16>, vector<1024x4xf32> -> vector<1024x4xf32>
    %get3A_30 = arith.constant 0 : index
    %get3A_31 = arith.constant 0 : index
    %get3A_32 = vector.load %arg6[%get3A_30, %get3A_31] : memref<128x4xf32, #tpu.memory_space<vmem>>, vector<128x4xf32>
    %convert_element_type3A_33 = arith.truncf %get3A_32 : vector<128x4xf32> to vector<128x4xbf16>
    %dot_general3A_34 = arith.constant dense<0.000000e+00> : vector<1024x4xf32>
    %dot_general3A_35 = tpu.matmul %convert_element_type3A, %convert_element_type3A_33, %dot_general3A_34 {dimension_numbers = #tpu.dot_dimension_numbers<[1], [0], [0], [1], [0, 0, 1, 1], [], []>, transpose_lhs_hint = false} : vector<1024x128xbf16>, vector<128x4xbf16>, vector<1024x4xf32> -> vector<1024x4xf32>
    %custom_jvp_call3A = arith.constant 0.000000e+00 : f32
    %max3A_36 = vector.broadcast %custom_jvp_call3A : f32 to vector<1024x4xf32>
    %max3A_37 = arith.maximumf %dot_general3A_35, %max3A_36 : vector<1024x4xf32>
    %sub3A = vector.broadcast %custom_jvp_call3A : f32 to vector<1024x4xf32>
    %sub3A_38 = arith.subf %dot_general3A_35, %sub3A : vector<1024x4xf32>
    %ne3A = arith.cmpf one, %sub3A_38, %sub3A_38 : vector<1024x4xf32>
    %add3A_39 = vector.broadcast %custom_jvp_call3A : f32 to vector<1024x4xf32>
    %add3A_40 = arith.addf %dot_general3A_35, %add3A_39 : vector<1024x4xf32>
    %abs3A = math.absf %sub3A_38 : vector<1024x4xf32>
    %neg3A = arith.constant 0.000000e+00 : f32
    %neg3A_41 = vector.broadcast %neg3A : f32 to vector<1024x4xf32>
    %neg3A_42 = arith.subf %neg3A_41, %abs3A : vector<1024x4xf32>
    %exp3A = math.exp %neg3A_42 : vector<1024x4xf32>
    %log1p3A = math.log1p %exp3A : vector<1024x4xf32>
    %add3A_43 = arith.addf %max3A_37, %log1p3A : vector<1024x4xf32>
    %select_n3A = arith.select %ne3A, %add3A_40, %add3A_43 : vector<1024x4xi1>, vector<1024x4xf32>
    %add3A_44 = arith.constant 0.00999999977 : f32
    %add3A_45 = vector.broadcast %add3A_44 : f32 to vector<1024x4xf32>
    %add3A_46 = arith.addf %select_n3A, %add3A_45 : vector<1024x4xf32>
    %mul3A_47 = arith.mulf %get3A_24, %add3A_46 : vector<1024x4xf32>
    %add3A_48 = arith.addf %dot_general3A_29, %mul3A_47 : vector<1024x4xf32>
    %slice3A = vector.extract_strided_slice %add3A_48 {offsets = [0, 0], sizes = [1024, 1], strides = [1, 1]} : vector<1024x4xf32> to vector<1024x1xf32>
    %broadcast_in_dim3A = arith.constant 0 : i32
    %broadcast_in_dim3A_49 = vector.broadcast %broadcast_in_dim3A : i32 to vector<1024x1xi32>
    %slice3A_50 = vector.extract_strided_slice %add3A_48 {offsets = [0, 1], sizes = [1024, 1], strides = [1, 1]} : vector<1024x4xf32> to vector<1024x1xf32>
    %gt3A = arith.cmpf ogt, %slice3A_50, %slice3A : vector<1024x1xf32>
    %select_n3A_51 = arith.select %gt3A, %slice3A_50, %slice3A : vector<1024x1xi1>, vector<1024x1xf32>
    %jit3A = arith.constant 1 : i32
    %broadcast_in_dim3A_52 = vector.broadcast %jit3A : i32 to vector<1024x1xi32>
    %select_n3A_53 = arith.select %gt3A, %broadcast_in_dim3A_52, %broadcast_in_dim3A_49 : vector<1024x1xi1>, vector<1024x1xi32>
    %slice3A_54 = vector.extract_strided_slice %add3A_48 {offsets = [0, 2], sizes = [1024, 1], strides = [1, 1]} : vector<1024x4xf32> to vector<1024x1xf32>
    %gt3A_55 = arith.cmpf ogt, %slice3A_54, %select_n3A_51 : vector<1024x1xf32>
    %select_n3A_56 = arith.select %gt3A_55, %slice3A_54, %select_n3A_51 : vector<1024x1xi1>, vector<1024x1xf32>
    %jit3A_57 = arith.constant 2 : i32
    %broadcast_in_dim3A_58 = vector.broadcast %jit3A_57 : i32 to vector<1024x1xi32>
    %select_n3A_59 = arith.select %gt3A_55, %broadcast_in_dim3A_58, %select_n3A_53 : vector<1024x1xi1>, vector<1024x1xi32>
    %slice3A_60 = vector.extract_strided_slice %add3A_48 {offsets = [0, 3], sizes = [1024, 1], strides = [1, 1]} : vector<1024x4xf32> to vector<1024x1xf32>
    %gt3A_61 = arith.cmpf ogt, %slice3A_60, %select_n3A_56 : vector<1024x1xf32>
    %jit3A_62 = arith.constant 3 : i32
    %broadcast_in_dim3A_63 = vector.broadcast %jit3A_62 : i32 to vector<1024x1xi32>
    %select_n3A_64 = arith.select %gt3A_61, %broadcast_in_dim3A_63, %select_n3A_59 : vector<1024x1xi1>, vector<1024x1xi32>
    %convert_element_type3A_65 = arith.truncf %max3A_21 : vector<1024x128xf32> to vector<1024x128xbf16>
    %convert_element_type3A_66 = arith.extf %convert_element_type3A_65 : vector<1024x128xbf16> to vector<1024x128xf32>
    %sub3A_67 = arith.subf %max3A_21, %convert_element_type3A_66 : vector<1024x128xf32>
    %convert_element_type3A_68 = arith.truncf %sub3A_67 : vector<1024x128xf32> to vector<1024x128xbf16>
    %convert_element_type3A_69 = arith.extf %convert_element_type3A_68 : vector<1024x128xbf16> to vector<1024x128xf32>
    %sub3A_70 = arith.subf %sub3A_67, %convert_element_type3A_69 : vector<1024x128xf32>
    %convert_element_type3A_71 = arith.truncf %sub3A_70 : vector<1024x128xf32> to vector<1024x128xbf16>
    %broadcast_in_dim3A_72 = arith.constant 0.000000e+00 : f32
    %broadcast_in_dim3A_73 = vector.broadcast %broadcast_in_dim3A_72 : f32 to vector<1024x128xf32>
    %eq3A = arith.constant 0 : i32
    %eq3A_74 = vector.broadcast %eq3A : i32 to vector<1024x1xi32>
    %eq3A_75 = arith.cmpi eq, %select_n3A_64, %eq3A_74 : vector<1024x1xi32>
    %convert_element_type3A_76 = arith.extui %eq3A_75 : vector<1024x1xi1> to vector<1024x1xi32>
    %convert_element_type3A_77 = arith.sitofp %convert_element_type3A_76 : vector<1024x1xi32> to vector<1024x1xf32>
    %get3A_78 = arith.constant 0 : index
    %get3A_79 = arith.constant 0 : index
    %get3A_80 = arith.constant 0 : index
    %get3A_81 = vector.load %arg7[%get3A_78, %get3A_79, %get3A_80] : memref<4x128x128xf32, #tpu.memory_space<vmem>>, vector<1x128x128xf32>
    %get3A_82 = vector.shape_cast %get3A_81 : vector<1x128x128xf32> to vector<128x128xf32>
    %convert_element_type3A_83 = arith.truncf %get3A_82 : vector<128x128xf32> to vector<128x128xbf16>
    %convert_element_type3A_84 = arith.extf %convert_element_type3A_83 : vector<128x128xbf16> to vector<128x128xf32>
    %sub3A_85 = arith.subf %get3A_82, %convert_element_type3A_84 : vector<128x128xf32>
    %convert_element_type3A_86 = arith.truncf %sub3A_85 : vector<128x128xf32> to vector<128x128xbf16>
    %convert_element_type3A_87 = arith.extf %convert_element_type3A_86 : vector<128x128xbf16> to vector<128x128xf32>
    %sub3A_88 = arith.subf %sub3A_85, %convert_element_type3A_87 : vector<128x128xf32>
    %convert_element_type3A_89 = arith.truncf %sub3A_88 : vector<128x128xf32> to vector<128x128xbf16>
    %dot_general3A_90 = arith.constant dense<0.000000e+00> : vector<1024x128xf32>
    %dot_general3A_91 = tpu.matmul %convert_element_type3A_65, %convert_element_type3A_89, %dot_general3A_90 {dimension_numbers = #tpu.dot_dimension_numbers<[1], [0], [0], [1], [0, 0, 1, 1], [], []>, transpose_lhs_hint = false} : vector<1024x128xbf16>, vector<128x128xbf16>, vector<1024x128xf32> -> vector<1024x128xf32>
    %dot_general3A_92 = arith.constant dense<0.000000e+00> : vector<1024x128xf32>
    %dot_general3A_93 = tpu.matmul %convert_element_type3A_68, %convert_element_type3A_86, %dot_general3A_92 {dimension_numbers = #tpu.dot_dimension_numbers<[1], [0], [0], [1], [0, 0, 1, 1], [], []>, transpose_lhs_hint = false} : vector<1024x128xbf16>, vector<128x128xbf16>, vector<1024x128xf32> -> vector<1024x128xf32>
    %add3A_94 = arith.addf %dot_general3A_91, %dot_general3A_93 : vector<1024x128xf32>
    %dot_general3A_95 = arith.constant dense<0.000000e+00> : vector<1024x128xf32>
    %dot_general3A_96 = tpu.matmul %convert_element_type3A_71, %convert_element_type3A_83, %dot_general3A_95 {dimension_numbers = #tpu.dot_dimension_numbers<[1], [0], [0], [1], [0, 0, 1, 1], [], []>, transpose_lhs_hint = false} : vector<1024x128xbf16>, vector<128x128xbf16>, vector<1024x128xf32> -> vector<1024x128xf32>
    %add3A_97 = arith.addf %add3A_94, %dot_general3A_96 : vector<1024x128xf32>
    %dot_general3A_98 = arith.constant dense<0.000000e+00> : vector<1024x128xf32>
    %dot_general3A_99 = tpu.matmul %convert_element_type3A_65, %convert_element_type3A_86, %dot_general3A_98 {dimension_numbers = #tpu.dot_dimension_numbers<[1], [0], [0], [1], [0, 0, 1, 1], [], []>, transpose_lhs_hint = false} : vector<1024x128xbf16>, vector<128x128xbf16>, vector<1024x128xf32> -> vector<1024x128xf32>
    %add3A_100 = arith.addf %add3A_97, %dot_general3A_99 : vector<1024x128xf32>
    %dot_general3A_101 = arith.constant dense<0.000000e+00> : vector<1024x128xf32>
    %dot_general3A_102 = tpu.matmul %convert_element_type3A_68, %convert_element_type3A_83, %dot_general3A_101 {dimension_numbers = #tpu.dot_dimension_numbers<[1], [0], [0], [1], [0, 0, 1, 1], [], []>, transpose_lhs_hint = false} : vector<1024x128xbf16>, vector<128x128xbf16>, vector<1024x128xf32> -> vector<1024x128xf32>
    %add3A_103 = arith.addf %add3A_100, %dot_general3A_102 : vector<1024x128xf32>
    %dot_general3A_104 = arith.constant dense<0.000000e+00> : vector<1024x128xf32>
    %dot_general3A_105 = tpu.matmul %convert_element_type3A_65, %convert_element_type3A_83, %dot_general3A_104 {dimension_numbers = #tpu.dot_dimension_numbers<[1], [0], [0], [1], [0, 0, 1, 1], [], []>, transpose_lhs_hint = false} : vector<1024x128xbf16>, vector<128x128xbf16>, vector<1024x128xf32> -> vector<1024x128xf32>
    %add3A_106 = arith.addf %add3A_103, %dot_general3A_105 : vector<1024x128xf32>
    %get3A_107 = arith.constant 0 : index
    %get3A_108 = arith.constant 0 : index
    %get3A_109 = vector.load %arg8[%get3A_107, %get3A_108] : memref<4x128xf32, #tpu.memory_space<vmem>>, vector<1x128xf32>
    %add3A_110 = vector.broadcast %get3A_109 : vector<1x128xf32> to vector<1024x128xf32>
    %add3A_111 = arith.addf %add3A_106, %add3A_110 : vector<1024x128xf32>
    %mul3A_112 = vector.broadcast %convert_element_type3A_77 : vector<1024x1xf32> to vector<1024x128xf32>
    %mul3A_113 = arith.mulf %mul3A_112, %add3A_111 : vector<1024x128xf32>
    %add3A_114 = arith.addf %broadcast_in_dim3A_73, %mul3A_113 : vector<1024x128xf32>
    %eq3A_115 = arith.constant 1 : i32
    %eq3A_116 = vector.broadcast %eq3A_115 : i32 to vector<1024x1xi32>
    %eq3A_117 = arith.cmpi eq, %select_n3A_64, %eq3A_116 : vector<1024x1xi32>
    %convert_element_type3A_118 = arith.extui %eq3A_117 : vector<1024x1xi1> to vector<1024x1xi32>
    %convert_element_type3A_119 = arith.sitofp %convert_element_type3A_118 : vector<1024x1xi32> to vector<1024x1xf32>
    %get3A_120 = arith.constant 1 : index
    %get3A_121 = arith.constant 0 : index
    %get3A_122 = arith.constant 0 : index
    %get3A_123 = vector.load %arg7[%get3A_120, %get3A_121, %get3A_122] : memref<4x128x128xf32, #tpu.memory_space<vmem>>, vector<1x128x128xf32>
    %get3A_124 = vector.shape_cast %get3A_123 : vector<1x128x128xf32> to vector<128x128xf32>
    %convert_element_type3A_125 = arith.truncf %get3A_124 : vector<128x128xf32> to vector<128x128xbf16>
    %convert_element_type3A_126 = arith.extf %convert_element_type3A_125 : vector<128x128xbf16> to vector<128x128xf32>
    %sub3A_127 = arith.subf %get3A_124, %convert_element_type3A_126 : vector<128x128xf32>
    %convert_element_type3A_128 = arith.truncf %sub3A_127 : vector<128x128xf32> to vector<128x128xbf16>
    %convert_element_type3A_129 = arith.extf %convert_element_type3A_128 : vector<128x128xbf16> to vector<128x128xf32>
    %sub3A_130 = arith.subf %sub3A_127, %convert_element_type3A_129 : vector<128x128xf32>
    %convert_element_type3A_131 = arith.truncf %sub3A_130 : vector<128x128xf32> to vector<128x128xbf16>
    %dot_general3A_132 = arith.constant dense<0.000000e+00> : vector<1024x128xf32>
    %dot_general3A_133 = tpu.matmul %convert_element_type3A_65, %convert_element_type3A_131, %dot_general3A_132 {dimension_numbers = #tpu.dot_dimension_numbers<[1], [0], [0], [1], [0, 0, 1, 1], [], []>, transpose_lhs_hint = false} : vector<1024x128xbf16>, vector<128x128xbf16>, vector<1024x128xf32> -> vector<1024x128xf32>
    %dot_general3A_134 = arith.constant dense<0.000000e+00> : vector<1024x128xf32>
    %dot_general3A_135 = tpu.matmul %convert_element_type3A_68, %convert_element_type3A_128, %dot_general3A_134 {dimension_numbers = #tpu.dot_dimension_numbers<[1], [0], [0], [1], [0, 0, 1, 1], [], []>, transpose_lhs_hint = false} : vector<1024x128xbf16>, vector<128x128xbf16>, vector<1024x128xf32> -> vector<1024x128xf32>
    %add3A_136 = arith.addf %dot_general3A_133, %dot_general3A_135 : vector<1024x128xf32>
    %dot_general3A_137 = arith.constant dense<0.000000e+00> : vector<1024x128xf32>
    %dot_general3A_138 = tpu.matmul %convert_element_type3A_71, %convert_element_type3A_125, %dot_general3A_137 {dimension_numbers = #tpu.dot_dimension_numbers<[1], [0], [0], [1], [0, 0, 1, 1], [], []>, transpose_lhs_hint = false} : vector<1024x128xbf16>, vector<128x128xbf16>, vector<1024x128xf32> -> vector<1024x128xf32>
    %add3A_139 = arith.addf %add3A_136, %dot_general3A_138 : vector<1024x128xf32>
    %dot_general3A_140 = arith.constant dense<0.000000e+00> : vector<1024x128xf32>
    %dot_general3A_141 = tpu.matmul %convert_element_type3A_65, %convert_element_type3A_128, %dot_general3A_140 {dimension_numbers = #tpu.dot_dimension_numbers<[1], [0], [0], [1], [0, 0, 1, 1], [], []>, transpose_lhs_hint = false} : vector<1024x128xbf16>, vector<128x128xbf16>, vector<1024x128xf32> -> vector<1024x128xf32>
    %add3A_142 = arith.addf %add3A_139, %dot_general3A_141 : vector<1024x128xf32>
    %dot_general3A_143 = arith.constant dense<0.000000e+00> : vector<1024x128xf32>
    %dot_general3A_144 = tpu.matmul %convert_element_type3A_68, %convert_element_type3A_125, %dot_general3A_143 {dimension_numbers = #tpu.dot_dimension_numbers<[1], [0], [0], [1], [0, 0, 1, 1], [], []>, transpose_lhs_hint = false} : vector<1024x128xbf16>, vector<128x128xbf16>, vector<1024x128xf32> -> vector<1024x128xf32>
    %add3A_145 = arith.addf %add3A_142, %dot_general3A_144 : vector<1024x128xf32>
    %dot_general3A_146 = arith.constant dense<0.000000e+00> : vector<1024x128xf32>
    %dot_general3A_147 = tpu.matmul %convert_element_type3A_65, %convert_element_type3A_125, %dot_general3A_146 {dimension_numbers = #tpu.dot_dimension_numbers<[1], [0], [0], [1], [0, 0, 1, 1], [], []>, transpose_lhs_hint = false} : vector<1024x128xbf16>, vector<128x128xbf16>, vector<1024x128xf32> -> vector<1024x128xf32>
    %add3A_148 = arith.addf %add3A_145, %dot_general3A_147 : vector<1024x128xf32>
    %get3A_149 = arith.constant 1 : index
    %get3A_150 = arith.constant 0 : index
    %get3A_151 = vector.load %arg8[%get3A_149, %get3A_150] : memref<4x128xf32, #tpu.memory_space<vmem>>, vector<1x128xf32>
    %add3A_152 = vector.broadcast %get3A_151 : vector<1x128xf32> to vector<1024x128xf32>
    %add3A_153 = arith.addf %add3A_148, %add3A_152 : vector<1024x128xf32>
    %mul3A_154 = vector.broadcast %convert_element_type3A_119 : vector<1024x1xf32> to vector<1024x128xf32>
    %mul3A_155 = arith.mulf %mul3A_154, %add3A_153 : vector<1024x128xf32>
    %add3A_156 = arith.addf %add3A_114, %mul3A_155 : vector<1024x128xf32>
    %eq3A_157 = arith.constant 2 : i32
    %eq3A_158 = vector.broadcast %eq3A_157 : i32 to vector<1024x1xi32>
    %eq3A_159 = arith.cmpi eq, %select_n3A_64, %eq3A_158 : vector<1024x1xi32>
    %convert_element_type3A_160 = arith.extui %eq3A_159 : vector<1024x1xi1> to vector<1024x1xi32>
    %convert_element_type3A_161 = arith.sitofp %convert_element_type3A_160 : vector<1024x1xi32> to vector<1024x1xf32>
    %get3A_162 = arith.constant 2 : index
    %get3A_163 = arith.constant 0 : index
    %get3A_164 = arith.constant 0 : index
    %get3A_165 = vector.load %arg7[%get3A_162, %get3A_163, %get3A_164] : memref<4x128x128xf32, #tpu.memory_space<vmem>>, vector<1x128x128xf32>
    %get3A_166 = vector.shape_cast %get3A_165 : vector<1x128x128xf32> to vector<128x128xf32>
    %convert_element_type3A_167 = arith.truncf %get3A_166 : vector<128x128xf32> to vector<128x128xbf16>
    %convert_element_type3A_168 = arith.extf %convert_element_type3A_167 : vector<128x128xbf16> to vector<128x128xf32>
    %sub3A_169 = arith.subf %get3A_166, %convert_element_type3A_168 : vector<128x128xf32>
    %convert_element_type3A_170 = arith.truncf %sub3A_169 : vector<128x128xf32> to vector<128x128xbf16>
    %convert_element_type3A_171 = arith.extf %convert_element_type3A_170 : vector<128x128xbf16> to vector<128x128xf32>
    %sub3A_172 = arith.subf %sub3A_169, %convert_element_type3A_171 : vector<128x128xf32>
    %convert_element_type3A_173 = arith.truncf %sub3A_172 : vector<128x128xf32> to vector<128x128xbf16>
    %dot_general3A_174 = arith.constant dense<0.000000e+00> : vector<1024x128xf32>
    %dot_general3A_175 = tpu.matmul %convert_element_type3A_65, %convert_element_type3A_173, %dot_general3A_174 {dimension_numbers = #tpu.dot_dimension_numbers<[1], [0], [0], [1], [0, 0, 1, 1], [], []>, transpose_lhs_hint = false} : vector<1024x128xbf16>, vector<128x128xbf16>, vector<1024x128xf32> -> vector<1024x128xf32>
    %dot_general3A_176 = arith.constant dense<0.000000e+00> : vector<1024x128xf32>
    %dot_general3A_177 = tpu.matmul %convert_element_type3A_68, %convert_element_type3A_170, %dot_general3A_176 {dimension_numbers = #tpu.dot_dimension_numbers<[1], [0], [0], [1], [0, 0, 1, 1], [], []>, transpose_lhs_hint = false} : vector<1024x128xbf16>, vector<128x128xbf16>, vector<1024x128xf32> -> vector<1024x128xf32>
    %add3A_178 = arith.addf %dot_general3A_175, %dot_general3A_177 : vector<1024x128xf32>
    %dot_general3A_179 = arith.constant dense<0.000000e+00> : vector<1024x128xf32>
    %dot_general3A_180 = tpu.matmul %convert_element_type3A_71, %convert_element_type3A_167, %dot_general3A_179 {dimension_numbers = #tpu.dot_dimension_numbers<[1], [0], [0], [1], [0, 0, 1, 1], [], []>, transpose_lhs_hint = false} : vector<1024x128xbf16>, vector<128x128xbf16>, vector<1024x128xf32> -> vector<1024x128xf32>
    %add3A_181 = arith.addf %add3A_178, %dot_general3A_180 : vector<1024x128xf32>
    %dot_general3A_182 = arith.constant dense<0.000000e+00> : vector<1024x128xf32>
    %dot_general3A_183 = tpu.matmul %convert_element_type3A_65, %convert_element_type3A_170, %dot_general3A_182 {dimension_numbers = #tpu.dot_dimension_numbers<[1], [0], [0], [1], [0, 0, 1, 1], [], []>, transpose_lhs_hint = false} : vector<1024x128xbf16>, vector<128x128xbf16>, vector<1024x128xf32> -> vector<1024x128xf32>
    %add3A_184 = arith.addf %add3A_181, %dot_general3A_183 : vector<1024x128xf32>
    %dot_general3A_185 = arith.constant dense<0.000000e+00> : vector<1024x128xf32>
    %dot_general3A_186 = tpu.matmul %convert_element_type3A_68, %convert_element_type3A_167, %dot_general3A_185 {dimension_numbers = #tpu.dot_dimension_numbers<[1], [0], [0], [1], [0, 0, 1, 1], [], []>, transpose_lhs_hint = false} : vector<1024x128xbf16>, vector<128x128xbf16>, vector<1024x128xf32> -> vector<1024x128xf32>
    %add3A_187 = arith.addf %add3A_184, %dot_general3A_186 : vector<1024x128xf32>
    %dot_general3A_188 = arith.constant dense<0.000000e+00> : vector<1024x128xf32>
    %dot_general3A_189 = tpu.matmul %convert_element_type3A_65, %convert_element_type3A_167, %dot_general3A_188 {dimension_numbers = #tpu.dot_dimension_numbers<[1], [0], [0], [1], [0, 0, 1, 1], [], []>, transpose_lhs_hint = false} : vector<1024x128xbf16>, vector<128x128xbf16>, vector<1024x128xf32> -> vector<1024x128xf32>
    %add3A_190 = arith.addf %add3A_187, %dot_general3A_189 : vector<1024x128xf32>
    %get3A_191 = arith.constant 2 : index
    %get3A_192 = arith.constant 0 : index
    %get3A_193 = vector.load %arg8[%get3A_191, %get3A_192] : memref<4x128xf32, #tpu.memory_space<vmem>>, vector<1x128xf32>
    %add3A_194 = vector.broadcast %get3A_193 : vector<1x128xf32> to vector<1024x128xf32>
    %add3A_195 = arith.addf %add3A_190, %add3A_194 : vector<1024x128xf32>
    %mul3A_196 = vector.broadcast %convert_element_type3A_161 : vector<1024x1xf32> to vector<1024x128xf32>
    %mul3A_197 = arith.mulf %mul3A_196, %add3A_195 : vector<1024x128xf32>
    %add3A_198 = arith.addf %add3A_156, %mul3A_197 : vector<1024x128xf32>
    %eq3A_199 = arith.constant 3 : i32
    %eq3A_200 = vector.broadcast %eq3A_199 : i32 to vector<1024x1xi32>
    %eq3A_201 = arith.cmpi eq, %select_n3A_64, %eq3A_200 : vector<1024x1xi32>
    %convert_element_type3A_202 = arith.extui %eq3A_201 : vector<1024x1xi1> to vector<1024x1xi32>
    %convert_element_type3A_203 = arith.sitofp %convert_element_type3A_202 : vector<1024x1xi32> to vector<1024x1xf32>
    %get3A_204 = arith.constant 3 : index
    %get3A_205 = arith.constant 0 : index
    %get3A_206 = arith.constant 0 : index
    %get3A_207 = vector.load %arg7[%get3A_204, %get3A_205, %get3A_206] : memref<4x128x128xf32, #tpu.memory_space<vmem>>, vector<1x128x128xf32>
    %get3A_208 = vector.shape_cast %get3A_207 : vector<1x128x128xf32> to vector<128x128xf32>
    %convert_element_type3A_209 = arith.truncf %get3A_208 : vector<128x128xf32> to vector<128x128xbf16>
    %convert_element_type3A_210 = arith.extf %convert_element_type3A_209 : vector<128x128xbf16> to vector<128x128xf32>
    %sub3A_211 = arith.subf %get3A_208, %convert_element_type3A_210 : vector<128x128xf32>
    %convert_element_type3A_212 = arith.truncf %sub3A_211 : vector<128x128xf32> to vector<128x128xbf16>
    %convert_element_type3A_213 = arith.extf %convert_element_type3A_212 : vector<128x128xbf16> to vector<128x128xf32>
    %sub3A_214 = arith.subf %sub3A_211, %convert_element_type3A_213 : vector<128x128xf32>
    %convert_element_type3A_215 = arith.truncf %sub3A_214 : vector<128x128xf32> to vector<128x128xbf16>
    %dot_general3A_216 = arith.constant dense<0.000000e+00> : vector<1024x128xf32>
    %dot_general3A_217 = tpu.matmul %convert_element_type3A_65, %convert_element_type3A_215, %dot_general3A_216 {dimension_numbers = #tpu.dot_dimension_numbers<[1], [0], [0], [1], [0, 0, 1, 1], [], []>, transpose_lhs_hint = false} : vector<1024x128xbf16>, vector<128x128xbf16>, vector<1024x128xf32> -> vector<1024x128xf32>
    %dot_general3A_218 = arith.constant dense<0.000000e+00> : vector<1024x128xf32>
    %dot_general3A_219 = tpu.matmul %convert_element_type3A_68, %convert_element_type3A_212, %dot_general3A_218 {dimension_numbers = #tpu.dot_dimension_numbers<[1], [0], [0], [1], [0, 0, 1, 1], [], []>, transpose_lhs_hint = false} : vector<1024x128xbf16>, vector<128x128xbf16>, vector<1024x128xf32> -> vector<1024x128xf32>
    %add3A_220 = arith.addf %dot_general3A_217, %dot_general3A_219 : vector<1024x128xf32>
    %dot_general3A_221 = arith.constant dense<0.000000e+00> : vector<1024x128xf32>
    %dot_general3A_222 = tpu.matmul %convert_element_type3A_71, %convert_element_type3A_209, %dot_general3A_221 {dimension_numbers = #tpu.dot_dimension_numbers<[1], [0], [0], [1], [0, 0, 1, 1], [], []>, transpose_lhs_hint = false} : vector<1024x128xbf16>, vector<128x128xbf16>, vector<1024x128xf32> -> vector<1024x128xf32>
    %add3A_223 = arith.addf %add3A_220, %dot_general3A_222 : vector<1024x128xf32>
    %dot_general3A_224 = arith.constant dense<0.000000e+00> : vector<1024x128xf32>
    %dot_general3A_225 = tpu.matmul %convert_element_type3A_65, %convert_element_type3A_212, %dot_general3A_224 {dimension_numbers = #tpu.dot_dimension_numbers<[1], [0], [0], [1], [0, 0, 1, 1], [], []>, transpose_lhs_hint = false} : vector<1024x128xbf16>, vector<128x128xbf16>, vector<1024x128xf32> -> vector<1024x128xf32>
    %add3A_226 = arith.addf %add3A_223, %dot_general3A_225 : vector<1024x128xf32>
    %dot_general3A_227 = arith.constant dense<0.000000e+00> : vector<1024x128xf32>
    %dot_general3A_228 = tpu.matmul %convert_element_type3A_68, %convert_element_type3A_209, %dot_general3A_227 {dimension_numbers = #tpu.dot_dimension_numbers<[1], [0], [0], [1], [0, 0, 1, 1], [], []>, transpose_lhs_hint = false} : vector<1024x128xbf16>, vector<128x128xbf16>, vector<1024x128xf32> -> vector<1024x128xf32>
    %add3A_229 = arith.addf %add3A_226, %dot_general3A_228 : vector<1024x128xf32>
    %dot_general3A_230 = arith.constant dense<0.000000e+00> : vector<1024x128xf32>
    %dot_general3A_231 = tpu.matmul %convert_element_type3A_65, %convert_element_type3A_209, %dot_general3A_230 {dimension_numbers = #tpu.dot_dimension_numbers<[1], [0], [0], [1], [0, 0, 1, 1], [], []>, transpose_lhs_hint = false} : vector<1024x128xbf16>, vector<128x128xbf16>, vector<1024x128xf32> -> vector<1024x128xf32>
    %add3A_232 = arith.addf %add3A_229, %dot_general3A_231 : vector<1024x128xf32>
    %get3A_233 = arith.constant 3 : index
    %get3A_234 = arith.constant 0 : index
    %get3A_235 = vector.load %arg8[%get3A_233, %get3A_234] : memref<4x128xf32, #tpu.memory_space<vmem>>, vector<1x128xf32>
    %add3A_236 = vector.broadcast %get3A_235 : vector<1x128xf32> to vector<1024x128xf32>
    %add3A_237 = arith.addf %add3A_232, %add3A_236 : vector<1024x128xf32>
    %mul3A_238 = vector.broadcast %convert_element_type3A_203 : vector<1024x1xf32> to vector<1024x128xf32>
    %mul3A_239 = arith.mulf %mul3A_238, %add3A_237 : vector<1024x128xf32>
    %add3A_240 = arith.addf %add3A_198, %mul3A_239 : vector<1024x128xf32>
    %mul3A_241 = vector.broadcast %get3A_11 : vector<1024x1xf32> to vector<1024x128xf32>
    %mul3A_242 = arith.mulf %add3A_240, %mul3A_241 : vector<1024x128xf32>
    %swap3A = arith.constant 0 : index
    %swap3A_243 = arith.constant 0 : index
    %swap3A_244 = vector.load %arg9[%swap3A, %swap3A_243] : memref<1024x128xf32, #tpu.memory_space<vmem>>, vector<1024x128xf32>
    tpu.vector_store %arg9[%swap3A, %swap3A_243], %mul3A_242 {strides = array<i32>} : memref<1024x128xf32, #tpu.memory_space<vmem>>, vector<1024x128xf32>,
    return
  }
  func.func @transform_0(%arg0: i32) -> (i32, i32, i32) {
    %c0_i32 = arith.constant 0 : i32
    %c0_i32_0 = arith.constant 0 : i32
    %c0_i32_1 = arith.constant 0 : i32
    return %c0_i32, %arg0, %c0_i32_0 : i32, i32, i32
  }
  func.func @transform_1(%arg0: i32) -> (i32, i32) {
    %c0_i32 = arith.constant 0 : i32
    %c0_i32_0 = arith.constant 0 : i32
    return %arg0, %c0_i32 : i32, i32
  }
  func.func @transform_2(%arg0: i32) -> (i32, i32) {
    %c0_i32 = arith.constant 0 : i32
    %c0_i32_0 = arith.constant 0 : i32
    return %arg0, %c0_i32 : i32, i32
  }
  func.func @transform_3(%arg0: i32) -> (i32, i32) {
    %c0_i32 = arith.constant 0 : i32
    %c0_i32_0 = arith.constant 0 : i32
    return %arg0, %c0_i32 : i32, i32
  }
  func.func @transform_4(%arg0: i32) -> (i32, i32) {
    %c0_i32 = arith.constant 0 : i32
    %c0_i32_0 = arith.constant 0 : i32
    %c0_i32_1 = arith.constant 0 : i32
    return %c0_i32, %c0_i32_0 : i32, i32
  }
  func.func @transform_5(%arg0: i32) -> (i32, i32) {
    %c0_i32 = arith.constant 0 : i32
    %c0_i32_0 = arith.constant 0 : i32
    %c0_i32_1 = arith.constant 0 : i32
    return %c0_i32, %c0_i32_0 : i32, i32
  }
  func.func @transform_6(%arg0: i32) -> (i32, i32, i32) {
    %c0_i32 = arith.constant 0 : i32
    %c0_i32_0 = arith.constant 0 : i32
    %c0_i32_1 = arith.constant 0 : i32
    %c0_i32_2 = arith.constant 0 : i32
    return %c0_i32, %c0_i32_0, %c0_i32_1 : i32, i32, i32
  }
  func.func @transform_7(%arg0: i32) -> (i32, i32) {
    %c0_i32 = arith.constant 0 : i32
    %c0_i32_0 = arith.constant 0 : i32
    %c0_i32_1 = arith.constant 0 : i32
    return %c0_i32, %c0_i32_0 : i32, i32
  }
  func.func @transform_8(%arg0: i32) -> (i32, i32) {
    %c0_i32 = arith.constant 0 : i32
    %c0_i32_0 = arith.constant 0 : i32
    return %arg0, %c0_i32 : i32, i32
  }
}

module attributes {stable_mosaic.version = 14 : i64} {
  func.func @_prep2_body(%arg0: i32, %arg1: memref<2x1024x128xf32, #tpu.memory_space<vmem>>, %arg2: memref<1024x1xf32, #tpu.memory_space<vmem>>, %arg3: memref<1024x4xf32, #tpu.memory_space<vmem>>, %arg4: memref<128x4xf32, #tpu.memory_space<vmem>>, %arg5: memref<128x4xf32, #tpu.memory_space<vmem>>, %arg6: memref<4x128x128xf32, #tpu.memory_space<vmem>>, %arg7: memref<4x128xf32, #tpu.memory_space<vmem>>, %arg8: memref<1024x128xf32, #tpu.memory_space<vmem>>) attributes {dimension_semantics = [#tpu.dimension_semantics<arbitrary>], iteration_bounds = array<i64: 10>, scalar_prefetch = 0 : i64, scratch_operands = 0 : i64, tpu.core_type = #tpu.core_type<tc>, window_params = [{transform_indices = @transform_0, window_bounds = array<i64: 2, 1024, 128>}, {transform_indices = @transform_1, window_bounds = array<i64: 1024, 1>}, {transform_indices = @transform_2, window_bounds = array<i64: 1024, 4>}, {pipeline_mode = #tpu.pipeline_mode<synchronous>, transform_indices = @transform_3, window_bounds = array<i64: 128, 4>}, {pipeline_mode = #tpu.pipeline_mode<synchronous>, transform_indices = @transform_4, window_bounds = array<i64: 128, 4>}, {pipeline_mode = #tpu.pipeline_mode<synchronous>, transform_indices = @transform_5, window_bounds = array<i64: 4, 128, 128>}, {pipeline_mode = #tpu.pipeline_mode<synchronous>, transform_indices = @transform_6, window_bounds = array<i64: 4, 128>}, {transform_indices = @transform_7, window_bounds = array<i64: 1024, 128>}]} {
    %get3A = arith.constant 0 : index
    %get3A_0 = arith.constant 0 : index
    %get3A_1 = arith.constant 0 : index
    %get3A_2 = vector.load %arg1[%get3A, %get3A_0, %get3A_1] : memref<2x1024x128xf32, #tpu.memory_space<vmem>>, vector<1x1024x128xf32>
    %get3A_3 = vector.shape_cast %get3A_2 : vector<1x1024x128xf32> to vector<1024x128xf32>
    %get3A_4 = arith.constant 1 : index
    %get3A_5 = arith.constant 0 : index
    %get3A_6 = arith.constant 0 : index
    %get3A_7 = vector.load %arg1[%get3A_4, %get3A_5, %get3A_6] : memref<2x1024x128xf32, #tpu.memory_space<vmem>>, vector<1x1024x128xf32>
    %get3A_8 = vector.shape_cast %get3A_7 : vector<1x1024x128xf32> to vector<1024x128xf32>
    %add3A = arith.addf %get3A_3, %get3A_8 : vector<1024x128xf32>
    %get3A_9 = arith.constant 0 : index
    %get3A_10 = arith.constant 0 : index
    %get3A_11 = vector.load %arg2[%get3A_9, %get3A_10] : memref<1024x1xf32, #tpu.memory_space<vmem>>, vector<1024x1xf32>
    %mul3A = vector.broadcast %get3A_11 : vector<1024x1xf32> to vector<1024x128xf32>
    %mul3A_12 = arith.mulf %add3A, %mul3A : vector<1024x128xf32>
    %max3A = arith.constant 0.000000e+00 : f32
    %max3A_13 = vector.broadcast %max3A : f32 to vector<1024x128xf32>
    %max3A_14 = arith.maximumf %mul3A_12, %max3A_13 : vector<1024x128xf32>
    %get3A_15 = arith.constant 0 : index
    %get3A_16 = arith.constant 0 : index
    %get3A_17 = vector.load %arg3[%get3A_15, %get3A_16] : memref<1024x4xf32, #tpu.memory_space<vmem>>, vector<1024x4xf32>
    %convert_element_type3A = arith.truncf %max3A_14 : vector<1024x128xf32> to vector<1024x128xbf16>
    %get3A_18 = arith.constant 0 : index
    %get3A_19 = arith.constant 0 : index
    %get3A_20 = vector.load %arg4[%get3A_18, %get3A_19] : memref<128x4xf32, #tpu.memory_space<vmem>>, vector<128x4xf32>
    %convert_element_type3A_21 = arith.truncf %get3A_20 : vector<128x4xf32> to vector<128x4xbf16>
    %dot_general3A = arith.constant dense<0.000000e+00> : vector<1024x4xf32>
    %dot_general3A_22 = tpu.matmul %convert_element_type3A, %convert_element_type3A_21, %dot_general3A {dimension_numbers = #tpu.dot_dimension_numbers<[1], [0], [0], [1], [0, 0, 1, 1], [], []>, transpose_lhs_hint = false} : vector<1024x128xbf16>, vector<128x4xbf16>, vector<1024x4xf32> -> vector<1024x4xf32>
    %get3A_23 = arith.constant 0 : index
    %get3A_24 = arith.constant 0 : index
    %get3A_25 = vector.load %arg5[%get3A_23, %get3A_24] : memref<128x4xf32, #tpu.memory_space<vmem>>, vector<128x4xf32>
    %convert_element_type3A_26 = arith.truncf %get3A_25 : vector<128x4xf32> to vector<128x4xbf16>
    %dot_general3A_27 = arith.constant dense<0.000000e+00> : vector<1024x4xf32>
    %dot_general3A_28 = tpu.matmul %convert_element_type3A, %convert_element_type3A_26, %dot_general3A_27 {dimension_numbers = #tpu.dot_dimension_numbers<[1], [0], [0], [1], [0, 0, 1, 1], [], []>, transpose_lhs_hint = false} : vector<1024x128xbf16>, vector<128x4xbf16>, vector<1024x4xf32> -> vector<1024x4xf32>
    %custom_jvp_call3A = arith.constant 0.000000e+00 : f32
    %max3A_29 = vector.broadcast %custom_jvp_call3A : f32 to vector<1024x4xf32>
    %max3A_30 = arith.maximumf %dot_general3A_28, %max3A_29 : vector<1024x4xf32>
    %sub3A = vector.broadcast %custom_jvp_call3A : f32 to vector<1024x4xf32>
    %sub3A_31 = arith.subf %dot_general3A_28, %sub3A : vector<1024x4xf32>
    %ne3A = arith.cmpf one, %sub3A_31, %sub3A_31 : vector<1024x4xf32>
    %add3A_32 = vector.broadcast %custom_jvp_call3A : f32 to vector<1024x4xf32>
    %add3A_33 = arith.addf %dot_general3A_28, %add3A_32 : vector<1024x4xf32>
    %abs3A = math.absf %sub3A_31 : vector<1024x4xf32>
    %neg3A = arith.constant 0.000000e+00 : f32
    %neg3A_34 = vector.broadcast %neg3A : f32 to vector<1024x4xf32>
    %neg3A_35 = arith.subf %neg3A_34, %abs3A : vector<1024x4xf32>
    %exp3A = math.exp %neg3A_35 : vector<1024x4xf32>
    %log1p3A = math.log1p %exp3A : vector<1024x4xf32>
    %add3A_36 = arith.addf %max3A_30, %log1p3A : vector<1024x4xf32>
    %select_n3A = arith.select %ne3A, %add3A_33, %add3A_36 : vector<1024x4xi1>, vector<1024x4xf32>
    %add3A_37 = arith.constant 0.00999999977 : f32
    %add3A_38 = vector.broadcast %add3A_37 : f32 to vector<1024x4xf32>
    %add3A_39 = arith.addf %select_n3A, %add3A_38 : vector<1024x4xf32>
    %mul3A_40 = arith.mulf %get3A_17, %add3A_39 : vector<1024x4xf32>
    %add3A_41 = arith.addf %dot_general3A_22, %mul3A_40 : vector<1024x4xf32>
    %slice3A = vector.extract_strided_slice %add3A_41 {offsets = [0, 0], sizes = [1024, 1], strides = [1, 1]} : vector<1024x4xf32> to vector<1024x1xf32>
    %broadcast_in_dim3A = arith.constant 0 : i32
    %broadcast_in_dim3A_42 = vector.broadcast %broadcast_in_dim3A : i32 to vector<1024x1xi32>
    %slice3A_43 = vector.extract_strided_slice %add3A_41 {offsets = [0, 1], sizes = [1024, 1], strides = [1, 1]} : vector<1024x4xf32> to vector<1024x1xf32>
    %gt3A = arith.cmpf ogt, %slice3A_43, %slice3A : vector<1024x1xf32>
    %select_n3A_44 = arith.select %gt3A, %slice3A_43, %slice3A : vector<1024x1xi1>, vector<1024x1xf32>
    %jit3A = arith.constant 1 : i32
    %broadcast_in_dim3A_45 = vector.broadcast %jit3A : i32 to vector<1024x1xi32>
    %select_n3A_46 = arith.select %gt3A, %broadcast_in_dim3A_45, %broadcast_in_dim3A_42 : vector<1024x1xi1>, vector<1024x1xi32>
    %slice3A_47 = vector.extract_strided_slice %add3A_41 {offsets = [0, 2], sizes = [1024, 1], strides = [1, 1]} : vector<1024x4xf32> to vector<1024x1xf32>
    %gt3A_48 = arith.cmpf ogt, %slice3A_47, %select_n3A_44 : vector<1024x1xf32>
    %select_n3A_49 = arith.select %gt3A_48, %slice3A_47, %select_n3A_44 : vector<1024x1xi1>, vector<1024x1xf32>
    %jit3A_50 = arith.constant 2 : i32
    %broadcast_in_dim3A_51 = vector.broadcast %jit3A_50 : i32 to vector<1024x1xi32>
    %select_n3A_52 = arith.select %gt3A_48, %broadcast_in_dim3A_51, %select_n3A_46 : vector<1024x1xi1>, vector<1024x1xi32>
    %slice3A_53 = vector.extract_strided_slice %add3A_41 {offsets = [0, 3], sizes = [1024, 1], strides = [1, 1]} : vector<1024x4xf32> to vector<1024x1xf32>
    %gt3A_54 = arith.cmpf ogt, %slice3A_53, %select_n3A_49 : vector<1024x1xf32>
    %jit3A_55 = arith.constant 3 : i32
    %broadcast_in_dim3A_56 = vector.broadcast %jit3A_55 : i32 to vector<1024x1xi32>
    %select_n3A_57 = arith.select %gt3A_54, %broadcast_in_dim3A_56, %select_n3A_52 : vector<1024x1xi1>, vector<1024x1xi32>
    %convert_element_type3A_58 = arith.truncf %max3A_14 : vector<1024x128xf32> to vector<1024x128xbf16>
    %convert_element_type3A_59 = arith.extf %convert_element_type3A_58 : vector<1024x128xbf16> to vector<1024x128xf32>
    %sub3A_60 = arith.subf %max3A_14, %convert_element_type3A_59 : vector<1024x128xf32>
    %convert_element_type3A_61 = arith.truncf %sub3A_60 : vector<1024x128xf32> to vector<1024x128xbf16>
    %convert_element_type3A_62 = arith.extf %convert_element_type3A_61 : vector<1024x128xbf16> to vector<1024x128xf32>
    %sub3A_63 = arith.subf %sub3A_60, %convert_element_type3A_62 : vector<1024x128xf32>
    %convert_element_type3A_64 = arith.truncf %sub3A_63 : vector<1024x128xf32> to vector<1024x128xbf16>
    %broadcast_in_dim3A_65 = arith.constant 0.000000e+00 : f32
    %broadcast_in_dim3A_66 = vector.broadcast %broadcast_in_dim3A_65 : f32 to vector<1024x128xf32>
    %eq3A = arith.constant 0 : i32
    %eq3A_67 = vector.broadcast %eq3A : i32 to vector<1024x1xi32>
    %eq3A_68 = arith.cmpi eq, %select_n3A_57, %eq3A_67 : vector<1024x1xi32>
    %convert_element_type3A_69 = arith.extui %eq3A_68 : vector<1024x1xi1> to vector<1024x1xi32>
    %convert_element_type3A_70 = arith.sitofp %convert_element_type3A_69 : vector<1024x1xi32> to vector<1024x1xf32>
    %get3A_71 = arith.constant 0 : index
    %get3A_72 = arith.constant 0 : index
    %get3A_73 = arith.constant 0 : index
    %get3A_74 = vector.load %arg6[%get3A_71, %get3A_72, %get3A_73] : memref<4x128x128xf32, #tpu.memory_space<vmem>>, vector<1x128x128xf32>
    %get3A_75 = vector.shape_cast %get3A_74 : vector<1x128x128xf32> to vector<128x128xf32>
    %convert_element_type3A_76 = arith.truncf %get3A_75 : vector<128x128xf32> to vector<128x128xbf16>
    %convert_element_type3A_77 = arith.extf %convert_element_type3A_76 : vector<128x128xbf16> to vector<128x128xf32>
    %sub3A_78 = arith.subf %get3A_75, %convert_element_type3A_77 : vector<128x128xf32>
    %convert_element_type3A_79 = arith.truncf %sub3A_78 : vector<128x128xf32> to vector<128x128xbf16>
    %convert_element_type3A_80 = arith.extf %convert_element_type3A_79 : vector<128x128xbf16> to vector<128x128xf32>
    %sub3A_81 = arith.subf %sub3A_78, %convert_element_type3A_80 : vector<128x128xf32>
    %convert_element_type3A_82 = arith.truncf %sub3A_81 : vector<128x128xf32> to vector<128x128xbf16>
    %dot_general3A_83 = arith.constant dense<0.000000e+00> : vector<1024x128xf32>
    %dot_general3A_84 = tpu.matmul %convert_element_type3A_58, %convert_element_type3A_82, %dot_general3A_83 {dimension_numbers = #tpu.dot_dimension_numbers<[1], [0], [0], [1], [0, 0, 1, 1], [], []>, transpose_lhs_hint = false} : vector<1024x128xbf16>, vector<128x128xbf16>, vector<1024x128xf32> -> vector<1024x128xf32>
    %dot_general3A_85 = arith.constant dense<0.000000e+00> : vector<1024x128xf32>
    %dot_general3A_86 = tpu.matmul %convert_element_type3A_61, %convert_element_type3A_79, %dot_general3A_85 {dimension_numbers = #tpu.dot_dimension_numbers<[1], [0], [0], [1], [0, 0, 1, 1], [], []>, transpose_lhs_hint = false} : vector<1024x128xbf16>, vector<128x128xbf16>, vector<1024x128xf32> -> vector<1024x128xf32>
    %add3A_87 = arith.addf %dot_general3A_84, %dot_general3A_86 : vector<1024x128xf32>
    %dot_general3A_88 = arith.constant dense<0.000000e+00> : vector<1024x128xf32>
    %dot_general3A_89 = tpu.matmul %convert_element_type3A_64, %convert_element_type3A_76, %dot_general3A_88 {dimension_numbers = #tpu.dot_dimension_numbers<[1], [0], [0], [1], [0, 0, 1, 1], [], []>, transpose_lhs_hint = false} : vector<1024x128xbf16>, vector<128x128xbf16>, vector<1024x128xf32> -> vector<1024x128xf32>
    %add3A_90 = arith.addf %add3A_87, %dot_general3A_89 : vector<1024x128xf32>
    %dot_general3A_91 = arith.constant dense<0.000000e+00> : vector<1024x128xf32>
    %dot_general3A_92 = tpu.matmul %convert_element_type3A_58, %convert_element_type3A_79, %dot_general3A_91 {dimension_numbers = #tpu.dot_dimension_numbers<[1], [0], [0], [1], [0, 0, 1, 1], [], []>, transpose_lhs_hint = false} : vector<1024x128xbf16>, vector<128x128xbf16>, vector<1024x128xf32> -> vector<1024x128xf32>
    %add3A_93 = arith.addf %add3A_90, %dot_general3A_92 : vector<1024x128xf32>
    %dot_general3A_94 = arith.constant dense<0.000000e+00> : vector<1024x128xf32>
    %dot_general3A_95 = tpu.matmul %convert_element_type3A_61, %convert_element_type3A_76, %dot_general3A_94 {dimension_numbers = #tpu.dot_dimension_numbers<[1], [0], [0], [1], [0, 0, 1, 1], [], []>, transpose_lhs_hint = false} : vector<1024x128xbf16>, vector<128x128xbf16>, vector<1024x128xf32> -> vector<1024x128xf32>
    %add3A_96 = arith.addf %add3A_93, %dot_general3A_95 : vector<1024x128xf32>
    %dot_general3A_97 = arith.constant dense<0.000000e+00> : vector<1024x128xf32>
    %dot_general3A_98 = tpu.matmul %convert_element_type3A_58, %convert_element_type3A_76, %dot_general3A_97 {dimension_numbers = #tpu.dot_dimension_numbers<[1], [0], [0], [1], [0, 0, 1, 1], [], []>, transpose_lhs_hint = false} : vector<1024x128xbf16>, vector<128x128xbf16>, vector<1024x128xf32> -> vector<1024x128xf32>
    %add3A_99 = arith.addf %add3A_96, %dot_general3A_98 : vector<1024x128xf32>
    %get3A_100 = arith.constant 0 : index
    %get3A_101 = arith.constant 0 : index
    %get3A_102 = vector.load %arg7[%get3A_100, %get3A_101] : memref<4x128xf32, #tpu.memory_space<vmem>>, vector<1x128xf32>
    %add3A_103 = vector.broadcast %get3A_102 : vector<1x128xf32> to vector<1024x128xf32>
    %add3A_104 = arith.addf %add3A_99, %add3A_103 : vector<1024x128xf32>
    %mul3A_105 = vector.broadcast %convert_element_type3A_70 : vector<1024x1xf32> to vector<1024x128xf32>
    %mul3A_106 = arith.mulf %mul3A_105, %add3A_104 : vector<1024x128xf32>
    %add3A_107 = arith.addf %broadcast_in_dim3A_66, %mul3A_106 : vector<1024x128xf32>
    %eq3A_108 = arith.constant 1 : i32
    %eq3A_109 = vector.broadcast %eq3A_108 : i32 to vector<1024x1xi32>
    %eq3A_110 = arith.cmpi eq, %select_n3A_57, %eq3A_109 : vector<1024x1xi32>
    %convert_element_type3A_111 = arith.extui %eq3A_110 : vector<1024x1xi1> to vector<1024x1xi32>
    %convert_element_type3A_112 = arith.sitofp %convert_element_type3A_111 : vector<1024x1xi32> to vector<1024x1xf32>
    %get3A_113 = arith.constant 1 : index
    %get3A_114 = arith.constant 0 : index
    %get3A_115 = arith.constant 0 : index
    %get3A_116 = vector.load %arg6[%get3A_113, %get3A_114, %get3A_115] : memref<4x128x128xf32, #tpu.memory_space<vmem>>, vector<1x128x128xf32>
    %get3A_117 = vector.shape_cast %get3A_116 : vector<1x128x128xf32> to vector<128x128xf32>
    %convert_element_type3A_118 = arith.truncf %get3A_117 : vector<128x128xf32> to vector<128x128xbf16>
    %convert_element_type3A_119 = arith.extf %convert_element_type3A_118 : vector<128x128xbf16> to vector<128x128xf32>
    %sub3A_120 = arith.subf %get3A_117, %convert_element_type3A_119 : vector<128x128xf32>
    %convert_element_type3A_121 = arith.truncf %sub3A_120 : vector<128x128xf32> to vector<128x128xbf16>
    %convert_element_type3A_122 = arith.extf %convert_element_type3A_121 : vector<128x128xbf16> to vector<128x128xf32>
    %sub3A_123 = arith.subf %sub3A_120, %convert_element_type3A_122 : vector<128x128xf32>
    %convert_element_type3A_124 = arith.truncf %sub3A_123 : vector<128x128xf32> to vector<128x128xbf16>
    %dot_general3A_125 = arith.constant dense<0.000000e+00> : vector<1024x128xf32>
    %dot_general3A_126 = tpu.matmul %convert_element_type3A_58, %convert_element_type3A_124, %dot_general3A_125 {dimension_numbers = #tpu.dot_dimension_numbers<[1], [0], [0], [1], [0, 0, 1, 1], [], []>, transpose_lhs_hint = false} : vector<1024x128xbf16>, vector<128x128xbf16>, vector<1024x128xf32> -> vector<1024x128xf32>
    %dot_general3A_127 = arith.constant dense<0.000000e+00> : vector<1024x128xf32>
    %dot_general3A_128 = tpu.matmul %convert_element_type3A_61, %convert_element_type3A_121, %dot_general3A_127 {dimension_numbers = #tpu.dot_dimension_numbers<[1], [0], [0], [1], [0, 0, 1, 1], [], []>, transpose_lhs_hint = false} : vector<1024x128xbf16>, vector<128x128xbf16>, vector<1024x128xf32> -> vector<1024x128xf32>
    %add3A_129 = arith.addf %dot_general3A_126, %dot_general3A_128 : vector<1024x128xf32>
    %dot_general3A_130 = arith.constant dense<0.000000e+00> : vector<1024x128xf32>
    %dot_general3A_131 = tpu.matmul %convert_element_type3A_64, %convert_element_type3A_118, %dot_general3A_130 {dimension_numbers = #tpu.dot_dimension_numbers<[1], [0], [0], [1], [0, 0, 1, 1], [], []>, transpose_lhs_hint = false} : vector<1024x128xbf16>, vector<128x128xbf16>, vector<1024x128xf32> -> vector<1024x128xf32>
    %add3A_132 = arith.addf %add3A_129, %dot_general3A_131 : vector<1024x128xf32>
    %dot_general3A_133 = arith.constant dense<0.000000e+00> : vector<1024x128xf32>
    %dot_general3A_134 = tpu.matmul %convert_element_type3A_58, %convert_element_type3A_121, %dot_general3A_133 {dimension_numbers = #tpu.dot_dimension_numbers<[1], [0], [0], [1], [0, 0, 1, 1], [], []>, transpose_lhs_hint = false} : vector<1024x128xbf16>, vector<128x128xbf16>, vector<1024x128xf32> -> vector<1024x128xf32>
    %add3A_135 = arith.addf %add3A_132, %dot_general3A_134 : vector<1024x128xf32>
    %dot_general3A_136 = arith.constant dense<0.000000e+00> : vector<1024x128xf32>
    %dot_general3A_137 = tpu.matmul %convert_element_type3A_61, %convert_element_type3A_118, %dot_general3A_136 {dimension_numbers = #tpu.dot_dimension_numbers<[1], [0], [0], [1], [0, 0, 1, 1], [], []>, transpose_lhs_hint = false} : vector<1024x128xbf16>, vector<128x128xbf16>, vector<1024x128xf32> -> vector<1024x128xf32>
    %add3A_138 = arith.addf %add3A_135, %dot_general3A_137 : vector<1024x128xf32>
    %dot_general3A_139 = arith.constant dense<0.000000e+00> : vector<1024x128xf32>
    %dot_general3A_140 = tpu.matmul %convert_element_type3A_58, %convert_element_type3A_118, %dot_general3A_139 {dimension_numbers = #tpu.dot_dimension_numbers<[1], [0], [0], [1], [0, 0, 1, 1], [], []>, transpose_lhs_hint = false} : vector<1024x128xbf16>, vector<128x128xbf16>, vector<1024x128xf32> -> vector<1024x128xf32>
    %add3A_141 = arith.addf %add3A_138, %dot_general3A_140 : vector<1024x128xf32>
    %get3A_142 = arith.constant 1 : index
    %get3A_143 = arith.constant 0 : index
    %get3A_144 = vector.load %arg7[%get3A_142, %get3A_143] : memref<4x128xf32, #tpu.memory_space<vmem>>, vector<1x128xf32>
    %add3A_145 = vector.broadcast %get3A_144 : vector<1x128xf32> to vector<1024x128xf32>
    %add3A_146 = arith.addf %add3A_141, %add3A_145 : vector<1024x128xf32>
    %mul3A_147 = vector.broadcast %convert_element_type3A_112 : vector<1024x1xf32> to vector<1024x128xf32>
    %mul3A_148 = arith.mulf %mul3A_147, %add3A_146 : vector<1024x128xf32>
    %add3A_149 = arith.addf %add3A_107, %mul3A_148 : vector<1024x128xf32>
    %eq3A_150 = arith.constant 2 : i32
    %eq3A_151 = vector.broadcast %eq3A_150 : i32 to vector<1024x1xi32>
    %eq3A_152 = arith.cmpi eq, %select_n3A_57, %eq3A_151 : vector<1024x1xi32>
    %convert_element_type3A_153 = arith.extui %eq3A_152 : vector<1024x1xi1> to vector<1024x1xi32>
    %convert_element_type3A_154 = arith.sitofp %convert_element_type3A_153 : vector<1024x1xi32> to vector<1024x1xf32>
    %get3A_155 = arith.constant 2 : index
    %get3A_156 = arith.constant 0 : index
    %get3A_157 = arith.constant 0 : index
    %get3A_158 = vector.load %arg6[%get3A_155, %get3A_156, %get3A_157] : memref<4x128x128xf32, #tpu.memory_space<vmem>>, vector<1x128x128xf32>
    %get3A_159 = vector.shape_cast %get3A_158 : vector<1x128x128xf32> to vector<128x128xf32>
    %convert_element_type3A_160 = arith.truncf %get3A_159 : vector<128x128xf32> to vector<128x128xbf16>
    %convert_element_type3A_161 = arith.extf %convert_element_type3A_160 : vector<128x128xbf16> to vector<128x128xf32>
    %sub3A_162 = arith.subf %get3A_159, %convert_element_type3A_161 : vector<128x128xf32>
    %convert_element_type3A_163 = arith.truncf %sub3A_162 : vector<128x128xf32> to vector<128x128xbf16>
    %convert_element_type3A_164 = arith.extf %convert_element_type3A_163 : vector<128x128xbf16> to vector<128x128xf32>
    %sub3A_165 = arith.subf %sub3A_162, %convert_element_type3A_164 : vector<128x128xf32>
    %convert_element_type3A_166 = arith.truncf %sub3A_165 : vector<128x128xf32> to vector<128x128xbf16>
    %dot_general3A_167 = arith.constant dense<0.000000e+00> : vector<1024x128xf32>
    %dot_general3A_168 = tpu.matmul %convert_element_type3A_58, %convert_element_type3A_166, %dot_general3A_167 {dimension_numbers = #tpu.dot_dimension_numbers<[1], [0], [0], [1], [0, 0, 1, 1], [], []>, transpose_lhs_hint = false} : vector<1024x128xbf16>, vector<128x128xbf16>, vector<1024x128xf32> -> vector<1024x128xf32>
    %dot_general3A_169 = arith.constant dense<0.000000e+00> : vector<1024x128xf32>
    %dot_general3A_170 = tpu.matmul %convert_element_type3A_61, %convert_element_type3A_163, %dot_general3A_169 {dimension_numbers = #tpu.dot_dimension_numbers<[1], [0], [0], [1], [0, 0, 1, 1], [], []>, transpose_lhs_hint = false} : vector<1024x128xbf16>, vector<128x128xbf16>, vector<1024x128xf32> -> vector<1024x128xf32>
    %add3A_171 = arith.addf %dot_general3A_168, %dot_general3A_170 : vector<1024x128xf32>
    %dot_general3A_172 = arith.constant dense<0.000000e+00> : vector<1024x128xf32>
    %dot_general3A_173 = tpu.matmul %convert_element_type3A_64, %convert_element_type3A_160, %dot_general3A_172 {dimension_numbers = #tpu.dot_dimension_numbers<[1], [0], [0], [1], [0, 0, 1, 1], [], []>, transpose_lhs_hint = false} : vector<1024x128xbf16>, vector<128x128xbf16>, vector<1024x128xf32> -> vector<1024x128xf32>
    %add3A_174 = arith.addf %add3A_171, %dot_general3A_173 : vector<1024x128xf32>
    %dot_general3A_175 = arith.constant dense<0.000000e+00> : vector<1024x128xf32>
    %dot_general3A_176 = tpu.matmul %convert_element_type3A_58, %convert_element_type3A_163, %dot_general3A_175 {dimension_numbers = #tpu.dot_dimension_numbers<[1], [0], [0], [1], [0, 0, 1, 1], [], []>, transpose_lhs_hint = false} : vector<1024x128xbf16>, vector<128x128xbf16>, vector<1024x128xf32> -> vector<1024x128xf32>
    %add3A_177 = arith.addf %add3A_174, %dot_general3A_176 : vector<1024x128xf32>
    %dot_general3A_178 = arith.constant dense<0.000000e+00> : vector<1024x128xf32>
    %dot_general3A_179 = tpu.matmul %convert_element_type3A_61, %convert_element_type3A_160, %dot_general3A_178 {dimension_numbers = #tpu.dot_dimension_numbers<[1], [0], [0], [1], [0, 0, 1, 1], [], []>, transpose_lhs_hint = false} : vector<1024x128xbf16>, vector<128x128xbf16>, vector<1024x128xf32> -> vector<1024x128xf32>
    %add3A_180 = arith.addf %add3A_177, %dot_general3A_179 : vector<1024x128xf32>
    %dot_general3A_181 = arith.constant dense<0.000000e+00> : vector<1024x128xf32>
    %dot_general3A_182 = tpu.matmul %convert_element_type3A_58, %convert_element_type3A_160, %dot_general3A_181 {dimension_numbers = #tpu.dot_dimension_numbers<[1], [0], [0], [1], [0, 0, 1, 1], [], []>, transpose_lhs_hint = false} : vector<1024x128xbf16>, vector<128x128xbf16>, vector<1024x128xf32> -> vector<1024x128xf32>
    %add3A_183 = arith.addf %add3A_180, %dot_general3A_182 : vector<1024x128xf32>
    %get3A_184 = arith.constant 2 : index
    %get3A_185 = arith.constant 0 : index
    %get3A_186 = vector.load %arg7[%get3A_184, %get3A_185] : memref<4x128xf32, #tpu.memory_space<vmem>>, vector<1x128xf32>
    %add3A_187 = vector.broadcast %get3A_186 : vector<1x128xf32> to vector<1024x128xf32>
    %add3A_188 = arith.addf %add3A_183, %add3A_187 : vector<1024x128xf32>
    %mul3A_189 = vector.broadcast %convert_element_type3A_154 : vector<1024x1xf32> to vector<1024x128xf32>
    %mul3A_190 = arith.mulf %mul3A_189, %add3A_188 : vector<1024x128xf32>
    %add3A_191 = arith.addf %add3A_149, %mul3A_190 : vector<1024x128xf32>
    %eq3A_192 = arith.constant 3 : i32
    %eq3A_193 = vector.broadcast %eq3A_192 : i32 to vector<1024x1xi32>
    %eq3A_194 = arith.cmpi eq, %select_n3A_57, %eq3A_193 : vector<1024x1xi32>
    %convert_element_type3A_195 = arith.extui %eq3A_194 : vector<1024x1xi1> to vector<1024x1xi32>
    %convert_element_type3A_196 = arith.sitofp %convert_element_type3A_195 : vector<1024x1xi32> to vector<1024x1xf32>
    %get3A_197 = arith.constant 3 : index
    %get3A_198 = arith.constant 0 : index
    %get3A_199 = arith.constant 0 : index
    %get3A_200 = vector.load %arg6[%get3A_197, %get3A_198, %get3A_199] : memref<4x128x128xf32, #tpu.memory_space<vmem>>, vector<1x128x128xf32>
    %get3A_201 = vector.shape_cast %get3A_200 : vector<1x128x128xf32> to vector<128x128xf32>
    %convert_element_type3A_202 = arith.truncf %get3A_201 : vector<128x128xf32> to vector<128x128xbf16>
    %convert_element_type3A_203 = arith.extf %convert_element_type3A_202 : vector<128x128xbf16> to vector<128x128xf32>
    %sub3A_204 = arith.subf %get3A_201, %convert_element_type3A_203 : vector<128x128xf32>
    %convert_element_type3A_205 = arith.truncf %sub3A_204 : vector<128x128xf32> to vector<128x128xbf16>
    %convert_element_type3A_206 = arith.extf %convert_element_type3A_205 : vector<128x128xbf16> to vector<128x128xf32>
    %sub3A_207 = arith.subf %sub3A_204, %convert_element_type3A_206 : vector<128x128xf32>
    %convert_element_type3A_208 = arith.truncf %sub3A_207 : vector<128x128xf32> to vector<128x128xbf16>
    %dot_general3A_209 = arith.constant dense<0.000000e+00> : vector<1024x128xf32>
    %dot_general3A_210 = tpu.matmul %convert_element_type3A_58, %convert_element_type3A_208, %dot_general3A_209 {dimension_numbers = #tpu.dot_dimension_numbers<[1], [0], [0], [1], [0, 0, 1, 1], [], []>, transpose_lhs_hint = false} : vector<1024x128xbf16>, vector<128x128xbf16>, vector<1024x128xf32> -> vector<1024x128xf32>
    %dot_general3A_211 = arith.constant dense<0.000000e+00> : vector<1024x128xf32>
    %dot_general3A_212 = tpu.matmul %convert_element_type3A_61, %convert_element_type3A_205, %dot_general3A_211 {dimension_numbers = #tpu.dot_dimension_numbers<[1], [0], [0], [1], [0, 0, 1, 1], [], []>, transpose_lhs_hint = false} : vector<1024x128xbf16>, vector<128x128xbf16>, vector<1024x128xf32> -> vector<1024x128xf32>
    %add3A_213 = arith.addf %dot_general3A_210, %dot_general3A_212 : vector<1024x128xf32>
    %dot_general3A_214 = arith.constant dense<0.000000e+00> : vector<1024x128xf32>
    %dot_general3A_215 = tpu.matmul %convert_element_type3A_64, %convert_element_type3A_202, %dot_general3A_214 {dimension_numbers = #tpu.dot_dimension_numbers<[1], [0], [0], [1], [0, 0, 1, 1], [], []>, transpose_lhs_hint = false} : vector<1024x128xbf16>, vector<128x128xbf16>, vector<1024x128xf32> -> vector<1024x128xf32>
    %add3A_216 = arith.addf %add3A_213, %dot_general3A_215 : vector<1024x128xf32>
    %dot_general3A_217 = arith.constant dense<0.000000e+00> : vector<1024x128xf32>
    %dot_general3A_218 = tpu.matmul %convert_element_type3A_58, %convert_element_type3A_205, %dot_general3A_217 {dimension_numbers = #tpu.dot_dimension_numbers<[1], [0], [0], [1], [0, 0, 1, 1], [], []>, transpose_lhs_hint = false} : vector<1024x128xbf16>, vector<128x128xbf16>, vector<1024x128xf32> -> vector<1024x128xf32>
    %add3A_219 = arith.addf %add3A_216, %dot_general3A_218 : vector<1024x128xf32>
    %dot_general3A_220 = arith.constant dense<0.000000e+00> : vector<1024x128xf32>
    %dot_general3A_221 = tpu.matmul %convert_element_type3A_61, %convert_element_type3A_202, %dot_general3A_220 {dimension_numbers = #tpu.dot_dimension_numbers<[1], [0], [0], [1], [0, 0, 1, 1], [], []>, transpose_lhs_hint = false} : vector<1024x128xbf16>, vector<128x128xbf16>, vector<1024x128xf32> -> vector<1024x128xf32>
    %add3A_222 = arith.addf %add3A_219, %dot_general3A_221 : vector<1024x128xf32>
    %dot_general3A_223 = arith.constant dense<0.000000e+00> : vector<1024x128xf32>
    %dot_general3A_224 = tpu.matmul %convert_element_type3A_58, %convert_element_type3A_202, %dot_general3A_223 {dimension_numbers = #tpu.dot_dimension_numbers<[1], [0], [0], [1], [0, 0, 1, 1], [], []>, transpose_lhs_hint = false} : vector<1024x128xbf16>, vector<128x128xbf16>, vector<1024x128xf32> -> vector<1024x128xf32>
    %add3A_225 = arith.addf %add3A_222, %dot_general3A_224 : vector<1024x128xf32>
    %get3A_226 = arith.constant 3 : index
    %get3A_227 = arith.constant 0 : index
    %get3A_228 = vector.load %arg7[%get3A_226, %get3A_227] : memref<4x128xf32, #tpu.memory_space<vmem>>, vector<1x128xf32>
    %add3A_229 = vector.broadcast %get3A_228 : vector<1x128xf32> to vector<1024x128xf32>
    %add3A_230 = arith.addf %add3A_225, %add3A_229 : vector<1024x128xf32>
    %mul3A_231 = vector.broadcast %convert_element_type3A_196 : vector<1024x1xf32> to vector<1024x128xf32>
    %mul3A_232 = arith.mulf %mul3A_231, %add3A_230 : vector<1024x128xf32>
    %add3A_233 = arith.addf %add3A_191, %mul3A_232 : vector<1024x128xf32>
    %mul3A_234 = vector.broadcast %get3A_11 : vector<1024x1xf32> to vector<1024x128xf32>
    %mul3A_235 = arith.mulf %add3A_233, %mul3A_234 : vector<1024x128xf32>
    %swap3A = arith.constant 0 : index
    %swap3A_236 = arith.constant 0 : index
    %swap3A_237 = vector.load %arg8[%swap3A, %swap3A_236] : memref<1024x128xf32, #tpu.memory_space<vmem>>, vector<1024x128xf32>
    tpu.vector_store %arg8[%swap3A, %swap3A_236], %mul3A_235 {strides = array<i32>} : memref<1024x128xf32, #tpu.memory_space<vmem>>, vector<1024x128xf32>,
    return
  }
  func.func @transform_0(%arg0: i32) -> (i32, i32, i32) {
    %c0_i32 = arith.constant 0 : i32
    %c0_i32_0 = arith.constant 0 : i32
    %c0_i32_1 = arith.constant 0 : i32
    return %c0_i32, %arg0, %c0_i32_0 : i32, i32, i32
  }
  func.func @transform_1(%arg0: i32) -> (i32, i32) {
    %c0_i32 = arith.constant 0 : i32
    %c0_i32_0 = arith.constant 0 : i32
    return %arg0, %c0_i32 : i32, i32
  }
  func.func @transform_2(%arg0: i32) -> (i32, i32) {
    %c0_i32 = arith.constant 0 : i32
    %c0_i32_0 = arith.constant 0 : i32
    return %arg0, %c0_i32 : i32, i32
  }
  func.func @transform_3(%arg0: i32) -> (i32, i32) {
    %c0_i32 = arith.constant 0 : i32
    %c0_i32_0 = arith.constant 0 : i32
    %c0_i32_1 = arith.constant 0 : i32
    return %c0_i32, %c0_i32_0 : i32, i32
  }
  func.func @transform_4(%arg0: i32) -> (i32, i32) {
    %c0_i32 = arith.constant 0 : i32
    %c0_i32_0 = arith.constant 0 : i32
    %c0_i32_1 = arith.constant 0 : i32
    return %c0_i32, %c0_i32_0 : i32, i32
  }
  func.func @transform_5(%arg0: i32) -> (i32, i32, i32) {
    %c0_i32 = arith.constant 0 : i32
    %c0_i32_0 = arith.constant 0 : i32
    %c0_i32_1 = arith.constant 0 : i32
    %c0_i32_2 = arith.constant 0 : i32
    return %c0_i32, %c0_i32_0, %c0_i32_1 : i32, i32, i32
  }
  func.func @transform_6(%arg0: i32) -> (i32, i32) {
    %c0_i32 = arith.constant 0 : i32
    %c0_i32_0 = arith.constant 0 : i32
    %c0_i32_1 = arith.constant 0 : i32
    return %c0_i32, %c0_i32_0 : i32, i32
  }
  func.func @transform_7(%arg0: i32) -> (i32, i32) {
    %c0_i32 = arith.constant 0 : i32
    %c0_i32_0 = arith.constant 0 : i32
    return %arg0, %c0_i32 : i32, i32
  }
}

module attributes {stable_mosaic.version = 14 : i64} {
  func.func @_final_body(%arg0: i32, %arg1: memref<2x1024x128xf32, #tpu.memory_space<vmem>>, %arg2: memref<1024x1xf32, #tpu.memory_space<vmem>>, %arg3: memref<1024x128xf32, #tpu.memory_space<vmem>>) attributes {dimension_semantics = [#tpu.dimension_semantics<arbitrary>], iteration_bounds = array<i64: 10>, scalar_prefetch = 0 : i64, scratch_operands = 0 : i64, tpu.core_type = #tpu.core_type<tc>, window_params = [{transform_indices = @transform_0, window_bounds = array<i64: 2, 1024, 128>}, {transform_indices = @transform_1, window_bounds = array<i64: 1024, 1>}, {transform_indices = @transform_2, window_bounds = array<i64: 1024, 128>}]} {
    %get3A = arith.constant 0 : index
    %get3A_0 = arith.constant 0 : index
    %get3A_1 = arith.constant 0 : index
    %get3A_2 = vector.load %arg1[%get3A, %get3A_0, %get3A_1] : memref<2x1024x128xf32, #tpu.memory_space<vmem>>, vector<1x1024x128xf32>
    %get3A_3 = vector.shape_cast %get3A_2 : vector<1x1024x128xf32> to vector<1024x128xf32>
    %get3A_4 = arith.constant 1 : index
    %get3A_5 = arith.constant 0 : index
    %get3A_6 = arith.constant 0 : index
    %get3A_7 = vector.load %arg1[%get3A_4, %get3A_5, %get3A_6] : memref<2x1024x128xf32, #tpu.memory_space<vmem>>, vector<1x1024x128xf32>
    %get3A_8 = vector.shape_cast %get3A_7 : vector<1x1024x128xf32> to vector<1024x128xf32>
    %add3A = arith.addf %get3A_3, %get3A_8 : vector<1024x128xf32>
    %get3A_9 = arith.constant 0 : index
    %get3A_10 = arith.constant 0 : index
    %get3A_11 = vector.load %arg2[%get3A_9, %get3A_10] : memref<1024x1xf32, #tpu.memory_space<vmem>>, vector<1024x1xf32>
    %mul3A = vector.broadcast %get3A_11 : vector<1024x1xf32> to vector<1024x128xf32>
    %mul3A_12 = arith.mulf %add3A, %mul3A : vector<1024x128xf32>
    %swap3A = arith.constant 0 : index
    %swap3A_13 = arith.constant 0 : index
    %swap3A_14 = vector.load %arg3[%swap3A, %swap3A_13] : memref<1024x128xf32, #tpu.memory_space<vmem>>, vector<1024x128xf32>
    tpu.vector_store %arg3[%swap3A, %swap3A_13], %mul3A_12 {strides = array<i32>} : memref<1024x128xf32, #tpu.memory_space<vmem>>, vector<1024x128xf32>,
    return
  }
  func.func @transform_0(%arg0: i32) -> (i32, i32, i32) {
    %c0_i32 = arith.constant 0 : i32
    %c0_i32_0 = arith.constant 0 : i32
    %c0_i32_1 = arith.constant 0 : i32
    return %c0_i32, %arg0, %c0_i32_0 : i32, i32, i32
  }
  func.func @transform_1(%arg0: i32) -> (i32, i32) {
    %c0_i32 = arith.constant 0 : i32
    %c0_i32_0 = arith.constant 0 : i32
    return %arg0, %c0_i32 : i32, i32
  }
  func.func @transform_2(%arg0: i32) -> (i32, i32) {
    %c0_i32 = arith.constant 0 : i32
    %c0_i32_0 = arith.constant 0 : i32
    return %arg0, %c0_i32 : i32, i32
  }
}

</mosaic_0001>

<sc_bundles>
// kernel: kernel.12.cloned.1.call-start
scs
__scs_entry_jumppad:
0x0: {  	(pc) =	sbr.rel $0x88, $3  }
0x1: {  	(tag) =	ssettag $0x0;
	lr =	simm.s32 $0x1  }
0x2: {  	[smem:$0x3F93] =	sst lr;
	_ =	strace $0xD0000000  }
0x3: {  	_ = 	snop  }
0x4: {  	_ = 	snop  }
0x5: {  	_ = 	snop  }
0x6: {  	_ = 	snop  }
0x7: {  	_ = 	snop  }
__scs_overlays_trampoline_lowered:
0x8: {  	[smem:$0x3FA2] =	sst s0  }
0x9: {  	[smem:$0x3FA3] =	sst s1  }
0xa: {  	[smem:$0x3FA4] =	sst s2  }
0xb: {  	[smem:$0x3FA5] =	sst s3  }
0xc: {  	[smem:$0x3FA6] =	sst s4  }
0xd: {  	[smem:$0x3FA7] =	sst s5  }
0xe: {  	[smem:$0x3FA8] =	sst s6  }
0xf: {  	[smem:$0x3FA9] =	sst s7  }
0x10: {  	[smem:$0x3FAA] =	sst s8  }
0x11: {  	[smem:$0x3FAB] =	sst s9;
	s0 =	simm.s32 @!p0 $0x0  }
0x12: {  	s1 =	sld [smem:$0x3F91];
	s0 =	simm.s32 @p0 $0x1  }
0x13: {  	[smem:$0x3FAC] =	sst s0;
	s0 =	simm.s32 @!p1 $0x0  }
0x14: {  	s2 =	sld [smem:$0x3F90];
	s0 =	simm.s32 @p1 $0x1  }
0x15: {  	[smem:$0x3FAD] =	sst s0;
	s0 =	simm.s32 @!p2 $0x0  }
0x16: {  	s3 =	sld [smem:$0x3FDB];
	s0 =	simm.s32 @p2 $0x1  }
0x17: {  	s4 =	simm.s32 $0x1BF5;
	[smem:$0x3FAF] =	sst s0  }
0x18: {  	s0 =	sld [smem:$0x3F92];
	_ =	swait.ge [sflag:s4], $0x0  }
0x19: {  	s7 =	sld [smem:$0x3F93]  }
0x1a: {  	s8 =	sadd.s32 $0xFFFFE003, lr  }
0x1b: {  	s9 =	sadd.s32 $0xFFFFFEF7, lr;
	s5 =	simm.s32 $0xFFFFFFFF;
	p2 =	slt.u32 s8, $0xFFFFF086  }
0x1c: {  	p1 =	slt.u32 s9, $0xF7A;
	s5 =	simm.s32 @!p2 $0x0  }
0x1d: {  	s5 =	simm.s32 @p1 $0x1;
	p0 =	seq.s32 s7, s2  }
0x1e: {  	s7 =	smul.u32 @!p0 $0xF7A, s2;
	p2 =	seq.s32 @!p0 s5, $0x0  }
0x1f: {  	s9 =	smul.u32 $0xF7A, s1;
	s8 =	simm.s32 @!p0 $0x1BF5;
	p2 =	por !p2, p0  }
0x20: {  	[sflag:s8] =	ssyncset.s32 @!p0 $0xFFFFF086;
	s6 =	sadd.s32 @!p0 s3, s7;
	s7 =	simm.s32 @!p0 $0x108  }
0x21: {  	s3 =	sadd.s32 s3, s9;
	s6 =	sadd.s32 @!p0 $0x88, s6;
	s7 =	simm.s32 @p2 $0x1082  }
0x22: {  	[simem:s7], [sflag:s8] =	dma.local @!p0 [hbm:s6], $0xF7A  }
0x23: {  	s9 =	sor.u32 $0xD0000000, s2;
	s6 =	simm.s32 $0x108;
	_ =	swait.ge @!p0 [sflag:s8], $0x0  }
0x24: {  	s3 =	sadd.s32 $0x88, s3;
	s6 =	simm.s32 @!p1 $0x1082;
	[sflag:s4] =	ssyncset.s32 $0xFFFFF086  }
0x25: {  	[simem:s6], [sflag:s4] =	dma.local [hbm:s3], $0xF7A  }
0x26: {  	[smem:$0x3F93] =	sst s1;
	(tag) =	ssettag s2;
	_ =	strace s9  }
0x27: {  	s1 =	sld [smem:$0x3FA3]  }
0x28: {  	s2 =	sld [smem:$0x3FA4]  }
0x29: {  	s4 =	sld [smem:$0x3FA6]  }
0x2a: {  	p0 =	seq.s32 s5, $0x0;
	s5 =	sld [smem:$0x3FA7]  }
0x2b: {  	s6 =	sld [smem:$0x3FA8]  }
0x2c: {  	s7 =	sld [smem:$0x3FA9]  }
0x2d: {  	s3 =	simm.s32 $0x108;
	s8 =	sld [smem:$0x3FAA]  }
0x2e: {  	s3 =	simm.s32 @!p0 $0x1082;
	s9 =	sld [smem:$0x3FAB]  }
0x2f: {  	lr =	sadd.s32 s0, s3;
	s0 =	sld [smem:$0x3FA2]  }
0x30: {  	s3 =	sld [smem:$0x3FA5]  }
0x31: {  	[smem:$0x3FAE] =	sst s10  }
0x32: {  	s10 =	sld [smem:$0x3FAC];
	_ =	sdelay $0x3  }
0x33: {  	p0 =	seq.s32 s10, $0x1;
	s10 =	sld [smem:$0x3FAE];
	_ =	sdelay $0x3  }
0x34: {  	[smem:$0x3FAE] =	sst s10  }
0x35: {  	s10 =	sld [smem:$0x3FAD];
	_ =	sdelay $0x3  }
0x36: {  	p1 =	seq.s32 s10, $0x1;
	s10 =	sld [smem:$0x3FAE];
	_ =	sdelay $0x3  }
0x37: {  	[smem:$0x3FAE] =	sst s10  }
0x38: {  	s10 =	sld [smem:$0x3FAF]  }
0x39: {  	_ = 	snop;
	(pc) =	sbr.ind lr, $3  }
0x3a: {  	_ = 	snop  }
0x3b: {  	_ = 	snop  }
0x3c: {  	p2 =	seq.s32 s10, $0x1;
	s10 =	sld [smem:$0x3FAE]  }
0x3d: {  	_ =	shalt  }
0x3e: {  	_ =	shalt  }
0x3f: {  	_ =	shalt  }
0x40: {  	_ =	shalt  }
0x41: {  	_ =	shalt  }
0x42: {  	_ =	shalt  }
0x43: {  	_ =	shalt  }
0x44: {  	_ =	shalt  }
0x45: {  	_ =	shalt  }
0x46: {  	_ =	shalt  }
0x47: {  	_ =	shalt  }
0x48: {  	_ =	shalt  }
0x49: {  	_ =	shalt  }
0x4a: {  	_ =	shalt  }
0x4b: {  	_ =	shalt  }
0x4c: {  	_ =	shalt  }
0x4d: {  	_ =	shalt  }
0x4e: {  	_ =	shalt  }
0x4f: {  	_ =	shalt  }
0x50: {  	_ =	shalt  }
0x51: {  	_ =	shalt  }
0x52: {  	_ =	shalt  }
0x53: {  	_ =	shalt  }
0x54: {  	_ =	shalt  }
0x55: {  	_ =	shalt  }
0x56: {  	_ =	shalt  }
0x57: {  	_ =	shalt  }
0x58: {  	_ =	shalt  }
0x59: {  	_ =	shalt  }
0x5a: {  	_ =	shalt  }
0x5b: {  	_ =	shalt  }
0x5c: {  	_ =	shalt  }
0x5d: {  	_ =	shalt  }
0x5e: {  	_ =	shalt  }
0x5f: {  	_ =	shalt  }
0x60: {  	_ =	shalt  }
0x61: {  	_ =	shalt  }
0x62: {  	_ =	shalt  }
0x63: {  	_ =	shalt  }
0x64: {  	_ =	shalt  }
0x65: {  	_ =	shalt  }
0x66: {  	_ =	shalt  }
0x67: {  	_ =	shalt  }
0x68: {  	_ =	shalt  }
0x69: {  	_ =	shalt  }
0x6a: {  	_ =	shalt  }
0x6b: {  	_ =	shalt  }
0x6c: {  	_ =	shalt  }
0x6d: {  	_ =	shalt  }
0x6e: {  	_ =	shalt  }
0x6f: {  	_ =	shalt  }
0x70: {  	_ =	shalt  }
0x71: {  	_ =	shalt  }
0x72: {  	_ =	shalt  }
0x73: {  	_ =	shalt  }
0x74: {  	_ =	shalt  }
0x75: {  	_ =	shalt  }
0x76: {  	_ =	shalt  }
0x77: {  	_ =	shalt  }
0x78: {  	_ =	shalt  }
0x79: {  	_ =	shalt  }
0x7a: {  	_ =	shalt  }
0x7b: {  	_ =	shalt  }
0x7c: {  	_ =	shalt  }
0x7d: {  	_ =	shalt  }
0x7e: {  	_ =	shalt  }
0x7f: {  	_ =	shalt  }
0x80: {  	_ =	shalt  }
0x81: {  	_ =	shalt  }
0x82: {  	_ =	shalt  }
0x83: {  	_ =	shalt  }
0x84: {  	_ =	shalt  }
0x85: {  	_ =	shalt  }
0x86: {  	_ =	shalt  }
0x87: {  	_ =	shalt  }
.Lfunc_end0:
.L_simem_size_0:
called_computation_lowered:
.L_overlay_start_0:
0x88: {  	s2 =	sld [smem:$0x3FD9]  }
0x89: {  	s3 =	sld [smem:$0x3FFE];
	_ =	sdelay $0x1  }
0x8a: {  	s1 =	srdreg.scid  }
0x8b: {  	s0 =	sand.u32 $0x1, s1  }
0x8c: {  	s16 =	sshll.u32 s0, $0xA;
	s2 =	sadd.s32 s3, s2  }
0x8d: {  	s2 =	sadd.s32 s2, s16  }
0x8e: {  	[smem:$0x3FBA] =	sst s2  }
0x8f: {  	_ = 	snop  }
0x90: {  	(tm) =	ssettm $0x1  }
0x91: {  	s17 =	sld [smem:$0x3FFB];
	_ =	sdelay $0x3  }
0x92: {  	_ =	strace s17  }
0x93: {  	s2 =	sld [smem:$0x3FFC];
	_ =	sdelay $0x3  }
0x94: {  	_ =	strace s2  }
0x95: {  	s2 =	sld [smem:$0x3FFD];
	_ =	sdelay $0x3  }
0x96: {  	_ =	strace s2  }
0x97: {  	_ =	strace $0x8FFFFFFF  }
0x98: {  	s18 =	sld [smem:$0x3FDB];
	_ =	sdelay $0x1  }
0x99: {  	s19 =	simm.s32 $_scs_section_size  }
0x9a: {  	s4 =	simm.s32 $_size__tile_overlayer_lowered;
	s5 =	simm.s32 $_tile_overlayer_lowered  }
0x9b: {  	s22 =	simm.s32 $0x1BFF;
	s21 =	sshll.u32 s5, $0x1;
	s2 =	sadd.s32 s19, s18  }
0x9c: {  	s6 =	simm.s32 $0x0;
	s20 =	sshll.u32 s4, $0x1;
	s4 =	sadd.s32 s21, s2  }
0x9d: {  	[timem:s6], [sflag:s22] =	dma.local [hbm:s4], s20  }
0x9e: {  	_ =	swait.ge [sflag:s22], s20  }
0x9f: {  	s3 =	ssub.s32 $0x0, s20;
	[sflag:s22] =	ssyncset.done $0x0  }
0xa0: {  	[sflag:s22] =	ssyncadd.s32 s3;
	_ =	sdelay $0x1  }
0xa1: {  	s23 =	simm.s32 $0x1B8B  }
0xa2: {  	_ =	swait.ge [sflag:s23], $0x1  }
0xa3: {  	[sflag:s23] =	ssyncset.done $0x0  }
0xa4: {  	s25 =	simm.s32 $0x1B8E;
	s24 =	sld [smem:$0x3FFE];
	[sflag:s23] =	ssyncadd.s32 $0xFFFFFFFF  }
0xa5: {  	s26 =	simm.s32 $execute0_lowered;
	[smem:$0x3FD2] =	sst s25  }
0xa6: {  	s4 =	sshll.u32 s26, $0x1;
	_ =	strace $0x80000046;
	[dreg:$0x1] =	wrdreg $0xFFFFFFFF  }
0xa7: {  	s28 =	simm.s32 $_size_execute0_lowered;
	s2 =	sadd.s32 s2, s4;
	[dreg:$0x0] =	wrdreg $0x0  }
0xa8: {  	s4 =	sshll.u32 s28, $0x1;
	[dreg:$0x2] =	wrdreg s2  }
0xa9: {  	[dreg:$0x3] =	wrdreg s4  }
0xaa: {  	[dreg:$0x4] =	wrdreg $0xC0  }
0xab: {  	_ =	task [dreg:s6], $0x5FFFF  }
0xac: {  	[dreg:$0x1] =	wrdreg $0xFFFFFFFF  }
0xad: {  	[dreg:$0x0] =	wrdreg $0x60  }
0xae: {  	[dreg:$0x2] =	wrdreg s24  }
0xaf: {  	[dreg:$0x3] =	wrdreg $0x43000  }
0xb0: {  	[dreg:$0x4] =	wrdreg $0x9  }
0xb1: {  	_ =	task.clear_ibuf [dreg:s6], $0x5FFFF;
	_ =	strace $0x90000046  }
0xb2: {  	s29 =	simm.s32 $0x9;
	_ =	strace $0x80000048  }
0xb3: {  	_ =	swait.ge [sflag:s29], $0x1  }
0xb4: {  	[sflag:s29] =	ssyncadd.s32 $0xFFFFFFFF  }
0xb5: {  	_ =	strace $0x90000048  }
0xb6: {  	_ =	sfence  }
0xb7: {  	s30 =	sld [smem:$0x0];
	_ =	sdelay $0x2  }
0xb8: {  	s31 =	sshll.u32 s1, $0xD;
	s1 =	sshrl.u32 s1, $0x2  }
0xb9: {  	s3 =	sand.u32 $0x4000, s31;
	s1 =	sadd.s32 s1, s30  }
0xba: {  	s0 =	sor.u32 s3, s0;
	s1 =	sshll.u32 s1, $0x11  }
0xbb: {  	s0 =	sor.u32 s1, s0  }
0xbc: {  	s0 =	sadd.s32 $0x8F2B, s0  }
0xbd: {  	[sflag:s0] =	ssyncadd.remote.s32 $0x1  }
0xbe: {  	_ =	sfence.sel $0xFFFF  }
0xbf: {  	[dreg:$0x0] =	wrdreg $0xFFFFFFFF;
	(pc) =	sbr.abs _section_cstart, $3  }
0xc0: {  	[dreg:$0x1] =	wrdreg $0xFFFFFFFF  }
0xc1: {  	_ =	task.clear_ibuf [dreg:s6], $0x2FFFF;
	_ =	strace $0x9FFFFFFF  }
0xc2: {  	(tm) =	ssettm $0x7FFFFFFF  }
0xc3: {  	_ =	shalt  }
tec
execute0_lowered:
.L_overlay_start_1:
0x0: {  	(tag) =	ssettag $0x1  }
0x1: {  	s6 =	rddreg [dreg:$0x0]  }
0x2: {  	s2 =	rddreg [dreg:$0x1]  }
0x3: {  	s0 =	rddreg [dreg:$0x2]  }
0x4: {  	s1 =	stileid.u32;
	s4 =	srdreg.scid  }
0x5: {  	s3 =	simm.s32 $0x0;
	s13 =	simm.s32 $0x50;
	s14 =	simm.s32 $0x0  }
0x6: {  	s7 =	sand.u32 $0x1, s4;
	s8 =	smul.u32 $0x280, s1;
	[smem:$0x7FF] =	sst s3  }
0x7: {  	s30 =	sshll.u32 s1, $0xB;
	s4 =	sadd.s32 $0x14C00, s6;
	s5 =	sadd.s32 $0x14A00, s6  }
0x8: {  	s9 =	smul.u32 $0x2800, s7;
	_ =	strace $0x80000047;
	s11 =	ssub.s32 $0x2, s7  }
0x9: {  	s10 =	sadd.s32 s30, s6;
	s7 =	sshll.u32 s7, $0xF;
	s12 =	sshrl.u32 s11, $0x1  }
0xa: {  	s31 =	sadd.s32 s7, s10;
	s7 =	sadd.s32 s8, s2;
	s9 =	sadd.s32 s8, s9  }
0xb: {  	s10 =	simm.s32 $0x1;
	s11 =	ssub.s32 s11, s12;
	s9 =	sshrl.u32 s9, $0x3  }
0xc: {  	s12 =	simm.s32 $0x4080;
	s9 =	sadd.s32 s9, s6;
	s6 =	sadd.s32 $0x4A00, s31  }
0xd: {  	s8 =	sadd.s32 $0x14E00, s9;
	s9 =	smax.u32 s11, $0x1;
	s11 =	simm.s32 $0x4000  }
.LBB2_1:
0xe: {  	[tilespmem:s3], [sflag:$0x1] =	stream.linear.gather [hbm4b:s6+s3], $0x3E80, $0x38;
	[tilespmem:$0x4580] =	vst v63  }
0xf: {  	_ =	swait.ge [sflag:s10], $0x3E80  }
0x10: {  	[sflag:s10] =	ssyncset.done $0x0  }
0x11: {  	[sflag:s10] =	ssyncadd.s32 $0xFFFFC180  }
0x12: {  	[tilespmem:s11], [sflag:$0x1] =	stream.linear.gather [hbm4b:s4+s3], $0x80, $0x38;
	[tilespmem:$0x4580] =	vst v63  }
0x13: {  	_ =	swait.ge [sflag:s10], $0x80  }
0x14: {  	[sflag:s10] =	ssyncset.done $0x0  }
0x15: {  	[sflag:s10] =	ssyncadd.s32 $0xFFFFFF80  }
0x16: {  	[tilespmem:s12], [sflag:$0x1] =	stream.linear.gather [hbm4b:s5+s3], $0x280, $0x38;
	[tilespmem:$0x4580] =	vst v63  }
0x17: {  	_ =	swait.ge [sflag:s10], $0x280  }
0x18: {  	[sflag:s10] =	ssyncset.done $0x0  }
0x19: {  	[sflag:s10] =	ssyncadd.s32 $0xFFFFFD80  }
0x1a: {  	[spmem:s7] =	stream.linear.scatter [tilespmem:s12], [sflag:$0x1], $0x280, $0x38;
	[tilespmem:$0x4580] =	vst v63  }
0x1b: {  	_ =	swait.ge [sflag:s10], $0x280  }
0x1c: {  	[sflag:s10] =	ssyncset.done $0x0  }
0x1d: {  	[sflag:s10] =	ssyncadd.s32 $0xFFFFFD80  }
0x1e: {  	s15 =	simm.s32 $0x0;
	[bflag:$0x0] =	sbarrier.arrive $0xFFFF  }
0x1f: {  	[spmem:s2] =	stream.indirect.scatter.add.f32 [tilespmem:s11], [sflag:$0x1], $0x1, s15, s13, $0xb8;
	[tilespmem:$0x4580] =	vst v63  }
0x20: {  	_ =	swait.ge [sflag:s10], $0x50  }
0x21: {  	s15 =	simm.s32 $0x200;
	[sflag:s10] =	ssyncset.done $0x0  }
.LBB2_2:
0x22: {  	s16 =	sshra.s32 s15, $0x2;
	[sflag:s10] =	ssyncadd.s32 $0xFFFFFFB0;
	p0 =	sne.s32 s15, $0xF800  }
0x23: {  	[spmem:s2] =	stream.indirect.scatter.add.f32 [tilespmem:s11], [sflag:$0x1], $0x1, s16, s13, $0xb8;
	[tilespmem:$0x4580] =	vst v63  }
.Ltmp0:
0x24: {  	_ = 	snop;
	(pc) =	sbr.rel @p0 .LBB2_2-.Ltmp0, $4  }
0x25: {  	_ = 	snop  }
0x26: {  	s15 =	sadd.s32 $0x200, s15  }
0x27: {  	_ =	swait.ge [sflag:s10], $0x50  }
0x28: {  	[sflag:s10] =	ssyncset.done $0x0  }
0x29: {  	[sflag:s10] =	ssyncadd.s32 $0xFFFFFFB0  }
0x2a: {  	[bflag:$0x0] =	sbarrier.arrive $0xFFFF  }
0x2b: {  	[tilespmem:s12], [sflag:$0x1] =	stream.linear.gather [spmem:s7], $0x280, $0x38;
	[tilespmem:$0x4580] =	vst v63  }
0x2c: {  	s14 =	sadd.s32 $0x1, s14;
	_ =	swait.ge [sflag:s10], $0x280  }
0x2d: {  	p0 =	sne.s32 s14, s9;
	[sflag:s10] =	ssyncset.done $0x0  }
.Ltmp1:
0x2e: {  	[sflag:s10] =	ssyncadd.s32 $0xFFFFFD80;
	(pc) =	sbr.rel @p0 .LBB2_1-.Ltmp1, $4  }
0x2f: {  	[hbm4b:s8+s3] =	stream.linear.scatter [tilespmem:s12], [sflag:$0x1], $0x280, $0x38;
	[tilespmem:$0x4580] =	vst v63  }
0x30: {  	_ =	swait.ge [sflag:s10], $0x280  }
0x31: {  	[sflag:s10] =	ssyncset.done $0x0  }
0x32: {  	[sflag:s10] =	ssyncadd.s32 $0xFFFFFD80  }
0x33: {  	_ =	sfence.sel $0x180000  }
0x34: {  	[bflag:$0x0] =	sbarrier.arrive $0xFFFF  }
0x35: {  	p0 =	sne.s32 s1, $0x0;
	_ =	strace $0x90000047  }
0x36: {  	s0 =	sadd.s32 @!p0 $0x100000, s0;
	[bflag:$0x2] =	sbarrier.arrive $0xFFFF  }
0x37: {  	[sflag:s0] =	ssyncadd.tile.s32 @!p0 $0x1;
	_ =	shalt  }
.Lfunc_end2:
_tile_overlayer_lowered:
.L_overlay_start_2:
0x38: {  	(tag) =	ssettag $0x2  }
0x39: {  	s0 =	rddreg [dreg:$0x0];
	s2 =	stileid.u32  }
0x3a: {  	s1 =	rddreg [dreg:$0x1];
	p0 =	sne.s32 s2, $0x0  }
0x3b: {  	s3 =	rddreg [dreg:$0x2];
	[bflag:$0x3] =	sbarrier.arrive $0xFFFF;
	s2 =	simm.s32 @!p0 $0x1C01  }
0x3c: {  	[timem:s3], [sflag:s2] =	dma.local @!p0 [hbm:s0], s1  }
0x3d: {  	s0 =	simm.s32 @!p0 $0x1  }
0x3e: {  	_ =	swait.ge @!p0 [sflag:s0], s1  }
0x3f: {  	s1 =	ssub.s32 @!p0 $0x0, s1;
	[sflag:s0] =	ssyncset.done @!p0 $0x0  }
0x40: {  	[sflag:s0] =	ssyncadd.s32 @!p0 s1  }
0x41: {  	[bflag:$0x3] =	sbarrier.arrive $0xFFFF  }
0x42: {  	_ =	shalt  }

// kernel: kernel.15.cloned.1.call-start
scs
__scs_entry_jumppad:
0x0: {  	(pc) =	sbr.rel $0x88, $3  }
0x1: {  	(tag) =	ssettag $0x0;
	lr =	simm.s32 $0x1  }
0x2: {  	[smem:$0x3F93] =	sst lr;
	_ =	strace $0xD0000000  }
0x3: {  	_ = 	snop  }
0x4: {  	_ = 	snop  }
0x5: {  	_ = 	snop  }
0x6: {  	_ = 	snop  }
0x7: {  	_ = 	snop  }
__scs_overlays_trampoline_lowered:
0x8: {  	[smem:$0x3FA2] =	sst s0  }
0x9: {  	[smem:$0x3FA3] =	sst s1  }
0xa: {  	[smem:$0x3FA4] =	sst s2  }
0xb: {  	[smem:$0x3FA5] =	sst s3  }
0xc: {  	[smem:$0x3FA6] =	sst s4  }
0xd: {  	[smem:$0x3FA7] =	sst s5  }
0xe: {  	[smem:$0x3FA8] =	sst s6  }
0xf: {  	[smem:$0x3FA9] =	sst s7  }
0x10: {  	[smem:$0x3FAA] =	sst s8  }
0x11: {  	[smem:$0x3FAB] =	sst s9;
	s0 =	simm.s32 @!p0 $0x0  }
0x12: {  	s1 =	sld [smem:$0x3F91];
	s0 =	simm.s32 @p0 $0x1  }
0x13: {  	[smem:$0x3FAC] =	sst s0;
	s0 =	simm.s32 @!p1 $0x0  }
0x14: {  	s2 =	sld [smem:$0x3F90];
	s0 =	simm.s32 @p1 $0x1  }
0x15: {  	[smem:$0x3FAD] =	sst s0;
	s0 =	simm.s32 @!p2 $0x0  }
0x16: {  	s3 =	sld [smem:$0x3FDB];
	s0 =	simm.s32 @p2 $0x1  }
0x17: {  	s4 =	simm.s32 $0x1BF5;
	[smem:$0x3FAF] =	sst s0  }
0x18: {  	s0 =	sld [smem:$0x3F92];
	_ =	swait.ge [sflag:s4], $0x0  }
0x19: {  	s7 =	sld [smem:$0x3F93]  }
0x1a: {  	s8 =	sadd.s32 $0xFFFFE003, lr  }
0x1b: {  	s9 =	sadd.s32 $0xFFFFFEF7, lr;
	s5 =	simm.s32 $0xFFFFFFFF;
	p2 =	slt.u32 s8, $0xFFFFF086  }
0x1c: {  	p1 =	slt.u32 s9, $0xF7A;
	s5 =	simm.s32 @!p2 $0x0  }
0x1d: {  	s5 =	simm.s32 @p1 $0x1;
	p0 =	seq.s32 s7, s2  }
0x1e: {  	s7 =	smul.u32 @!p0 $0xF7A, s2;
	p2 =	seq.s32 @!p0 s5, $0x0  }
0x1f: {  	s9 =	smul.u32 $0xF7A, s1;
	s8 =	simm.s32 @!p0 $0x1BF5;
	p2 =	por !p2, p0  }
0x20: {  	[sflag:s8] =	ssyncset.s32 @!p0 $0xFFFFF086;
	s6 =	sadd.s32 @!p0 s3, s7;
	s7 =	simm.s32 @!p0 $0x108  }
0x21: {  	s3 =	sadd.s32 s3, s9;
	s6 =	sadd.s32 @!p0 $0x88, s6;
	s7 =	simm.s32 @p2 $0x1082  }
0x22: {  	[simem:s7], [sflag:s8] =	dma.local @!p0 [hbm:s6], $0xF7A  }
0x23: {  	s9 =	sor.u32 $0xD0000000, s2;
	s6 =	simm.s32 $0x108;
	_ =	swait.ge @!p0 [sflag:s8], $0x0  }
0x24: {  	s3 =	sadd.s32 $0x88, s3;
	s6 =	simm.s32 @!p1 $0x1082;
	[sflag:s4] =	ssyncset.s32 $0xFFFFF086  }
0x25: {  	[simem:s6], [sflag:s4] =	dma.local [hbm:s3], $0xF7A  }
0x26: {  	[smem:$0x3F93] =	sst s1;
	(tag) =	ssettag s2;
	_ =	strace s9  }
0x27: {  	s1 =	sld [smem:$0x3FA3]  }
0x28: {  	s2 =	sld [smem:$0x3FA4]  }
0x29: {  	s4 =	sld [smem:$0x3FA6]  }
0x2a: {  	p0 =	seq.s32 s5, $0x0;
	s5 =	sld [smem:$0x3FA7]  }
0x2b: {  	s6 =	sld [smem:$0x3FA8]  }
0x2c: {  	s7 =	sld [smem:$0x3FA9]  }
0x2d: {  	s3 =	simm.s32 $0x108;
	s8 =	sld [smem:$0x3FAA]  }
0x2e: {  	s3 =	simm.s32 @!p0 $0x1082;
	s9 =	sld [smem:$0x3FAB]  }
0x2f: {  	lr =	sadd.s32 s0, s3;
	s0 =	sld [smem:$0x3FA2]  }
0x30: {  	s3 =	sld [smem:$0x3FA5]  }
0x31: {  	[smem:$0x3FAE] =	sst s10  }
0x32: {  	s10 =	sld [smem:$0x3FAC];
	_ =	sdelay $0x3  }
0x33: {  	p0 =	seq.s32 s10, $0x1;
	s10 =	sld [smem:$0x3FAE];
	_ =	sdelay $0x3  }
0x34: {  	[smem:$0x3FAE] =	sst s10  }
0x35: {  	s10 =	sld [smem:$0x3FAD];
	_ =	sdelay $0x3  }
0x36: {  	p1 =	seq.s32 s10, $0x1;
	s10 =	sld [smem:$0x3FAE];
	_ =	sdelay $0x3  }
0x37: {  	[smem:$0x3FAE] =	sst s10  }
0x38: {  	s10 =	sld [smem:$0x3FAF]  }
0x39: {  	_ = 	snop;
	(pc) =	sbr.ind lr, $3  }
0x3a: {  	_ = 	snop  }
0x3b: {  	_ = 	snop  }
0x3c: {  	p2 =	seq.s32 s10, $0x1;
	s10 =	sld [smem:$0x3FAE]  }
0x3d: {  	_ =	shalt  }
0x3e: {  	_ =	shalt  }
0x3f: {  	_ =	shalt  }
0x40: {  	_ =	shalt  }
0x41: {  	_ =	shalt  }
0x42: {  	_ =	shalt  }
0x43: {  	_ =	shalt  }
0x44: {  	_ =	shalt  }
0x45: {  	_ =	shalt  }
0x46: {  	_ =	shalt  }
0x47: {  	_ =	shalt  }
0x48: {  	_ =	shalt  }
0x49: {  	_ =	shalt  }
0x4a: {  	_ =	shalt  }
0x4b: {  	_ =	shalt  }
0x4c: {  	_ =	shalt  }
0x4d: {  	_ =	shalt  }
0x4e: {  	_ =	shalt  }
0x4f: {  	_ =	shalt  }
0x50: {  	_ =	shalt  }
0x51: {  	_ =	shalt  }
0x52: {  	_ =	shalt  }
0x53: {  	_ =	shalt  }
0x54: {  	_ =	shalt  }
0x55: {  	_ =	shalt  }
0x56: {  	_ =	shalt  }
0x57: {  	_ =	shalt  }
0x58: {  	_ =	shalt  }
0x59: {  	_ =	shalt  }
0x5a: {  	_ =	shalt  }
0x5b: {  	_ =	shalt  }
0x5c: {  	_ =	shalt  }
0x5d: {  	_ =	shalt  }
0x5e: {  	_ =	shalt  }
0x5f: {  	_ =	shalt  }
0x60: {  	_ =	shalt  }
0x61: {  	_ =	shalt  }
0x62: {  	_ =	shalt  }
0x63: {  	_ =	shalt  }
0x64: {  	_ =	shalt  }
0x65: {  	_ =	shalt  }
0x66: {  	_ =	shalt  }
0x67: {  	_ =	shalt  }
0x68: {  	_ =	shalt  }
0x69: {  	_ =	shalt  }
0x6a: {  	_ =	shalt  }
0x6b: {  	_ =	shalt  }
0x6c: {  	_ =	shalt  }
0x6d: {  	_ =	shalt  }
0x6e: {  	_ =	shalt  }
0x6f: {  	_ =	shalt  }
0x70: {  	_ =	shalt  }
0x71: {  	_ =	shalt  }
0x72: {  	_ =	shalt  }
0x73: {  	_ =	shalt  }
0x74: {  	_ =	shalt  }
0x75: {  	_ =	shalt  }
0x76: {  	_ =	shalt  }
0x77: {  	_ =	shalt  }
0x78: {  	_ =	shalt  }
0x79: {  	_ =	shalt  }
0x7a: {  	_ =	shalt  }
0x7b: {  	_ =	shalt  }
0x7c: {  	_ =	shalt  }
0x7d: {  	_ =	shalt  }
0x7e: {  	_ =	shalt  }
0x7f: {  	_ =	shalt  }
0x80: {  	_ =	shalt  }
0x81: {  	_ =	shalt  }
0x82: {  	_ =	shalt  }
0x83: {  	_ =	shalt  }
0x84: {  	_ =	shalt  }
0x85: {  	_ =	shalt  }
0x86: {  	_ =	shalt  }
0x87: {  	_ =	shalt  }
.Lfunc_end0:
.L_simem_size_0:
called_computation.1_lowered:
.L_overlay_start_0:
0x88: {  	s2 =	sld [smem:$0x3FD9]  }
0x89: {  	s3 =	sld [smem:$0x3FFE];
	_ =	sdelay $0x1  }
0x8a: {  	s1 =	srdreg.scid  }
0x8b: {  	s0 =	sand.u32 $0x1, s1  }
0x8c: {  	s16 =	sshll.u32 s0, $0xA;
	s2 =	sadd.s32 s3, s2  }
0x8d: {  	s2 =	sadd.s32 s2, s16  }
0x8e: {  	[smem:$0x3FBA] =	sst s2  }
0x8f: {  	_ = 	snop  }
0x90: {  	(tm) =	ssettm $0x1  }
0x91: {  	s17 =	sld [smem:$0x3FFB];
	_ =	sdelay $0x3  }
0x92: {  	_ =	strace s17  }
0x93: {  	s2 =	sld [smem:$0x3FFC];
	_ =	sdelay $0x3  }
0x94: {  	_ =	strace s2  }
0x95: {  	s2 =	sld [smem:$0x3FFD];
	_ =	sdelay $0x3  }
0x96: {  	_ =	strace s2  }
0x97: {  	_ =	strace $0x8FFFFFFF  }
0x98: {  	s18 =	sld [smem:$0x3FDB];
	_ =	sdelay $0x1  }
0x99: {  	s19 =	simm.s32 $_scs_section_size  }
0x9a: {  	s4 =	simm.s32 $_size__tile_overlayer_lowered;
	s5 =	simm.s32 $_tile_overlayer_lowered  }
0x9b: {  	s22 =	simm.s32 $0x1BFF;
	s21 =	sshll.u32 s5, $0x1;
	s2 =	sadd.s32 s19, s18  }
0x9c: {  	s6 =	simm.s32 $0x0;
	s20 =	sshll.u32 s4, $0x1;
	s4 =	sadd.s32 s21, s2  }
0x9d: {  	[timem:s6], [sflag:s22] =	dma.local [hbm:s4], s20  }
0x9e: {  	_ =	swait.ge [sflag:s22], s20  }
0x9f: {  	s3 =	ssub.s32 $0x0, s20;
	[sflag:s22] =	ssyncset.done $0x0  }
0xa0: {  	[sflag:s22] =	ssyncadd.s32 s3;
	_ =	sdelay $0x1  }
0xa1: {  	s23 =	simm.s32 $0x1B8B  }
0xa2: {  	_ =	swait.ge [sflag:s23], $0x1  }
0xa3: {  	[sflag:s23] =	ssyncset.done $0x0  }
0xa4: {  	s25 =	simm.s32 $0x1B8E;
	s24 =	sld [smem:$0x3FFE];
	[sflag:s23] =	ssyncadd.s32 $0xFFFFFFFF  }
0xa5: {  	s26 =	simm.s32 $execute0_lowered;
	[smem:$0x3FD2] =	sst s25  }
0xa6: {  	s4 =	sshll.u32 s26, $0x1;
	_ =	strace $0x80000049;
	[dreg:$0x1] =	wrdreg $0xFFFFFFFF  }
0xa7: {  	s28 =	simm.s32 $_size_execute0_lowered;
	s2 =	sadd.s32 s2, s4;
	[dreg:$0x0] =	wrdreg $0x0  }
0xa8: {  	s4 =	sshll.u32 s28, $0x1;
	[dreg:$0x2] =	wrdreg s2  }
0xa9: {  	[dreg:$0x3] =	wrdreg s4  }
0xaa: {  	[dreg:$0x4] =	wrdreg $0xC0  }
0xab: {  	_ =	task [dreg:s6], $0x5FFFF  }
0xac: {  	[dreg:$0x1] =	wrdreg $0xFFFFFFFF  }
0xad: {  	[dreg:$0x0] =	wrdreg $0x60  }
0xae: {  	[dreg:$0x2] =	wrdreg s24  }
0xaf: {  	[dreg:$0x3] =	wrdreg $0x92000  }
0xb0: {  	[dreg:$0x4] =	wrdreg $0x9  }
0xb1: {  	_ =	task.clear_ibuf [dreg:s6], $0x5FFFF;
	_ =	strace $0x90000049  }
0xb2: {  	s29 =	simm.s32 $0x9;
	_ =	strace $0x8000004B  }
0xb3: {  	_ =	swait.ge [sflag:s29], $0x1  }
0xb4: {  	[sflag:s29] =	ssyncadd.s32 $0xFFFFFFFF  }
0xb5: {  	_ =	strace $0x9000004B  }
0xb6: {  	_ =	sfence  }
0xb7: {  	s30 =	sld [smem:$0x0];
	_ =	sdelay $0x2  }
0xb8: {  	s31 =	sshll.u32 s1, $0xD;
	s1 =	sshrl.u32 s1, $0x2  }
0xb9: {  	s3 =	sand.u32 $0x4000, s31;
	s1 =	sadd.s32 s1, s30  }
0xba: {  	s0 =	sor.u32 s3, s0;
	s1 =	sshll.u32 s1, $0x11  }
0xbb: {  	s0 =	sor.u32 s1, s0  }
0xbc: {  	s0 =	sadd.s32 $0x8F2B, s0  }
0xbd: {  	[sflag:s0] =	ssyncadd.remote.s32 $0x1  }
0xbe: {  	_ =	sfence.sel $0xFFFF  }
0xbf: {  	[dreg:$0x0] =	wrdreg $0xFFFFFFFF;
	(pc) =	sbr.abs _section_cstart, $3  }
0xc0: {  	[dreg:$0x1] =	wrdreg $0xFFFFFFFF  }
0xc1: {  	_ =	task.clear_ibuf [dreg:s6], $0x2FFFF;
	_ =	strace $0x9FFFFFFF  }
0xc2: {  	(tm) =	ssettm $0x7FFFFFFF  }
0xc3: {  	_ =	shalt  }
tec
execute0_lowered:
.L_overlay_start_1:
0x0: {  	(tag) =	ssettag $0x1  }
0x1: {  	s0 =	rddreg [dreg:$0x0]  }
0x2: {  	s2 =	rddreg [dreg:$0x1];
	s8 =	stileid.u32  }
0x3: {  	s1 =	srdreg.scid;
	s3 =	simm.s32 $0x0;
	s28 =	simm.s32 $0x4200  }
0x4: {  	s29 =	simm.s32 $0x6A00;
	s30 =	simm.s32 $0x4100;
	s31 =	simm.s32 $0x1  }
0x5: {  	s1 =	sand.u32 $0x1, s1;
	s5 =	smul.u32 $0x280, s8;
	[smem:$0x7FF] =	sst s3  }
0x6: {  	s7 =	sshll.u32 s8, $0xB;
	s4 =	sadd.s32 $0x26400, s0;
	s22 =	smul.u32 $0x50000, s8  }
0x7: {  	s21 =	sadd.s32 $0x4A00, s0;
	s6 =	smul.u32 $0x2800, s1;
	_ =	strace $0x8000004A  }
0x8: {  	s7 =	sadd.s32 s7, s0;
	s23 =	ssub.s32 $0x2, s1;
	s1 =	sshll.u32 s1, $0xF  }
0x9: {  	[dreg:$0x3] =	wrdreg s21;
	s24 =	sshrl.u32 s23, $0x1;
	s1 =	sadd.s32 s1, s7  }
0xa: {  	s5 =	sadd.s32 s5, s6;
	s6 =	sshrl.u32 s22, $0x2;
	s1 =	sadd.s32 $0x16400, s1  }
0xb: {  	s5 =	sshll.u32 s5, $0x4;
	[dreg:$0x4] =	wrdreg s1;
	s7 =	sadd.s32 s6, s2  }
0xc: {  	s1 =	simm.s32 $0x2;
	s6 =	simm.s32 $0x0;
	s0 =	sadd.s32 s5, s0  }
0xd: {  	s5 =	ssub.s32 s23, s24;
	s8 =	sadd.s32 $0x2800, s7;
	s9 =	sadd.s32 $0x5000, s7  }
0xe: {  	s10 =	sadd.s32 $0x7800, s7;
	s11 =	sadd.s32 $0xA000, s7;
	s12 =	sadd.s32 $0xC800, s7  }
0xf: {  	s13 =	sadd.s32 $0xF000, s7;
	s14 =	sadd.s32 $0x11800, s7;
	s24 =	simm.s32 $0x3  }
0x10: {  	s25 =	sadd.s32 $0x4D600, s0;
	s26 =	sadd.s32 $0x4DB00, s0;
	s17 =	sadd.s32 $0x4E000, s0  }
0x11: {  	s18 =	sadd.s32 $0x4E500, s0;
	s19 =	sadd.s32 $0x4EA00, s0;
	s20 =	sadd.s32 $0x4EF00, s0  }
0x12: {  	s21 =	sadd.s32 $0x4F400, s0;
	s22 =	sadd.s32 $0x4F900, s0;
	s23 =	smax.u32 s5, $0x1  }
0x13: {  	s0 =	simm.s32 $0x4080;
	s5 =	simm.s32 $0x4180;
	[dreg:$0x5] =	wrdreg s25  }
0x14: {  	[dreg:$0x6] =	wrdreg s26;
	s25 =	simm.s32 $0x50;
	s26 =	simm.s32 $0x4000  }
.LBB2_1:
0x15: {  	s15 =	rddreg [dreg:$0x4]  }
0x16: {  	[tilespmem:s3], [sflag:$0x3] =	stream.linear.gather [hbm4b:s15+s3], $0x3E80, $0x38;
	[tilespmem:$0x1D200] =	vst v63  }
0x17: {  	_ =	swait.ge [sflag:s24], $0x3E80  }
0x18: {  	[sflag:s24] =	ssyncset.done $0x0  }
0x19: {  	[sflag:s24] =	ssyncadd.s32 $0xFFFFC180  }
0x1a: {  	v0 =	vld [tilespmem:$0x0];
	_ =	sdelay $0x1  }
0x1b: {  	v1 =	vld [tilespmem:$0x10];
	_ =	sdelay $0x1  }
0x1c: {  	v2 =	vld [tilespmem:$0x20]  }
0x1d: {  	v3 =	vand.u32 $0x3FFF, v0  }
0x1e: {  	v0 =	vshra.s32 v0, $0xE;
	[tilespmem:$0x4000] =	vst v3;
	v3 =	vld [tilespmem:$0x30]  }
0x1f: {  	[tilespmem:$0x4080] =	vst v0;
	v0 =	vand.u32 $0x3FFF, v1  }
0x20: {  	[tilespmem:$0x4010] =	vst v0;
	v0 =	vshra.s32 v1, $0xE;
	v1 =	vld [tilespmem:$0x40]  }
0x21: {  	[tilespmem:$0x4090] =	vst v0;
	v0 =	vand.u32 $0x3FFF, v2  }
0x22: {  	[tilespmem:$0x4020] =	vst v0;
	v0 =	vshra.s32 v2, $0xE  }
0x23: {  	[tilespmem:$0x40A0] =	vst v0;
	v0 =	vand.u32 $0x3FFF, v3  }
0x24: {  	[tilespmem:$0x4030] =	vst v0;
	v0 =	vshra.s32 v3, $0xE  }
0x25: {  	[tilespmem:$0x40B0] =	vst v0;
	v0 =	vand.u32 $0x3FFF, v1  }
0x26: {  	[tilespmem:$0x4040] =	vst v0;
	v0 =	vshra.s32 v1, $0xE  }
0x27: {  	[tilespmem:$0x40C0] =	vst v0  }
0x28: {  	[tilespmem:s28], [sflag:$0x1] =	stream.indirect.gather [hbm4b:s4+s25], $0x80, s26, s25, $0xb8;
	[tilespmem:$0x1D200] =	vst v63  }
0x29: {  	s16 =	rddreg [dreg:$0x3]  }
0x2a: {  	[tilespmem:s29], [sflag:$0x3] =	stream.linear.gather [hbm4b:s16+s3], $0x2800, $0x38;
	[tilespmem:$0x1D200] =	vst v63  }
0x2b: {  	_ =	swait.ge [sflag:s24], $0x2800  }
0x2c: {  	[sflag:s24] =	ssyncset.done $0x0  }
0x2d: {  	[sflag:s24] =	ssyncadd.s32 $0xFFFFD800  }
0x2e: {  	[spmem:s7] =	stream.linear.scatter [tilespmem:s29], [sflag:$0x3], $0x2800, $0x38;
	[tilespmem:$0x1D200] =	vst v63  }
0x2f: {  	_ =	swait.ge [sflag:s24], $0x2800  }
0x30: {  	[sflag:s24] =	ssyncset.done $0x0  }
0x31: {  	[sflag:s24] =	ssyncadd.s32 $0xFFFFD800  }
0x32: {  	[spmem:s8] =	stream.linear.scatter [tilespmem:s29], [sflag:$0x3], $0x2800, $0x38;
	[tilespmem:$0x1D200] =	vst v63  }
0x33: {  	_ =	swait.ge [sflag:s24], $0x2800  }
0x34: {  	[sflag:s24] =	ssyncset.done $0x0  }
0x35: {  	[sflag:s24] =	ssyncadd.s32 $0xFFFFD800  }
0x36: {  	[spmem:s9] =	stream.linear.scatter [tilespmem:s29], [sflag:$0x3], $0x2800, $0x38;
	[tilespmem:$0x1D200] =	vst v63  }
0x37: {  	_ =	swait.ge [sflag:s24], $0x2800  }
0x38: {  	[sflag:s24] =	ssyncset.done $0x0  }
0x39: {  	[sflag:s24] =	ssyncadd.s32 $0xFFFFD800  }
0x3a: {  	[spmem:s10] =	stream.linear.scatter [tilespmem:s29], [sflag:$0x3], $0x2800, $0x38;
	[tilespmem:$0x1D200] =	vst v63  }
0x3b: {  	_ =	swait.ge [sflag:s24], $0x2800  }
0x3c: {  	[sflag:s24] =	ssyncset.done $0x0  }
0x3d: {  	[sflag:s24] =	ssyncadd.s32 $0xFFFFD800  }
0x3e: {  	[spmem:s11] =	stream.linear.scatter [tilespmem:s29], [sflag:$0x3], $0x2800, $0x38;
	[tilespmem:$0x1D200] =	vst v63  }
0x3f: {  	_ =	swait.ge [sflag:s24], $0x2800  }
0x40: {  	[sflag:s24] =	ssyncset.done $0x0  }
0x41: {  	[sflag:s24] =	ssyncadd.s32 $0xFFFFD800  }
0x42: {  	[spmem:s12] =	stream.linear.scatter [tilespmem:s29], [sflag:$0x3], $0x2800, $0x38;
	[tilespmem:$0x1D200] =	vst v63  }
0x43: {  	_ =	swait.ge [sflag:s24], $0x2800  }
0x44: {  	[sflag:s24] =	ssyncset.done $0x0  }
0x45: {  	[sflag:s24] =	ssyncadd.s32 $0xFFFFD800  }
0x46: {  	[spmem:s13] =	stream.linear.scatter [tilespmem:s29], [sflag:$0x3], $0x2800, $0x38;
	[tilespmem:$0x1D200] =	vst v63  }
0x47: {  	_ =	swait.ge [sflag:s24], $0x2800  }
0x48: {  	[sflag:s24] =	ssyncset.done $0x0  }
0x49: {  	[sflag:s24] =	ssyncadd.s32 $0xFFFFD800  }
0x4a: {  	[spmem:s14] =	stream.linear.scatter [tilespmem:s29], [sflag:$0x3], $0x2800, $0x38;
	[tilespmem:$0x1D200] =	vst v63  }
0x4b: {  	_ =	swait.ge [sflag:s24], $0x2800  }
0x4c: {  	[sflag:s24] =	ssyncset.done $0x0  }
0x4d: {  	[sflag:s24] =	ssyncadd.s32 $0xFFFFD800  }
0x4e: {  	s16 =	simm.s32 $0x0;
	[bflag:$0x0] =	sbarrier.arrive $0xFFFF  }
0x4f: {  	v0 =	vld [tilespmem:s16+$0x80];
	_ =	sdelay $0x4  }
0x50: {  	v1 =	vand.u32 $0x3FFF, v0  }
0x51: {  	v0 =	vshra.s32 v0, $0xE;
	[tilespmem:$0x4100] =	vst v1  }
0x52: {  	[tilespmem:$0x4180] =	vst v0  }
0x53: {  	v0 =	vld [tilespmem:s16+$0x90];
	_ =	sdelay $0x4  }
0x54: {  	v1 =	vand.u32 $0x3FFF, v0  }
0x55: {  	v0 =	vshra.s32 v0, $0xE;
	[tilespmem:$0x4110] =	vst v1  }
0x56: {  	[tilespmem:$0x4190] =	vst v0  }
0x57: {  	v0 =	vld [tilespmem:s16+$0xA0];
	_ =	sdelay $0x4  }
0x58: {  	v1 =	vand.u32 $0x3FFF, v0  }
0x59: {  	v0 =	vshra.s32 v0, $0xE;
	[tilespmem:$0x4120] =	vst v1  }
0x5a: {  	[tilespmem:$0x41A0] =	vst v0  }
0x5b: {  	v0 =	vld [tilespmem:s16+$0xB0];
	_ =	sdelay $0x4  }
0x5c: {  	v1 =	vand.u32 $0x3FFF, v0  }
0x5d: {  	v0 =	vshra.s32 v0, $0xE;
	[tilespmem:$0x4130] =	vst v1  }
0x5e: {  	[tilespmem:$0x41B0] =	vst v0  }
0x5f: {  	v0 =	vld [tilespmem:s16+$0xC0];
	_ =	sdelay $0x4  }
0x60: {  	v1 =	vand.u32 $0x3FFF, v0  }
0x61: {  	v0 =	vshra.s32 v0, $0xE;
	[tilespmem:$0x4140] =	vst v1  }
0x62: {  	[tilespmem:$0x41C0] =	vst v0  }
0x63: {  	[tilespmem:s29], [sflag:$0x2] =	stream.indirect.gather [hbm4b:s4+s25], $0x80, s30, s25, $0xb8;
	[tilespmem:$0x1D200] =	vst v63  }
0x64: {  	_ =	swait.ge [sflag:s31], $0x2800  }
0x65: {  	[sflag:s31] =	ssyncset.done $0x0  }
0x66: {  	[sflag:s31] =	ssyncadd.s32 $0xFFFFD800  }
0x67: {  	[spmem:s2] =	stream.indirect.scatter.add.f32 [tilespmem:s28], [sflag:$0x3], $0x80, s0, s25, $0xb8;
	[tilespmem:$0x1D200] =	vst v63  }
0x68: {  	_ =	swait.ge [sflag:s24], $0x2800  }
0x69: {  	[sflag:s24] =	ssyncset.done $0x0  }
0x6a: {  	[sflag:s24] =	ssyncadd.s32 $0xFFFFD800  }
0x6b: {  	v0 =	vld [tilespmem:s16+$0x100];
	_ =	sdelay $0x4  }
0x6c: {  	v1 =	vand.u32 $0x3FFF, v0  }
0x6d: {  	v0 =	vshra.s32 v0, $0xE;
	[tilespmem:$0x4000] =	vst v1  }
0x6e: {  	[tilespmem:$0x4080] =	vst v0  }
0x6f: {  	v0 =	vld [tilespmem:s16+$0x110];
	_ =	sdelay $0x4  }
0x70: {  	v1 =	vand.u32 $0x3FFF, v0  }
0x71: {  	v0 =	vshra.s32 v0, $0xE;
	[tilespmem:$0x4010] =	vst v1  }
0x72: {  	[tilespmem:$0x4090] =	vst v0  }
0x73: {  	v0 =	vld [tilespmem:s16+$0x120];
	_ =	sdelay $0x4  }
0x74: {  	v1 =	vand.u32 $0x3FFF, v0  }
0x75: {  	v0 =	vshra.s32 v0, $0xE;
	[tilespmem:$0x4020] =	vst v1  }
0x76: {  	[tilespmem:$0x40A0] =	vst v0  }
0x77: {  	v0 =	vld [tilespmem:s16+$0x130];
	_ =	sdelay $0x4  }
0x78: {  	v1 =	vand.u32 $0x3FFF, v0  }
0x79: {  	v0 =	vshra.s32 v0, $0xE;
	[tilespmem:$0x4030] =	vst v1  }
0x7a: {  	[tilespmem:$0x40B0] =	vst v0  }
0x7b: {  	s15 =	simm.s32 $0x400;
	v0 =	vld [tilespmem:s16+$0x140]  }
.LBB2_2:
0x7c: {  	_ =	sdelay $0x3  }
0x7d: {  	p0 =	sne.s32 s15, $0xF400;
	s16 =	smov.u32 s15;
	s15 =	sadd.s32 $0x400, s15;
	v1 =	vand.u32 $0x3FFF, v0;
	v0 =	vshra.s32 v0, $0xE  }
0x7e: {  	[tilespmem:$0x4040] =	vst v1  }
0x7f: {  	[tilespmem:$0x40C0] =	vst v0  }
0x80: {  	[tilespmem:s28], [sflag:$0x1] =	stream.indirect.gather [hbm4b:s4+s25], $0x80, s26, s25, $0xb8;
	[tilespmem:$0x1D200] =	vst v63  }
0x81: {  	_ =	swait.ge [sflag:s1], $0x2800  }
0x82: {  	[sflag:s1] =	ssyncset.done $0x0  }
0x83: {  	[sflag:s1] =	ssyncadd.s32 $0xFFFFD800  }
0x84: {  	[spmem:s2] =	stream.indirect.scatter.add.f32 [tilespmem:s29], [sflag:$0x3], $0x80, s5, s25, $0xb8;
	[tilespmem:$0x1D200] =	vst v63  }
0x85: {  	_ =	swait.ge [sflag:s24], $0x2800  }
0x86: {  	[sflag:s24] =	ssyncset.done $0x0  }
0x87: {  	s16 =	sshra.s32 s16, $0x2;
	[sflag:s24] =	ssyncadd.s32 $0xFFFFD800  }
0x88: {  	v0 =	vld [tilespmem:s16+$0x80];
	_ =	sdelay $0x4  }
0x89: {  	v1 =	vand.u32 $0x3FFF, v0;
	v0 =	vshra.s32 v0, $0xE  }
0x8a: {  	[tilespmem:$0x4100] =	vst v1  }
0x8b: {  	[tilespmem:$0x4180] =	vst v0  }
0x8c: {  	v0 =	vld [tilespmem:s16+$0x90];
	_ =	sdelay $0x4  }
0x8d: {  	v1 =	vand.u32 $0x3FFF, v0;
	v0 =	vshra.s32 v0, $0xE  }
0x8e: {  	[tilespmem:$0x4110] =	vst v1  }
0x8f: {  	[tilespmem:$0x4190] =	vst v0  }
0x90: {  	v0 =	vld [tilespmem:s16+$0xA0];
	_ =	sdelay $0x4  }
0x91: {  	v1 =	vand.u32 $0x3FFF, v0;
	v0 =	vshra.s32 v0, $0xE  }
0x92: {  	[tilespmem:$0x4120] =	vst v1  }
0x93: {  	[tilespmem:$0x41A0] =	vst v0  }
0x94: {  	v0 =	vld [tilespmem:s16+$0xB0];
	_ =	sdelay $0x4  }
0x95: {  	v1 =	vand.u32 $0x3FFF, v0;
	v0 =	vshra.s32 v0, $0xE  }
0x96: {  	[tilespmem:$0x4130] =	vst v1  }
0x97: {  	[tilespmem:$0x41B0] =	vst v0  }
0x98: {  	v0 =	vld [tilespmem:s16+$0xC0];
	_ =	sdelay $0x4  }
0x99: {  	v1 =	vand.u32 $0x3FFF, v0;
	v0 =	vshra.s32 v0, $0xE  }
0x9a: {  	[tilespmem:$0x4140] =	vst v1  }
0x9b: {  	[tilespmem:$0x41C0] =	vst v0  }
0x9c: {  	[tilespmem:s29], [sflag:$0x2] =	stream.indirect.gather [hbm4b:s4+s25], $0x80, s30, s25, $0xb8;
	[tilespmem:$0x1D200] =	vst v63  }
0x9d: {  	_ =	swait.ge [sflag:s31], $0x2800  }
0x9e: {  	[sflag:s31] =	ssyncset.done $0x0  }
0x9f: {  	[sflag:s31] =	ssyncadd.s32 $0xFFFFD800  }
0xa0: {  	[spmem:s2] =	stream.indirect.scatter.add.f32 [tilespmem:s28], [sflag:$0x3], $0x80, s0, s25, $0xb8;
	[tilespmem:$0x1D200] =	vst v63  }
0xa1: {  	_ =	swait.ge [sflag:s24], $0x2800  }
0xa2: {  	[sflag:s24] =	ssyncset.done $0x0  }
0xa3: {  	[sflag:s24] =	ssyncadd.s32 $0xFFFFD800  }
0xa4: {  	v0 =	vld [tilespmem:s16+$0x100];
	_ =	sdelay $0x4  }
0xa5: {  	v1 =	vand.u32 $0x3FFF, v0;
	v0 =	vshra.s32 v0, $0xE  }
0xa6: {  	[tilespmem:$0x4000] =	vst v1  }
0xa7: {  	[tilespmem:$0x4080] =	vst v0  }
0xa8: {  	v0 =	vld [tilespmem:s16+$0x110];
	_ =	sdelay $0x4  }
0xa9: {  	v1 =	vand.u32 $0x3FFF, v0;
	v0 =	vshra.s32 v0, $0xE  }
0xaa: {  	[tilespmem:$0x4010] =	vst v1  }
0xab: {  	[tilespmem:$0x4090] =	vst v0  }
0xac: {  	v0 =	vld [tilespmem:s16+$0x120];
	_ =	sdelay $0x4  }
0xad: {  	v1 =	vand.u32 $0x3FFF, v0;
	v0 =	vshra.s32 v0, $0xE  }
0xae: {  	[tilespmem:$0x4020] =	vst v1  }
0xaf: {  	[tilespmem:$0x40A0] =	vst v0  }
0xb0: {  	v0 =	vld [tilespmem:s16+$0x130];
	_ =	sdelay $0x3  }
.Ltmp0:
0xb1: {  	(pc) =	sbr.rel @p0 .LBB2_2-.Ltmp0, $4  }
0xb2: {  	v1 =	vand.u32 $0x3FFF, v0;
	v0 =	vshra.s32 v0, $0xE  }
0xb3: {  	[tilespmem:$0x4030] =	vst v1  }
0xb4: {  	[tilespmem:$0x40B0] =	vst v0  }
0xb5: {  	v0 =	vld [tilespmem:s16+$0x140]  }
0xb6: {  	_ =	sdelay $0x3  }
0xb7: {  	v1 =	vand.u32 $0x3FFF, v0  }
0xb8: {  	v63 =	vshra.s32 v0, $0xE;
	[tilespmem:$0x4040] =	vst v1  }
0xb9: {  	[tilespmem:$0x40C0] =	vst v63  }
0xba: {  	[tilespmem:s28], [sflag:$0x1] =	stream.indirect.gather [hbm4b:s4+s25], $0x80, s26, s25, $0xb8;
	[tilespmem:$0x1D200] =	vst v63  }
0xbb: {  	_ =	swait.ge [sflag:s1], $0x2800  }
0xbc: {  	[sflag:s1] =	ssyncset.done $0x0  }
0xbd: {  	[sflag:s1] =	ssyncadd.s32 $0xFFFFD800  }
0xbe: {  	[spmem:s2] =	stream.indirect.scatter.add.f32 [tilespmem:s29], [sflag:$0x3], $0x80, s5, s25, $0xb8;
	[tilespmem:$0x1D200] =	vst v63  }
0xbf: {  	_ =	swait.ge [sflag:s24], $0x2800  }
0xc0: {  	[sflag:s24] =	ssyncset.done $0x0  }
0xc1: {  	[sflag:s24] =	ssyncadd.s32 $0xFFFFD800  }
0xc2: {  	_ =	swait.ge [sflag:s31], $0x2800  }
0xc3: {  	[sflag:s31] =	ssyncset.done $0x0  }
0xc4: {  	[sflag:s31] =	ssyncadd.s32 $0xFFFFD800  }
0xc5: {  	[spmem:s2] =	stream.indirect.scatter.add.f32 [tilespmem:s28], [sflag:$0x3], $0x80, s0, s25, $0xb8;
	[tilespmem:$0x1D200] =	vst v63  }
0xc6: {  	_ =	swait.ge [sflag:s24], $0x2800  }
0xc7: {  	[sflag:s24] =	ssyncset.done $0x0  }
0xc8: {  	[sflag:s24] =	ssyncadd.s32 $0xFFFFD800  }
0xc9: {  	[bflag:$0x0] =	sbarrier.arrive $0xFFFF  }
0xca: {  	[tilespmem:s28], [sflag:$0x3] =	stream.linear.gather [spmem:s7], $0x2800, $0x38;
	[tilespmem:$0x1D200] =	vst v63  }
0xcb: {  	_ =	swait.ge [sflag:s24], $0x2800  }
0xcc: {  	[sflag:s24] =	ssyncset.done $0x0  }
0xcd: {  	s15 =	rddreg [dreg:$0x5];
	[sflag:s24] =	ssyncadd.s32 $0xFFFFD800  }
0xce: {  	[hbm4b:s15+s3] =	stream.linear.scatter [tilespmem:s28], [sflag:$0x3], $0x2800, $0x38;
	[tilespmem:$0x1D200] =	vst v63  }
0xcf: {  	_ =	swait.ge [sflag:s24], $0x2800  }
0xd0: {  	[sflag:s24] =	ssyncset.done $0x0  }
0xd1: {  	[sflag:s24] =	ssyncadd.s32 $0xFFFFD800  }
0xd2: {  	[tilespmem:s28], [sflag:$0x3] =	stream.linear.gather [spmem:s8], $0x2800, $0x38;
	[tilespmem:$0x1D200] =	vst v63  }
0xd3: {  	_ =	swait.ge [sflag:s24], $0x2800  }
0xd4: {  	[sflag:s24] =	ssyncset.done $0x0  }
0xd5: {  	s16 =	rddreg [dreg:$0x6];
	[sflag:s24] =	ssyncadd.s32 $0xFFFFD800  }
0xd6: {  	[hbm4b:s16+s3] =	stream.linear.scatter [tilespmem:s28], [sflag:$0x3], $0x2800, $0x38;
	[tilespmem:$0x1D200] =	vst v63  }
0xd7: {  	_ =	swait.ge [sflag:s24], $0x2800  }
0xd8: {  	[sflag:s24] =	ssyncset.done $0x0  }
0xd9: {  	[sflag:s24] =	ssyncadd.s32 $0xFFFFD800  }
0xda: {  	[tilespmem:s28], [sflag:$0x3] =	stream.linear.gather [spmem:s9], $0x2800, $0x38;
	[tilespmem:$0x1D200] =	vst v63  }
0xdb: {  	_ =	swait.ge [sflag:s24], $0x2800  }
0xdc: {  	[sflag:s24] =	ssyncset.done $0x0  }
0xdd: {  	[sflag:s24] =	ssyncadd.s32 $0xFFFFD800  }
0xde: {  	[hbm4b:s17+s3] =	stream.linear.scatter [tilespmem:s28], [sflag:$0x3], $0x2800, $0x38;
	[tilespmem:$0x1D200] =	vst v63  }
0xdf: {  	_ =	swait.ge [sflag:s24], $0x2800  }
0xe0: {  	[sflag:s24] =	ssyncset.done $0x0  }
0xe1: {  	[sflag:s24] =	ssyncadd.s32 $0xFFFFD800  }
0xe2: {  	[tilespmem:s28], [sflag:$0x3] =	stream.linear.gather [spmem:s10], $0x2800, $0x38;
	[tilespmem:$0x1D200] =	vst v63  }
0xe3: {  	_ =	swait.ge [sflag:s24], $0x2800  }
0xe4: {  	[sflag:s24] =	ssyncset.done $0x0  }
0xe5: {  	[sflag:s24] =	ssyncadd.s32 $0xFFFFD800  }
0xe6: {  	[hbm4b:s18+s3] =	stream.linear.scatter [tilespmem:s28], [sflag:$0x3], $0x2800, $0x38;
	[tilespmem:$0x1D200] =	vst v63  }
0xe7: {  	_ =	swait.ge [sflag:s24], $0x2800  }
0xe8: {  	[sflag:s24] =	ssyncset.done $0x0  }
0xe9: {  	[sflag:s24] =	ssyncadd.s32 $0xFFFFD800  }
0xea: {  	[tilespmem:s28], [sflag:$0x3] =	stream.linear.gather [spmem:s11], $0x2800, $0x38;
	[tilespmem:$0x1D200] =	vst v63  }
0xeb: {  	_ =	swait.ge [sflag:s24], $0x2800  }
0xec: {  	[sflag:s24] =	ssyncset.done $0x0  }
0xed: {  	[sflag:s24] =	ssyncadd.s32 $0xFFFFD800  }
0xee: {  	[hbm4b:s19+s3] =	stream.linear.scatter [tilespmem:s28], [sflag:$0x3], $0x2800, $0x38;
	[tilespmem:$0x1D200] =	vst v63  }
0xef: {  	_ =	swait.ge [sflag:s24], $0x2800  }
0xf0: {  	[sflag:s24] =	ssyncset.done $0x0  }
0xf1: {  	[sflag:s24] =	ssyncadd.s32 $0xFFFFD800  }
0xf2: {  	[tilespmem:s28], [sflag:$0x3] =	stream.linear.gather [spmem:s12], $0x2800, $0x38;
	[tilespmem:$0x1D200] =	vst v63  }
0xf3: {  	_ =	swait.ge [sflag:s24], $0x2800  }
0xf4: {  	[sflag:s24] =	ssyncset.done $0x0  }
0xf5: {  	[sflag:s24] =	ssyncadd.s32 $0xFFFFD800  }
0xf6: {  	[hbm4b:s20+s3] =	stream.linear.scatter [tilespmem:s28], [sflag:$0x3], $0x2800, $0x38;
	[tilespmem:$0x1D200] =	vst v63  }
0xf7: {  	_ =	swait.ge [sflag:s24], $0x2800  }
0xf8: {  	[sflag:s24] =	ssyncset.done $0x0  }
0xf9: {  	[sflag:s24] =	ssyncadd.s32 $0xFFFFD800  }
0xfa: {  	[tilespmem:s28], [sflag:$0x3] =	stream.linear.gather [spmem:s13], $0x2800, $0x38;
	[tilespmem:$0x1D200] =	vst v63  }
0xfb: {  	_ =	swait.ge [sflag:s24], $0x2800  }
0xfc: {  	[sflag:s24] =	ssyncset.done $0x0  }
0xfd: {  	[sflag:s24] =	ssyncadd.s32 $0xFFFFD800  }
0xfe: {  	[hbm4b:s21+s3] =	stream.linear.scatter [tilespmem:s28], [sflag:$0x3], $0x2800, $0x38;
	[tilespmem:$0x1D200] =	vst v63  }
0xff: {  	_ =	swait.ge [sflag:s24], $0x2800  }
0x100: {  	[sflag:s24] =	ssyncset.done $0x0  }
0x101: {  	[sflag:s24] =	ssyncadd.s32 $0xFFFFD800  }
0x102: {  	[tilespmem:s28], [sflag:$0x3] =	stream.linear.gather [spmem:s14], $0x2800, $0x38;
	[tilespmem:$0x1D200] =	vst v63  }
0x103: {  	s6 =	sadd.s32 $0x1, s6;
	_ =	swait.ge [sflag:s24], $0x2800  }
0x104: {  	p0 =	sne.s32 s6, s23;
	[sflag:s24] =	ssyncset.done $0x0  }
.Ltmp1:
0x105: {  	[sflag:s24] =	ssyncadd.s32 $0xFFFFD800;
	(pc) =	sbr.rel @p0 .LBB2_1-.Ltmp1, $4  }
0x106: {  	[hbm4b:s22+s3] =	stream.linear.scatter [tilespmem:s28], [sflag:$0x3], $0x2800, $0x38;
	[tilespmem:$0x1D200] =	vst v63  }
0x107: {  	_ =	swait.ge [sflag:s24], $0x2800  }
0x108: {  	[sflag:s24] =	ssyncset.done $0x0  }
0x109: {  	[sflag:s24] =	ssyncadd.s32 $0xFFFFD800  }
0x10a: {  	_ =	sfence.sel $0x180000  }
0x10b: {  	[bflag:$0x0] =	sbarrier.arrive $0xFFFF  }
0x10c: {  	_ =	strace $0x9000004A  }
0x10d: {  	s0 =	stileid.u32;
	[bflag:$0x2] =	sbarrier.arrive $0xFFFF  }
0x10e: {  	p0 =	sne.s32 s0, $0x0;
	s0 =	rddreg [dreg:$0x2]  }
0x10f: {  	s0 =	sadd.s32 @!p0 $0x100000, s0  }
0x110: {  	[sflag:s0] =	ssyncadd.tile.s32 @!p0 $0x1;
	_ =	shalt  }
.Lfunc_end2:
_tile_overlayer_lowered:
.L_overlay_start_2:
0x111: {  	(tag) =	ssettag $0x2  }
0x112: {  	s0 =	rddreg [dreg:$0x0];
	s2 =	stileid.u32  }
0x113: {  	s1 =	rddreg [dreg:$0x1];
	p0 =	sne.s32 s2, $0x0  }
0x114: {  	s3 =	rddreg [dreg:$0x2];
	[bflag:$0x3] =	sbarrier.arrive $0xFFFF;
	s2 =	simm.s32 @!p0 $0x1C03  }
0x115: {  	[timem:s3], [sflag:s2] =	dma.local @!p0 [hbm:s0], s1  }
0x116: {  	s0 =	simm.s32 @!p0 $0x3  }
0x117: {  	_ =	swait.ge @!p0 [sflag:s0], s1  }
0x118: {  	s1 =	ssub.s32 @!p0 $0x0, s1;
	[sflag:s0] =	ssyncset.done @!p0 $0x0  }
0x119: {  	[sflag:s0] =	ssyncadd.s32 @!p0 s1  }
0x11a: {  	[bflag:$0x3] =	sbarrier.arrive $0xFFFF  }
0x11b: {  	_ =	shalt  }

// kernel: kernel.18.cloned.1.call-start
scs
__scs_entry_jumppad:
0x0: {  	(pc) =	sbr.rel $0x88, $3  }
0x1: {  	(tag) =	ssettag $0x0;
	lr =	simm.s32 $0x1  }
0x2: {  	[smem:$0x3F93] =	sst lr;
	_ =	strace $0xD0000000  }
0x3: {  	_ = 	snop  }
0x4: {  	_ = 	snop  }
0x5: {  	_ = 	snop  }
0x6: {  	_ = 	snop  }
0x7: {  	_ = 	snop  }
__scs_overlays_trampoline_lowered:
0x8: {  	[smem:$0x3FA2] =	sst s0  }
0x9: {  	[smem:$0x3FA3] =	sst s1  }
0xa: {  	[smem:$0x3FA4] =	sst s2  }
0xb: {  	[smem:$0x3FA5] =	sst s3  }
0xc: {  	[smem:$0x3FA6] =	sst s4  }
0xd: {  	[smem:$0x3FA7] =	sst s5  }
0xe: {  	[smem:$0x3FA8] =	sst s6  }
0xf: {  	[smem:$0x3FA9] =	sst s7  }
0x10: {  	[smem:$0x3FAA] =	sst s8  }
0x11: {  	[smem:$0x3FAB] =	sst s9;
	s0 =	simm.s32 @!p0 $0x0  }
0x12: {  	s1 =	sld [smem:$0x3F91];
	s0 =	simm.s32 @p0 $0x1  }
0x13: {  	[smem:$0x3FAC] =	sst s0;
	s0 =	simm.s32 @!p1 $0x0  }
0x14: {  	s2 =	sld [smem:$0x3F90];
	s0 =	simm.s32 @p1 $0x1  }
0x15: {  	[smem:$0x3FAD] =	sst s0;
	s0 =	simm.s32 @!p2 $0x0  }
0x16: {  	s3 =	sld [smem:$0x3FDB];
	s0 =	simm.s32 @p2 $0x1  }
0x17: {  	s4 =	simm.s32 $0x1BF5;
	[smem:$0x3FAF] =	sst s0  }
0x18: {  	s0 =	sld [smem:$0x3F92];
	_ =	swait.ge [sflag:s4], $0x0  }
0x19: {  	s7 =	sld [smem:$0x3F93]  }
0x1a: {  	s8 =	sadd.s32 $0xFFFFE003, lr  }
0x1b: {  	s9 =	sadd.s32 $0xFFFFFEF7, lr;
	s5 =	simm.s32 $0xFFFFFFFF;
	p2 =	slt.u32 s8, $0xFFFFF086  }
0x1c: {  	p1 =	slt.u32 s9, $0xF7A;
	s5 =	simm.s32 @!p2 $0x0  }
0x1d: {  	s5 =	simm.s32 @p1 $0x1;
	p0 =	seq.s32 s7, s2  }
0x1e: {  	s7 =	smul.u32 @!p0 $0xF7A, s2;
	p2 =	seq.s32 @!p0 s5, $0x0  }
0x1f: {  	s9 =	smul.u32 $0xF7A, s1;
	s8 =	simm.s32 @!p0 $0x1BF5;
	p2 =	por !p2, p0  }
0x20: {  	[sflag:s8] =	ssyncset.s32 @!p0 $0xFFFFF086;
	s6 =	sadd.s32 @!p0 s3, s7;
	s7 =	simm.s32 @!p0 $0x108  }
0x21: {  	s3 =	sadd.s32 s3, s9;
	s6 =	sadd.s32 @!p0 $0x88, s6;
	s7 =	simm.s32 @p2 $0x1082  }
0x22: {  	[simem:s7], [sflag:s8] =	dma.local @!p0 [hbm:s6], $0xF7A  }
0x23: {  	s9 =	sor.u32 $0xD0000000, s2;
	s6 =	simm.s32 $0x108;
	_ =	swait.ge @!p0 [sflag:s8], $0x0  }
0x24: {  	s3 =	sadd.s32 $0x88, s3;
	s6 =	simm.s32 @!p1 $0x1082;
	[sflag:s4] =	ssyncset.s32 $0xFFFFF086  }
0x25: {  	[simem:s6], [sflag:s4] =	dma.local [hbm:s3], $0xF7A  }
0x26: {  	[smem:$0x3F93] =	sst s1;
	(tag) =	ssettag s2;
	_ =	strace s9  }
0x27: {  	s1 =	sld [smem:$0x3FA3]  }
0x28: {  	s2 =	sld [smem:$0x3FA4]  }
0x29: {  	s4 =	sld [smem:$0x3FA6]  }
0x2a: {  	p0 =	seq.s32 s5, $0x0;
	s5 =	sld [smem:$0x3FA7]  }
0x2b: {  	s6 =	sld [smem:$0x3FA8]  }
0x2c: {  	s7 =	sld [smem:$0x3FA9]  }
0x2d: {  	s3 =	simm.s32 $0x108;
	s8 =	sld [smem:$0x3FAA]  }
0x2e: {  	s3 =	simm.s32 @!p0 $0x1082;
	s9 =	sld [smem:$0x3FAB]  }
0x2f: {  	lr =	sadd.s32 s0, s3;
	s0 =	sld [smem:$0x3FA2]  }
0x30: {  	s3 =	sld [smem:$0x3FA5]  }
0x31: {  	[smem:$0x3FAE] =	sst s10  }
0x32: {  	s10 =	sld [smem:$0x3FAC];
	_ =	sdelay $0x3  }
0x33: {  	p0 =	seq.s32 s10, $0x1;
	s10 =	sld [smem:$0x3FAE];
	_ =	sdelay $0x3  }
0x34: {  	[smem:$0x3FAE] =	sst s10  }
0x35: {  	s10 =	sld [smem:$0x3FAD];
	_ =	sdelay $0x3  }
0x36: {  	p1 =	seq.s32 s10, $0x1;
	s10 =	sld [smem:$0x3FAE];
	_ =	sdelay $0x3  }
0x37: {  	[smem:$0x3FAE] =	sst s10  }
0x38: {  	s10 =	sld [smem:$0x3FAF]  }
0x39: {  	_ = 	snop;
	(pc) =	sbr.ind lr, $3  }
0x3a: {  	_ = 	snop  }
0x3b: {  	_ = 	snop  }
0x3c: {  	p2 =	seq.s32 s10, $0x1;
	s10 =	sld [smem:$0x3FAE]  }
0x3d: {  	_ =	shalt  }
0x3e: {  	_ =	shalt  }
0x3f: {  	_ =	shalt  }
0x40: {  	_ =	shalt  }
0x41: {  	_ =	shalt  }
0x42: {  	_ =	shalt  }
0x43: {  	_ =	shalt  }
0x44: {  	_ =	shalt  }
0x45: {  	_ =	shalt  }
0x46: {  	_ =	shalt  }
0x47: {  	_ =	shalt  }
0x48: {  	_ =	shalt  }
0x49: {  	_ =	shalt  }
0x4a: {  	_ =	shalt  }
0x4b: {  	_ =	shalt  }
0x4c: {  	_ =	shalt  }
0x4d: {  	_ =	shalt  }
0x4e: {  	_ =	shalt  }
0x4f: {  	_ =	shalt  }
0x50: {  	_ =	shalt  }
0x51: {  	_ =	shalt  }
0x52: {  	_ =	shalt  }
0x53: {  	_ =	shalt  }
0x54: {  	_ =	shalt  }
0x55: {  	_ =	shalt  }
0x56: {  	_ =	shalt  }
0x57: {  	_ =	shalt  }
0x58: {  	_ =	shalt  }
0x59: {  	_ =	shalt  }
0x5a: {  	_ =	shalt  }
0x5b: {  	_ =	shalt  }
0x5c: {  	_ =	shalt  }
0x5d: {  	_ =	shalt  }
0x5e: {  	_ =	shalt  }
0x5f: {  	_ =	shalt  }
0x60: {  	_ =	shalt  }
0x61: {  	_ =	shalt  }
0x62: {  	_ =	shalt  }
0x63: {  	_ =	shalt  }
0x64: {  	_ =	shalt  }
0x65: {  	_ =	shalt  }
0x66: {  	_ =	shalt  }
0x67: {  	_ =	shalt  }
0x68: {  	_ =	shalt  }
0x69: {  	_ =	shalt  }
0x6a: {  	_ =	shalt  }
0x6b: {  	_ =	shalt  }
0x6c: {  	_ =	shalt  }
0x6d: {  	_ =	shalt  }
0x6e: {  	_ =	shalt  }
0x6f: {  	_ =	shalt  }
0x70: {  	_ =	shalt  }
0x71: {  	_ =	shalt  }
0x72: {  	_ =	shalt  }
0x73: {  	_ =	shalt  }
0x74: {  	_ =	shalt  }
0x75: {  	_ =	shalt  }
0x76: {  	_ =	shalt  }
0x77: {  	_ =	shalt  }
0x78: {  	_ =	shalt  }
0x79: {  	_ =	shalt  }
0x7a: {  	_ =	shalt  }
0x7b: {  	_ =	shalt  }
0x7c: {  	_ =	shalt  }
0x7d: {  	_ =	shalt  }
0x7e: {  	_ =	shalt  }
0x7f: {  	_ =	shalt  }
0x80: {  	_ =	shalt  }
0x81: {  	_ =	shalt  }
0x82: {  	_ =	shalt  }
0x83: {  	_ =	shalt  }
0x84: {  	_ =	shalt  }
0x85: {  	_ =	shalt  }
0x86: {  	_ =	shalt  }
0x87: {  	_ =	shalt  }
.Lfunc_end0:
.L_simem_size_0:
called_computation.2_lowered:
.L_overlay_start_0:
0x88: {  	s2 =	sld [smem:$0x3FD9]  }
0x89: {  	s3 =	sld [smem:$0x3FFE];
	_ =	sdelay $0x1  }
0x8a: {  	s1 =	srdreg.scid  }
0x8b: {  	s0 =	sand.u32 $0x1, s1  }
0x8c: {  	s17 =	sshll.u32 s0, $0xA;
	s2 =	sadd.s32 s3, s2  }
0x8d: {  	s2 =	sadd.s32 s2, s17  }
0x8e: {  	[smem:$0x3FBA] =	sst s2  }
0x8f: {  	_ = 	snop  }
0x90: {  	s2 =	sld [smem:$0x3FD0];
	(tm) =	ssettm $0x1  }
0x91: {  	s18 =	sld [smem:$0x3FFB];
	_ =	sdelay $0x3  }
0x92: {  	_ =	strace s18  }
0x93: {  	s3 =	sld [smem:$0x3FFC];
	_ =	sdelay $0x3  }
0x94: {  	_ =	strace s3  }
0x95: {  	s3 =	sld [smem:$0x3FFD];
	_ =	sdelay $0x3  }
0x96: {  	_ =	strace s3  }
0x97: {  	_ =	strace $0x8FFFFFFF  }
0x98: {  	s19 =	sld [smem:$0x3FDB];
	_ =	sdelay $0x1  }
0x99: {  	s4 =	simm.s32 $_scs_section_size  }
0x9a: {  	s5 =	simm.s32 $_size__tile_overlayer_lowered;
	s6 =	simm.s32 $_tile_overlayer_lowered  }
0x9b: {  	s22 =	simm.s32 $0x1BFF;
	s21 =	sshll.u32 s6, $0x1;
	s3 =	sadd.s32 s4, s19  }
0x9c: {  	s7 =	simm.s32 $0x0;
	s20 =	sshll.u32 s5, $0x1;
	s5 =	sadd.s32 s21, s3  }
0x9d: {  	[timem:s7], [sflag:s22] =	dma.local [hbm:s5], s20  }
0x9e: {  	_ =	swait.ge [sflag:s22], s20  }
0x9f: {  	s4 =	ssub.s32 $0x0, s20;
	[sflag:s22] =	ssyncset.done $0x0  }
0xa0: {  	[sflag:s22] =	ssyncadd.s32 s4;
	_ =	sdelay $0x1  }
0xa1: {  	s23 =	simm.s32 $0x1B8B  }
0xa2: {  	_ =	swait.ge [sflag:s23], $0x1  }
0xa3: {  	[sflag:s23] =	ssyncset.done $0x0  }
0xa4: {  	s25 =	simm.s32 $0x1B8E;
	s24 =	sld [smem:$0x3FFE];
	[sflag:s23] =	ssyncadd.s32 $0xFFFFFFFF  }
0xa5: {  	s26 =	simm.s32 $execute0_lowered;
	[smem:$0x3FD2] =	sst s25  }
0xa6: {  	s5 =	sshll.u32 s26, $0x1;
	_ =	strace $0x8000004C;
	[dreg:$0x1] =	wrdreg $0xFFFFFFFF  }
0xa7: {  	s28 =	simm.s32 $_size_execute0_lowered;
	s3 =	sadd.s32 s3, s5;
	[dreg:$0x0] =	wrdreg $0x0  }
0xa8: {  	s5 =	sshll.u32 s28, $0x1;
	[dreg:$0x2] =	wrdreg s3  }
0xa9: {  	[dreg:$0x3] =	wrdreg s5  }
0xaa: {  	[dreg:$0x4] =	wrdreg $0xC0  }
0xab: {  	_ =	task [dreg:s7], $0x5FFFF  }
0xac: {  	[dreg:$0x1] =	wrdreg $0xFFFFFFFF  }
0xad: {  	[dreg:$0x0] =	wrdreg $0x60  }
0xae: {  	[dreg:$0x2] =	wrdreg s2  }
0xaf: {  	[dreg:$0x3] =	wrdreg s24  }
0xb0: {  	[dreg:$0x4] =	wrdreg $0x92000  }
0xb1: {  	[dreg:$0x5] =	wrdreg $0x9  }
0xb2: {  	_ =	task.clear_ibuf [dreg:s7], $0x6FFFF;
	_ =	strace $0x9000004C  }
0xb3: {  	s29 =	simm.s32 $0x9;
	_ =	strace $0x8000004E  }
0xb4: {  	_ =	swait.ge [sflag:s29], $0x1  }
0xb5: {  	[sflag:s29] =	ssyncadd.s32 $0xFFFFFFFF  }
0xb6: {  	_ =	strace $0x9000004E  }
0xb7: {  	_ =	sfence  }
0xb8: {  	s30 =	sld [smem:$0x0];
	_ =	sdelay $0x2  }
0xb9: {  	s31 =	sshll.u32 s1, $0xD;
	s1 =	sshrl.u32 s1, $0x2  }
0xba: {  	s3 =	sand.u32 $0x4000, s31;
	s1 =	sadd.s32 s1, s30  }
0xbb: {  	s0 =	sor.u32 s3, s0;
	s1 =	sshll.u32 s1, $0x11  }
0xbc: {  	s0 =	sor.u32 s1, s0  }
0xbd: {  	s0 =	sadd.s32 $0x8F2B, s0  }
0xbe: {  	[sflag:s0] =	ssyncadd.remote.s32 $0x1  }
0xbf: {  	_ =	sfence.sel $0xFFFF  }
0xc0: {  	[dreg:$0x0] =	wrdreg $0xFFFFFFFF;
	(pc) =	sbr.abs _section_cstart, $3  }
0xc1: {  	[dreg:$0x1] =	wrdreg $0xFFFFFFFF  }
0xc2: {  	_ =	task.clear_ibuf [dreg:s7], $0x2FFFF;
	_ =	strace $0x9FFFFFFF  }
0xc3: {  	(tm) =	ssettm $0x7FFFFFFF  }
tec
execute0_lowered:
.L_overlay_start_1:
0x0: {  	(tag) =	ssettag $0x1  }
0x1: {  	s1 =	rddreg [dreg:$0x0]  }
0x2: {  	s0 =	rddreg [dreg:$0x1];
	s8 =	stileid.u32  }
0x3: {  	s2 =	srdreg.scid;
	s3 =	rddreg [dreg:$0x2];
	s4 =	simm.s32 $0x0  }
0x4: {  	s28 =	simm.s32 $0x4200;
	s29 =	simm.s32 $0x6A00;
	s30 =	simm.s32 $0x4100  }
0x5: {  	s31 =	simm.s32 $0x1;
	s2 =	sand.u32 $0x1, s2;
	s5 =	smul.u32 $0x280, s8  }
0x6: {  	[smem:$0x7FF] =	sst s4;
	s7 =	sshll.u32 s8, $0xB;
	s22 =	smul.u32 $0x50000, s8  }
0x7: {  	s21 =	sadd.s32 $0x4A00, s0;
	s6 =	smul.u32 $0x2800, s2;
	_ =	strace $0x8000004D  }
0x8: {  	s7 =	sadd.s32 s7, s0;
	s23 =	ssub.s32 $0x2, s2;
	s2 =	sshll.u32 s2, $0xF  }
0x9: {  	[dreg:$0x4] =	wrdreg s21;
	s24 =	sshrl.u32 s23, $0x1;
	s2 =	sadd.s32 s2, s7  }
0xa: {  	s5 =	sadd.s32 s5, s6;
	s6 =	sshrl.u32 s22, $0x2;
	s2 =	sadd.s32 $0x16400, s2  }
0xb: {  	s5 =	sshll.u32 s5, $0x4;
	[dreg:$0x5] =	wrdreg s2;
	s7 =	sadd.s32 s6, s3  }
0xc: {  	s2 =	simm.s32 $0x4080;
	s6 =	simm.s32 $0x0;
	s0 =	sadd.s32 s5, s0  }
0xd: {  	s5 =	ssub.s32 s23, s24;
	s8 =	sadd.s32 $0x2800, s7;
	s9 =	sadd.s32 $0x5000, s7  }
0xe: {  	s10 =	sadd.s32 $0x7800, s7;
	s11 =	sadd.s32 $0xA000, s7;
	s12 =	sadd.s32 $0xC800, s7  }
0xf: {  	s13 =	sadd.s32 $0xF000, s7;
	s14 =	sadd.s32 $0x11800, s7;
	s24 =	simm.s32 $0x3  }
0x10: {  	s25 =	sadd.s32 $0x26400, s0;
	s26 =	sadd.s32 $0x26900, s0;
	s17 =	sadd.s32 $0x26E00, s0  }
0x11: {  	s18 =	sadd.s32 $0x27300, s0;
	s19 =	sadd.s32 $0x27800, s0;
	s20 =	sadd.s32 $0x27D00, s0  }
0x12: {  	s21 =	sadd.s32 $0x28200, s0;
	s22 =	sadd.s32 $0x28700, s0;
	s23 =	smax.u32 s5, $0x1  }
0x13: {  	s0 =	simm.s32 $0x2;
	s5 =	simm.s32 $0x4180;
	[dreg:$0x6] =	wrdreg s25  }
0x14: {  	[dreg:$0x7] =	wrdreg s26;
	s25 =	simm.s32 $0x50;
	s26 =	simm.s32 $0x4000  }
.LBB2_1:
0x15: {  	s15 =	rddreg [dreg:$0x5]  }
0x16: {  	[tilespmem:s4], [sflag:$0x3] =	stream.linear.gather [hbm4b:s15+s4], $0x3E80, $0x38;
	[tilespmem:$0x1D200] =	vst v63  }
0x17: {  	_ =	swait.ge [sflag:s24], $0x3E80  }
0x18: {  	[sflag:s24] =	ssyncset.done $0x0  }
0x19: {  	[sflag:s24] =	ssyncadd.s32 $0xFFFFC180  }
0x1a: {  	v0 =	vld [tilespmem:$0x0];
	_ =	sdelay $0x1  }
0x1b: {  	v1 =	vld [tilespmem:$0x10];
	_ =	sdelay $0x1  }
0x1c: {  	v2 =	vld [tilespmem:$0x20]  }
0x1d: {  	v3 =	vand.u32 $0x3FFF, v0  }
0x1e: {  	v0 =	vshra.s32 v0, $0xE;
	[tilespmem:$0x4000] =	vst v3;
	v3 =	vld [tilespmem:$0x30]  }
0x1f: {  	[tilespmem:$0x4080] =	vst v0;
	v0 =	vand.u32 $0x3FFF, v1  }
0x20: {  	[tilespmem:$0x4010] =	vst v0;
	v0 =	vshra.s32 v1, $0xE;
	v1 =	vld [tilespmem:$0x40]  }
0x21: {  	[tilespmem:$0x4090] =	vst v0;
	v0 =	vand.u32 $0x3FFF, v2  }
0x22: {  	[tilespmem:$0x4020] =	vst v0;
	v0 =	vshra.s32 v2, $0xE  }
0x23: {  	[tilespmem:$0x40A0] =	vst v0;
	v0 =	vand.u32 $0x3FFF, v3  }
0x24: {  	[tilespmem:$0x4030] =	vst v0;
	v0 =	vshra.s32 v3, $0xE  }
0x25: {  	[tilespmem:$0x40B0] =	vst v0;
	v0 =	vand.u32 $0x3FFF, v1  }
0x26: {  	[tilespmem:$0x4040] =	vst v0;
	v0 =	vshra.s32 v1, $0xE  }
0x27: {  	[tilespmem:$0x40C0] =	vst v0  }
0x28: {  	[tilespmem:s28], [sflag:$0x1] =	stream.indirect.gather [hbm4b:s1+s25], $0x80, s26, s25, $0xb8;
	[tilespmem:$0x1D200] =	vst v63  }
0x29: {  	s16 =	rddreg [dreg:$0x4]  }
0x2a: {  	[tilespmem:s29], [sflag:$0x3] =	stream.linear.gather [hbm4b:s16+s4], $0x2800, $0x38;
	[tilespmem:$0x1D200] =	vst v63  }
0x2b: {  	_ =	swait.ge [sflag:s24], $0x2800  }
0x2c: {  	[sflag:s24] =	ssyncset.done $0x0  }
0x2d: {  	[sflag:s24] =	ssyncadd.s32 $0xFFFFD800  }
0x2e: {  	[spmem:s7] =	stream.linear.scatter [tilespmem:s29], [sflag:$0x3], $0x2800, $0x38;
	[tilespmem:$0x1D200] =	vst v63  }
0x2f: {  	_ =	swait.ge [sflag:s24], $0x2800  }
0x30: {  	[sflag:s24] =	ssyncset.done $0x0  }
0x31: {  	[sflag:s24] =	ssyncadd.s32 $0xFFFFD800  }
0x32: {  	[spmem:s8] =	stream.linear.scatter [tilespmem:s29], [sflag:$0x3], $0x2800, $0x38;
	[tilespmem:$0x1D200] =	vst v63  }
0x33: {  	_ =	swait.ge [sflag:s24], $0x2800  }
0x34: {  	[sflag:s24] =	ssyncset.done $0x0  }
0x35: {  	[sflag:s24] =	ssyncadd.s32 $0xFFFFD800  }
0x36: {  	[spmem:s9] =	stream.linear.scatter [tilespmem:s29], [sflag:$0x3], $0x2800, $0x38;
	[tilespmem:$0x1D200] =	vst v63  }
0x37: {  	_ =	swait.ge [sflag:s24], $0x2800  }
0x38: {  	[sflag:s24] =	ssyncset.done $0x0  }
0x39: {  	[sflag:s24] =	ssyncadd.s32 $0xFFFFD800  }
0x3a: {  	[spmem:s10] =	stream.linear.scatter [tilespmem:s29], [sflag:$0x3], $0x2800, $0x38;
	[tilespmem:$0x1D200] =	vst v63  }
0x3b: {  	_ =	swait.ge [sflag:s24], $0x2800  }
0x3c: {  	[sflag:s24] =	ssyncset.done $0x0  }
0x3d: {  	[sflag:s24] =	ssyncadd.s32 $0xFFFFD800  }
0x3e: {  	[spmem:s11] =	stream.linear.scatter [tilespmem:s29], [sflag:$0x3], $0x2800, $0x38;
	[tilespmem:$0x1D200] =	vst v63  }
0x3f: {  	_ =	swait.ge [sflag:s24], $0x2800  }
0x40: {  	[sflag:s24] =	ssyncset.done $0x0  }
0x41: {  	[sflag:s24] =	ssyncadd.s32 $0xFFFFD800  }
0x42: {  	[spmem:s12] =	stream.linear.scatter [tilespmem:s29], [sflag:$0x3], $0x2800, $0x38;
	[tilespmem:$0x1D200] =	vst v63  }
0x43: {  	_ =	swait.ge [sflag:s24], $0x2800  }
0x44: {  	[sflag:s24] =	ssyncset.done $0x0  }
0x45: {  	[sflag:s24] =	ssyncadd.s32 $0xFFFFD800  }
0x46: {  	[spmem:s13] =	stream.linear.scatter [tilespmem:s29], [sflag:$0x3], $0x2800, $0x38;
	[tilespmem:$0x1D200] =	vst v63  }
0x47: {  	_ =	swait.ge [sflag:s24], $0x2800  }
0x48: {  	[sflag:s24] =	ssyncset.done $0x0  }
0x49: {  	[sflag:s24] =	ssyncadd.s32 $0xFFFFD800  }
0x4a: {  	[spmem:s14] =	stream.linear.scatter [tilespmem:s29], [sflag:$0x3], $0x2800, $0x38;
	[tilespmem:$0x1D200] =	vst v63  }
0x4b: {  	_ =	swait.ge [sflag:s24], $0x2800  }
0x4c: {  	[sflag:s24] =	ssyncset.done $0x0  }
0x4d: {  	[sflag:s24] =	ssyncadd.s32 $0xFFFFD800  }
0x4e: {  	s16 =	simm.s32 $0x0;
	[bflag:$0x0] =	sbarrier.arrive $0xFFFF  }
0x4f: {  	v0 =	vld [tilespmem:s16+$0x80];
	_ =	sdelay $0x4  }
0x50: {  	v1 =	vand.u32 $0x3FFF, v0  }
0x51: {  	v0 =	vshra.s32 v0, $0xE;
	[tilespmem:$0x4100] =	vst v1  }
0x52: {  	[tilespmem:$0x4180] =	vst v0  }
0x53: {  	v0 =	vld [tilespmem:s16+$0x90];
	_ =	sdelay $0x4  }
0x54: {  	v1 =	vand.u32 $0x3FFF, v0  }
0x55: {  	v0 =	vshra.s32 v0, $0xE;
	[tilespmem:$0x4110] =	vst v1  }
0x56: {  	[tilespmem:$0x4190] =	vst v0  }
0x57: {  	v0 =	vld [tilespmem:s16+$0xA0];
	_ =	sdelay $0x4  }
0x58: {  	v1 =	vand.u32 $0x3FFF, v0  }
0x59: {  	v0 =	vshra.s32 v0, $0xE;
	[tilespmem:$0x4120] =	vst v1  }
0x5a: {  	[tilespmem:$0x41A0] =	vst v0  }
0x5b: {  	v0 =	vld [tilespmem:s16+$0xB0];
	_ =	sdelay $0x4  }
0x5c: {  	v1 =	vand.u32 $0x3FFF, v0  }
0x5d: {  	v0 =	vshra.s32 v0, $0xE;
	[tilespmem:$0x4130] =	vst v1  }
0x5e: {  	[tilespmem:$0x41B0] =	vst v0  }
0x5f: {  	v0 =	vld [tilespmem:s16+$0xC0];
	_ =	sdelay $0x4  }
0x60: {  	v1 =	vand.u32 $0x3FFF, v0  }
0x61: {  	v0 =	vshra.s32 v0, $0xE;
	[tilespmem:$0x4140] =	vst v1  }
0x62: {  	[tilespmem:$0x41C0] =	vst v0  }
0x63: {  	[tilespmem:s29], [sflag:$0x2] =	stream.indirect.gather [hbm4b:s1+s25], $0x80, s30, s25, $0xb8;
	[tilespmem:$0x1D200] =	vst v63  }
0x64: {  	_ =	swait.ge [sflag:s31], $0x2800  }
0x65: {  	[sflag:s31] =	ssyncset.done $0x0  }
0x66: {  	[sflag:s31] =	ssyncadd.s32 $0xFFFFD800  }
0x67: {  	[spmem:s3] =	stream.indirect.scatter.add.f32 [tilespmem:s28], [sflag:$0x3], $0x80, s2, s25, $0xb8;
	[tilespmem:$0x1D200] =	vst v63  }
0x68: {  	_ =	swait.ge [sflag:s24], $0x2800  }
0x69: {  	[sflag:s24] =	ssyncset.done $0x0  }
0x6a: {  	[sflag:s24] =	ssyncadd.s32 $0xFFFFD800  }
0x6b: {  	v0 =	vld [tilespmem:s16+$0x100];
	_ =	sdelay $0x4  }
0x6c: {  	v1 =	vand.u32 $0x3FFF, v0  }
0x6d: {  	v0 =	vshra.s32 v0, $0xE;
	[tilespmem:$0x4000] =	vst v1  }
0x6e: {  	[tilespmem:$0x4080] =	vst v0  }
0x6f: {  	v0 =	vld [tilespmem:s16+$0x110];
	_ =	sdelay $0x4  }
0x70: {  	v1 =	vand.u32 $0x3FFF, v0  }
0x71: {  	v0 =	vshra.s32 v0, $0xE;
	[tilespmem:$0x4010] =	vst v1  }
0x72: {  	[tilespmem:$0x4090] =	vst v0  }
0x73: {  	v0 =	vld [tilespmem:s16+$0x120];
	_ =	sdelay $0x4  }
0x74: {  	v1 =	vand.u32 $0x3FFF, v0  }
0x75: {  	v0 =	vshra.s32 v0, $0xE;
	[tilespmem:$0x4020] =	vst v1  }
0x76: {  	[tilespmem:$0x40A0] =	vst v0  }
0x77: {  	v0 =	vld [tilespmem:s16+$0x130];
	_ =	sdelay $0x4  }
0x78: {  	v1 =	vand.u32 $0x3FFF, v0  }
0x79: {  	v0 =	vshra.s32 v0, $0xE;
	[tilespmem:$0x4030] =	vst v1  }
0x7a: {  	[tilespmem:$0x40B0] =	vst v0  }
0x7b: {  	s15 =	simm.s32 $0x400;
	v0 =	vld [tilespmem:s16+$0x140]  }
.LBB2_2:
0x7c: {  	_ =	sdelay $0x3  }
0x7d: {  	p0 =	sne.s32 s15, $0xF400;
	s16 =	smov.u32 s15;
	s15 =	sadd.s32 $0x400, s15;
	v1 =	vand.u32 $0x3FFF, v0;
	v0 =	vshra.s32 v0, $0xE  }
0x7e: {  	[tilespmem:$0x4040] =	vst v1  }
0x7f: {  	[tilespmem:$0x40C0] =	vst v0  }
0x80: {  	[tilespmem:s28], [sflag:$0x1] =	stream.indirect.gather [hbm4b:s1+s25], $0x80, s26, s25, $0xb8;
	[tilespmem:$0x1D200] =	vst v63  }
0x81: {  	_ =	swait.ge [sflag:s0], $0x2800  }
0x82: {  	[sflag:s0] =	ssyncset.done $0x0  }
0x83: {  	[sflag:s0] =	ssyncadd.s32 $0xFFFFD800  }
0x84: {  	[spmem:s3] =	stream.indirect.scatter.add.f32 [tilespmem:s29], [sflag:$0x3], $0x80, s5, s25, $0xb8;
	[tilespmem:$0x1D200] =	vst v63  }
0x85: {  	_ =	swait.ge [sflag:s24], $0x2800  }
0x86: {  	[sflag:s24] =	ssyncset.done $0x0  }
0x87: {  	s16 =	sshra.s32 s16, $0x2;
	[sflag:s24] =	ssyncadd.s32 $0xFFFFD800  }
0x88: {  	v0 =	vld [tilespmem:s16+$0x80];
	_ =	sdelay $0x4  }
0x89: {  	v1 =	vand.u32 $0x3FFF, v0;
	v0 =	vshra.s32 v0, $0xE  }
0x8a: {  	[tilespmem:$0x4100] =	vst v1  }
0x8b: {  	[tilespmem:$0x4180] =	vst v0  }
0x8c: {  	v0 =	vld [tilespmem:s16+$0x90];
	_ =	sdelay $0x4  }
0x8d: {  	v1 =	vand.u32 $0x3FFF, v0;
	v0 =	vshra.s32 v0, $0xE  }
0x8e: {  	[tilespmem:$0x4110] =	vst v1  }
0x8f: {  	[tilespmem:$0x4190] =	vst v0  }
0x90: {  	v0 =	vld [tilespmem:s16+$0xA0];
	_ =	sdelay $0x4  }
0x91: {  	v1 =	vand.u32 $0x3FFF, v0;
	v0 =	vshra.s32 v0, $0xE  }
0x92: {  	[tilespmem:$0x4120] =	vst v1  }
0x93: {  	[tilespmem:$0x41A0] =	vst v0  }
0x94: {  	v0 =	vld [tilespmem:s16+$0xB0];
	_ =	sdelay $0x4  }
0x95: {  	v1 =	vand.u32 $0x3FFF, v0;
	v0 =	vshra.s32 v0, $0xE  }
0x96: {  	[tilespmem:$0x4130] =	vst v1  }
0x97: {  	[tilespmem:$0x41B0] =	vst v0  }
0x98: {  	v0 =	vld [tilespmem:s16+$0xC0];
	_ =	sdelay $0x4  }
0x99: {  	v1 =	vand.u32 $0x3FFF, v0;
	v0 =	vshra.s32 v0, $0xE  }
0x9a: {  	[tilespmem:$0x4140] =	vst v1  }
0x9b: {  	[tilespmem:$0x41C0] =	vst v0  }
0x9c: {  	[tilespmem:s29], [sflag:$0x2] =	stream.indirect.gather [hbm4b:s1+s25], $0x80, s30, s25, $0xb8;
	[tilespmem:$0x1D200] =	vst v63  }
0x9d: {  	_ =	swait.ge [sflag:s31], $0x2800  }
0x9e: {  	[sflag:s31] =	ssyncset.done $0x0  }
0x9f: {  	[sflag:s31] =	ssyncadd.s32 $0xFFFFD800  }
0xa0: {  	[spmem:s3] =	stream.indirect.scatter.add.f32 [tilespmem:s28], [sflag:$0x3], $0x80, s2, s25, $0xb8;
	[tilespmem:$0x1D200] =	vst v63  }
0xa1: {  	_ =	swait.ge [sflag:s24], $0x2800  }
0xa2: {  	[sflag:s24] =	ssyncset.done $0x0  }
0xa3: {  	[sflag:s24] =	ssyncadd.s32 $0xFFFFD800  }
0xa4: {  	v0 =	vld [tilespmem:s16+$0x100];
	_ =	sdelay $0x4  }
0xa5: {  	v1 =	vand.u32 $0x3FFF, v0;
	v0 =	vshra.s32 v0, $0xE  }
0xa6: {  	[tilespmem:$0x4000] =	vst v1  }
0xa7: {  	[tilespmem:$0x4080] =	vst v0  }
0xa8: {  	v0 =	vld [tilespmem:s16+$0x110];
	_ =	sdelay $0x4  }
0xa9: {  	v1 =	vand.u32 $0x3FFF, v0;
	v0 =	vshra.s32 v0, $0xE  }
0xaa: {  	[tilespmem:$0x4010] =	vst v1  }
0xab: {  	[tilespmem:$0x4090] =	vst v0  }
0xac: {  	v0 =	vld [tilespmem:s16+$0x120];
	_ =	sdelay $0x4  }
0xad: {  	v1 =	vand.u32 $0x3FFF, v0;
	v0 =	vshra.s32 v0, $0xE  }
0xae: {  	[tilespmem:$0x4020] =	vst v1  }
0xaf: {  	[tilespmem:$0x40A0] =	vst v0  }
0xb0: {  	v0 =	vld [tilespmem:s16+$0x130];
	_ =	sdelay $0x3  }
.Ltmp0:
0xb1: {  	(pc) =	sbr.rel @p0 .LBB2_2-.Ltmp0, $4  }
0xb2: {  	v1 =	vand.u32 $0x3FFF, v0;
	v0 =	vshra.s32 v0, $0xE  }
0xb3: {  	[tilespmem:$0x4030] =	vst v1  }
0xb4: {  	[tilespmem:$0x40B0] =	vst v0  }
0xb5: {  	v0 =	vld [tilespmem:s16+$0x140]  }
0xb6: {  	_ =	sdelay $0x3  }
0xb7: {  	v1 =	vand.u32 $0x3FFF, v0  }
0xb8: {  	v63 =	vshra.s32 v0, $0xE;
	[tilespmem:$0x4040] =	vst v1  }
0xb9: {  	[tilespmem:$0x40C0] =	vst v63  }
0xba: {  	[tilespmem:s28], [sflag:$0x1] =	stream.indirect.gather [hbm4b:s1+s25], $0x80, s26, s25, $0xb8;
	[tilespmem:$0x1D200] =	vst v63  }
0xbb: {  	_ =	swait.ge [sflag:s0], $0x2800  }
0xbc: {  	[sflag:s0] =	ssyncset.done $0x0  }
0xbd: {  	[sflag:s0] =	ssyncadd.s32 $0xFFFFD800  }
0xbe: {  	[spmem:s3] =	stream.indirect.scatter.add.f32 [tilespmem:s29], [sflag:$0x3], $0x80, s5, s25, $0xb8;
	[tilespmem:$0x1D200] =	vst v63  }
0xbf: {  	_ =	swait.ge [sflag:s24], $0x2800  }
0xc0: {  	[sflag:s24] =	ssyncset.done $0x0  }
0xc1: {  	[sflag:s24] =	ssyncadd.s32 $0xFFFFD800  }
0xc2: {  	_ =	swait.ge [sflag:s31], $0x2800  }
0xc3: {  	[sflag:s31] =	ssyncset.done $0x0  }
0xc4: {  	[sflag:s31] =	ssyncadd.s32 $0xFFFFD800  }
0xc5: {  	[spmem:s3] =	stream.indirect.scatter.add.f32 [tilespmem:s28], [sflag:$0x3], $0x80, s2, s25, $0xb8;
	[tilespmem:$0x1D200] =	vst v63  }
0xc6: {  	_ =	swait.ge [sflag:s24], $0x2800  }
0xc7: {  	[sflag:s24] =	ssyncset.done $0x0  }
0xc8: {  	[sflag:s24] =	ssyncadd.s32 $0xFFFFD800  }
0xc9: {  	[bflag:$0x0] =	sbarrier.arrive $0xFFFF  }
0xca: {  	[tilespmem:s28], [sflag:$0x3] =	stream.linear.gather [spmem:s7], $0x2800, $0x38;
	[tilespmem:$0x1D200] =	vst v63  }
0xcb: {  	_ =	swait.ge [sflag:s24], $0x2800  }
0xcc: {  	[sflag:s24] =	ssyncset.done $0x0  }
0xcd: {  	s15 =	rddreg [dreg:$0x6];
	[sflag:s24] =	ssyncadd.s32 $0xFFFFD800  }
0xce: {  	[hbm4b:s15+s4] =	stream.linear.scatter [tilespmem:s28], [sflag:$0x3], $0x2800, $0x38;
	[tilespmem:$0x1D200] =	vst v63  }
0xcf: {  	_ =	swait.ge [sflag:s24], $0x2800  }
0xd0: {  	[sflag:s24] =	ssyncset.done $0x0  }
0xd1: {  	[sflag:s24] =	ssyncadd.s32 $0xFFFFD800  }
0xd2: {  	[tilespmem:s28], [sflag:$0x3] =	stream.linear.gather [spmem:s8], $0x2800, $0x38;
	[tilespmem:$0x1D200] =	vst v63  }
0xd3: {  	_ =	swait.ge [sflag:s24], $0x2800  }
0xd4: {  	[sflag:s24] =	ssyncset.done $0x0  }
0xd5: {  	s16 =	rddreg [dreg:$0x7];
	[sflag:s24] =	ssyncadd.s32 $0xFFFFD800  }
0xd6: {  	[hbm4b:s16+s4] =	stream.linear.scatter [tilespmem:s28], [sflag:$0x3], $0x2800, $0x38;
	[tilespmem:$0x1D200] =	vst v63  }
0xd7: {  	_ =	swait.ge [sflag:s24], $0x2800  }
0xd8: {  	[sflag:s24] =	ssyncset.done $0x0  }
0xd9: {  	[sflag:s24] =	ssyncadd.s32 $0xFFFFD800  }
0xda: {  	[tilespmem:s28], [sflag:$0x3] =	stream.linear.gather [spmem:s9], $0x2800, $0x38;
	[tilespmem:$0x1D200] =	vst v63  }
0xdb: {  	_ =	swait.ge [sflag:s24], $0x2800  }
0xdc: {  	[sflag:s24] =	ssyncset.done $0x0  }
0xdd: {  	[sflag:s24] =	ssyncadd.s32 $0xFFFFD800  }
0xde: {  	[hbm4b:s17+s4] =	stream.linear.scatter [tilespmem:s28], [sflag:$0x3], $0x2800, $0x38;
	[tilespmem:$0x1D200] =	vst v63  }
0xdf: {  	_ =	swait.ge [sflag:s24], $0x2800  }
0xe0: {  	[sflag:s24] =	ssyncset.done $0x0  }
0xe1: {  	[sflag:s24] =	ssyncadd.s32 $0xFFFFD800  }
0xe2: {  	[tilespmem:s28], [sflag:$0x3] =	stream.linear.gather [spmem:s10], $0x2800, $0x38;
	[tilespmem:$0x1D200] =	vst v63  }
0xe3: {  	_ =	swait.ge [sflag:s24], $0x2800  }
0xe4: {  	[sflag:s24] =	ssyncset.done $0x0  }
0xe5: {  	[sflag:s24] =	ssyncadd.s32 $0xFFFFD800  }
0xe6: {  	[hbm4b:s18+s4] =	stream.linear.scatter [tilespmem:s28], [sflag:$0x3], $0x2800, $0x38;
	[tilespmem:$0x1D200] =	vst v63  }
0xe7: {  	_ =	swait.ge [sflag:s24], $0x2800  }
0xe8: {  	[sflag:s24] =	ssyncset.done $0x0  }
0xe9: {  	[sflag:s24] =	ssyncadd.s32 $0xFFFFD800  }
0xea: {  	[tilespmem:s28], [sflag:$0x3] =	stream.linear.gather [spmem:s11], $0x2800, $0x38;
	[tilespmem:$0x1D200] =	vst v63  }
0xeb: {  	_ =	swait.ge [sflag:s24], $0x2800  }
0xec: {  	[sflag:s24] =	ssyncset.done $0x0  }
0xed: {  	[sflag:s24] =	ssyncadd.s32 $0xFFFFD800  }
0xee: {  	[hbm4b:s19+s4] =	stream.linear.scatter [tilespmem:s28], [sflag:$0x3], $0x2800, $0x38;
	[tilespmem:$0x1D200] =	vst v63  }
0xef: {  	_ =	swait.ge [sflag:s24], $0x2800  }
0xf0: {  	[sflag:s24] =	ssyncset.done $0x0  }
0xf1: {  	[sflag:s24] =	ssyncadd.s32 $0xFFFFD800  }
0xf2: {  	[tilespmem:s28], [sflag:$0x3] =	stream.linear.gather [spmem:s12], $0x2800, $0x38;
	[tilespmem:$0x1D200] =	vst v63  }
0xf3: {  	_ =	swait.ge [sflag:s24], $0x2800  }
0xf4: {  	[sflag:s24] =	ssyncset.done $0x0  }
0xf5: {  	[sflag:s24] =	ssyncadd.s32 $0xFFFFD800  }
0xf6: {  	[hbm4b:s20+s4] =	stream.linear.scatter [tilespmem:s28], [sflag:$0x3], $0x2800, $0x38;
	[tilespmem:$0x1D200] =	vst v63  }
0xf7: {  	_ =	swait.ge [sflag:s24], $0x2800  }
0xf8: {  	[sflag:s24] =	ssyncset.done $0x0  }
0xf9: {  	[sflag:s24] =	ssyncadd.s32 $0xFFFFD800  }
0xfa: {  	[tilespmem:s28], [sflag:$0x3] =	stream.linear.gather [spmem:s13], $0x2800, $0x38;
	[tilespmem:$0x1D200] =	vst v63  }
0xfb: {  	_ =	swait.ge [sflag:s24], $0x2800  }
0xfc: {  	[sflag:s24] =	ssyncset.done $0x0  }
0xfd: {  	[sflag:s24] =	ssyncadd.s32 $0xFFFFD800  }
0xfe: {  	[hbm4b:s21+s4] =	stream.linear.scatter [tilespmem:s28], [sflag:$0x3], $0x2800, $0x38;
	[tilespmem:$0x1D200] =	vst v63  }
0xff: {  	_ =	swait.ge [sflag:s24], $0x2800  }
0x100: {  	[sflag:s24] =	ssyncset.done $0x0  }
0x101: {  	[sflag:s24] =	ssyncadd.s32 $0xFFFFD800  }
0x102: {  	[tilespmem:s28], [sflag:$0x3] =	stream.linear.gather [spmem:s14], $0x2800, $0x38;
	[tilespmem:$0x1D200] =	vst v63  }
0x103: {  	s6 =	sadd.s32 $0x1, s6;
	_ =	swait.ge [sflag:s24], $0x2800  }
0x104: {  	p0 =	sne.s32 s6, s23;
	[sflag:s24] =	ssyncset.done $0x0  }
.Ltmp1:
0x105: {  	[sflag:s24] =	ssyncadd.s32 $0xFFFFD800;
	(pc) =	sbr.rel @p0 .LBB2_1-.Ltmp1, $4  }
0x106: {  	[hbm4b:s22+s4] =	stream.linear.scatter [tilespmem:s28], [sflag:$0x3], $0x2800, $0x38;
	[tilespmem:$0x1D200] =	vst v63  }
0x107: {  	_ =	swait.ge [sflag:s24], $0x2800  }
0x108: {  	[sflag:s24] =	ssyncset.done $0x0  }
0x109: {  	[sflag:s24] =	ssyncadd.s32 $0xFFFFD800  }
0x10a: {  	_ =	sfence.sel $0x180000  }
0x10b: {  	[bflag:$0x0] =	sbarrier.arrive $0xFFFF  }
0x10c: {  	_ =	strace $0x9000004D  }
0x10d: {  	s0 =	stileid.u32;
	[bflag:$0x2] =	sbarrier.arrive $0xFFFF  }
0x10e: {  	p0 =	sne.s32 s0, $0x0;
	s0 =	rddreg [dreg:$0x3]  }
0x10f: {  	s0 =	sadd.s32 @!p0 $0x100000, s0  }
0x110: {  	[sflag:s0] =	ssyncadd.tile.s32 @!p0 $0x1;
	_ =	shalt  }
.Lfunc_end2:
_tile_overlayer_lowered:
.L_overlay_start_2:
0x111: {  	(tag) =	ssettag $0x2  }
0x112: {  	s0 =	rddreg [dreg:$0x0];
	s2 =	stileid.u32  }
0x113: {  	s1 =	rddreg [dreg:$0x1];
	p0 =	sne.s32 s2, $0x0  }
0x114: {  	s3 =	rddreg [dreg:$0x2];
	[bflag:$0x3] =	sbarrier.arrive $0xFFFF;
	s2 =	simm.s32 @!p0 $0x1C03  }
0x115: {  	[timem:s3], [sflag:s2] =	dma.local @!p0 [hbm:s0], s1  }
0x116: {  	s0 =	simm.s32 @!p0 $0x3  }
0x117: {  	_ =	swait.ge @!p0 [sflag:s0], s1  }
0x118: {  	s1 =	ssub.s32 @!p0 $0x0, s1;
	[sflag:s0] =	ssyncset.done @!p0 $0x0  }
0x119: {  	[sflag:s0] =	ssyncadd.s32 @!p0 s1  }
0x11a: {  	[bflag:$0x3] =	sbarrier.arrive $0xFFFF  }
0x11b: {  	_ =	shalt  }

// kernel: kernel.21.cloned.1.call-start
scs
__scs_entry_jumppad:
0x0: {  	(pc) =	sbr.rel $0x88, $3  }
0x1: {  	(tag) =	ssettag $0x0;
	lr =	simm.s32 $0x1  }
0x2: {  	[smem:$0x3F93] =	sst lr;
	_ =	strace $0xD0000000  }
0x3: {  	_ = 	snop  }
0x4: {  	_ = 	snop  }
0x5: {  	_ = 	snop  }
0x6: {  	_ = 	snop  }
0x7: {  	_ = 	snop  }
__scs_overlays_trampoline_lowered:
0x8: {  	[smem:$0x3FA2] =	sst s0  }
0x9: {  	[smem:$0x3FA3] =	sst s1  }
0xa: {  	[smem:$0x3FA4] =	sst s2  }
0xb: {  	[smem:$0x3FA5] =	sst s3  }
0xc: {  	[smem:$0x3FA6] =	sst s4  }
0xd: {  	[smem:$0x3FA7] =	sst s5  }
0xe: {  	[smem:$0x3FA8] =	sst s6  }
0xf: {  	[smem:$0x3FA9] =	sst s7  }
0x10: {  	[smem:$0x3FAA] =	sst s8  }
0x11: {  	[smem:$0x3FAB] =	sst s9;
	s0 =	simm.s32 @!p0 $0x0  }
0x12: {  	s1 =	sld [smem:$0x3F91];
	s0 =	simm.s32 @p0 $0x1  }
0x13: {  	[smem:$0x3FAC] =	sst s0;
	s0 =	simm.s32 @!p1 $0x0  }
0x14: {  	s2 =	sld [smem:$0x3F90];
	s0 =	simm.s32 @p1 $0x1  }
0x15: {  	[smem:$0x3FAD] =	sst s0;
	s0 =	simm.s32 @!p2 $0x0  }
0x16: {  	s3 =	sld [smem:$0x3FDB];
	s0 =	simm.s32 @p2 $0x1  }
0x17: {  	s4 =	simm.s32 $0x1BF5;
	[smem:$0x3FAF] =	sst s0  }
0x18: {  	s0 =	sld [smem:$0x3F92];
	_ =	swait.ge [sflag:s4], $0x0  }
0x19: {  	s7 =	sld [smem:$0x3F93]  }
0x1a: {  	s8 =	sadd.s32 $0xFFFFE003, lr  }
0x1b: {  	s9 =	sadd.s32 $0xFFFFFEF7, lr;
	s5 =	simm.s32 $0xFFFFFFFF;
	p2 =	slt.u32 s8, $0xFFFFF086  }
0x1c: {  	p1 =	slt.u32 s9, $0xF7A;
	s5 =	simm.s32 @!p2 $0x0  }
0x1d: {  	s5 =	simm.s32 @p1 $0x1;
	p0 =	seq.s32 s7, s2  }
0x1e: {  	s7 =	smul.u32 @!p0 $0xF7A, s2;
	p2 =	seq.s32 @!p0 s5, $0x0  }
0x1f: {  	s9 =	smul.u32 $0xF7A, s1;
	s8 =	simm.s32 @!p0 $0x1BF5;
	p2 =	por !p2, p0  }
0x20: {  	[sflag:s8] =	ssyncset.s32 @!p0 $0xFFFFF086;
	s6 =	sadd.s32 @!p0 s3, s7;
	s7 =	simm.s32 @!p0 $0x108  }
0x21: {  	s3 =	sadd.s32 s3, s9;
	s6 =	sadd.s32 @!p0 $0x88, s6;
	s7 =	simm.s32 @p2 $0x1082  }
0x22: {  	[simem:s7], [sflag:s8] =	dma.local @!p0 [hbm:s6], $0xF7A  }
0x23: {  	s9 =	sor.u32 $0xD0000000, s2;
	s6 =	simm.s32 $0x108;
	_ =	swait.ge @!p0 [sflag:s8], $0x0  }
0x24: {  	s3 =	sadd.s32 $0x88, s3;
	s6 =	simm.s32 @!p1 $0x1082;
	[sflag:s4] =	ssyncset.s32 $0xFFFFF086  }
0x25: {  	[simem:s6], [sflag:s4] =	dma.local [hbm:s3], $0xF7A  }
0x26: {  	[smem:$0x3F93] =	sst s1;
	(tag) =	ssettag s2;
	_ =	strace s9  }
0x27: {  	s1 =	sld [smem:$0x3FA3]  }
0x28: {  	s2 =	sld [smem:$0x3FA4]  }
0x29: {  	s4 =	sld [smem:$0x3FA6]  }
0x2a: {  	p0 =	seq.s32 s5, $0x0;
	s5 =	sld [smem:$0x3FA7]  }
0x2b: {  	s6 =	sld [smem:$0x3FA8]  }
0x2c: {  	s7 =	sld [smem:$0x3FA9]  }
0x2d: {  	s3 =	simm.s32 $0x108;
	s8 =	sld [smem:$0x3FAA]  }
0x2e: {  	s3 =	simm.s32 @!p0 $0x1082;
	s9 =	sld [smem:$0x3FAB]  }
0x2f: {  	lr =	sadd.s32 s0, s3;
	s0 =	sld [smem:$0x3FA2]  }
0x30: {  	s3 =	sld [smem:$0x3FA5]  }
0x31: {  	[smem:$0x3FAE] =	sst s10  }
0x32: {  	s10 =	sld [smem:$0x3FAC];
	_ =	sdelay $0x3  }
0x33: {  	p0 =	seq.s32 s10, $0x1;
	s10 =	sld [smem:$0x3FAE];
	_ =	sdelay $0x3  }
0x34: {  	[smem:$0x3FAE] =	sst s10  }
0x35: {  	s10 =	sld [smem:$0x3FAD];
	_ =	sdelay $0x3  }
0x36: {  	p1 =	seq.s32 s10, $0x1;
	s10 =	sld [smem:$0x3FAE];
	_ =	sdelay $0x3  }
0x37: {  	[smem:$0x3FAE] =	sst s10  }
0x38: {  	s10 =	sld [smem:$0x3FAF]  }
0x39: {  	_ = 	snop;
	(pc) =	sbr.ind lr, $3  }
0x3a: {  	_ = 	snop  }
0x3b: {  	_ = 	snop  }
0x3c: {  	p2 =	seq.s32 s10, $0x1;
	s10 =	sld [smem:$0x3FAE]  }
0x3d: {  	_ =	shalt  }
0x3e: {  	_ =	shalt  }
0x3f: {  	_ =	shalt  }
0x40: {  	_ =	shalt  }
0x41: {  	_ =	shalt  }
0x42: {  	_ =	shalt  }
0x43: {  	_ =	shalt  }
0x44: {  	_ =	shalt  }
0x45: {  	_ =	shalt  }
0x46: {  	_ =	shalt  }
0x47: {  	_ =	shalt  }
0x48: {  	_ =	shalt  }
0x49: {  	_ =	shalt  }
0x4a: {  	_ =	shalt  }
0x4b: {  	_ =	shalt  }
0x4c: {  	_ =	shalt  }
0x4d: {  	_ =	shalt  }
0x4e: {  	_ =	shalt  }
0x4f: {  	_ =	shalt  }
0x50: {  	_ =	shalt  }
0x51: {  	_ =	shalt  }
0x52: {  	_ =	shalt  }
0x53: {  	_ =	shalt  }
0x54: {  	_ =	shalt  }
0x55: {  	_ =	shalt  }
0x56: {  	_ =	shalt  }
0x57: {  	_ =	shalt  }
0x58: {  	_ =	shalt  }
0x59: {  	_ =	shalt  }
0x5a: {  	_ =	shalt  }
0x5b: {  	_ =	shalt  }
0x5c: {  	_ =	shalt  }
0x5d: {  	_ =	shalt  }
0x5e: {  	_ =	shalt  }
0x5f: {  	_ =	shalt  }
0x60: {  	_ =	shalt  }
0x61: {  	_ =	shalt  }
0x62: {  	_ =	shalt  }
0x63: {  	_ =	shalt  }
0x64: {  	_ =	shalt  }
0x65: {  	_ =	shalt  }
0x66: {  	_ =	shalt  }
0x67: {  	_ =	shalt  }
0x68: {  	_ =	shalt  }
0x69: {  	_ =	shalt  }
0x6a: {  	_ =	shalt  }
0x6b: {  	_ =	shalt  }
0x6c: {  	_ =	shalt  }
0x6d: {  	_ =	shalt  }
0x6e: {  	_ =	shalt  }
0x6f: {  	_ =	shalt  }
0x70: {  	_ =	shalt  }
0x71: {  	_ =	shalt  }
0x72: {  	_ =	shalt  }
0x73: {  	_ =	shalt  }
0x74: {  	_ =	shalt  }
0x75: {  	_ =	shalt  }
0x76: {  	_ =	shalt  }
0x77: {  	_ =	shalt  }
0x78: {  	_ =	shalt  }
0x79: {  	_ =	shalt  }
0x7a: {  	_ =	shalt  }
0x7b: {  	_ =	shalt  }
0x7c: {  	_ =	shalt  }
0x7d: {  	_ =	shalt  }
0x7e: {  	_ =	shalt  }
0x7f: {  	_ =	shalt  }
0x80: {  	_ =	shalt  }
0x81: {  	_ =	shalt  }
0x82: {  	_ =	shalt  }
0x83: {  	_ =	shalt  }
0x84: {  	_ =	shalt  }
0x85: {  	_ =	shalt  }
0x86: {  	_ =	shalt  }
0x87: {  	_ =	shalt  }
.Lfunc_end0:
.L_simem_size_0:
called_computation.3_lowered:
.L_overlay_start_0:
0x88: {  	s2 =	sld [smem:$0x3FD9]  }
0x89: {  	s3 =	sld [smem:$0x3FFE];
	_ =	sdelay $0x1  }
0x8a: {  	s1 =	srdreg.scid  }
0x8b: {  	s0 =	sand.u32 $0x1, s1  }
0x8c: {  	s17 =	sshll.u32 s0, $0xA;
	s2 =	sadd.s32 s3, s2  }
0x8d: {  	s2 =	sadd.s32 s2, s17  }
0x8e: {  	[smem:$0x3FBA] =	sst s2  }
0x8f: {  	_ = 	snop  }
0x90: {  	s2 =	sld [smem:$0x3FD0];
	(tm) =	ssettm $0x1  }
0x91: {  	s18 =	sld [smem:$0x3FFB];
	_ =	sdelay $0x3  }
0x92: {  	_ =	strace s18  }
0x93: {  	s3 =	sld [smem:$0x3FFC];
	_ =	sdelay $0x3  }
0x94: {  	_ =	strace s3  }
0x95: {  	s3 =	sld [smem:$0x3FFD];
	_ =	sdelay $0x3  }
0x96: {  	_ =	strace s3  }
0x97: {  	_ =	strace $0x8FFFFFFF  }
0x98: {  	s19 =	sld [smem:$0x3FDB];
	_ =	sdelay $0x1  }
0x99: {  	s4 =	simm.s32 $_scs_section_size  }
0x9a: {  	s5 =	simm.s32 $_size__tile_overlayer_lowered;
	s6 =	simm.s32 $_tile_overlayer_lowered  }
0x9b: {  	s22 =	simm.s32 $0x1BFF;
	s21 =	sshll.u32 s6, $0x1;
	s3 =	sadd.s32 s4, s19  }
0x9c: {  	s7 =	simm.s32 $0x0;
	s20 =	sshll.u32 s5, $0x1;
	s5 =	sadd.s32 s21, s3  }
0x9d: {  	[timem:s7], [sflag:s22] =	dma.local [hbm:s5], s20  }
0x9e: {  	_ =	swait.ge [sflag:s22], s20  }
0x9f: {  	s4 =	ssub.s32 $0x0, s20;
	[sflag:s22] =	ssyncset.done $0x0  }
0xa0: {  	[sflag:s22] =	ssyncadd.s32 s4;
	_ =	sdelay $0x1  }
0xa1: {  	s23 =	simm.s32 $0x1B8B  }
0xa2: {  	_ =	swait.ge [sflag:s23], $0x1  }
0xa3: {  	[sflag:s23] =	ssyncset.done $0x0  }
0xa4: {  	s25 =	simm.s32 $0x1B8E;
	s24 =	sld [smem:$0x3FFE];
	[sflag:s23] =	ssyncadd.s32 $0xFFFFFFFF  }
0xa5: {  	s26 =	simm.s32 $execute0_lowered;
	[smem:$0x3FD2] =	sst s25  }
0xa6: {  	s5 =	sshll.u32 s26, $0x1;
	_ =	strace $0x8000004F;
	[dreg:$0x1] =	wrdreg $0xFFFFFFFF  }
0xa7: {  	s28 =	simm.s32 $_size_execute0_lowered;
	s3 =	sadd.s32 s3, s5;
	[dreg:$0x0] =	wrdreg $0x0  }
0xa8: {  	s5 =	sshll.u32 s28, $0x1;
	[dreg:$0x2] =	wrdreg s3  }
0xa9: {  	[dreg:$0x3] =	wrdreg s5  }
0xaa: {  	[dreg:$0x4] =	wrdreg $0xC0  }
0xab: {  	_ =	task [dreg:s7], $0x5FFFF  }
0xac: {  	[dreg:$0x1] =	wrdreg $0xFFFFFFFF  }
0xad: {  	[dreg:$0x0] =	wrdreg $0x60  }
0xae: {  	[dreg:$0x2] =	wrdreg s2  }
0xaf: {  	[dreg:$0x3] =	wrdreg s24  }
0xb0: {  	[dreg:$0x4] =	wrdreg $0x92000  }
0xb1: {  	[dreg:$0x5] =	wrdreg $0x9  }
0xb2: {  	_ =	task.clear_ibuf [dreg:s7], $0x6FFFF;
	_ =	strace $0x9000004F  }
0xb3: {  	s29 =	simm.s32 $0x9;
	_ =	strace $0x80000051  }
0xb4: {  	_ =	swait.ge [sflag:s29], $0x1  }
0xb5: {  	[sflag:s29] =	ssyncadd.s32 $0xFFFFFFFF  }
0xb6: {  	_ =	strace $0x90000051  }
0xb7: {  	_ =	sfence  }
0xb8: {  	s30 =	sld [smem:$0x0];
	_ =	sdelay $0x2  }
0xb9: {  	s31 =	sshll.u32 s1, $0xD;
	s1 =	sshrl.u32 s1, $0x2  }
0xba: {  	s3 =	sand.u32 $0x4000, s31;
	s1 =	sadd.s32 s1, s30  }
0xbb: {  	s0 =	sor.u32 s3, s0;
	s1 =	sshll.u32 s1, $0x11  }
0xbc: {  	s0 =	sor.u32 s1, s0  }
0xbd: {  	s0 =	sadd.s32 $0x8F2B, s0  }
0xbe: {  	[sflag:s0] =	ssyncadd.remote.s32 $0x1  }
0xbf: {  	_ =	sfence.sel $0xFFFF  }
0xc0: {  	[dreg:$0x0] =	wrdreg $0xFFFFFFFF;
	(pc) =	sbr.abs _section_cstart, $3  }
0xc1: {  	[dreg:$0x1] =	wrdreg $0xFFFFFFFF  }
0xc2: {  	_ =	task.clear_ibuf [dreg:s7], $0x2FFFF;
	_ =	strace $0x9FFFFFFF  }
0xc3: {  	(tm) =	ssettm $0x7FFFFFFF  }
tec
execute0_lowered:
.L_overlay_start_1:
0x0: {  	(tag) =	ssettag $0x1  }
0x1: {  	s1 =	rddreg [dreg:$0x0]  }
0x2: {  	s0 =	rddreg [dreg:$0x1];
	s8 =	stileid.u32  }
0x3: {  	s2 =	srdreg.scid;
	s3 =	rddreg [dreg:$0x2];
	s4 =	simm.s32 $0x0  }
0x4: {  	s28 =	simm.s32 $0x4200;
	s29 =	simm.s32 $0x6A00;
	s30 =	simm.s32 $0x4100  }
0x5: {  	s31 =	simm.s32 $0x1;
	s2 =	sand.u32 $0x1, s2;
	s5 =	smul.u32 $0x280, s8  }
0x6: {  	[smem:$0x7FF] =	sst s4;
	s7 =	sshll.u32 s8, $0xB;
	s22 =	smul.u32 $0x50000, s8  }
0x7: {  	s21 =	sadd.s32 $0x4A00, s0;
	s6 =	smul.u32 $0x2800, s2;
	_ =	strace $0x80000050  }
0x8: {  	s7 =	sadd.s32 s7, s0;
	s23 =	ssub.s32 $0x2, s2;
	s2 =	sshll.u32 s2, $0xF  }
0x9: {  	[dreg:$0x4] =	wrdreg s21;
	s24 =	sshrl.u32 s23, $0x1;
	s2 =	sadd.s32 s2, s7  }
0xa: {  	s5 =	sadd.s32 s5, s6;
	s6 =	sshrl.u32 s22, $0x2;
	s2 =	sadd.s32 $0x16400, s2  }
0xb: {  	s5 =	sshll.u32 s5, $0x4;
	[dreg:$0x5] =	wrdreg s2;
	s7 =	sadd.s32 s6, s3  }
0xc: {  	s2 =	simm.s32 $0x4080;
	s6 =	simm.s32 $0x0;
	s0 =	sadd.s32 s5, s0  }
0xd: {  	s5 =	ssub.s32 s23, s24;
	s8 =	sadd.s32 $0x2800, s7;
	s9 =	sadd.s32 $0x5000, s7  }
0xe: {  	s10 =	sadd.s32 $0x7800, s7;
	s11 =	sadd.s32 $0xA000, s7;
	s12 =	sadd.s32 $0xC800, s7  }
0xf: {  	s13 =	sadd.s32 $0xF000, s7;
	s14 =	sadd.s32 $0x11800, s7;
	s24 =	simm.s32 $0x3  }
0x10: {  	s25 =	sadd.s32 $0x26400, s0;
	s26 =	sadd.s32 $0x26900, s0;
	s17 =	sadd.s32 $0x26E00, s0  }
0x11: {  	s18 =	sadd.s32 $0x27300, s0;
	s19 =	sadd.s32 $0x27800, s0;
	s20 =	sadd.s32 $0x27D00, s0  }
0x12: {  	s21 =	sadd.s32 $0x28200, s0;
	s22 =	sadd.s32 $0x28700, s0;
	s23 =	smax.u32 s5, $0x1  }
0x13: {  	s0 =	simm.s32 $0x2;
	s5 =	simm.s32 $0x4180;
	[dreg:$0x6] =	wrdreg s25  }
0x14: {  	[dreg:$0x7] =	wrdreg s26;
	s25 =	simm.s32 $0x50;
	s26 =	simm.s32 $0x4000  }
.LBB2_1:
0x15: {  	s15 =	rddreg [dreg:$0x5]  }
0x16: {  	[tilespmem:s4], [sflag:$0x3] =	stream.linear.gather [hbm4b:s15+s4], $0x3E80, $0x38;
	[tilespmem:$0x1D200] =	vst v63  }
0x17: {  	_ =	swait.ge [sflag:s24], $0x3E80  }
0x18: {  	[sflag:s24] =	ssyncset.done $0x0  }
0x19: {  	[sflag:s24] =	ssyncadd.s32 $0xFFFFC180  }
0x1a: {  	v0 =	vld [tilespmem:$0x0];
	_ =	sdelay $0x1  }
0x1b: {  	v1 =	vld [tilespmem:$0x10];
	_ =	sdelay $0x1  }
0x1c: {  	v2 =	vld [tilespmem:$0x20]  }
0x1d: {  	v3 =	vand.u32 $0x3FFF, v0  }
0x1e: {  	v0 =	vshra.s32 v0, $0xE;
	[tilespmem:$0x4000] =	vst v3;
	v3 =	vld [tilespmem:$0x30]  }
0x1f: {  	[tilespmem:$0x4080] =	vst v0;
	v0 =	vand.u32 $0x3FFF, v1  }
0x20: {  	[tilespmem:$0x4010] =	vst v0;
	v0 =	vshra.s32 v1, $0xE;
	v1 =	vld [tilespmem:$0x40]  }
0x21: {  	[tilespmem:$0x4090] =	vst v0;
	v0 =	vand.u32 $0x3FFF, v2  }
0x22: {  	[tilespmem:$0x4020] =	vst v0;
	v0 =	vshra.s32 v2, $0xE  }
0x23: {  	[tilespmem:$0x40A0] =	vst v0;
	v0 =	vand.u32 $0x3FFF, v3  }
0x24: {  	[tilespmem:$0x4030] =	vst v0;
	v0 =	vshra.s32 v3, $0xE  }
0x25: {  	[tilespmem:$0x40B0] =	vst v0;
	v0 =	vand.u32 $0x3FFF, v1  }
0x26: {  	[tilespmem:$0x4040] =	vst v0;
	v0 =	vshra.s32 v1, $0xE  }
0x27: {  	[tilespmem:$0x40C0] =	vst v0  }
0x28: {  	[tilespmem:s28], [sflag:$0x1] =	stream.indirect.gather [hbm4b:s1+s25], $0x80, s26, s25, $0xb8;
	[tilespmem:$0x1D200] =	vst v63  }
0x29: {  	s16 =	rddreg [dreg:$0x4]  }
0x2a: {  	[tilespmem:s29], [sflag:$0x3] =	stream.linear.gather [hbm4b:s16+s4], $0x2800, $0x38;
	[tilespmem:$0x1D200] =	vst v63  }
0x2b: {  	_ =	swait.ge [sflag:s24], $0x2800  }
0x2c: {  	[sflag:s24] =	ssyncset.done $0x0  }
0x2d: {  	[sflag:s24] =	ssyncadd.s32 $0xFFFFD800  }
0x2e: {  	[spmem:s7] =	stream.linear.scatter [tilespmem:s29], [sflag:$0x3], $0x2800, $0x38;
	[tilespmem:$0x1D200] =	vst v63  }
0x2f: {  	_ =	swait.ge [sflag:s24], $0x2800  }
0x30: {  	[sflag:s24] =	ssyncset.done $0x0  }
0x31: {  	[sflag:s24] =	ssyncadd.s32 $0xFFFFD800  }
0x32: {  	[spmem:s8] =	stream.linear.scatter [tilespmem:s29], [sflag:$0x3], $0x2800, $0x38;
	[tilespmem:$0x1D200] =	vst v63  }
0x33: {  	_ =	swait.ge [sflag:s24], $0x2800  }
0x34: {  	[sflag:s24] =	ssyncset.done $0x0  }
0x35: {  	[sflag:s24] =	ssyncadd.s32 $0xFFFFD800  }
0x36: {  	[spmem:s9] =	stream.linear.scatter [tilespmem:s29], [sflag:$0x3], $0x2800, $0x38;
	[tilespmem:$0x1D200] =	vst v63  }
0x37: {  	_ =	swait.ge [sflag:s24], $0x2800  }
0x38: {  	[sflag:s24] =	ssyncset.done $0x0  }
0x39: {  	[sflag:s24] =	ssyncadd.s32 $0xFFFFD800  }
0x3a: {  	[spmem:s10] =	stream.linear.scatter [tilespmem:s29], [sflag:$0x3], $0x2800, $0x38;
	[tilespmem:$0x1D200] =	vst v63  }
0x3b: {  	_ =	swait.ge [sflag:s24], $0x2800  }
0x3c: {  	[sflag:s24] =	ssyncset.done $0x0  }
0x3d: {  	[sflag:s24] =	ssyncadd.s32 $0xFFFFD800  }
0x3e: {  	[spmem:s11] =	stream.linear.scatter [tilespmem:s29], [sflag:$0x3], $0x2800, $0x38;
	[tilespmem:$0x1D200] =	vst v63  }
0x3f: {  	_ =	swait.ge [sflag:s24], $0x2800  }
0x40: {  	[sflag:s24] =	ssyncset.done $0x0  }
0x41: {  	[sflag:s24] =	ssyncadd.s32 $0xFFFFD800  }
0x42: {  	[spmem:s12] =	stream.linear.scatter [tilespmem:s29], [sflag:$0x3], $0x2800, $0x38;
	[tilespmem:$0x1D200] =	vst v63  }
0x43: {  	_ =	swait.ge [sflag:s24], $0x2800  }
0x44: {  	[sflag:s24] =	ssyncset.done $0x0  }
0x45: {  	[sflag:s24] =	ssyncadd.s32 $0xFFFFD800  }
0x46: {  	[spmem:s13] =	stream.linear.scatter [tilespmem:s29], [sflag:$0x3], $0x2800, $0x38;
	[tilespmem:$0x1D200] =	vst v63  }
0x47: {  	_ =	swait.ge [sflag:s24], $0x2800  }
0x48: {  	[sflag:s24] =	ssyncset.done $0x0  }
0x49: {  	[sflag:s24] =	ssyncadd.s32 $0xFFFFD800  }
0x4a: {  	[spmem:s14] =	stream.linear.scatter [tilespmem:s29], [sflag:$0x3], $0x2800, $0x38;
	[tilespmem:$0x1D200] =	vst v63  }
0x4b: {  	_ =	swait.ge [sflag:s24], $0x2800  }
0x4c: {  	[sflag:s24] =	ssyncset.done $0x0  }
0x4d: {  	[sflag:s24] =	ssyncadd.s32 $0xFFFFD800  }
0x4e: {  	s16 =	simm.s32 $0x0;
	[bflag:$0x0] =	sbarrier.arrive $0xFFFF  }
0x4f: {  	v0 =	vld [tilespmem:s16+$0x80];
	_ =	sdelay $0x4  }
0x50: {  	v1 =	vand.u32 $0x3FFF, v0  }
0x51: {  	v0 =	vshra.s32 v0, $0xE;
	[tilespmem:$0x4100] =	vst v1  }
0x52: {  	[tilespmem:$0x4180] =	vst v0  }
0x53: {  	v0 =	vld [tilespmem:s16+$0x90];
	_ =	sdelay $0x4  }
0x54: {  	v1 =	vand.u32 $0x3FFF, v0  }
0x55: {  	v0 =	vshra.s32 v0, $0xE;
	[tilespmem:$0x4110] =	vst v1  }
0x56: {  	[tilespmem:$0x4190] =	vst v0  }
0x57: {  	v0 =	vld [tilespmem:s16+$0xA0];
	_ =	sdelay $0x4  }
0x58: {  	v1 =	vand.u32 $0x3FFF, v0  }
0x59: {  	v0 =	vshra.s32 v0, $0xE;
	[tilespmem:$0x4120] =	vst v1  }
0x5a: {  	[tilespmem:$0x41A0] =	vst v0  }
0x5b: {  	v0 =	vld [tilespmem:s16+$0xB0];
	_ =	sdelay $0x4  }
0x5c: {  	v1 =	vand.u32 $0x3FFF, v0  }
0x5d: {  	v0 =	vshra.s32 v0, $0xE;
	[tilespmem:$0x4130] =	vst v1  }
0x5e: {  	[tilespmem:$0x41B0] =	vst v0  }
0x5f: {  	v0 =	vld [tilespmem:s16+$0xC0];
	_ =	sdelay $0x4  }
0x60: {  	v1 =	vand.u32 $0x3FFF, v0  }
0x61: {  	v0 =	vshra.s32 v0, $0xE;
	[tilespmem:$0x4140] =	vst v1  }
0x62: {  	[tilespmem:$0x41C0] =	vst v0  }
0x63: {  	[tilespmem:s29], [sflag:$0x2] =	stream.indirect.gather [hbm4b:s1+s25], $0x80, s30, s25, $0xb8;
	[tilespmem:$0x1D200] =	vst v63  }
0x64: {  	_ =	swait.ge [sflag:s31], $0x2800  }
0x65: {  	[sflag:s31] =	ssyncset.done $0x0  }
0x66: {  	[sflag:s31] =	ssyncadd.s32 $0xFFFFD800  }
0x67: {  	[spmem:s3] =	stream.indirect.scatter.add.f32 [tilespmem:s28], [sflag:$0x3], $0x80, s2, s25, $0xb8;
	[tilespmem:$0x1D200] =	vst v63  }
0x68: {  	_ =	swait.ge [sflag:s24], $0x2800  }
0x69: {  	[sflag:s24] =	ssyncset.done $0x0  }
0x6a: {  	[sflag:s24] =	ssyncadd.s32 $0xFFFFD800  }
0x6b: {  	v0 =	vld [tilespmem:s16+$0x100];
	_ =	sdelay $0x4  }
0x6c: {  	v1 =	vand.u32 $0x3FFF, v0  }
0x6d: {  	v0 =	vshra.s32 v0, $0xE;
	[tilespmem:$0x4000] =	vst v1  }
0x6e: {  	[tilespmem:$0x4080] =	vst v0  }
0x6f: {  	v0 =	vld [tilespmem:s16+$0x110];
	_ =	sdelay $0x4  }
0x70: {  	v1 =	vand.u32 $0x3FFF, v0  }
0x71: {  	v0 =	vshra.s32 v0, $0xE;
	[tilespmem:$0x4010] =	vst v1  }
0x72: {  	[tilespmem:$0x4090] =	vst v0  }
0x73: {  	v0 =	vld [tilespmem:s16+$0x120];
	_ =	sdelay $0x4  }
0x74: {  	v1 =	vand.u32 $0x3FFF, v0  }
0x75: {  	v0 =	vshra.s32 v0, $0xE;
	[tilespmem:$0x4020] =	vst v1  }
0x76: {  	[tilespmem:$0x40A0] =	vst v0  }
0x77: {  	v0 =	vld [tilespmem:s16+$0x130];
	_ =	sdelay $0x4  }
0x78: {  	v1 =	vand.u32 $0x3FFF, v0  }
0x79: {  	v0 =	vshra.s32 v0, $0xE;
	[tilespmem:$0x4030] =	vst v1  }
0x7a: {  	[tilespmem:$0x40B0] =	vst v0  }
0x7b: {  	s15 =	simm.s32 $0x400;
	v0 =	vld [tilespmem:s16+$0x140]  }
.LBB2_2:
0x7c: {  	_ =	sdelay $0x3  }
0x7d: {  	p0 =	sne.s32 s15, $0xF400;
	s16 =	smov.u32 s15;
	s15 =	sadd.s32 $0x400, s15;
	v1 =	vand.u32 $0x3FFF, v0;
	v0 =	vshra.s32 v0, $0xE  }
0x7e: {  	[tilespmem:$0x4040] =	vst v1  }
0x7f: {  	[tilespmem:$0x40C0] =	vst v0  }
0x80: {  	[tilespmem:s28], [sflag:$0x1] =	stream.indirect.gather [hbm4b:s1+s25], $0x80, s26, s25, $0xb8;
	[tilespmem:$0x1D200] =	vst v63  }
0x81: {  	_ =	swait.ge [sflag:s0], $0x2800  }
0x82: {  	[sflag:s0] =	ssyncset.done $0x0  }
0x83: {  	[sflag:s0] =	ssyncadd.s32 $0xFFFFD800  }
0x84: {  	[spmem:s3] =	stream.indirect.scatter.add.f32 [tilespmem:s29], [sflag:$0x3], $0x80, s5, s25, $0xb8;
	[tilespmem:$0x1D200] =	vst v63  }
0x85: {  	_ =	swait.ge [sflag:s24], $0x2800  }
0x86: {  	[sflag:s24] =	ssyncset.done $0x0  }
0x87: {  	s16 =	sshra.s32 s16, $0x2;
	[sflag:s24] =	ssyncadd.s32 $0xFFFFD800  }
0x88: {  	v0 =	vld [tilespmem:s16+$0x80];
	_ =	sdelay $0x4  }
0x89: {  	v1 =	vand.u32 $0x3FFF, v0;
	v0 =	vshra.s32 v0, $0xE  }
0x8a: {  	[tilespmem:$0x4100] =	vst v1  }
0x8b: {  	[tilespmem:$0x4180] =	vst v0  }
0x8c: {  	v0 =	vld [tilespmem:s16+$0x90];
	_ =	sdelay $0x4  }
0x8d: {  	v1 =	vand.u32 $0x3FFF, v0;
	v0 =	vshra.s32 v0, $0xE  }
0x8e: {  	[tilespmem:$0x4110] =	vst v1  }
0x8f: {  	[tilespmem:$0x4190] =	vst v0  }
0x90: {  	v0 =	vld [tilespmem:s16+$0xA0];
	_ =	sdelay $0x4  }
0x91: {  	v1 =	vand.u32 $0x3FFF, v0;
	v0 =	vshra.s32 v0, $0xE  }
0x92: {  	[tilespmem:$0x4120] =	vst v1  }
0x93: {  	[tilespmem:$0x41A0] =	vst v0  }
0x94: {  	v0 =	vld [tilespmem:s16+$0xB0];
	_ =	sdelay $0x4  }
0x95: {  	v1 =	vand.u32 $0x3FFF, v0;
	v0 =	vshra.s32 v0, $0xE  }
0x96: {  	[tilespmem:$0x4130] =	vst v1  }
0x97: {  	[tilespmem:$0x41B0] =	vst v0  }
0x98: {  	v0 =	vld [tilespmem:s16+$0xC0];
	_ =	sdelay $0x4  }
0x99: {  	v1 =	vand.u32 $0x3FFF, v0;
	v0 =	vshra.s32 v0, $0xE  }
0x9a: {  	[tilespmem:$0x4140] =	vst v1  }
0x9b: {  	[tilespmem:$0x41C0] =	vst v0  }
0x9c: {  	[tilespmem:s29], [sflag:$0x2] =	stream.indirect.gather [hbm4b:s1+s25], $0x80, s30, s25, $0xb8;
	[tilespmem:$0x1D200] =	vst v63  }
0x9d: {  	_ =	swait.ge [sflag:s31], $0x2800  }
0x9e: {  	[sflag:s31] =	ssyncset.done $0x0  }
0x9f: {  	[sflag:s31] =	ssyncadd.s32 $0xFFFFD800  }
0xa0: {  	[spmem:s3] =	stream.indirect.scatter.add.f32 [tilespmem:s28], [sflag:$0x3], $0x80, s2, s25, $0xb8;
	[tilespmem:$0x1D200] =	vst v63  }
0xa1: {  	_ =	swait.ge [sflag:s24], $0x2800  }
0xa2: {  	[sflag:s24] =	ssyncset.done $0x0  }
0xa3: {  	[sflag:s24] =	ssyncadd.s32 $0xFFFFD800  }
0xa4: {  	v0 =	vld [tilespmem:s16+$0x100];
	_ =	sdelay $0x4  }
0xa5: {  	v1 =	vand.u32 $0x3FFF, v0;
	v0 =	vshra.s32 v0, $0xE  }
0xa6: {  	[tilespmem:$0x4000] =	vst v1  }
0xa7: {  	[tilespmem:$0x4080] =	vst v0  }
0xa8: {  	v0 =	vld [tilespmem:s16+$0x110];
	_ =	sdelay $0x4  }
0xa9: {  	v1 =	vand.u32 $0x3FFF, v0;
	v0 =	vshra.s32 v0, $0xE  }
0xaa: {  	[tilespmem:$0x4010] =	vst v1  }
0xab: {  	[tilespmem:$0x4090] =	vst v0  }
0xac: {  	v0 =	vld [tilespmem:s16+$0x120];
	_ =	sdelay $0x4  }
0xad: {  	v1 =	vand.u32 $0x3FFF, v0;
	v0 =	vshra.s32 v0, $0xE  }
0xae: {  	[tilespmem:$0x4020] =	vst v1  }
0xaf: {  	[tilespmem:$0x40A0] =	vst v0  }
0xb0: {  	v0 =	vld [tilespmem:s16+$0x130];
	_ =	sdelay $0x3  }
.Ltmp0:
0xb1: {  	(pc) =	sbr.rel @p0 .LBB2_2-.Ltmp0, $4  }
0xb2: {  	v1 =	vand.u32 $0x3FFF, v0;
	v0 =	vshra.s32 v0, $0xE  }
0xb3: {  	[tilespmem:$0x4030] =	vst v1  }
0xb4: {  	[tilespmem:$0x40B0] =	vst v0  }
0xb5: {  	v0 =	vld [tilespmem:s16+$0x140]  }
0xb6: {  	_ =	sdelay $0x3  }
0xb7: {  	v1 =	vand.u32 $0x3FFF, v0  }
0xb8: {  	v63 =	vshra.s32 v0, $0xE;
	[tilespmem:$0x4040] =	vst v1  }
0xb9: {  	[tilespmem:$0x40C0] =	vst v63  }
0xba: {  	[tilespmem:s28], [sflag:$0x1] =	stream.indirect.gather [hbm4b:s1+s25], $0x80, s26, s25, $0xb8;
	[tilespmem:$0x1D200] =	vst v63  }
0xbb: {  	_ =	swait.ge [sflag:s0], $0x2800  }
0xbc: {  	[sflag:s0] =	ssyncset.done $0x0  }
0xbd: {  	[sflag:s0] =	ssyncadd.s32 $0xFFFFD800  }
0xbe: {  	[spmem:s3] =	stream.indirect.scatter.add.f32 [tilespmem:s29], [sflag:$0x3], $0x80, s5, s25, $0xb8;
	[tilespmem:$0x1D200] =	vst v63  }
0xbf: {  	_ =	swait.ge [sflag:s24], $0x2800  }
0xc0: {  	[sflag:s24] =	ssyncset.done $0x0  }
0xc1: {  	[sflag:s24] =	ssyncadd.s32 $0xFFFFD800  }
0xc2: {  	_ =	swait.ge [sflag:s31], $0x2800  }
0xc3: {  	[sflag:s31] =	ssyncset.done $0x0  }
0xc4: {  	[sflag:s31] =	ssyncadd.s32 $0xFFFFD800  }
0xc5: {  	[spmem:s3] =	stream.indirect.scatter.add.f32 [tilespmem:s28], [sflag:$0x3], $0x80, s2, s25, $0xb8;
	[tilespmem:$0x1D200] =	vst v63  }
0xc6: {  	_ =	swait.ge [sflag:s24], $0x2800  }
0xc7: {  	[sflag:s24] =	ssyncset.done $0x0  }
0xc8: {  	[sflag:s24] =	ssyncadd.s32 $0xFFFFD800  }
0xc9: {  	[bflag:$0x0] =	sbarrier.arrive $0xFFFF  }
0xca: {  	[tilespmem:s28], [sflag:$0x3] =	stream.linear.gather [spmem:s7], $0x2800, $0x38;
	[tilespmem:$0x1D200] =	vst v63  }
0xcb: {  	_ =	swait.ge [sflag:s24], $0x2800  }
0xcc: {  	[sflag:s24] =	ssyncset.done $0x0  }
0xcd: {  	s15 =	rddreg [dreg:$0x6];
	[sflag:s24] =	ssyncadd.s32 $0xFFFFD800  }
0xce: {  	[hbm4b:s15+s4] =	stream.linear.scatter [tilespmem:s28], [sflag:$0x3], $0x2800, $0x38;
	[tilespmem:$0x1D200] =	vst v63  }
0xcf: {  	_ =	swait.ge [sflag:s24], $0x2800  }
0xd0: {  	[sflag:s24] =	ssyncset.done $0x0  }
0xd1: {  	[sflag:s24] =	ssyncadd.s32 $0xFFFFD800  }
0xd2: {  	[tilespmem:s28], [sflag:$0x3] =	stream.linear.gather [spmem:s8], $0x2800, $0x38;
	[tilespmem:$0x1D200] =	vst v63  }
0xd3: {  	_ =	swait.ge [sflag:s24], $0x2800  }
0xd4: {  	[sflag:s24] =	ssyncset.done $0x0  }
0xd5: {  	s16 =	rddreg [dreg:$0x7];
	[sflag:s24] =	ssyncadd.s32 $0xFFFFD800  }
0xd6: {  	[hbm4b:s16+s4] =	stream.linear.scatter [tilespmem:s28], [sflag:$0x3], $0x2800, $0x38;
	[tilespmem:$0x1D200] =	vst v63  }
0xd7: {  	_ =	swait.ge [sflag:s24], $0x2800  }
0xd8: {  	[sflag:s24] =	ssyncset.done $0x0  }
0xd9: {  	[sflag:s24] =	ssyncadd.s32 $0xFFFFD800  }
0xda: {  	[tilespmem:s28], [sflag:$0x3] =	stream.linear.gather [spmem:s9], $0x2800, $0x38;
	[tilespmem:$0x1D200] =	vst v63  }
0xdb: {  	_ =	swait.ge [sflag:s24], $0x2800  }
0xdc: {  	[sflag:s24] =	ssyncset.done $0x0  }
0xdd: {  	[sflag:s24] =	ssyncadd.s32 $0xFFFFD800  }
0xde: {  	[hbm4b:s17+s4] =	stream.linear.scatter [tilespmem:s28], [sflag:$0x3], $0x2800, $0x38;
	[tilespmem:$0x1D200] =	vst v63  }
0xdf: {  	_ =	swait.ge [sflag:s24], $0x2800  }
0xe0: {  	[sflag:s24] =	ssyncset.done $0x0  }
0xe1: {  	[sflag:s24] =	ssyncadd.s32 $0xFFFFD800  }
0xe2: {  	[tilespmem:s28], [sflag:$0x3] =	stream.linear.gather [spmem:s10], $0x2800, $0x38;
	[tilespmem:$0x1D200] =	vst v63  }
0xe3: {  	_ =	swait.ge [sflag:s24], $0x2800  }
0xe4: {  	[sflag:s24] =	ssyncset.done $0x0  }
0xe5: {  	[sflag:s24] =	ssyncadd.s32 $0xFFFFD800  }
0xe6: {  	[hbm4b:s18+s4] =	stream.linear.scatter [tilespmem:s28], [sflag:$0x3], $0x2800, $0x38;
	[tilespmem:$0x1D200] =	vst v63  }
0xe7: {  	_ =	swait.ge [sflag:s24], $0x2800  }
0xe8: {  	[sflag:s24] =	ssyncset.done $0x0  }
0xe9: {  	[sflag:s24] =	ssyncadd.s32 $0xFFFFD800  }
0xea: {  	[tilespmem:s28], [sflag:$0x3] =	stream.linear.gather [spmem:s11], $0x2800, $0x38;
	[tilespmem:$0x1D200] =	vst v63  }
0xeb: {  	_ =	swait.ge [sflag:s24], $0x2800  }
0xec: {  	[sflag:s24] =	ssyncset.done $0x0  }
0xed: {  	[sflag:s24] =	ssyncadd.s32 $0xFFFFD800  }
0xee: {  	[hbm4b:s19+s4] =	stream.linear.scatter [tilespmem:s28], [sflag:$0x3], $0x2800, $0x38;
	[tilespmem:$0x1D200] =	vst v63  }
0xef: {  	_ =	swait.ge [sflag:s24], $0x2800  }
0xf0: {  	[sflag:s24] =	ssyncset.done $0x0  }
0xf1: {  	[sflag:s24] =	ssyncadd.s32 $0xFFFFD800  }
0xf2: {  	[tilespmem:s28], [sflag:$0x3] =	stream.linear.gather [spmem:s12], $0x2800, $0x38;
	[tilespmem:$0x1D200] =	vst v63  }
0xf3: {  	_ =	swait.ge [sflag:s24], $0x2800  }
0xf4: {  	[sflag:s24] =	ssyncset.done $0x0  }
0xf5: {  	[sflag:s24] =	ssyncadd.s32 $0xFFFFD800  }
0xf6: {  	[hbm4b:s20+s4] =	stream.linear.scatter [tilespmem:s28], [sflag:$0x3], $0x2800, $0x38;
	[tilespmem:$0x1D200] =	vst v63  }
0xf7: {  	_ =	swait.ge [sflag:s24], $0x2800  }
0xf8: {  	[sflag:s24] =	ssyncset.done $0x0  }
0xf9: {  	[sflag:s24] =	ssyncadd.s32 $0xFFFFD800  }
0xfa: {  	[tilespmem:s28], [sflag:$0x3] =	stream.linear.gather [spmem:s13], $0x2800, $0x38;
	[tilespmem:$0x1D200] =	vst v63  }
0xfb: {  	_ =	swait.ge [sflag:s24], $0x2800  }
0xfc: {  	[sflag:s24] =	ssyncset.done $0x0  }
0xfd: {  	[sflag:s24] =	ssyncadd.s32 $0xFFFFD800  }
0xfe: {  	[hbm4b:s21+s4] =	stream.linear.scatter [tilespmem:s28], [sflag:$0x3], $0x2800, $0x38;
	[tilespmem:$0x1D200] =	vst v63  }
0xff: {  	_ =	swait.ge [sflag:s24], $0x2800  }
0x100: {  	[sflag:s24] =	ssyncset.done $0x0  }
0x101: {  	[sflag:s24] =	ssyncadd.s32 $0xFFFFD800  }
0x102: {  	[tilespmem:s28], [sflag:$0x3] =	stream.linear.gather [spmem:s14], $0x2800, $0x38;
	[tilespmem:$0x1D200] =	vst v63  }
0x103: {  	s6 =	sadd.s32 $0x1, s6;
	_ =	swait.ge [sflag:s24], $0x2800  }
0x104: {  	p0 =	sne.s32 s6, s23;
	[sflag:s24] =	ssyncset.done $0x0  }
.Ltmp1:
0x105: {  	[sflag:s24] =	ssyncadd.s32 $0xFFFFD800;
	(pc) =	sbr.rel @p0 .LBB2_1-.Ltmp1, $4  }
0x106: {  	[hbm4b:s22+s4] =	stream.linear.scatter [tilespmem:s28], [sflag:$0x3], $0x2800, $0x38;
	[tilespmem:$0x1D200] =	vst v63  }
0x107: {  	_ =	swait.ge [sflag:s24], $0x2800  }
0x108: {  	[sflag:s24] =	ssyncset.done $0x0  }
0x109: {  	[sflag:s24] =	ssyncadd.s32 $0xFFFFD800  }
0x10a: {  	_ =	sfence.sel $0x180000  }
0x10b: {  	[bflag:$0x0] =	sbarrier.arrive $0xFFFF  }
0x10c: {  	_ =	strace $0x90000050  }
0x10d: {  	s0 =	stileid.u32;
	[bflag:$0x2] =	sbarrier.arrive $0xFFFF  }
0x10e: {  	p0 =	sne.s32 s0, $0x0;
	s0 =	rddreg [dreg:$0x3]  }
0x10f: {  	s0 =	sadd.s32 @!p0 $0x100000, s0  }
0x110: {  	[sflag:s0] =	ssyncadd.tile.s32 @!p0 $0x1;
	_ =	shalt  }
.Lfunc_end2:
_tile_overlayer_lowered:
.L_overlay_start_2:
0x111: {  	(tag) =	ssettag $0x2  }
0x112: {  	s0 =	rddreg [dreg:$0x0];
	s2 =	stileid.u32  }
0x113: {  	s1 =	rddreg [dreg:$0x1];
	p0 =	sne.s32 s2, $0x0  }
0x114: {  	s3 =	rddreg [dreg:$0x2];
	[bflag:$0x3] =	sbarrier.arrive $0xFFFF;
	s2 =	simm.s32 @!p0 $0x1C03  }
0x115: {  	[timem:s3], [sflag:s2] =	dma.local @!p0 [hbm:s0], s1  }
0x116: {  	s0 =	simm.s32 @!p0 $0x3  }
0x117: {  	_ =	swait.ge @!p0 [sflag:s0], s1  }
0x118: {  	s1 =	ssub.s32 @!p0 $0x0, s1;
	[sflag:s0] =	ssyncset.done @!p0 $0x0  }
0x119: {  	[sflag:s0] =	ssyncadd.s32 @!p0 s1  }
0x11a: {  	[bflag:$0x3] =	sbarrier.arrive $0xFFFF  }
0x11b: {  	_ =	shalt  }

</sc_bundles>
